<compile_context>
chip_gen: v7x
topology: tpu7x:2x2x1
jax: 0.10.2.dev20260603
libtpu: 0.0.44.dev20260713+nightly
codegen_flags: <defaults>
</compile_context>

<pallas_src>
import functools

import jax
import jax.numpy as jnp
from jax import lax
from jax.experimental import pallas as pl
from jax.experimental.pallas import tpu as pltpu
from jax.experimental.pallas import tpu_sc as plsc

N = 6144
M = 8192
NK = 32
F32 = jnp.float32
BF16 = jnp.bfloat16
I32 = jnp.int32


def _mmd(a, b):
    return jax.lax.dot_general(a.astype(BF16), b.astype(BF16),
                               (((a.ndim - 1,), (0,)), ((), ())),
                               preferred_element_type=F32)


def _relu(x):
    return jnp.maximum(x, 0.0)



def _stn_feat_kernel(x_ref, w1, b1, w2, b2, w3, b3, g_ref):
    h = _relu(_mmd(x_ref[...], w1[...]) + b1[...])
    h = _relu(_mmd(h, w2[...]) + b2[...])
    h = _relu(_mmd(h, w3[...]) + b3[...])
    m = jnp.max(h, axis=0, keepdims=True)

    @pl.when(pl.program_id(0) == 0)
    def _():
        g_ref[...] = m

    @pl.when(pl.program_id(0) > 0)
    def _():
        g_ref[...] = jnp.maximum(g_ref[...], m)


def _stn_feat(x, p):
    R = 1024
    full = lambda s: pl.BlockSpec(s, lambda i: (0, 0))
    return pl.pallas_call(
        _stn_feat_kernel,
        grid=(N // R,),
        in_specs=[pl.BlockSpec((R, 24), lambda i: (i, 0)),
                  full((24, 64)), full((1, 64)),
                  full((64, 128)), full((1, 128)),
                  full((128, 1024)), full((1, 1024))],
        out_specs=pl.BlockSpec((1, 1024), lambda i: (0, 0)),
        out_shape=jax.ShapeDtypeStruct((1, 1024), F32),
    )(x, p["stn_c1"]["W"], p["stn_c1"]["b"][None, :],
      p["stn_c2"]["W"], p["stn_c2"]["b"][None, :],
      p["stn_c3"]["W"], p["stn_c3"]["b"][None, :])


def _stn_head_kernel(g_ref, w1, b1, w2, b2, w3, b3, eye_ref, t_ref):
    h = _relu(_mmd(g_ref[...], w1[...]) + b1[...])
    h = _relu(_mmd(h, w2[...]) + b2[...])
    t_ref[...] = _mmd(h, w3[...]) + b3[...] + eye_ref[...]


def _stn_head(g, p):
    eye_flat = jnp.eye(24, dtype=F32).reshape(1, 576)
    full = lambda s: pl.BlockSpec(s, lambda: (0, 0))
    t = pl.pallas_call(
        _stn_head_kernel,
        in_specs=[full((1, 1024)),
                  full((1024, 512)), full((1, 512)),
                  full((512, 256)), full((1, 256)),
                  full((256, 576)), full((1, 576)), full((1, 576))],
        out_specs=full((1, 576)),
        out_shape=jax.ShapeDtypeStruct((1, 576), F32),
    )(g, p["stn_f1"]["W"], p["stn_f1"]["b"][None, :],
      p["stn_f2"]["W"], p["stn_f2"]["b"][None, :],
      p["stn_f3"]["W"], p["stn_f3"]["b"][None, :], eye_flat)
    return t.reshape(24, 24)



def _xt_p1_kernel(x_ref, t_ref, w1a, b1, xt_ref, p_ref):
    xt = _mmd(x_ref[...], t_ref[...])
    R = xt.shape[0]
    xt_ref[...] = jnp.concatenate([xt, jnp.zeros((R, 104), F32)], axis=1)
    p_ref[...] = _mmd(xt, w1a[...]) + b1[...]


def _xt_p1(x, T, w1a, b1):
    R = 512
    full = lambda s: pl.BlockSpec(s, lambda i: (0, 0))
    return pl.pallas_call(
        _xt_p1_kernel,
        grid=(N // R,),
        in_specs=[pl.BlockSpec((R, 24), lambda i: (i, 0)),
                  full((24, 24)), full((24, 24)), full((1, 24))],
        out_specs=[pl.BlockSpec((R, 128), lambda i: (i, 0)),
                   pl.BlockSpec((R, 24), lambda i: (i, 0))],
        out_shape=[jax.ShapeDtypeStruct((N, 128), F32),
                   jax.ShapeDtypeStruct((N, 24), F32)],
    )(x, T, w1a, b1)



_SORT_R = 16


def _cmpx(d, idx, pv, pi, flip):
    pb = (pv < d) | ((pv == d) & (pi < idx))
    take = pb ^ flip
    return jnp.where(take, pv, d), jnp.where(take, pi, idx)


def _pass_local(d, idx, ii_loc, kb, j):
    dd = 1 << j
    is_left = (ii_loc & dd) == 0
    flip = kb ^ ~is_left
    pv = jnp.where(is_left, jnp.roll(d, -dd, 1), jnp.roll(d, dd, 1))
    pi = jnp.where(is_left, jnp.roll(idx, -dd, 1), jnp.roll(idx, dd, 1))
    return _cmpx(d, idx, pv, pi, flip)


def _bitonic_argsort(d, ii):
    nbits = d.shape[-1].bit_length() - 1

    def stage(k, carry):
        d, idx = carry
        kb = (jax.lax.shift_right_logical(ii, k + 1) & 1) == 1
        for j in range(nbits - 1, -1, -1):
            d, idx = lax.cond(
                j <= k,
                lambda dx, ix, kk, jj=j: _pass_local(dx, ix, ii, kk, jj),
                lambda dx, ix, kk: (dx, ix),
                d, idx, kb)
        return d, idx

    return lax.fori_loop(0, nbits, stage, (d, ii))


def _sort_kernel(prow_ref, post_ref, out_ref):
    pr = prow_ref[...]
    pt = post_ref[...]
    rn = pr[:, 3:4]
    cn = pt[3:4, :]
    d = rn + cn - 2.0 * _mmd(pr[:, :3], pt[:3, :])
    R = d.shape[0]
    d = jnp.concatenate(
        [d, jnp.full((R, M - N), jnp.inf, F32)], axis=1)
    _, idx = _bitonic_argsort(d, jax.lax.broadcasted_iota(I32, (R, M), 1))
    out_ref[...] = idx[:, :2432]


def _sorted_neighbors(pos_a, pos_at):
    R = _SORT_R
    return pl.pallas_call(
        _sort_kernel,
        grid=(N // R,),
        in_specs=[pl.BlockSpec((R, 8), lambda i: (i, 0)),
                  pl.BlockSpec((8, N), lambda i: (0, 0))],
        out_specs=pl.BlockSpec((R, 2432), lambda i: (i, 0)),
        out_shape=jax.ShapeDtypeStruct((N, 2432), I32),
    )(pos_a, pos_at)



def _knn_kernel(xb_ref, xt_ref, out_ref):
    xb = xb_ref[...]
    xt = xt_ref[...]
    rn = xb[:, 24:25]
    cn = xt[24:25, :]
    d0 = rn + cn - 2.0 * _mmd(xb[:, :24], xt[:24, :])
    R = d0.shape[0]
    ii = jax.lax.broadcasted_iota(I32, (R, M), 1)
    ii32 = jax.lax.broadcasted_iota(I32, (R, 32), 1)

    def step(t, carry):
        d, out = carry
        mn = jnp.min(d, axis=1, keepdims=True)
        cand = jnp.where(d == mn, ii, M)
        a = jnp.min(cand, axis=1, keepdims=True)
        out = jnp.where(ii32 == (t - 1), a, out)
        return jnp.where(ii == a, jnp.inf, d), out

    d = jnp.concatenate([d0, jnp.full((R, M - N), jnp.inf, F32)], axis=1)
    _, out = lax.fori_loop(0, 33, step, (d, jnp.zeros((R, 32), I32)))
    out_ref[...] = out


def _knn33(x_a, x_at):
    R = 32
    return pl.pallas_call(
        _knn_kernel,
        grid=(N // R,),
        in_specs=[pl.BlockSpec((R, 32), lambda i: (i, 0)),
                  pl.BlockSpec((32, N), lambda i: (0, 0))],
        out_specs=pl.BlockSpec((R, 32), lambda i: (i, 0)),
        out_shape=jax.ShapeDtypeStruct((N, 32), I32),
    )(x_a, x_at)



def _make_sc_gather(n_idx, d, dtype):
    NW = 32
    per = n_idx // NW
    C = 128
    chunks = per // C
    mesh = plsc.VectorSubcoreMesh(core_axis_name="c", subcore_axis_name="s")

    @functools.partial(
        pl.kernel,
        out_type=jax.ShapeDtypeStruct((n_idx, d), dtype),
        mesh=mesh,
        scratch_types=[pltpu.VMEM((C,), I32),
                       pltpu.VMEM((C, d), dtype),
                       pltpu.SemaphoreType.DMA],
    )
    def gather(table_hbm, idx_hbm, out_hbm, idx_v, rows_v, sem):
        wid = lax.axis_index("s") * 2 + lax.axis_index("c")
        base = wid * per

        def body(i, carry):
            off = base + i * C
            pltpu.sync_copy(idx_hbm.at[pl.ds(off, C)], idx_v)
            pltpu.async_copy(table_hbm.at[idx_v], rows_v, sem).wait()
            pltpu.sync_copy(rows_v, out_hbm.at[pl.ds(off, C)])
            return carry

        lax.fori_loop(0, chunks, body, 0)

    return gather


@functools.cache
def _sc_gather_cached(n_idx, d, dtype):
    return _make_sc_gather(n_idx, d, dtype)


def _gather_rows(table, idx_flat, kind):
    if kind == "conv":
        return _sc_gather_cached(N * NK, 128, F32)(table, idx_flat)
    return _sc_gather_cached(N * 12, 128, F32)(table, idx_flat)



def _edge_h(p, g, xi, w1b, do):
    R = p.shape[0]
    dif = g[..., :do] - xi[:, None, :]
    q = _mmd(dif.reshape(R * NK, do), w1b)
    q = q.reshape(R, NK, q.shape[-1])
    return _relu(p[:, None, :] + q)


def _comb_kernel(do, has_next, a_ref, g_ref, xi_ref, w1b, w2, b2, *rest):
    h = _edge_h(a_ref[...], g_ref[...], xi_ref[...], w1b[...], do)
    hm = jnp.max(h, axis=1)
    x = _relu(_mmd(hm, w2[...]) + b2[...])
    R = x.shape[0]
    if has_next:
        w1a_n, b1_n, x_ref, x128_ref, pn_ref = rest
        x_ref[...] = x
        x128_ref[...] = jnp.concatenate(
            [x, jnp.zeros((R, 128 - x.shape[1]), F32)], axis=1)
        pn_ref[...] = _mmd(x, w1a_n[...]) + b1_n[...]
    else:
        rest[0][...] = x


def _comb_egc(a, g, xi, w1b, w2, b2, extra):
    R = 256
    rspec = lambda c: pl.BlockSpec((R, c), lambda i: (i, 0))
    full = lambda s: pl.BlockSpec(s, lambda i: (0, 0))
    in_specs = [rspec(24), pl.BlockSpec((R, NK, 128), lambda i: (i, 0, 0)),
                rspec(24), full((24, 24)), full((24, 24)), full((1, 24))]
    args = [a, g, xi, w1b, w2, b2]
    w1a_n, b1_n = extra
    in_specs += [full((24, 24)), full((1, 24))]
    args += [w1a_n, b1_n]
    out_specs = [rspec(24), rspec(128), rspec(24)]
    out_shape = [jax.ShapeDtypeStruct((N, 24), F32),
                 jax.ShapeDtypeStruct((N, 128), F32),
                 jax.ShapeDtypeStruct((N, 24), F32)]
    return pl.pallas_call(
        functools.partial(_comb_kernel, 24, True),
        grid=(N // R,),
        in_specs=in_specs, out_specs=out_specs, out_shape=out_shape,
    )(*args)


def _comb_dil_kernel(has_next, a_ref, g_ref, xi_ref, w1b, w2, b2, *rest):
    h = _edge_h(a_ref[...], g_ref[...], xi_ref[...], w1b[...], 60)
    hm = jnp.max(h, axis=1)
    x = _relu(_mmd(hm, w2[...]) + b2[...]) + xi_ref[...]
    R = x.shape[0]
    if has_next:
        w1a_n, b1_n, x_ref, x128_ref, pn_ref = rest
        x_ref[...] = x
        x128_ref[...] = jnp.concatenate(
            [x, jnp.zeros((R, 68), F32)], axis=1)
        pn_ref[...] = _mmd(x, w1a_n[...]) + b1_n[...]
    else:
        rest[0][...] = x


def _comb_dilated(a, g, xi, w1b, w2, b2, extra):
    R = 256
    rspec = lambda c: pl.BlockSpec((R, c), lambda i: (i, 0))
    full = lambda s: pl.BlockSpec(s, lambda i: (0, 0))
    in_specs = [rspec(60), pl.BlockSpec((R, NK, 128), lambda i: (i, 0, 0)),
                rspec(60), full((60, 60)), full((60, 60)), full((1, 60))]
    args = [a, g, xi, w1b, w2, b2]
    if extra is not None:
        w1a_n, b1_n = extra
        in_specs += [full((60, 60)), full((1, 60))]
        args += [w1a_n, b1_n]
        out_specs = [rspec(60), rspec(128), rspec(60)]
        out_shape = [jax.ShapeDtypeStruct((N, 60), F32),
                     jax.ShapeDtypeStruct((N, 128), F32),
                     jax.ShapeDtypeStruct((N, 60), F32)]
        has_next = True
    else:
        out_specs = [rspec(60)]
        out_shape = [jax.ShapeDtypeStruct((N, 60), F32)]
        has_next = False
    return pl.pallas_call(
        functools.partial(_comb_dil_kernel, has_next),
        grid=(N // R,),
        in_specs=in_specs, out_specs=out_specs, out_shape=out_shape,
    )(*args)


def _comb3_kernel(a_ref, g_ref, xi_ref, w1b, w2, b2, x1_ref, wlh, blh,
                  wd1a, bd1, xloc_ref, xmid_ref, pd_ref, xm128_ref):
    h = _edge_h(a_ref[...], g_ref[...], xi_ref[...], w1b[...], 24)
    hm = jnp.max(h, axis=1)
    x3 = _relu(_mmd(hm, w2[...]) + b2[...])
    xloc = jnp.concatenate([x1_ref[...], xi_ref[...], x3], axis=1)
    xmid = _relu(_mmd(xloc, wlh[...]) + blh[...])
    R = xmid.shape[0]
    xloc_ref[...] = xloc
    xmid_ref[...] = xmid
    pd_ref[...] = _mmd(xmid, wd1a[...]) + bd1[...]
    xm128_ref[...] = jnp.concatenate(
        [xmid, jnp.zeros((R, 68), F32)], axis=1)


def _comb3(a, g, x2, w1b, w2, b2, x1, wlh, blh, wd1a, bd1):
    R = 256
    rspec = lambda c: pl.BlockSpec((R, c), lambda i: (i, 0))
    full = lambda s: pl.BlockSpec(s, lambda i: (0, 0))
    return pl.pallas_call(
        _comb3_kernel,
        grid=(N // R,),
        in_specs=[rspec(24), pl.BlockSpec((R, NK, 128), lambda i: (i, 0, 0)),
                  rspec(24), full((24, 24)), full((24, 24)), full((1, 24)),
                  rspec(24), full((72, 60)), full((1, 60)),
                  full((60, 60)), full((1, 60))],
        out_specs=[rspec(72), rspec(60), rspec(60), rspec(128)],
        out_shape=[jax.ShapeDtypeStruct((N, 72), F32),
                   jax.ShapeDtypeStruct((N, 60), F32),
                   jax.ShapeDtypeStruct((N, 60), F32),
                   jax.ShapeDtypeStruct((N, 128), F32)],
    )(a, g, x2, w1b, w2, b2, x1, wlh, blh, wd1a, bd1)



def _head_a_kernel(xmid, xd1, xd2, xd3, xd4, w1, b1, lng, lnb, w2, b2,
                   logits_ref, tgt_ref):
    xt = jnp.concatenate([xmid[...], xd1[...], xd2[...], xd3[...], xd4[...]],
                         axis=1)
    t = _mmd(xt, w1[...]) + b1[...]
    mu = jnp.mean(t, axis=1, keepdims=True)
    v = jnp.mean((t - mu) ** 2, axis=1, keepdims=True)
    t = (t - mu) / jnp.sqrt(v + 1e-5) * lng[...] + lnb[...]
    logits = _mmd(_relu(t), w2[...]) + b2[...]
    logits_ref[...] = logits
    mx = jnp.max(logits, axis=1, keepdims=True)
    i17 = jax.lax.broadcasted_iota(I32, logits.shape, 1)
    tgt = jnp.min(jnp.where(logits == mx, i17, 17), axis=1, keepdims=True)
    tgt_ref[...] = jnp.broadcast_to(tgt.astype(F32), tgt_ref.shape)


def _head_a(xmid, xd1, xd2, xd3, xd4, p):
    R = 256
    rspec = lambda c: pl.BlockSpec((R, c), lambda i: (i, 0))
    full = lambda s: pl.BlockSpec(s, lambda i: (0, 0))
    return pl.pallas_call(
        _head_a_kernel,
        grid=(N // R,),
        in_specs=[rspec(60)] * 5 + [full((300, 160)), full((1, 160)),
                                    full((1, 160)), full((1, 160)),
                                    full((160, 17)), full((1, 17))],
        out_specs=[rspec(17), rspec(8)],
        out_shape=[jax.ShapeDtypeStruct((N, 17), F32),
                   jax.ShapeDtypeStruct((N, 8), F32)],
    )(xmid, xd1, xd2, xd3, xd4, p["tc1"]["W"], p["tc1"]["b"][None, :],
      p["tc_ln_g"][None, :], p["tc_ln_b"][None, :],
      p["tc2"]["W"], p["tc2"]["b"][None, :])



def _head_c_kernel(xloc, xmid, xd1, xd2, xd3, xd4, logits_ref, tgt_ref,
                   nb_ref, pos_ref,
                   fp0w, fp0b, fp1w, fp1b, fp2w, fp2b,
                   be1w, be1b, be2w, be2b, at1w, at1b, at2w, at2b,
                   op1w, op1b, op2w, op2b, fiw, fib,
                   r11w, r11b, r12w, r12b, r1rw, r1rb,
                   r21w, r21b, r22w, r22b, r2rw, r2rb,
                   outw, outb, out_ref):
    logits = logits_ref[...]
    tgt = tgt_ref[..., 0:1]
    nlab = nb_ref[..., 3]
    diff = (nlab != tgt).astype(F32)
    dr = jnp.mean(diff, axis=1, keepdims=True)
    dx = nb_ref[..., 0] - pos_ref[..., 0:1]
    dy = nb_ref[..., 1] - pos_ref[..., 1:2]
    dz = nb_ref[..., 2] - pos_ref[..., 2:3]
    dist = jnp.sqrt(dx * dx + dy * dy + dz * dz)
    same = 1.0 - diff
    same_dist = jnp.sum(dist * same, axis=1, keepdims=True) / (
        jnp.sum(same, axis=1, keepdims=True) + 1e-6)
    bdist = jnp.min(jnp.where(diff > 0.0, dist, jnp.inf), axis=1,
                    keepdims=True)
    bdist = jnp.where(jnp.isfinite(bdist), bdist, same_dist)
    dmean = jnp.mean(dist, axis=1, keepdims=True)
    density = 1.0 / (dmean + 1e-6)
    var1 = jnp.sum((dist - dmean) ** 2, axis=1, keepdims=True) / 11.0
    curv = jnp.sqrt(var1) / (dmean + 1e-6)
    s = logits / 0.75
    s = s - jnp.max(s, axis=1, keepdims=True)
    es = jnp.exp(s)
    probs = es / jnp.sum(es, axis=1, keepdims=True)
    conf = jnp.max(probs, axis=1, keepdims=True)
    ent = -jnp.sum(probs * jnp.log(probs + 1e-8), axis=1, keepdims=True) / \
        jnp.log(jnp.float32(17.0))
    binfo = jnp.concatenate([dr, conf, ent, density, curv, bdist], axis=1)
    benc = _relu(_mmd(_relu(_mmd(binfo, be1w[...]) + be1b[...]), be2w[...])
                 + be2b[...])
    xglob = jnp.concatenate([xd1[...], xd2[...], xd3[...], xd4[...]], axis=1)
    f0 = _mmd(xloc[...], fp0w[...]) + fp0b[...]
    f1 = _mmd(xmid[...], fp1w[...]) + fp1b[...]
    f2 = _mmd(xglob, fp2w[...]) + fp2b[...]
    gf = (f0 + f1 + f2) / 3.0
    ah = _relu(_mmd(jnp.concatenate([gf, benc], axis=1), at1w[...])
               + at1b[...])
    al = _mmd(ah, at2w[...]) + at2b[...]
    al = al - jnp.max(al, axis=1, keepdims=True)
    ae = jnp.exp(al)
    aw = ae / jnp.sum(ae, axis=1, keepdims=True)
    fused = f0 * aw[:, 0:1] + f1 * aw[:, 1:2] + f2 * aw[:, 2:3]
    x_fused = _mmd(_relu(_mmd(fused, op1w[...]) + op1b[...]), op2w[...]) \
        + op2b[...] + gf
    gate = _mmd(x_fused, fiw[...]) + fib[...]
    xf = x_fused * (1.0 / (1.0 + jnp.exp(-gate)))
    h1 = _relu(_mmd(xf, r11w[...]) + r11b[...])
    xf = _relu(_mmd(h1, r12w[...]) + r12b[...]
               + _mmd(xf, r1rw[...]) + r1rb[...])
    h2 = _relu(_mmd(xf, r21w[...]) + r21b[...])
    xf = _relu(_mmd(h2, r22w[...]) + r22b[...]
               + _mmd(xf, r2rw[...]) + r2rb[...])
    out_ref[...] = _mmd(xf, outw[...]) + outb[...]


def _head_c(xloc, xmid, xd, logits, tgtf, nb_g, pos_pad, p):
    R = 256
    rspec = lambda c: pl.BlockSpec((R, c), lambda i: (i, 0))
    r3 = lambda c: pl.BlockSpec((R, 12, c), lambda i: (i, 0, 0))
    full = lambda s: pl.BlockSpec(s, lambda i: (0, 0))

    def wb(name):
        w = p[name]["W"]
        return [(w, full(w.shape)), (p[name]["b"][None, :],
                                     full((1, w.shape[1])))]

    wargs = []
    for nm in ["fp0", "fp1", "fp2", "be1", "be2", "at1", "at2",
               "op1", "op2", "fi", "r1_1", "r1_2", "r1_r",
               "r2_1", "r2_2", "r2_r", "out"]:
        wargs += wb(nm)
    return pl.pallas_call(
        _head_c_kernel,
        grid=(N // R,),
        in_specs=[rspec(72), rspec(60), rspec(60), rspec(60), rspec(60),
                  rspec(60), rspec(17), rspec(8), r3(128),
                  rspec(16)] + [s for _, s in wargs],
        out_specs=rspec(17),
        out_shape=jax.ShapeDtypeStruct((N, 17), F32),
    )(xloc, xmid, xd[0], xd[1], xd[2], xd[3], logits, tgtf,
      nb_g, pos_pad, *[a for a, _ in wargs])



def _split_w(w, c):
    return w[:c], w[c:]


def kernel(x, pos, params):
    p = params
    x2d = x[0]
    pos2d = pos[0]
    pos_norm = jnp.sum(pos2d * pos2d, -1)
    pos_a = jnp.concatenate(
        [pos2d, pos_norm[:, None], jnp.zeros((N, 4), F32)], axis=1)
    pos_pad16 = jnp.concatenate([pos2d, jnp.zeros((N, 13), F32)], axis=1)

    g = _stn_feat(x2d, p)
    T = _stn_head(g, p)

    w1a_1, w1b_1 = _split_w(p["egc1_1"]["W"], 24)
    xt128, p1 = _xt_p1(x2d, T, w1a_1, p["egc1_1"]["b"][None, :])
    xt24 = xt128[:, :24]

    snn = _sorted_neighbors(pos_a, pos_a.T)
    idx_pos = snn[:, 1:33]
    nidx = snn[:, 1:13]
    idx_d1 = snn[:, 0:192:6]
    idx_d2 = snn[:, 0:896:28]
    idx_d3 = snn[:, 0:1792:56]
    idx_d4 = snn[:, 0:2400:75]

    def feat_aug(xf):
        an = jnp.sum(xf * xf, -1)
        return jnp.concatenate(
            [xf, an[:, None], jnp.zeros((N, 7), F32)], axis=1)

    g1 = _gather_rows(xt128, idx_pos.reshape(-1), "conv").reshape(N, NK, 128)
    w1a_2, w1b_2 = _split_w(p["egc2_1"]["W"], 24)
    x1, x1_128, p2 = _comb_egc(p1, g1, xt24, w1b_1, p["egc1_2"]["W"],
                               p["egc1_2"]["b"][None, :],
                               (w1a_2, p["egc2_1"]["b"][None, :]))
    x1a = feat_aug(x1)
    idx1 = _knn33(x1a, x1a.T)
    g2 = _gather_rows(x1_128, idx1.reshape(-1), "conv").reshape(N, NK, 128)
    w1a_3, w1b_3 = _split_w(p["egc3_1"]["W"], 24)
    x2, x2_128, p3 = _comb_egc(p2, g2, x1, w1b_2, p["egc2_2"]["W"],
                               p["egc2_2"]["b"][None, :],
                               (w1a_3, p["egc3_1"]["b"][None, :]))
    x2a = feat_aug(x2)
    idx2 = _knn33(x2a, x2a.T)
    g3 = _gather_rows(x2_128, idx2.reshape(-1), "conv").reshape(N, NK, 128)
    w1a_d1, w1b_d1 = _split_w(p["d1_1"]["W"], 60)
    xloc, xmid, p_d1, xmid128 = _comb3(
        p3, g3, x2, w1b_3, p["egc3_2"]["W"], p["egc3_2"]["b"][None, :], x1,
        p["local_hidden"]["W"], p["local_hidden"]["b"][None, :],
        w1a_d1, p["d1_1"]["b"][None, :])

    idx_all = [idx_d1, idx_d2, idx_d3, idx_d4]
    w1bs = {"d1": w1b_d1}
    for nm in ["d2", "d3", "d4"]:
        _, w1bs[nm] = _split_w(p[nm + "_1"]["W"], 60)
    feat = xmid
    table = xmid128
    p_cur = p_d1
    xds = []
    for i, nm in enumerate(["d1", "d2", "d3", "d4"]):
        gd = _gather_rows(table, idx_all[i].reshape(-1), "conv").reshape(
            N, NK, 128)
        if i < 3:
            nxt = ["d2", "d3", "d4"][i]
            w1a_n, _ = _split_w(p[nxt + "_1"]["W"], 60)
            xd, table, p_cur = _comb_dilated(
                p_cur, gd, feat, w1bs[nm], p[nm + "_2"]["W"],
                p[nm + "_2"]["b"][None, :],
                (w1a_n, p[nxt + "_1"]["b"][None, :]))
        else:
            (xd,) = _comb_dilated(
                p_cur, gd, feat, w1bs[nm], p[nm + "_2"]["W"],
                p[nm + "_2"]["b"][None, :], None)
        xds.append(xd)
        feat = xd

    logits, tgtf = _head_a(xmid, xds[0], xds[1], xds[2], xds[3], p)
    nb_table = jnp.concatenate(
        [pos2d, tgtf[:, 0:1], jnp.zeros((N, 124), F32)], axis=1)
    nb_g = _gather_rows(nb_table, nidx.reshape(-1), "small").reshape(
        N, 12, 128)

    out = _head_c(xloc, xmid, xds, logits, tgtf, nb_g, pos_pad16, p)
    return out[None]

# --- scband reference (transcript-rebuilt; emitter-appended) ---
"""Pipeline reference for scband-dilated-tooth-segmentation-network-73083163509096 (READ-ONLY COPY).

The authoritative reference and input builder live on the scoring server;
editing this copy changes nothing except your own understanding.
"""

import jax, jax.numpy as jnp
import numpy as np


def _lin(key, i, o, scale=0.05):
    kw, _ = jax.random.split(key)
    return {"W": jax.random.normal(kw, (i, o), jnp.float32) * scale,
            "b": jnp.zeros((o,), jnp.float32)}


def make_params(key):
    ks = iter(jax.random.split(key, 64))
    p = {}
    p["stn_c1"] = _lin(next(ks), 24, 64)
    p["stn_c2"] = _lin(next(ks), 64, 128)
    p["stn_c3"] = _lin(next(ks), 128, 1024)
    p["stn_f1"] = _lin(next(ks), 1024, 512)
    p["stn_f2"] = _lin(next(ks), 512, 256)
    p["stn_f3"] = _lin(next(ks), 256, 576)
    for n in ["egc1", "egc2", "egc3"]:
        p[n + "_1"] = _lin(next(ks), 48, 24)
        p[n + "_2"] = _lin(next(ks), 24, 24)
    p["local_hidden"] = _lin(next(ks), 72, 60)
    for n in ["d1", "d2", "d3", "d4"]:
        p[n + "_1"] = _lin(next(ks), 120, 60)
        p[n + "_2"] = _lin(next(ks), 60, 60)
    p["fp0"] = _lin(next(ks), 72, 320)
    p["fp1"] = _lin(next(ks), 60, 320)
    p["fp2"] = _lin(next(ks), 240, 320)
    p["be1"] = _lin(next(ks), 6, 96)
    p["be2"] = _lin(next(ks), 96, 160)
    p["at1"] = _lin(next(ks), 480, 320)
    p["at2"] = _lin(next(ks), 320, 3)
    p["op1"] = _lin(next(ks), 320, 320)
    p["op2"] = _lin(next(ks), 320, 320)
    p["tc1"] = _lin(next(ks), 300, 160)
    p["tc_ln_g"] = jnp.ones((160,), jnp.float32)
    p["tc_ln_b"] = jnp.zeros((160,), jnp.float32)
    p["tc2"] = _lin(next(ks), 160, 17)
    p["fi"] = _lin(next(ks), 320, 320)
    p["r1_1"] = _lin(next(ks), 320, 448)
    p["r1_2"] = _lin(next(ks), 448, 448)
    p["r1_r"] = _lin(next(ks), 320, 448)
    p["r2_1"] = _lin(next(ks), 448, 320)
    p["r2_2"] = _lin(next(ks), 320, 320)
    p["r2_r"] = _lin(next(ks), 448, 320)
    p["out"] = _lin(next(ks), 320, 17)
    return p


def lin(x, l):
    return x @ l["W"] + l["b"]


def pdist2(a, b):
    an = jnp.sum(a * a, -1)[..., :, None]
    bn = jnp.sum(b * b, -1)[..., None, :]
    return an + bn - 2.0 * jnp.einsum("bnd,bmd->bnm", a, b)


def gather(x, idx):
    return jax.vmap(lambda a, i: a[i])(x, idx)


def edge_conv(x, idx, l1, l2):
    xj = gather(x, idx)
    xi = x[:, :, None, :]
    e = jnp.concatenate([jnp.broadcast_to(xi, xj.shape), xj - xi], axis=-1)
    h = jax.nn.relu(lin(e, l1))
    h = h.max(axis=2)
    return jax.nn.relu(lin(h, l2))


def forward(x, pos, p):
    B, N, _ = x.shape
    cd2 = pdist2(pos, pos)
    h = jax.nn.relu(lin(x, p["stn_c1"]))
    h = jax.nn.relu(lin(h, p["stn_c2"]))
    h = jax.nn.relu(lin(h, p["stn_c3"]))
    g = h.max(axis=1)
    g = jax.nn.relu(lin(g, p["stn_f1"]))
    g = jax.nn.relu(lin(g, p["stn_f2"]))
    T = lin(g, p["stn_f3"]).reshape(B, 24, 24) + jnp.eye(24, dtype=x.dtype)
    x = jnp.einsum("bnc,bck->bnk", x, T)
    idx_pos = jax.lax.top_k(-cd2, 33)[1][:, :, 1:]
    x1 = edge_conv(x, idx_pos, p["egc1_1"], p["egc1_2"])
    idx1 = jax.lax.top_k(-pdist2(x1, x1), 33)[1][:, :, 1:]
    x2 = edge_conv(x1, idx1, p["egc2_1"], p["egc2_2"])
    idx2 = jax.lax.top_k(-pdist2(x2, x2), 33)[1][:, :, 1:]
    x3 = edge_conv(x2, idx2, p["egc3_1"], p["egc3_2"])
    x_local = jnp.concatenate([x1, x2, x3], axis=-1)
    x_mid = jax.nn.relu(lin(x_local, p["local_hidden"]))

    def dilated(feat, name, dk):
        stride = dk // 32
        big = jax.lax.top_k(-cd2, dk)[1]
        idx = big[:, :, ::stride][:, :, :32]
        return edge_conv(feat, idx, p[name + "_1"], p[name + "_2"]) + feat

    x_d1 = dilated(x_mid, "d1", 200)
    x_d2 = dilated(x_d1, "d2", 900)
    x_d3 = dilated(x_d2, "d3", 1800)
    x_d4 = dilated(x_d3, "d4", 2400)
    x_global = jnp.concatenate([x_d1, x_d2, x_d3, x_d4], axis=-1)
    x_temp = jnp.concatenate([x_mid, x_d1, x_d2, x_d3, x_d4], axis=-1)
    t = lin(x_temp, p["tc1"])
    mu = t.mean(-1, keepdims=True)
    v = ((t - mu) ** 2).mean(-1, keepdims=True)
    t = (t - mu) / jnp.sqrt(v + 1e-5) * p["tc_ln_g"] + p["tc_ln_b"]
    logits_temp = lin(jax.nn.relu(t), p["tc2"])
    f0 = lin(x_local, p["fp0"])
    f1 = lin(x_mid, p["fp1"])
    f2 = lin(x_global, p["fp2"])
    fs = jnp.stack([f0, f1, f2], axis=2)
    target = jnp.argmax(logits_temp, axis=-1)
    nidx = jax.lax.top_k(-cd2, 13)[1][:, :, 1:]
    nl = gather(target, nidx)
    diff = nl != target[:, :, None]
    dr = diff.astype(jnp.float32).mean(axis=-1)
    npos = gather(pos, nidx)
    vec = npos - pos[:, :, None, :]
    dist = jnp.linalg.norm(vec, axis=-1)
    same = (~diff).astype(jnp.float32)
    same_dist = (dist * same).sum(-1) / (same.sum(-1) + 1e-6)
    bdist = jnp.where(diff, dist, jnp.inf).min(axis=-1)
    bdist = jnp.where(jnp.isfinite(bdist), bdist, same_dist)
    density = 1.0 / (dist.mean(-1) + 1e-6)
    curv = jnp.std(dist, axis=-1, ddof=1) / (dist.mean(-1) + 1e-6)
    probs = jax.nn.softmax(logits_temp / 0.75, axis=-1)
    conf = probs.max(-1)
    ent = -(probs * jnp.log(probs + 1e-8)).sum(-1) / np.log(17)
    binfo = jnp.stack([dr, conf, ent, density, curv, bdist], axis=-1)
    benc = jax.nn.relu(lin(jax.nn.relu(lin(binfo, p["be1"])), p["be2"]))
    gf = fs.mean(axis=2)
    aw = jax.nn.softmax(lin(jax.nn.relu(lin(jnp.concatenate([gf, benc], -1), p["at1"])), p["at2"]), axis=-1)
    fused = (fs * aw[..., None]).sum(axis=2)
    x_fused = lin(jax.nn.relu(lin(fused, p["op1"])), p["op2"]) + gf
    xf = x_fused * jax.nn.sigmoid(lin(x_fused, p["fi"]))

    def res(xx, a, b, r):
        return jax.nn.relu(lin(jax.nn.relu(lin(xx, p[a])), p[b]) + lin(xx, p[r]))

    xf = res(xf, "r1_1", "r1_2", "r1_r")
    xf = res(xf, "r2_1", "r2_2", "r2_r")
    return lin(xf, p["out"])


def setup_inputs(seed: int = 0) -> dict:
    key = jax.random.key(seed)
    x = jax.random.normal(jax.random.fold_in(key, 0), (1, 6144, 24), jnp.float32)
    pos = jax.random.uniform(jax.random.fold_in(key, 1), (1, 6144, 3), jnp.float32)
    params = make_params(jax.random.fold_in(key, 2))
    return {"x": x, "pos": pos, "params": params}


def reference(x, pos, params):
    return forward(x, pos, params)

if __name__ == "__main__":
    import jax
    _d = setup_inputs()
    print(jax.jit(kernel)(*tuple(_d.values())))

</pallas_src>

<mosaic_0001>
#map = affine_map<(d0, d1) -> (0, 0)>
#map1 = affine_map<(d0, d1) -> (0)>
module attributes {stable_mosaic.version = 14 : i64} {
  func.func @gather(%arg0: i32, %arg1: i32, %arg2: memref<6144x128xf32, #tpu.memory_space<hbm>>, %arg3: memref<196608xi32, #tpu.memory_space<hbm>>, %arg4: memref<196608x128xf32, #tpu.memory_space<hbm>>, %arg5: memref<128xi32, #tpu.memory_space<vmem>>, %arg6: memref<128x128xf32, #tpu.memory_space<vmem>>, %arg7: memref<!tpu.dma_semaphore, #tpu.memory_space<semaphore_mem>>) attributes {dimension_semantics = [#tpu.dimension_semantics<core_parallel>, #tpu.dimension_semantics<subcore_parallel>], iteration_bounds = array<i64: 2, 16>, scalar_prefetch = 0 : i64, scratch_operands = 3 : i64, tpu.core_type = #tpu.core_type<sc_vector_subcore>, window_params = [{transform_indices = #map}, {transform_indices = #map1}, {transform_indices = #map}]} {
    %mul3A = arith.constant 2 : i32
    %mul3A_0 = arith.muli %arg1, %mul3A : i32
    %add3A = arith.addi %mul3A_0, %arg0 : i32
    %mul3A_1 = arith.constant 6144 : i32
    %mul3A_2 = arith.muli %add3A, %mul3A_1 : i32
    %scan3A = arith.constant 0 : i32
    %scan3A_3 = arith.constant 0 : i32
    %scan3A_4 = arith.constant 48 : i32
    %scan3A_5 = arith.addi %scan3A_3, %scan3A_4 : i32
    %scan3A_6 = arith.constant 1 : i32
    scf.for %scan3A_8 = %scan3A_3 to %scan3A_5 step %scan3A_6  : i32 {
      %mul3A_9 = arith.constant 128 : i32
      %mul3A_10 = arith.muli %scan3A_8, %mul3A_9 : i32
      %add3A_11 = arith.addi %mul3A_2, %mul3A_10 : i32
      "tpu.region"() ({
        %run_scoped3A = tpu.sem_alloc : memref<!tpu.dma_semaphore, #tpu.memory_space<semaphore_mem>>
        %dma_start3A_16 = tpu.memref_slice %arg3[%add3A_11] : memref<196608xi32, #tpu.memory_space<hbm>> -> memref<128xi32, #tpu.memory_space<hbm>>
        %dma_start3A_17 = tpu.memref_slice %arg3[%add3A_11] : memref<196608xi32, #tpu.memory_space<hbm>> -> memref<128xi32, #tpu.memory_space<hbm>>
        tpu.enqueue_dma source(%dma_start3A_17 : memref<128xi32, #tpu.memory_space<hbm>>) target(%arg5 : memref<128xi32, #tpu.memory_space<vmem>>) target_semaphore(%run_scoped3A : memref<!tpu.dma_semaphore, #tpu.memory_space<semaphore_mem>>)
        %dma_wait3A_18 = tpu.memref_slice %arg3[%add3A_11] : memref<196608xi32, #tpu.memory_space<hbm>> -> memref<128xi32, #tpu.memory_space<hbm>>
        %dma_wait3A_19 = tpu.memref_slice %arg3[%add3A_11] : memref<196608xi32, #tpu.memory_space<hbm>> -> memref<128xi32, #tpu.memory_space<hbm>>
        tpu.wait_dma2 semaphore(%run_scoped3A : memref<!tpu.dma_semaphore, #tpu.memory_space<semaphore_mem>>) src(%dma_wait3A_19 : memref<128xi32, #tpu.memory_space<hbm>>) dst(%arg5 : memref<128xi32, #tpu.memory_space<vmem>>)
        tpu.yield
      }) : () -> ()
      %dma_start3A = arith.constant 0 : i32
      %dma_start3A_12 = arith.constant 0 : i32
      %dma_start3A_13 = tpu.memref_slice %arg2[%dma_start3A, %dma_start3A_12] : memref<6144x128xf32, #tpu.memory_space<hbm>> -> memref<6144x128xf32, #tpu.memory_space<hbm>>
      tpu.enqueue_indirect_dma source(%dma_start3A_13 : memref<6144x128xf32, #tpu.memory_space<hbm>>) target(%arg6 : memref<128x128xf32, #tpu.memory_space<vmem>>) offsets(%arg5 : memref<128xi32, #tpu.memory_space<vmem>>) semaphore(%arg7 : memref<!tpu.dma_semaphore, #tpu.memory_space<semaphore_mem>>)
      %dma_wait3A = arith.constant 0 : i32
      %dma_wait3A_14 = arith.constant 0 : i32
      %dma_wait3A_15 = tpu.memref_slice %arg2[%dma_wait3A, %dma_wait3A_14] : memref<6144x128xf32, #tpu.memory_space<hbm>> -> memref<6144x128xf32, #tpu.memory_space<hbm>>
      tpu.wait_indirect_dma semaphore(%arg7 : memref<!tpu.dma_semaphore, #tpu.memory_space<semaphore_mem>>) src(%dma_wait3A_15 : memref<6144x128xf32, #tpu.memory_space<hbm>>) dst(%arg6 : memref<128x128xf32, #tpu.memory_space<vmem>>)
      "tpu.region"() ({
        %run_scoped3A = tpu.sem_alloc : memref<!tpu.dma_semaphore, #tpu.memory_space<semaphore_mem>>
        %dma_start3A_16 = arith.constant 0 : i32
        %dma_start3A_17 = tpu.memref_slice %arg4[%add3A_11, %dma_start3A_16] : memref<196608x128xf32, #tpu.memory_space<hbm>> -> memref<128x128xf32, #tpu.memory_space<hbm>>
        %dma_start3A_18 = arith.constant 0 : i32
        %dma_start3A_19 = tpu.memref_slice %arg4[%add3A_11, %dma_start3A_18] : memref<196608x128xf32, #tpu.memory_space<hbm>> -> memref<128x128xf32, #tpu.memory_space<hbm>>
        tpu.enqueue_dma source(%arg6 : memref<128x128xf32, #tpu.memory_space<vmem>>) target(%dma_start3A_19 : memref<128x128xf32, #tpu.memory_space<hbm>>) target_semaphore(%run_scoped3A : memref<!tpu.dma_semaphore, #tpu.memory_space<semaphore_mem>>)
        %dma_wait3A_20 = arith.constant 0 : i32
        %dma_wait3A_21 = tpu.memref_slice %arg4[%add3A_11, %dma_wait3A_20] : memref<196608x128xf32, #tpu.memory_space<hbm>> -> memref<128x128xf32, #tpu.memory_space<hbm>>
        %dma_wait3A_22 = arith.constant 0 : i32
        %dma_wait3A_23 = tpu.memref_slice %arg4[%add3A_11, %dma_wait3A_22] : memref<196608x128xf32, #tpu.memory_space<hbm>> -> memref<128x128xf32, #tpu.memory_space<hbm>>
        tpu.wait_dma2 semaphore(%run_scoped3A : memref<!tpu.dma_semaphore, #tpu.memory_space<semaphore_mem>>) src(%arg6 : memref<128x128xf32, #tpu.memory_space<vmem>>) dst(%dma_wait3A_23 : memref<128x128xf32, #tpu.memory_space<hbm>>)
        tpu.yield
      }) : () -> ()
    }
    %scan3A_7 = arith.constant 48 : i32
    return
  }
}

#map = affine_map<(d0, d1) -> (0, 0)>
#map1 = affine_map<(d0, d1) -> (0)>
module attributes {stable_mosaic.version = 14 : i64} {
  func.func @gather(%arg0: i32, %arg1: i32, %arg2: memref<6144x128xf32, #tpu.memory_space<hbm>>, %arg3: memref<196608xi32, #tpu.memory_space<hbm>>, %arg4: memref<196608x128xf32, #tpu.memory_space<hbm>>, %arg5: memref<128xi32, #tpu.memory_space<vmem>>, %arg6: memref<128x128xf32, #tpu.memory_space<vmem>>, %arg7: memref<!tpu.dma_semaphore, #tpu.memory_space<semaphore_mem>>) attributes {dimension_semantics = [#tpu.dimension_semantics<core_parallel>, #tpu.dimension_semantics<subcore_parallel>], iteration_bounds = array<i64: 2, 16>, scalar_prefetch = 0 : i64, scratch_operands = 3 : i64, tpu.core_type = #tpu.core_type<sc_vector_subcore>, window_params = [{transform_indices = #map}, {transform_indices = #map1}, {transform_indices = #map}]} {
    %mul3A = arith.constant 2 : i32
    %mul3A_0 = arith.muli %arg1, %mul3A : i32
    %add3A = arith.addi %mul3A_0, %arg0 : i32
    %mul3A_1 = arith.constant 6144 : i32
    %mul3A_2 = arith.muli %add3A, %mul3A_1 : i32
    %scan3A = arith.constant 0 : i32
    %scan3A_3 = arith.constant 0 : i32
    %scan3A_4 = arith.constant 48 : i32
    %scan3A_5 = arith.addi %scan3A_3, %scan3A_4 : i32
    %scan3A_6 = arith.constant 1 : i32
    scf.for %scan3A_8 = %scan3A_3 to %scan3A_5 step %scan3A_6  : i32 {
      %mul3A_9 = arith.constant 128 : i32
      %mul3A_10 = arith.muli %scan3A_8, %mul3A_9 : i32
      %add3A_11 = arith.addi %mul3A_2, %mul3A_10 : i32
      "tpu.region"() ({
        %run_scoped3A = tpu.sem_alloc : memref<!tpu.dma_semaphore, #tpu.memory_space<semaphore_mem>>
        %dma_start3A_16 = tpu.memref_slice %arg3[%add3A_11] : memref<196608xi32, #tpu.memory_space<hbm>> -> memref<128xi32, #tpu.memory_space<hbm>>
        %dma_start3A_17 = tpu.memref_slice %arg3[%add3A_11] : memref<196608xi32, #tpu.memory_space<hbm>> -> memref<128xi32, #tpu.memory_space<hbm>>
        tpu.enqueue_dma source(%dma_start3A_17 : memref<128xi32, #tpu.memory_space<hbm>>) target(%arg5 : memref<128xi32, #tpu.memory_space<vmem>>) target_semaphore(%run_scoped3A : memref<!tpu.dma_semaphore, #tpu.memory_space<semaphore_mem>>)
        %dma_wait3A_18 = tpu.memref_slice %arg3[%add3A_11] : memref<196608xi32, #tpu.memory_space<hbm>> -> memref<128xi32, #tpu.memory_space<hbm>>
        %dma_wait3A_19 = tpu.memref_slice %arg3[%add3A_11] : memref<196608xi32, #tpu.memory_space<hbm>> -> memref<128xi32, #tpu.memory_space<hbm>>
        tpu.wait_dma2 semaphore(%run_scoped3A : memref<!tpu.dma_semaphore, #tpu.memory_space<semaphore_mem>>) src(%dma_wait3A_19 : memref<128xi32, #tpu.memory_space<hbm>>) dst(%arg5 : memref<128xi32, #tpu.memory_space<vmem>>)
        tpu.yield
      }) : () -> ()
      %dma_start3A = arith.constant 0 : i32
      %dma_start3A_12 = arith.constant 0 : i32
      %dma_start3A_13 = tpu.memref_slice %arg2[%dma_start3A, %dma_start3A_12] : memref<6144x128xf32, #tpu.memory_space<hbm>> -> memref<6144x128xf32, #tpu.memory_space<hbm>>
      tpu.enqueue_indirect_dma source(%dma_start3A_13 : memref<6144x128xf32, #tpu.memory_space<hbm>>) target(%arg6 : memref<128x128xf32, #tpu.memory_space<vmem>>) offsets(%arg5 : memref<128xi32, #tpu.memory_space<vmem>>) semaphore(%arg7 : memref<!tpu.dma_semaphore, #tpu.memory_space<semaphore_mem>>)
      %dma_wait3A = arith.constant 0 : i32
      %dma_wait3A_14 = arith.constant 0 : i32
      %dma_wait3A_15 = tpu.memref_slice %arg2[%dma_wait3A, %dma_wait3A_14] : memref<6144x128xf32, #tpu.memory_space<hbm>> -> memref<6144x128xf32, #tpu.memory_space<hbm>>
      tpu.wait_indirect_dma semaphore(%arg7 : memref<!tpu.dma_semaphore, #tpu.memory_space<semaphore_mem>>) src(%dma_wait3A_15 : memref<6144x128xf32, #tpu.memory_space<hbm>>) dst(%arg6 : memref<128x128xf32, #tpu.memory_space<vmem>>)
      "tpu.region"() ({
        %run_scoped3A = tpu.sem_alloc : memref<!tpu.dma_semaphore, #tpu.memory_space<semaphore_mem>>
        %dma_start3A_16 = arith.constant 0 : i32
        %dma_start3A_17 = tpu.memref_slice %arg4[%add3A_11, %dma_start3A_16] : memref<196608x128xf32, #tpu.memory_space<hbm>> -> memref<128x128xf32, #tpu.memory_space<hbm>>
        %dma_start3A_18 = arith.constant 0 : i32
        %dma_start3A_19 = tpu.memref_slice %arg4[%add3A_11, %dma_start3A_18] : memref<196608x128xf32, #tpu.memory_space<hbm>> -> memref<128x128xf32, #tpu.memory_space<hbm>>
        tpu.enqueue_dma source(%arg6 : memref<128x128xf32, #tpu.memory_space<vmem>>) target(%dma_start3A_19 : memref<128x128xf32, #tpu.memory_space<hbm>>) target_semaphore(%run_scoped3A : memref<!tpu.dma_semaphore, #tpu.memory_space<semaphore_mem>>)
        %dma_wait3A_20 = arith.constant 0 : i32
        %dma_wait3A_21 = tpu.memref_slice %arg4[%add3A_11, %dma_wait3A_20] : memref<196608x128xf32, #tpu.memory_space<hbm>> -> memref<128x128xf32, #tpu.memory_space<hbm>>
        %dma_wait3A_22 = arith.constant 0 : i32
        %dma_wait3A_23 = tpu.memref_slice %arg4[%add3A_11, %dma_wait3A_22] : memref<196608x128xf32, #tpu.memory_space<hbm>> -> memref<128x128xf32, #tpu.memory_space<hbm>>
        tpu.wait_dma2 semaphore(%run_scoped3A : memref<!tpu.dma_semaphore, #tpu.memory_space<semaphore_mem>>) src(%arg6 : memref<128x128xf32, #tpu.memory_space<vmem>>) dst(%dma_wait3A_23 : memref<128x128xf32, #tpu.memory_space<hbm>>)
        tpu.yield
      }) : () -> ()
    }
    %scan3A_7 = arith.constant 48 : i32
    return
  }
}

#map = affine_map<(d0, d1) -> (0, 0)>
#map1 = affine_map<(d0, d1) -> (0)>
module attributes {stable_mosaic.version = 14 : i64} {
  func.func @gather(%arg0: i32, %arg1: i32, %arg2: memref<6144x128xf32, #tpu.memory_space<hbm>>, %arg3: memref<196608xi32, #tpu.memory_space<hbm>>, %arg4: memref<196608x128xf32, #tpu.memory_space<hbm>>, %arg5: memref<128xi32, #tpu.memory_space<vmem>>, %arg6: memref<128x128xf32, #tpu.memory_space<vmem>>, %arg7: memref<!tpu.dma_semaphore, #tpu.memory_space<semaphore_mem>>) attributes {dimension_semantics = [#tpu.dimension_semantics<core_parallel>, #tpu.dimension_semantics<subcore_parallel>], iteration_bounds = array<i64: 2, 16>, scalar_prefetch = 0 : i64, scratch_operands = 3 : i64, tpu.core_type = #tpu.core_type<sc_vector_subcore>, window_params = [{transform_indices = #map}, {transform_indices = #map1}, {transform_indices = #map}]} {
    %mul3A = arith.constant 2 : i32
    %mul3A_0 = arith.muli %arg1, %mul3A : i32
    %add3A = arith.addi %mul3A_0, %arg0 : i32
    %mul3A_1 = arith.constant 6144 : i32
    %mul3A_2 = arith.muli %add3A, %mul3A_1 : i32
    %scan3A = arith.constant 0 : i32
    %scan3A_3 = arith.constant 0 : i32
    %scan3A_4 = arith.constant 48 : i32
    %scan3A_5 = arith.addi %scan3A_3, %scan3A_4 : i32
    %scan3A_6 = arith.constant 1 : i32
    scf.for %scan3A_8 = %scan3A_3 to %scan3A_5 step %scan3A_6  : i32 {
      %mul3A_9 = arith.constant 128 : i32
      %mul3A_10 = arith.muli %scan3A_8, %mul3A_9 : i32
      %add3A_11 = arith.addi %mul3A_2, %mul3A_10 : i32
      "tpu.region"() ({
        %run_scoped3A = tpu.sem_alloc : memref<!tpu.dma_semaphore, #tpu.memory_space<semaphore_mem>>
        %dma_start3A_16 = tpu.memref_slice %arg3[%add3A_11] : memref<196608xi32, #tpu.memory_space<hbm>> -> memref<128xi32, #tpu.memory_space<hbm>>
        %dma_start3A_17 = tpu.memref_slice %arg3[%add3A_11] : memref<196608xi32, #tpu.memory_space<hbm>> -> memref<128xi32, #tpu.memory_space<hbm>>
        tpu.enqueue_dma source(%dma_start3A_17 : memref<128xi32, #tpu.memory_space<hbm>>) target(%arg5 : memref<128xi32, #tpu.memory_space<vmem>>) target_semaphore(%run_scoped3A : memref<!tpu.dma_semaphore, #tpu.memory_space<semaphore_mem>>)
        %dma_wait3A_18 = tpu.memref_slice %arg3[%add3A_11] : memref<196608xi32, #tpu.memory_space<hbm>> -> memref<128xi32, #tpu.memory_space<hbm>>
        %dma_wait3A_19 = tpu.memref_slice %arg3[%add3A_11] : memref<196608xi32, #tpu.memory_space<hbm>> -> memref<128xi32, #tpu.memory_space<hbm>>
        tpu.wait_dma2 semaphore(%run_scoped3A : memref<!tpu.dma_semaphore, #tpu.memory_space<semaphore_mem>>) src(%dma_wait3A_19 : memref<128xi32, #tpu.memory_space<hbm>>) dst(%arg5 : memref<128xi32, #tpu.memory_space<vmem>>)
        tpu.yield
      }) : () -> ()
      %dma_start3A = arith.constant 0 : i32
      %dma_start3A_12 = arith.constant 0 : i32
      %dma_start3A_13 = tpu.memref_slice %arg2[%dma_start3A, %dma_start3A_12] : memref<6144x128xf32, #tpu.memory_space<hbm>> -> memref<6144x128xf32, #tpu.memory_space<hbm>>
      tpu.enqueue_indirect_dma source(%dma_start3A_13 : memref<6144x128xf32, #tpu.memory_space<hbm>>) target(%arg6 : memref<128x128xf32, #tpu.memory_space<vmem>>) offsets(%arg5 : memref<128xi32, #tpu.memory_space<vmem>>) semaphore(%arg7 : memref<!tpu.dma_semaphore, #tpu.memory_space<semaphore_mem>>)
      %dma_wait3A = arith.constant 0 : i32
      %dma_wait3A_14 = arith.constant 0 : i32
      %dma_wait3A_15 = tpu.memref_slice %arg2[%dma_wait3A, %dma_wait3A_14] : memref<6144x128xf32, #tpu.memory_space<hbm>> -> memref<6144x128xf32, #tpu.memory_space<hbm>>
      tpu.wait_indirect_dma semaphore(%arg7 : memref<!tpu.dma_semaphore, #tpu.memory_space<semaphore_mem>>) src(%dma_wait3A_15 : memref<6144x128xf32, #tpu.memory_space<hbm>>) dst(%arg6 : memref<128x128xf32, #tpu.memory_space<vmem>>)
      "tpu.region"() ({
        %run_scoped3A = tpu.sem_alloc : memref<!tpu.dma_semaphore, #tpu.memory_space<semaphore_mem>>
        %dma_start3A_16 = arith.constant 0 : i32
        %dma_start3A_17 = tpu.memref_slice %arg4[%add3A_11, %dma_start3A_16] : memref<196608x128xf32, #tpu.memory_space<hbm>> -> memref<128x128xf32, #tpu.memory_space<hbm>>
        %dma_start3A_18 = arith.constant 0 : i32
        %dma_start3A_19 = tpu.memref_slice %arg4[%add3A_11, %dma_start3A_18] : memref<196608x128xf32, #tpu.memory_space<hbm>> -> memref<128x128xf32, #tpu.memory_space<hbm>>
        tpu.enqueue_dma source(%arg6 : memref<128x128xf32, #tpu.memory_space<vmem>>) target(%dma_start3A_19 : memref<128x128xf32, #tpu.memory_space<hbm>>) target_semaphore(%run_scoped3A : memref<!tpu.dma_semaphore, #tpu.memory_space<semaphore_mem>>)
        %dma_wait3A_20 = arith.constant 0 : i32
        %dma_wait3A_21 = tpu.memref_slice %arg4[%add3A_11, %dma_wait3A_20] : memref<196608x128xf32, #tpu.memory_space<hbm>> -> memref<128x128xf32, #tpu.memory_space<hbm>>
        %dma_wait3A_22 = arith.constant 0 : i32
        %dma_wait3A_23 = tpu.memref_slice %arg4[%add3A_11, %dma_wait3A_22] : memref<196608x128xf32, #tpu.memory_space<hbm>> -> memref<128x128xf32, #tpu.memory_space<hbm>>
        tpu.wait_dma2 semaphore(%run_scoped3A : memref<!tpu.dma_semaphore, #tpu.memory_space<semaphore_mem>>) src(%arg6 : memref<128x128xf32, #tpu.memory_space<vmem>>) dst(%dma_wait3A_23 : memref<128x128xf32, #tpu.memory_space<hbm>>)
        tpu.yield
      }) : () -> ()
    }
    %scan3A_7 = arith.constant 48 : i32
    return
  }
}

#map = affine_map<(d0, d1) -> (0, 0)>
#map1 = affine_map<(d0, d1) -> (0)>
module attributes {stable_mosaic.version = 14 : i64} {
  func.func @gather(%arg0: i32, %arg1: i32, %arg2: memref<6144x128xf32, #tpu.memory_space<hbm>>, %arg3: memref<196608xi32, #tpu.memory_space<hbm>>, %arg4: memref<196608x128xf32, #tpu.memory_space<hbm>>, %arg5: memref<128xi32, #tpu.memory_space<vmem>>, %arg6: memref<128x128xf32, #tpu.memory_space<vmem>>, %arg7: memref<!tpu.dma_semaphore, #tpu.memory_space<semaphore_mem>>) attributes {dimension_semantics = [#tpu.dimension_semantics<core_parallel>, #tpu.dimension_semantics<subcore_parallel>], iteration_bounds = array<i64: 2, 16>, scalar_prefetch = 0 : i64, scratch_operands = 3 : i64, tpu.core_type = #tpu.core_type<sc_vector_subcore>, window_params = [{transform_indices = #map}, {transform_indices = #map1}, {transform_indices = #map}]} {
    %mul3A = arith.constant 2 : i32
    %mul3A_0 = arith.muli %arg1, %mul3A : i32
    %add3A = arith.addi %mul3A_0, %arg0 : i32
    %mul3A_1 = arith.constant 6144 : i32
    %mul3A_2 = arith.muli %add3A, %mul3A_1 : i32
    %scan3A = arith.constant 0 : i32
    %scan3A_3 = arith.constant 0 : i32
    %scan3A_4 = arith.constant 48 : i32
    %scan3A_5 = arith.addi %scan3A_3, %scan3A_4 : i32
    %scan3A_6 = arith.constant 1 : i32
    scf.for %scan3A_8 = %scan3A_3 to %scan3A_5 step %scan3A_6  : i32 {
      %mul3A_9 = arith.constant 128 : i32
      %mul3A_10 = arith.muli %scan3A_8, %mul3A_9 : i32
      %add3A_11 = arith.addi %mul3A_2, %mul3A_10 : i32
      "tpu.region"() ({
        %run_scoped3A = tpu.sem_alloc : memref<!tpu.dma_semaphore, #tpu.memory_space<semaphore_mem>>
        %dma_start3A_16 = tpu.memref_slice %arg3[%add3A_11] : memref<196608xi32, #tpu.memory_space<hbm>> -> memref<128xi32, #tpu.memory_space<hbm>>
        %dma_start3A_17 = tpu.memref_slice %arg3[%add3A_11] : memref<196608xi32, #tpu.memory_space<hbm>> -> memref<128xi32, #tpu.memory_space<hbm>>
        tpu.enqueue_dma source(%dma_start3A_17 : memref<128xi32, #tpu.memory_space<hbm>>) target(%arg5 : memref<128xi32, #tpu.memory_space<vmem>>) target_semaphore(%run_scoped3A : memref<!tpu.dma_semaphore, #tpu.memory_space<semaphore_mem>>)
        %dma_wait3A_18 = tpu.memref_slice %arg3[%add3A_11] : memref<196608xi32, #tpu.memory_space<hbm>> -> memref<128xi32, #tpu.memory_space<hbm>>
        %dma_wait3A_19 = tpu.memref_slice %arg3[%add3A_11] : memref<196608xi32, #tpu.memory_space<hbm>> -> memref<128xi32, #tpu.memory_space<hbm>>
        tpu.wait_dma2 semaphore(%run_scoped3A : memref<!tpu.dma_semaphore, #tpu.memory_space<semaphore_mem>>) src(%dma_wait3A_19 : memref<128xi32, #tpu.memory_space<hbm>>) dst(%arg5 : memref<128xi32, #tpu.memory_space<vmem>>)
        tpu.yield
      }) : () -> ()
      %dma_start3A = arith.constant 0 : i32
      %dma_start3A_12 = arith.constant 0 : i32
      %dma_start3A_13 = tpu.memref_slice %arg2[%dma_start3A, %dma_start3A_12] : memref<6144x128xf32, #tpu.memory_space<hbm>> -> memref<6144x128xf32, #tpu.memory_space<hbm>>
      tpu.enqueue_indirect_dma source(%dma_start3A_13 : memref<6144x128xf32, #tpu.memory_space<hbm>>) target(%arg6 : memref<128x128xf32, #tpu.memory_space<vmem>>) offsets(%arg5 : memref<128xi32, #tpu.memory_space<vmem>>) semaphore(%arg7 : memref<!tpu.dma_semaphore, #tpu.memory_space<semaphore_mem>>)
      %dma_wait3A = arith.constant 0 : i32
      %dma_wait3A_14 = arith.constant 0 : i32
      %dma_wait3A_15 = tpu.memref_slice %arg2[%dma_wait3A, %dma_wait3A_14] : memref<6144x128xf32, #tpu.memory_space<hbm>> -> memref<6144x128xf32, #tpu.memory_space<hbm>>
      tpu.wait_indirect_dma semaphore(%arg7 : memref<!tpu.dma_semaphore, #tpu.memory_space<semaphore_mem>>) src(%dma_wait3A_15 : memref<6144x128xf32, #tpu.memory_space<hbm>>) dst(%arg6 : memref<128x128xf32, #tpu.memory_space<vmem>>)
      "tpu.region"() ({
        %run_scoped3A = tpu.sem_alloc : memref<!tpu.dma_semaphore, #tpu.memory_space<semaphore_mem>>
        %dma_start3A_16 = arith.constant 0 : i32
        %dma_start3A_17 = tpu.memref_slice %arg4[%add3A_11, %dma_start3A_16] : memref<196608x128xf32, #tpu.memory_space<hbm>> -> memref<128x128xf32, #tpu.memory_space<hbm>>
        %dma_start3A_18 = arith.constant 0 : i32
        %dma_start3A_19 = tpu.memref_slice %arg4[%add3A_11, %dma_start3A_18] : memref<196608x128xf32, #tpu.memory_space<hbm>> -> memref<128x128xf32, #tpu.memory_space<hbm>>
        tpu.enqueue_dma source(%arg6 : memref<128x128xf32, #tpu.memory_space<vmem>>) target(%dma_start3A_19 : memref<128x128xf32, #tpu.memory_space<hbm>>) target_semaphore(%run_scoped3A : memref<!tpu.dma_semaphore, #tpu.memory_space<semaphore_mem>>)
        %dma_wait3A_20 = arith.constant 0 : i32
        %dma_wait3A_21 = tpu.memref_slice %arg4[%add3A_11, %dma_wait3A_20] : memref<196608x128xf32, #tpu.memory_space<hbm>> -> memref<128x128xf32, #tpu.memory_space<hbm>>
        %dma_wait3A_22 = arith.constant 0 : i32
        %dma_wait3A_23 = tpu.memref_slice %arg4[%add3A_11, %dma_wait3A_22] : memref<196608x128xf32, #tpu.memory_space<hbm>> -> memref<128x128xf32, #tpu.memory_space<hbm>>
        tpu.wait_dma2 semaphore(%run_scoped3A : memref<!tpu.dma_semaphore, #tpu.memory_space<semaphore_mem>>) src(%arg6 : memref<128x128xf32, #tpu.memory_space<vmem>>) dst(%dma_wait3A_23 : memref<128x128xf32, #tpu.memory_space<hbm>>)
        tpu.yield
      }) : () -> ()
    }
    %scan3A_7 = arith.constant 48 : i32
    return
  }
}

#map = affine_map<(d0, d1) -> (0, 0)>
#map1 = affine_map<(d0, d1) -> (0)>
module attributes {stable_mosaic.version = 14 : i64} {
  func.func @gather(%arg0: i32, %arg1: i32, %arg2: memref<6144x128xf32, #tpu.memory_space<hbm>>, %arg3: memref<196608xi32, #tpu.memory_space<hbm>>, %arg4: memref<196608x128xf32, #tpu.memory_space<hbm>>, %arg5: memref<128xi32, #tpu.memory_space<vmem>>, %arg6: memref<128x128xf32, #tpu.memory_space<vmem>>, %arg7: memref<!tpu.dma_semaphore, #tpu.memory_space<semaphore_mem>>) attributes {dimension_semantics = [#tpu.dimension_semantics<core_parallel>, #tpu.dimension_semantics<subcore_parallel>], iteration_bounds = array<i64: 2, 16>, scalar_prefetch = 0 : i64, scratch_operands = 3 : i64, tpu.core_type = #tpu.core_type<sc_vector_subcore>, window_params = [{transform_indices = #map}, {transform_indices = #map1}, {transform_indices = #map}]} {
    %mul3A = arith.constant 2 : i32
    %mul3A_0 = arith.muli %arg1, %mul3A : i32
    %add3A = arith.addi %mul3A_0, %arg0 : i32
    %mul3A_1 = arith.constant 6144 : i32
    %mul3A_2 = arith.muli %add3A, %mul3A_1 : i32
    %scan3A = arith.constant 0 : i32
    %scan3A_3 = arith.constant 0 : i32
    %scan3A_4 = arith.constant 48 : i32
    %scan3A_5 = arith.addi %scan3A_3, %scan3A_4 : i32
    %scan3A_6 = arith.constant 1 : i32
    scf.for %scan3A_8 = %scan3A_3 to %scan3A_5 step %scan3A_6  : i32 {
      %mul3A_9 = arith.constant 128 : i32
      %mul3A_10 = arith.muli %scan3A_8, %mul3A_9 : i32
      %add3A_11 = arith.addi %mul3A_2, %mul3A_10 : i32
      "tpu.region"() ({
        %run_scoped3A = tpu.sem_alloc : memref<!tpu.dma_semaphore, #tpu.memory_space<semaphore_mem>>
        %dma_start3A_16 = tpu.memref_slice %arg3[%add3A_11] : memref<196608xi32, #tpu.memory_space<hbm>> -> memref<128xi32, #tpu.memory_space<hbm>>
        %dma_start3A_17 = tpu.memref_slice %arg3[%add3A_11] : memref<196608xi32, #tpu.memory_space<hbm>> -> memref<128xi32, #tpu.memory_space<hbm>>
        tpu.enqueue_dma source(%dma_start3A_17 : memref<128xi32, #tpu.memory_space<hbm>>) target(%arg5 : memref<128xi32, #tpu.memory_space<vmem>>) target_semaphore(%run_scoped3A : memref<!tpu.dma_semaphore, #tpu.memory_space<semaphore_mem>>)
        %dma_wait3A_18 = tpu.memref_slice %arg3[%add3A_11] : memref<196608xi32, #tpu.memory_space<hbm>> -> memref<128xi32, #tpu.memory_space<hbm>>
        %dma_wait3A_19 = tpu.memref_slice %arg3[%add3A_11] : memref<196608xi32, #tpu.memory_space<hbm>> -> memref<128xi32, #tpu.memory_space<hbm>>
        tpu.wait_dma2 semaphore(%run_scoped3A : memref<!tpu.dma_semaphore, #tpu.memory_space<semaphore_mem>>) src(%dma_wait3A_19 : memref<128xi32, #tpu.memory_space<hbm>>) dst(%arg5 : memref<128xi32, #tpu.memory_space<vmem>>)
        tpu.yield
      }) : () -> ()
      %dma_start3A = arith.constant 0 : i32
      %dma_start3A_12 = arith.constant 0 : i32
      %dma_start3A_13 = tpu.memref_slice %arg2[%dma_start3A, %dma_start3A_12] : memref<6144x128xf32, #tpu.memory_space<hbm>> -> memref<6144x128xf32, #tpu.memory_space<hbm>>
      tpu.enqueue_indirect_dma source(%dma_start3A_13 : memref<6144x128xf32, #tpu.memory_space<hbm>>) target(%arg6 : memref<128x128xf32, #tpu.memory_space<vmem>>) offsets(%arg5 : memref<128xi32, #tpu.memory_space<vmem>>) semaphore(%arg7 : memref<!tpu.dma_semaphore, #tpu.memory_space<semaphore_mem>>)
      %dma_wait3A = arith.constant 0 : i32
      %dma_wait3A_14 = arith.constant 0 : i32
      %dma_wait3A_15 = tpu.memref_slice %arg2[%dma_wait3A, %dma_wait3A_14] : memref<6144x128xf32, #tpu.memory_space<hbm>> -> memref<6144x128xf32, #tpu.memory_space<hbm>>
      tpu.wait_indirect_dma semaphore(%arg7 : memref<!tpu.dma_semaphore, #tpu.memory_space<semaphore_mem>>) src(%dma_wait3A_15 : memref<6144x128xf32, #tpu.memory_space<hbm>>) dst(%arg6 : memref<128x128xf32, #tpu.memory_space<vmem>>)
      "tpu.region"() ({
        %run_scoped3A = tpu.sem_alloc : memref<!tpu.dma_semaphore, #tpu.memory_space<semaphore_mem>>
        %dma_start3A_16 = arith.constant 0 : i32
        %dma_start3A_17 = tpu.memref_slice %arg4[%add3A_11, %dma_start3A_16] : memref<196608x128xf32, #tpu.memory_space<hbm>> -> memref<128x128xf32, #tpu.memory_space<hbm>>
        %dma_start3A_18 = arith.constant 0 : i32
        %dma_start3A_19 = tpu.memref_slice %arg4[%add3A_11, %dma_start3A_18] : memref<196608x128xf32, #tpu.memory_space<hbm>> -> memref<128x128xf32, #tpu.memory_space<hbm>>
        tpu.enqueue_dma source(%arg6 : memref<128x128xf32, #tpu.memory_space<vmem>>) target(%dma_start3A_19 : memref<128x128xf32, #tpu.memory_space<hbm>>) target_semaphore(%run_scoped3A : memref<!tpu.dma_semaphore, #tpu.memory_space<semaphore_mem>>)
        %dma_wait3A_20 = arith.constant 0 : i32
        %dma_wait3A_21 = tpu.memref_slice %arg4[%add3A_11, %dma_wait3A_20] : memref<196608x128xf32, #tpu.memory_space<hbm>> -> memref<128x128xf32, #tpu.memory_space<hbm>>
        %dma_wait3A_22 = arith.constant 0 : i32
        %dma_wait3A_23 = tpu.memref_slice %arg4[%add3A_11, %dma_wait3A_22] : memref<196608x128xf32, #tpu.memory_space<hbm>> -> memref<128x128xf32, #tpu.memory_space<hbm>>
        tpu.wait_dma2 semaphore(%run_scoped3A : memref<!tpu.dma_semaphore, #tpu.memory_space<semaphore_mem>>) src(%arg6 : memref<128x128xf32, #tpu.memory_space<vmem>>) dst(%dma_wait3A_23 : memref<128x128xf32, #tpu.memory_space<hbm>>)
        tpu.yield
      }) : () -> ()
    }
    %scan3A_7 = arith.constant 48 : i32
    return
  }
}

#map = affine_map<(d0, d1) -> (0, 0)>
#map1 = affine_map<(d0, d1) -> (0)>
module attributes {stable_mosaic.version = 14 : i64} {
  func.func @gather(%arg0: i32, %arg1: i32, %arg2: memref<6144x128xf32, #tpu.memory_space<hbm>>, %arg3: memref<196608xi32, #tpu.memory_space<hbm>>, %arg4: memref<196608x128xf32, #tpu.memory_space<hbm>>, %arg5: memref<128xi32, #tpu.memory_space<vmem>>, %arg6: memref<128x128xf32, #tpu.memory_space<vmem>>, %arg7: memref<!tpu.dma_semaphore, #tpu.memory_space<semaphore_mem>>) attributes {dimension_semantics = [#tpu.dimension_semantics<core_parallel>, #tpu.dimension_semantics<subcore_parallel>], iteration_bounds = array<i64: 2, 16>, scalar_prefetch = 0 : i64, scratch_operands = 3 : i64, tpu.core_type = #tpu.core_type<sc_vector_subcore>, window_params = [{transform_indices = #map}, {transform_indices = #map1}, {transform_indices = #map}]} {
    %mul3A = arith.constant 2 : i32
    %mul3A_0 = arith.muli %arg1, %mul3A : i32
    %add3A = arith.addi %mul3A_0, %arg0 : i32
    %mul3A_1 = arith.constant 6144 : i32
    %mul3A_2 = arith.muli %add3A, %mul3A_1 : i32
    %scan3A = arith.constant 0 : i32
    %scan3A_3 = arith.constant 0 : i32
    %scan3A_4 = arith.constant 48 : i32
    %scan3A_5 = arith.addi %scan3A_3, %scan3A_4 : i32
    %scan3A_6 = arith.constant 1 : i32
    scf.for %scan3A_8 = %scan3A_3 to %scan3A_5 step %scan3A_6  : i32 {
      %mul3A_9 = arith.constant 128 : i32
      %mul3A_10 = arith.muli %scan3A_8, %mul3A_9 : i32
      %add3A_11 = arith.addi %mul3A_2, %mul3A_10 : i32
      "tpu.region"() ({
        %run_scoped3A = tpu.sem_alloc : memref<!tpu.dma_semaphore, #tpu.memory_space<semaphore_mem>>
        %dma_start3A_16 = tpu.memref_slice %arg3[%add3A_11] : memref<196608xi32, #tpu.memory_space<hbm>> -> memref<128xi32, #tpu.memory_space<hbm>>
        %dma_start3A_17 = tpu.memref_slice %arg3[%add3A_11] : memref<196608xi32, #tpu.memory_space<hbm>> -> memref<128xi32, #tpu.memory_space<hbm>>
        tpu.enqueue_dma source(%dma_start3A_17 : memref<128xi32, #tpu.memory_space<hbm>>) target(%arg5 : memref<128xi32, #tpu.memory_space<vmem>>) target_semaphore(%run_scoped3A : memref<!tpu.dma_semaphore, #tpu.memory_space<semaphore_mem>>)
        %dma_wait3A_18 = tpu.memref_slice %arg3[%add3A_11] : memref<196608xi32, #tpu.memory_space<hbm>> -> memref<128xi32, #tpu.memory_space<hbm>>
        %dma_wait3A_19 = tpu.memref_slice %arg3[%add3A_11] : memref<196608xi32, #tpu.memory_space<hbm>> -> memref<128xi32, #tpu.memory_space<hbm>>
        tpu.wait_dma2 semaphore(%run_scoped3A : memref<!tpu.dma_semaphore, #tpu.memory_space<semaphore_mem>>) src(%dma_wait3A_19 : memref<128xi32, #tpu.memory_space<hbm>>) dst(%arg5 : memref<128xi32, #tpu.memory_space<vmem>>)
        tpu.yield
      }) : () -> ()
      %dma_start3A = arith.constant 0 : i32
      %dma_start3A_12 = arith.constant 0 : i32
      %dma_start3A_13 = tpu.memref_slice %arg2[%dma_start3A, %dma_start3A_12] : memref<6144x128xf32, #tpu.memory_space<hbm>> -> memref<6144x128xf32, #tpu.memory_space<hbm>>
      tpu.enqueue_indirect_dma source(%dma_start3A_13 : memref<6144x128xf32, #tpu.memory_space<hbm>>) target(%arg6 : memref<128x128xf32, #tpu.memory_space<vmem>>) offsets(%arg5 : memref<128xi32, #tpu.memory_space<vmem>>) semaphore(%arg7 : memref<!tpu.dma_semaphore, #tpu.memory_space<semaphore_mem>>)
      %dma_wait3A = arith.constant 0 : i32
      %dma_wait3A_14 = arith.constant 0 : i32
      %dma_wait3A_15 = tpu.memref_slice %arg2[%dma_wait3A, %dma_wait3A_14] : memref<6144x128xf32, #tpu.memory_space<hbm>> -> memref<6144x128xf32, #tpu.memory_space<hbm>>
      tpu.wait_indirect_dma semaphore(%arg7 : memref<!tpu.dma_semaphore, #tpu.memory_space<semaphore_mem>>) src(%dma_wait3A_15 : memref<6144x128xf32, #tpu.memory_space<hbm>>) dst(%arg6 : memref<128x128xf32, #tpu.memory_space<vmem>>)
      "tpu.region"() ({
        %run_scoped3A = tpu.sem_alloc : memref<!tpu.dma_semaphore, #tpu.memory_space<semaphore_mem>>
        %dma_start3A_16 = arith.constant 0 : i32
        %dma_start3A_17 = tpu.memref_slice %arg4[%add3A_11, %dma_start3A_16] : memref<196608x128xf32, #tpu.memory_space<hbm>> -> memref<128x128xf32, #tpu.memory_space<hbm>>
        %dma_start3A_18 = arith.constant 0 : i32
        %dma_start3A_19 = tpu.memref_slice %arg4[%add3A_11, %dma_start3A_18] : memref<196608x128xf32, #tpu.memory_space<hbm>> -> memref<128x128xf32, #tpu.memory_space<hbm>>
        tpu.enqueue_dma source(%arg6 : memref<128x128xf32, #tpu.memory_space<vmem>>) target(%dma_start3A_19 : memref<128x128xf32, #tpu.memory_space<hbm>>) target_semaphore(%run_scoped3A : memref<!tpu.dma_semaphore, #tpu.memory_space<semaphore_mem>>)
        %dma_wait3A_20 = arith.constant 0 : i32
        %dma_wait3A_21 = tpu.memref_slice %arg4[%add3A_11, %dma_wait3A_20] : memref<196608x128xf32, #tpu.memory_space<hbm>> -> memref<128x128xf32, #tpu.memory_space<hbm>>
        %dma_wait3A_22 = arith.constant 0 : i32
        %dma_wait3A_23 = tpu.memref_slice %arg4[%add3A_11, %dma_wait3A_22] : memref<196608x128xf32, #tpu.memory_space<hbm>> -> memref<128x128xf32, #tpu.memory_space<hbm>>
        tpu.wait_dma2 semaphore(%run_scoped3A : memref<!tpu.dma_semaphore, #tpu.memory_space<semaphore_mem>>) src(%arg6 : memref<128x128xf32, #tpu.memory_space<vmem>>) dst(%dma_wait3A_23 : memref<128x128xf32, #tpu.memory_space<hbm>>)
        tpu.yield
      }) : () -> ()
    }
    %scan3A_7 = arith.constant 48 : i32
    return
  }
}

#map = affine_map<(d0, d1) -> (0, 0)>
#map1 = affine_map<(d0, d1) -> (0)>
module attributes {stable_mosaic.version = 14 : i64} {
  func.func @gather(%arg0: i32, %arg1: i32, %arg2: memref<6144x128xf32, #tpu.memory_space<hbm>>, %arg3: memref<196608xi32, #tpu.memory_space<hbm>>, %arg4: memref<196608x128xf32, #tpu.memory_space<hbm>>, %arg5: memref<128xi32, #tpu.memory_space<vmem>>, %arg6: memref<128x128xf32, #tpu.memory_space<vmem>>, %arg7: memref<!tpu.dma_semaphore, #tpu.memory_space<semaphore_mem>>) attributes {dimension_semantics = [#tpu.dimension_semantics<core_parallel>, #tpu.dimension_semantics<subcore_parallel>], iteration_bounds = array<i64: 2, 16>, scalar_prefetch = 0 : i64, scratch_operands = 3 : i64, tpu.core_type = #tpu.core_type<sc_vector_subcore>, window_params = [{transform_indices = #map}, {transform_indices = #map1}, {transform_indices = #map}]} {
    %mul3A = arith.constant 2 : i32
    %mul3A_0 = arith.muli %arg1, %mul3A : i32
    %add3A = arith.addi %mul3A_0, %arg0 : i32
    %mul3A_1 = arith.constant 6144 : i32
    %mul3A_2 = arith.muli %add3A, %mul3A_1 : i32
    %scan3A = arith.constant 0 : i32
    %scan3A_3 = arith.constant 0 : i32
    %scan3A_4 = arith.constant 48 : i32
    %scan3A_5 = arith.addi %scan3A_3, %scan3A_4 : i32
    %scan3A_6 = arith.constant 1 : i32
    scf.for %scan3A_8 = %scan3A_3 to %scan3A_5 step %scan3A_6  : i32 {
      %mul3A_9 = arith.constant 128 : i32
      %mul3A_10 = arith.muli %scan3A_8, %mul3A_9 : i32
      %add3A_11 = arith.addi %mul3A_2, %mul3A_10 : i32
      "tpu.region"() ({
        %run_scoped3A = tpu.sem_alloc : memref<!tpu.dma_semaphore, #tpu.memory_space<semaphore_mem>>
        %dma_start3A_16 = tpu.memref_slice %arg3[%add3A_11] : memref<196608xi32, #tpu.memory_space<hbm>> -> memref<128xi32, #tpu.memory_space<hbm>>
        %dma_start3A_17 = tpu.memref_slice %arg3[%add3A_11] : memref<196608xi32, #tpu.memory_space<hbm>> -> memref<128xi32, #tpu.memory_space<hbm>>
        tpu.enqueue_dma source(%dma_start3A_17 : memref<128xi32, #tpu.memory_space<hbm>>) target(%arg5 : memref<128xi32, #tpu.memory_space<vmem>>) target_semaphore(%run_scoped3A : memref<!tpu.dma_semaphore, #tpu.memory_space<semaphore_mem>>)
        %dma_wait3A_18 = tpu.memref_slice %arg3[%add3A_11] : memref<196608xi32, #tpu.memory_space<hbm>> -> memref<128xi32, #tpu.memory_space<hbm>>
        %dma_wait3A_19 = tpu.memref_slice %arg3[%add3A_11] : memref<196608xi32, #tpu.memory_space<hbm>> -> memref<128xi32, #tpu.memory_space<hbm>>
        tpu.wait_dma2 semaphore(%run_scoped3A : memref<!tpu.dma_semaphore, #tpu.memory_space<semaphore_mem>>) src(%dma_wait3A_19 : memref<128xi32, #tpu.memory_space<hbm>>) dst(%arg5 : memref<128xi32, #tpu.memory_space<vmem>>)
        tpu.yield
      }) : () -> ()
      %dma_start3A = arith.constant 0 : i32
      %dma_start3A_12 = arith.constant 0 : i32
      %dma_start3A_13 = tpu.memref_slice %arg2[%dma_start3A, %dma_start3A_12] : memref<6144x128xf32, #tpu.memory_space<hbm>> -> memref<6144x128xf32, #tpu.memory_space<hbm>>
      tpu.enqueue_indirect_dma source(%dma_start3A_13 : memref<6144x128xf32, #tpu.memory_space<hbm>>) target(%arg6 : memref<128x128xf32, #tpu.memory_space<vmem>>) offsets(%arg5 : memref<128xi32, #tpu.memory_space<vmem>>) semaphore(%arg7 : memref<!tpu.dma_semaphore, #tpu.memory_space<semaphore_mem>>)
      %dma_wait3A = arith.constant 0 : i32
      %dma_wait3A_14 = arith.constant 0 : i32
      %dma_wait3A_15 = tpu.memref_slice %arg2[%dma_wait3A, %dma_wait3A_14] : memref<6144x128xf32, #tpu.memory_space<hbm>> -> memref<6144x128xf32, #tpu.memory_space<hbm>>
      tpu.wait_indirect_dma semaphore(%arg7 : memref<!tpu.dma_semaphore, #tpu.memory_space<semaphore_mem>>) src(%dma_wait3A_15 : memref<6144x128xf32, #tpu.memory_space<hbm>>) dst(%arg6 : memref<128x128xf32, #tpu.memory_space<vmem>>)
      "tpu.region"() ({
        %run_scoped3A = tpu.sem_alloc : memref<!tpu.dma_semaphore, #tpu.memory_space<semaphore_mem>>
        %dma_start3A_16 = arith.constant 0 : i32
        %dma_start3A_17 = tpu.memref_slice %arg4[%add3A_11, %dma_start3A_16] : memref<196608x128xf32, #tpu.memory_space<hbm>> -> memref<128x128xf32, #tpu.memory_space<hbm>>
        %dma_start3A_18 = arith.constant 0 : i32
        %dma_start3A_19 = tpu.memref_slice %arg4[%add3A_11, %dma_start3A_18] : memref<196608x128xf32, #tpu.memory_space<hbm>> -> memref<128x128xf32, #tpu.memory_space<hbm>>
        tpu.enqueue_dma source(%arg6 : memref<128x128xf32, #tpu.memory_space<vmem>>) target(%dma_start3A_19 : memref<128x128xf32, #tpu.memory_space<hbm>>) target_semaphore(%run_scoped3A : memref<!tpu.dma_semaphore, #tpu.memory_space<semaphore_mem>>)
        %dma_wait3A_20 = arith.constant 0 : i32
        %dma_wait3A_21 = tpu.memref_slice %arg4[%add3A_11, %dma_wait3A_20] : memref<196608x128xf32, #tpu.memory_space<hbm>> -> memref<128x128xf32, #tpu.memory_space<hbm>>
        %dma_wait3A_22 = arith.constant 0 : i32
        %dma_wait3A_23 = tpu.memref_slice %arg4[%add3A_11, %dma_wait3A_22] : memref<196608x128xf32, #tpu.memory_space<hbm>> -> memref<128x128xf32, #tpu.memory_space<hbm>>
        tpu.wait_dma2 semaphore(%run_scoped3A : memref<!tpu.dma_semaphore, #tpu.memory_space<semaphore_mem>>) src(%arg6 : memref<128x128xf32, #tpu.memory_space<vmem>>) dst(%dma_wait3A_23 : memref<128x128xf32, #tpu.memory_space<hbm>>)
        tpu.yield
      }) : () -> ()
    }
    %scan3A_7 = arith.constant 48 : i32
    return
  }
}

#map = affine_map<(d0, d1) -> (0, 0)>
#map1 = affine_map<(d0, d1) -> (0)>
module attributes {stable_mosaic.version = 14 : i64} {
  func.func @gather(%arg0: i32, %arg1: i32, %arg2: memref<6144x128xf32, #tpu.memory_space<hbm>>, %arg3: memref<73728xi32, #tpu.memory_space<hbm>>, %arg4: memref<73728x128xf32, #tpu.memory_space<hbm>>, %arg5: memref<128xi32, #tpu.memory_space<vmem>>, %arg6: memref<128x128xf32, #tpu.memory_space<vmem>>, %arg7: memref<!tpu.dma_semaphore, #tpu.memory_space<semaphore_mem>>) attributes {dimension_semantics = [#tpu.dimension_semantics<core_parallel>, #tpu.dimension_semantics<subcore_parallel>], iteration_bounds = array<i64: 2, 16>, scalar_prefetch = 0 : i64, scratch_operands = 3 : i64, tpu.core_type = #tpu.core_type<sc_vector_subcore>, window_params = [{transform_indices = #map}, {transform_indices = #map1}, {transform_indices = #map}]} {
    %mul3A = arith.constant 2 : i32
    %mul3A_0 = arith.muli %arg1, %mul3A : i32
    %add3A = arith.addi %mul3A_0, %arg0 : i32
    %mul3A_1 = arith.constant 2304 : i32
    %mul3A_2 = arith.muli %add3A, %mul3A_1 : i32
    %scan3A = arith.constant 0 : i32
    %scan3A_3 = arith.constant 0 : i32
    %scan3A_4 = arith.constant 18 : i32
    %scan3A_5 = arith.addi %scan3A_3, %scan3A_4 : i32
    %scan3A_6 = arith.constant 1 : i32
    scf.for %scan3A_8 = %scan3A_3 to %scan3A_5 step %scan3A_6  : i32 {
      %mul3A_9 = arith.constant 128 : i32
      %mul3A_10 = arith.muli %scan3A_8, %mul3A_9 : i32
      %add3A_11 = arith.addi %mul3A_2, %mul3A_10 : i32
      "tpu.region"() ({
        %run_scoped3A = tpu.sem_alloc : memref<!tpu.dma_semaphore, #tpu.memory_space<semaphore_mem>>
        %dma_start3A_16 = tpu.memref_slice %arg3[%add3A_11] : memref<73728xi32, #tpu.memory_space<hbm>> -> memref<128xi32, #tpu.memory_space<hbm>>
        %dma_start3A_17 = tpu.memref_slice %arg3[%add3A_11] : memref<73728xi32, #tpu.memory_space<hbm>> -> memref<128xi32, #tpu.memory_space<hbm>>
        tpu.enqueue_dma source(%dma_start3A_17 : memref<128xi32, #tpu.memory_space<hbm>>) target(%arg5 : memref<128xi32, #tpu.memory_space<vmem>>) target_semaphore(%run_scoped3A : memref<!tpu.dma_semaphore, #tpu.memory_space<semaphore_mem>>)
        %dma_wait3A_18 = tpu.memref_slice %arg3[%add3A_11] : memref<73728xi32, #tpu.memory_space<hbm>> -> memref<128xi32, #tpu.memory_space<hbm>>
        %dma_wait3A_19 = tpu.memref_slice %arg3[%add3A_11] : memref<73728xi32, #tpu.memory_space<hbm>> -> memref<128xi32, #tpu.memory_space<hbm>>
        tpu.wait_dma2 semaphore(%run_scoped3A : memref<!tpu.dma_semaphore, #tpu.memory_space<semaphore_mem>>) src(%dma_wait3A_19 : memref<128xi32, #tpu.memory_space<hbm>>) dst(%arg5 : memref<128xi32, #tpu.memory_space<vmem>>)
        tpu.yield
      }) : () -> ()
      %dma_start3A = arith.constant 0 : i32
      %dma_start3A_12 = arith.constant 0 : i32
      %dma_start3A_13 = tpu.memref_slice %arg2[%dma_start3A, %dma_start3A_12] : memref<6144x128xf32, #tpu.memory_space<hbm>> -> memref<6144x128xf32, #tpu.memory_space<hbm>>
      tpu.enqueue_indirect_dma source(%dma_start3A_13 : memref<6144x128xf32, #tpu.memory_space<hbm>>) target(%arg6 : memref<128x128xf32, #tpu.memory_space<vmem>>) offsets(%arg5 : memref<128xi32, #tpu.memory_space<vmem>>) semaphore(%arg7 : memref<!tpu.dma_semaphore, #tpu.memory_space<semaphore_mem>>)
      %dma_wait3A = arith.constant 0 : i32
      %dma_wait3A_14 = arith.constant 0 : i32
      %dma_wait3A_15 = tpu.memref_slice %arg2[%dma_wait3A, %dma_wait3A_14] : memref<6144x128xf32, #tpu.memory_space<hbm>> -> memref<6144x128xf32, #tpu.memory_space<hbm>>
      tpu.wait_indirect_dma semaphore(%arg7 : memref<!tpu.dma_semaphore, #tpu.memory_space<semaphore_mem>>) src(%dma_wait3A_15 : memref<6144x128xf32, #tpu.memory_space<hbm>>) dst(%arg6 : memref<128x128xf32, #tpu.memory_space<vmem>>)
      "tpu.region"() ({
        %run_scoped3A = tpu.sem_alloc : memref<!tpu.dma_semaphore, #tpu.memory_space<semaphore_mem>>
        %dma_start3A_16 = arith.constant 0 : i32
        %dma_start3A_17 = tpu.memref_slice %arg4[%add3A_11, %dma_start3A_16] : memref<73728x128xf32, #tpu.memory_space<hbm>> -> memref<128x128xf32, #tpu.memory_space<hbm>>
        %dma_start3A_18 = arith.constant 0 : i32
        %dma_start3A_19 = tpu.memref_slice %arg4[%add3A_11, %dma_start3A_18] : memref<73728x128xf32, #tpu.memory_space<hbm>> -> memref<128x128xf32, #tpu.memory_space<hbm>>
        tpu.enqueue_dma source(%arg6 : memref<128x128xf32, #tpu.memory_space<vmem>>) target(%dma_start3A_19 : memref<128x128xf32, #tpu.memory_space<hbm>>) target_semaphore(%run_scoped3A : memref<!tpu.dma_semaphore, #tpu.memory_space<semaphore_mem>>)
        %dma_wait3A_20 = arith.constant 0 : i32
        %dma_wait3A_21 = tpu.memref_slice %arg4[%add3A_11, %dma_wait3A_20] : memref<73728x128xf32, #tpu.memory_space<hbm>> -> memref<128x128xf32, #tpu.memory_space<hbm>>
        %dma_wait3A_22 = arith.constant 0 : i32
        %dma_wait3A_23 = tpu.memref_slice %arg4[%add3A_11, %dma_wait3A_22] : memref<73728x128xf32, #tpu.memory_space<hbm>> -> memref<128x128xf32, #tpu.memory_space<hbm>>
        tpu.wait_dma2 semaphore(%run_scoped3A : memref<!tpu.dma_semaphore, #tpu.memory_space<semaphore_mem>>) src(%arg6 : memref<128x128xf32, #tpu.memory_space<vmem>>) dst(%dma_wait3A_23 : memref<128x128xf32, #tpu.memory_space<hbm>>)
        tpu.yield
      }) : () -> ()
    }
    %scan3A_7 = arith.constant 18 : i32
    return
  }
}

module attributes {stable_mosaic.version = 14 : i64} {
  func.func @_stn_head_kernel(%arg0: memref<1x1024xf32, #tpu.memory_space<vmem>>, %arg1: memref<1024x512xf32, #tpu.memory_space<vmem>>, %arg2: memref<1x512xf32, #tpu.memory_space<vmem>>, %arg3: memref<512x256xf32, #tpu.memory_space<vmem>>, %arg4: memref<1x256xf32, #tpu.memory_space<vmem>>, %arg5: memref<256x576xf32, #tpu.memory_space<vmem>>, %arg6: memref<1x576xf32, #tpu.memory_space<vmem>>, %arg7: memref<1x576xf32, #tpu.memory_space<vmem>>, %arg8: memref<1x576xf32, #tpu.memory_space<vmem>>) attributes {dimension_semantics = [], scalar_prefetch = 0 : i64, scratch_operands = 0 : i64, tpu.core_type = #tpu.core_type<tc>} {
    %get3A = arith.constant 0 : index
    %get3A_0 = arith.constant 0 : index
    %get3A_1 = vector.load %arg0[%get3A, %get3A_0] : memref<1x1024xf32, #tpu.memory_space<vmem>>, vector<1x1024xf32>
    %get3A_2 = arith.constant 0 : index
    %get3A_3 = arith.constant 0 : index
    %get3A_4 = vector.load %arg1[%get3A_2, %get3A_3] : memref<1024x512xf32, #tpu.memory_space<vmem>>, vector<1024x512xf32>
    %convert_element_type3A = arith.truncf %get3A_1 : vector<1x1024xf32> to vector<1x1024xbf16>
    %convert_element_type3A_5 = arith.truncf %get3A_4 : vector<1024x512xf32> to vector<1024x512xbf16>
    %dot_general3A = arith.constant dense<0.000000e+00> : vector<1x512xf32>
    %dot_general3A_6 = tpu.matmul %convert_element_type3A, %convert_element_type3A_5, %dot_general3A {dimension_numbers = #tpu.dot_dimension_numbers<[1], [0], [0], [1], [0, 0, 1, 1], [], []>, transpose_lhs_hint = false} : vector<1x1024xbf16>, vector<1024x512xbf16>, vector<1x512xf32> -> vector<1x512xf32>
    %get3A_7 = arith.constant 0 : index
    %get3A_8 = arith.constant 0 : index
    %get3A_9 = vector.load %arg2[%get3A_7, %get3A_8] : memref<1x512xf32, #tpu.memory_space<vmem>>, vector<1x512xf32>
    %add3A = arith.addf %dot_general3A_6, %get3A_9 : vector<1x512xf32>
    %max3A = arith.constant 0.000000e+00 : f32
    %max3A_10 = vector.broadcast %max3A : f32 to vector<1x512xf32>
    %max3A_11 = arith.maximumf %add3A, %max3A_10 : vector<1x512xf32>
    %get3A_12 = arith.constant 0 : index
    %get3A_13 = arith.constant 0 : index
    %get3A_14 = vector.load %arg3[%get3A_12, %get3A_13] : memref<512x256xf32, #tpu.memory_space<vmem>>, vector<512x256xf32>
    %convert_element_type3A_15 = arith.truncf %max3A_11 : vector<1x512xf32> to vector<1x512xbf16>
    %convert_element_type3A_16 = arith.truncf %get3A_14 : vector<512x256xf32> to vector<512x256xbf16>
    %dot_general3A_17 = arith.constant dense<0.000000e+00> : vector<1x256xf32>
    %dot_general3A_18 = tpu.matmul %convert_element_type3A_15, %convert_element_type3A_16, %dot_general3A_17 {dimension_numbers = #tpu.dot_dimension_numbers<[1], [0], [0], [1], [0, 0, 1, 1], [], []>, transpose_lhs_hint = false} : vector<1x512xbf16>, vector<512x256xbf16>, vector<1x256xf32> -> vector<1x256xf32>
    %get3A_19 = arith.constant 0 : index
    %get3A_20 = arith.constant 0 : index
    %get3A_21 = vector.load %arg4[%get3A_19, %get3A_20] : memref<1x256xf32, #tpu.memory_space<vmem>>, vector<1x256xf32>
    %add3A_22 = arith.addf %dot_general3A_18, %get3A_21 : vector<1x256xf32>
    %max3A_23 = arith.constant 0.000000e+00 : f32
    %max3A_24 = vector.broadcast %max3A_23 : f32 to vector<1x256xf32>
    %max3A_25 = arith.maximumf %add3A_22, %max3A_24 : vector<1x256xf32>
    %get3A_26 = arith.constant 0 : index
    %get3A_27 = arith.constant 0 : index
    %get3A_28 = vector.load %arg5[%get3A_26, %get3A_27] : memref<256x576xf32, #tpu.memory_space<vmem>>, vector<256x576xf32>
    %convert_element_type3A_29 = arith.truncf %max3A_25 : vector<1x256xf32> to vector<1x256xbf16>
    %convert_element_type3A_30 = arith.truncf %get3A_28 : vector<256x576xf32> to vector<256x576xbf16>
    %dot_general3A_31 = arith.constant dense<0.000000e+00> : vector<1x576xf32>
    %dot_general3A_32 = tpu.matmul %convert_element_type3A_29, %convert_element_type3A_30, %dot_general3A_31 {dimension_numbers = #tpu.dot_dimension_numbers<[1], [0], [0], [1], [0, 0, 1, 1], [], []>, transpose_lhs_hint = false} : vector<1x256xbf16>, vector<256x576xbf16>, vector<1x576xf32> -> vector<1x576xf32>
    %get3A_33 = arith.constant 0 : index
    %get3A_34 = arith.constant 0 : index
    %get3A_35 = vector.load %arg6[%get3A_33, %get3A_34] : memref<1x576xf32, #tpu.memory_space<vmem>>, vector<1x576xf32>
    %add3A_36 = arith.addf %dot_general3A_32, %get3A_35 : vector<1x576xf32>
    %get3A_37 = arith.constant 0 : index
    %get3A_38 = arith.constant 0 : index
    %get3A_39 = vector.load %arg7[%get3A_37, %get3A_38] : memref<1x576xf32, #tpu.memory_space<vmem>>, vector<1x576xf32>
    %add3A_40 = arith.addf %add3A_36, %get3A_39 : vector<1x576xf32>
    %swap3A = arith.constant 0 : index
    %swap3A_41 = arith.constant 0 : index
    %swap3A_42 = vector.load %arg8[%swap3A, %swap3A_41] : memref<1x576xf32, #tpu.memory_space<vmem>>, vector<1x576xf32>
    tpu.vector_store %arg8[%swap3A, %swap3A_41], %add3A_40 {strides = array<i32>} : memref<1x576xf32, #tpu.memory_space<vmem>>, vector<1x576xf32>,
    return
  }
}

module attributes {stable_mosaic.version = 14 : i64} {
  func.func @_stn_feat_kernel(%arg0: i32, %arg1: memref<1024x24xf32, #tpu.memory_space<vmem>>, %arg2: memref<24x64xf32, #tpu.memory_space<vmem>>, %arg3: memref<1x64xf32, #tpu.memory_space<vmem>>, %arg4: memref<64x128xf32, #tpu.memory_space<vmem>>, %arg5: memref<1x128xf32, #tpu.memory_space<vmem>>, %arg6: memref<128x1024xf32, #tpu.memory_space<vmem>>, %arg7: memref<1x1024xf32, #tpu.memory_space<vmem>>, %arg8: memref<1x1024xf32, #tpu.memory_space<vmem>>) attributes {dimension_semantics = [#tpu.dimension_semantics<arbitrary>], iteration_bounds = array<i64: 6>, scalar_prefetch = 0 : i64, scratch_operands = 0 : i64, tpu.core_type = #tpu.core_type<tc>, window_params = [{transform_indices = @transform_0, window_bounds = array<i64: 1024, 24>}, {pipeline_mode = #tpu.pipeline_mode<synchronous>, transform_indices = @transform_1, window_bounds = array<i64: 24, 64>}, {pipeline_mode = #tpu.pipeline_mode<synchronous>, transform_indices = @transform_2, window_bounds = array<i64: 1, 64>}, {pipeline_mode = #tpu.pipeline_mode<synchronous>, transform_indices = @transform_3, window_bounds = array<i64: 64, 128>}, {pipeline_mode = #tpu.pipeline_mode<synchronous>, transform_indices = @transform_4, window_bounds = array<i64: 1, 128>}, {pipeline_mode = #tpu.pipeline_mode<synchronous>, transform_indices = @transform_5, window_bounds = array<i64: 128, 1024>}, {pipeline_mode = #tpu.pipeline_mode<synchronous>, transform_indices = @transform_6, window_bounds = array<i64: 1, 1024>}, {pipeline_mode = #tpu.pipeline_mode<synchronous>, transform_indices = @transform_7, window_bounds = array<i64: 1, 1024>}]} {
    %get3A = arith.constant 0 : index
    %get3A_0 = arith.constant 0 : index
    %get3A_1 = vector.load %arg1[%get3A, %get3A_0] : memref<1024x24xf32, #tpu.memory_space<vmem>>, vector<1024x24xf32>
    %get3A_2 = arith.constant 0 : index
    %get3A_3 = arith.constant 0 : index
    %get3A_4 = vector.load %arg2[%get3A_2, %get3A_3] : memref<24x64xf32, #tpu.memory_space<vmem>>, vector<24x64xf32>
    %convert_element_type3A = arith.truncf %get3A_1 : vector<1024x24xf32> to vector<1024x24xbf16>
    %convert_element_type3A_5 = arith.truncf %get3A_4 : vector<24x64xf32> to vector<24x64xbf16>
    %dot_general3A = arith.constant dense<0.000000e+00> : vector<1024x64xf32>
    %dot_general3A_6 = tpu.matmul %convert_element_type3A, %convert_element_type3A_5, %dot_general3A {dimension_numbers = #tpu.dot_dimension_numbers<[1], [0], [0], [1], [0, 0, 1, 1], [], []>, transpose_lhs_hint = false} : vector<1024x24xbf16>, vector<24x64xbf16>, vector<1024x64xf32> -> vector<1024x64xf32>
    %get3A_7 = arith.constant 0 : index
    %get3A_8 = arith.constant 0 : index
    %get3A_9 = vector.load %arg3[%get3A_7, %get3A_8] : memref<1x64xf32, #tpu.memory_space<vmem>>, vector<1x64xf32>
    %add3A = vector.broadcast %get3A_9 : vector<1x64xf32> to vector<1024x64xf32>
    %add3A_10 = arith.addf %dot_general3A_6, %add3A : vector<1024x64xf32>
    %max3A = arith.constant 0.000000e+00 : f32
    %max3A_11 = vector.broadcast %max3A : f32 to vector<1024x64xf32>
    %max3A_12 = arith.maximumf %add3A_10, %max3A_11 : vector<1024x64xf32>
    %get3A_13 = arith.constant 0 : index
    %get3A_14 = arith.constant 0 : index
    %get3A_15 = vector.load %arg4[%get3A_13, %get3A_14] : memref<64x128xf32, #tpu.memory_space<vmem>>, vector<64x128xf32>
    %convert_element_type3A_16 = arith.truncf %max3A_12 : vector<1024x64xf32> to vector<1024x64xbf16>
    %convert_element_type3A_17 = arith.truncf %get3A_15 : vector<64x128xf32> to vector<64x128xbf16>
    %dot_general3A_18 = arith.constant dense<0.000000e+00> : vector<1024x128xf32>
    %dot_general3A_19 = tpu.matmul %convert_element_type3A_16, %convert_element_type3A_17, %dot_general3A_18 {dimension_numbers = #tpu.dot_dimension_numbers<[1], [0], [0], [1], [0, 0, 1, 1], [], []>, transpose_lhs_hint = false} : vector<1024x64xbf16>, vector<64x128xbf16>, vector<1024x128xf32> -> vector<1024x128xf32>
    %get3A_20 = arith.constant 0 : index
    %get3A_21 = arith.constant 0 : index
    %get3A_22 = vector.load %arg5[%get3A_20, %get3A_21] : memref<1x128xf32, #tpu.memory_space<vmem>>, vector<1x128xf32>
    %add3A_23 = vector.broadcast %get3A_22 : vector<1x128xf32> to vector<1024x128xf32>
    %add3A_24 = arith.addf %dot_general3A_19, %add3A_23 : vector<1024x128xf32>
    %max3A_25 = arith.constant 0.000000e+00 : f32
    %max3A_26 = vector.broadcast %max3A_25 : f32 to vector<1024x128xf32>
    %max3A_27 = arith.maximumf %add3A_24, %max3A_26 : vector<1024x128xf32>
    %get3A_28 = arith.constant 0 : index
    %get3A_29 = arith.constant 0 : index
    %get3A_30 = vector.load %arg6[%get3A_28, %get3A_29] : memref<128x1024xf32, #tpu.memory_space<vmem>>, vector<128x1024xf32>
    %convert_element_type3A_31 = arith.truncf %max3A_27 : vector<1024x128xf32> to vector<1024x128xbf16>
    %convert_element_type3A_32 = arith.truncf %get3A_30 : vector<128x1024xf32> to vector<128x1024xbf16>
    %dot_general3A_33 = arith.constant dense<0.000000e+00> : vector<1024x1024xf32>
    %dot_general3A_34 = tpu.matmul %convert_element_type3A_31, %convert_element_type3A_32, %dot_general3A_33 {dimension_numbers = #tpu.dot_dimension_numbers<[1], [0], [0], [1], [0, 0, 1, 1], [], []>, transpose_lhs_hint = false} : vector<1024x128xbf16>, vector<128x1024xbf16>, vector<1024x1024xf32> -> vector<1024x1024xf32>
    %get3A_35 = arith.constant 0 : index
    %get3A_36 = arith.constant 0 : index
    %get3A_37 = vector.load %arg7[%get3A_35, %get3A_36] : memref<1x1024xf32, #tpu.memory_space<vmem>>, vector<1x1024xf32>
    %add3A_38 = vector.broadcast %get3A_37 : vector<1x1024xf32> to vector<1024x1024xf32>
    %add3A_39 = arith.addf %dot_general3A_34, %add3A_38 : vector<1024x1024xf32>
    %max3A_40 = arith.constant 0.000000e+00 : f32
    %max3A_41 = vector.broadcast %max3A_40 : f32 to vector<1024x1024xf32>
    %max3A_42 = arith.maximumf %add3A_39, %max3A_41 : vector<1024x1024xf32>
    %reduce_max3A = arith.constant dense<0xFF800000> : vector<1024xf32>
    %reduce_max3A_43 = vector.multi_reduction <maximumf>, %max3A_42, %reduce_max3A [0] : vector<1024x1024xf32> to vector<1024xf32>
    %broadcast_in_dim3A = vector.shape_cast %reduce_max3A_43 : vector<1024xf32> to vector<1x1024xf32>
    %eq3A = arith.constant 0 : i32
    %eq3A_44 = arith.cmpi eq, %arg0, %eq3A : i32
    %convert_element_type3A_45 = arith.extui %eq3A_44 : i1 to i32
    %cond3A = arith.constant 0 : i32
    %cond3A_46 = arith.cmpi ne, %convert_element_type3A_45, %cond3A : i32
    scf.if %cond3A_46 {
      %swap3A = arith.constant 0 : index
      %swap3A_51 = arith.constant 0 : index
      %swap3A_52 = vector.load %arg8[%swap3A, %swap3A_51] : memref<1x1024xf32, #tpu.memory_space<vmem>>, vector<1x1024xf32>
      tpu.vector_store %arg8[%swap3A, %swap3A_51], %broadcast_in_dim3A {strides = array<i32>} : memref<1x1024xf32, #tpu.memory_space<vmem>>, vector<1x1024xf32>,
    } else {
    }
    %gt3A = arith.constant 0 : i32
    %gt3A_47 = arith.cmpi sgt, %arg0, %gt3A : i32
    %convert_element_type3A_48 = arith.extui %gt3A_47 : i1 to i32
    %cond3A_49 = arith.constant 0 : i32
    %cond3A_50 = arith.cmpi ne, %convert_element_type3A_48, %cond3A_49 : i32
    scf.if %cond3A_50 {
      %get3A_51 = arith.constant 0 : index
      %get3A_52 = arith.constant 0 : index
      %get3A_53 = vector.load %arg8[%get3A_51, %get3A_52] : memref<1x1024xf32, #tpu.memory_space<vmem>>, vector<1x1024xf32>
      %max3A_54 = arith.maximumf %get3A_53, %broadcast_in_dim3A : vector<1x1024xf32>
      %swap3A = arith.constant 0 : index
      %swap3A_55 = arith.constant 0 : index
      %swap3A_56 = vector.load %arg8[%swap3A, %swap3A_55] : memref<1x1024xf32, #tpu.memory_space<vmem>>, vector<1x1024xf32>
      tpu.vector_store %arg8[%swap3A, %swap3A_55], %max3A_54 {strides = array<i32>} : memref<1x1024xf32, #tpu.memory_space<vmem>>, vector<1x1024xf32>,
    } else {
    }
    return
  }
  func.func @transform_0(%arg0: i32) -> (i32, i32) {
    %c0_i32 = arith.constant 0 : i32
    %c0_i32_0 = arith.constant 0 : i32
    return %arg0, %c0_i32 : i32, i32
  }
  func.func @transform_1(%arg0: i32) -> (i32, i32) {
    %c0_i32 = arith.constant 0 : i32
    %c0_i32_0 = arith.constant 0 : i32
    %c0_i32_1 = arith.constant 0 : i32
    return %c0_i32, %c0_i32_0 : i32, i32
  }
  func.func @transform_2(%arg0: i32) -> (i32, i32) {
    %c0_i32 = arith.constant 0 : i32
    %c0_i32_0 = arith.constant 0 : i32
    %c0_i32_1 = arith.constant 0 : i32
    return %c0_i32, %c0_i32_0 : i32, i32
  }
  func.func @transform_3(%arg0: i32) -> (i32, i32) {
    %c0_i32 = arith.constant 0 : i32
    %c0_i32_0 = arith.constant 0 : i32
    %c0_i32_1 = arith.constant 0 : i32
    return %c0_i32, %c0_i32_0 : i32, i32
  }
  func.func @transform_4(%arg0: i32) -> (i32, i32) {
    %c0_i32 = arith.constant 0 : i32
    %c0_i32_0 = arith.constant 0 : i32
    %c0_i32_1 = arith.constant 0 : i32
    return %c0_i32, %c0_i32_0 : i32, i32
  }
  func.func @transform_5(%arg0: i32) -> (i32, i32) {
    %c0_i32 = arith.constant 0 : i32
    %c0_i32_0 = arith.constant 0 : i32
    %c0_i32_1 = arith.constant 0 : i32
    return %c0_i32, %c0_i32_0 : i32, i32
  }
  func.func @transform_6(%arg0: i32) -> (i32, i32) {
    %c0_i32 = arith.constant 0 : i32
    %c0_i32_0 = arith.constant 0 : i32
    %c0_i32_1 = arith.constant 0 : i32
    return %c0_i32, %c0_i32_0 : i32, i32
  }
  func.func @transform_7(%arg0: i32) -> (i32, i32) {
    %c0_i32 = arith.constant 0 : i32
    %c0_i32_0 = arith.constant 0 : i32
    %c0_i32_1 = arith.constant 0 : i32
    return %c0_i32, %c0_i32_0 : i32, i32
  }
}

module attributes {stable_mosaic.version = 14 : i64} {
  func.func @_sort_kernel(%arg0: i32, %arg1: memref<16x8xf32, #tpu.memory_space<vmem>>, %arg2: memref<8x6144xf32, #tpu.memory_space<vmem>>, %arg3: memref<16x2432xi32, #tpu.memory_space<vmem>>) attributes {dimension_semantics = [#tpu.dimension_semantics<arbitrary>], iteration_bounds = array<i64: 384>, scalar_prefetch = 0 : i64, scratch_operands = 0 : i64, tpu.core_type = #tpu.core_type<tc>, window_params = [{transform_indices = @transform_0, window_bounds = array<i64: 16, 8>}, {pipeline_mode = #tpu.pipeline_mode<synchronous>, transform_indices = @transform_1, window_bounds = array<i64: 8, 6144>}, {transform_indices = @transform_2, window_bounds = array<i64: 16, 2432>}]} {
    %get3A = arith.constant 0 : index
    %get3A_0 = arith.constant 0 : index
    %get3A_1 = vector.load %arg1[%get3A, %get3A_0] : memref<16x8xf32, #tpu.memory_space<vmem>>, vector<16x8xf32>
    %get3A_2 = arith.constant 0 : index
    %get3A_3 = arith.constant 0 : index
    %get3A_4 = vector.load %arg2[%get3A_2, %get3A_3] : memref<8x6144xf32, #tpu.memory_space<vmem>>, vector<8x6144xf32>
    %slice3A = vector.extract_strided_slice %get3A_1 {offsets = [0, 3], sizes = [16, 1], strides = [1, 1]} : vector<16x8xf32> to vector<16x1xf32>
    %slice3A_5 = vector.extract_strided_slice %get3A_4 {offsets = [3, 0], sizes = [1, 6144], strides = [1, 1]} : vector<8x6144xf32> to vector<1x6144xf32>
    %add3A = vector.broadcast %slice3A : vector<16x1xf32> to vector<16x6144xf32>
    %add3A_6 = vector.broadcast %slice3A_5 : vector<1x6144xf32> to vector<16x6144xf32>
    %add3A_7 = arith.addf %add3A, %add3A_6 : vector<16x6144xf32>
    %slice3A_8 = vector.extract_strided_slice %get3A_1 {offsets = [0, 0], sizes = [16, 3], strides = [1, 1]} : vector<16x8xf32> to vector<16x3xf32>
    %slice3A_9 = vector.extract_strided_slice %get3A_4 {offsets = [0, 0], sizes = [3, 6144], strides = [1, 1]} : vector<8x6144xf32> to vector<3x6144xf32>
    %convert_element_type3A = arith.truncf %slice3A_8 : vector<16x3xf32> to vector<16x3xbf16>
    %convert_element_type3A_10 = arith.truncf %slice3A_9 : vector<3x6144xf32> to vector<3x6144xbf16>
    %dot_general3A = arith.constant dense<0.000000e+00> : vector<16x6144xf32>
    %dot_general3A_11 = tpu.matmul %convert_element_type3A, %convert_element_type3A_10, %dot_general3A {dimension_numbers = #tpu.dot_dimension_numbers<[1], [0], [0], [1], [0, 0, 1, 1], [], []>, transpose_lhs_hint = false} : vector<16x3xbf16>, vector<3x6144xbf16>, vector<16x6144xf32> -> vector<16x6144xf32>
    %mul3A = arith.constant 2.000000e+00 : f32
    %mul3A_12 = vector.broadcast %mul3A : f32 to vector<16x6144xf32>
    %mul3A_13 = arith.mulf %mul3A_12, %dot_general3A_11 : vector<16x6144xf32>
    %sub3A = arith.subf %add3A_7, %mul3A_13 : vector<16x6144xf32>
    %broadcast_in_dim3A = arith.constant 0x7F800000 : f32
    %broadcast_in_dim3A_14 = vector.broadcast %broadcast_in_dim3A : f32 to vector<16x2048xf32>
    %concatenate3A = tpu.concatenate %sub3A, %broadcast_in_dim3A_14 in 1 : vector<16x6144xf32>, vector<16x2048xf32> -> vector<16x8192xf32>
    %iota3A = tpu.iota {dimensions = array<i32: 1>} : vector<16x8192xi32>
    %scan3A = arith.constant 0 : i32
    %scan3A_15 = arith.constant 13 : i32
    %scan3A_16 = arith.addi %scan3A, %scan3A_15 : i32
    %scan3A_17 = arith.constant 1 : i32
    %scan3A_18:2 = scf.for %scan3A_23 = %scan3A to %scan3A_16 step %scan3A_17 iter_args(%scan3A_24 = %concatenate3A, %scan3A_25 = %iota3A) -> (vector<16x8192xf32>, vector<16x8192xi32>)  : i32 {
      %add3A_26 = arith.constant 1 : i32
      %add3A_27 = arith.addi %scan3A_23, %add3A_26 : i32
      %shift_right_logical3A = vector.broadcast %add3A_27 : i32 to vector<16x8192xi32>
      %shift_right_logical3A_28 = arith.shrui %iota3A, %shift_right_logical3A : vector<16x8192xi32>
      %and3A = arith.constant 1 : i32
      %and3A_29 = vector.broadcast %and3A : i32 to vector<16x8192xi32>
      %and3A_30 = arith.andi %shift_right_logical3A_28, %and3A_29 : vector<16x8192xi32>
      %eq3A = arith.constant 1 : i32
      %eq3A_31 = vector.broadcast %eq3A : i32 to vector<16x8192xi32>
      %eq3A_32 = arith.cmpi eq, %and3A_30, %eq3A_31 : vector<16x8192xi32>
      %ge3A = arith.constant 12 : i32
      %ge3A_33 = arith.cmpi sge, %scan3A_23, %ge3A : i32
      %convert_element_type3A_34 = arith.extui %ge3A_33 : i1 to i32
      %cond3A = arith.constant 0 : i32
      %cond3A_35 = arith.cmpi ne, %convert_element_type3A_34, %cond3A : i32
      %cond3A_36:2 = scf.if %cond3A_35 -> (vector<16x8192xf32>, vector<16x8192xi32>) {
        %and3A_109 = arith.constant 4096 : i32
        %and3A_110 = vector.broadcast %and3A_109 : i32 to vector<16x8192xi32>
        %and3A_111 = arith.andi %iota3A, %and3A_110 : vector<16x8192xi32>
        %eq3A_112 = arith.constant 0 : i32
        %eq3A_113 = vector.broadcast %eq3A_112 : i32 to vector<16x8192xi32>
        %eq3A_114 = arith.cmpi eq, %and3A_111, %eq3A_113 : vector<16x8192xi32>
        %not3A = arith.constant dense<true> : vector<16x8192xi1>
        %not3A_115 = arith.xori %eq3A_114, %not3A : vector<16x8192xi1>
        %xor3A = arith.xori %eq3A_32, %not3A_115 : vector<16x8192xi1>
        %slice3A_116 = vector.extract_strided_slice %scan3A_24 {offsets = [0, 4096], sizes = [16, 4096], strides = [1, 1]} : vector<16x8192xf32> to vector<16x4096xf32>
        %slice3A_117 = vector.extract_strided_slice %scan3A_24 {offsets = [0, 0], sizes = [16, 4096], strides = [1, 1]} : vector<16x8192xf32> to vector<16x4096xf32>
        %concatenate3A_118 = tpu.concatenate %slice3A_116, %slice3A_117 in 1 : vector<16x4096xf32>, vector<16x4096xf32> -> vector<16x8192xf32>
        %slice3A_119 = vector.extract_strided_slice %scan3A_24 {offsets = [0, 4096], sizes = [16, 4096], strides = [1, 1]} : vector<16x8192xf32> to vector<16x4096xf32>
        %slice3A_120 = vector.extract_strided_slice %scan3A_24 {offsets = [0, 0], sizes = [16, 4096], strides = [1, 1]} : vector<16x8192xf32> to vector<16x4096xf32>
        %concatenate3A_121 = tpu.concatenate %slice3A_119, %slice3A_120 in 1 : vector<16x4096xf32>, vector<16x4096xf32> -> vector<16x8192xf32>
        %select_n3A = arith.select %eq3A_114, %concatenate3A_118, %concatenate3A_121 : vector<16x8192xi1>, vector<16x8192xf32>
        %slice3A_122 = vector.extract_strided_slice %scan3A_25 {offsets = [0, 4096], sizes = [16, 4096], strides = [1, 1]} : vector<16x8192xi32> to vector<16x4096xi32>
        %slice3A_123 = vector.extract_strided_slice %scan3A_25 {offsets = [0, 0], sizes = [16, 4096], strides = [1, 1]} : vector<16x8192xi32> to vector<16x4096xi32>
        %concatenate3A_124 = tpu.concatenate %slice3A_122, %slice3A_123 in 1 : vector<16x4096xi32>, vector<16x4096xi32> -> vector<16x8192xi32>
        %slice3A_125 = vector.extract_strided_slice %scan3A_25 {offsets = [0, 4096], sizes = [16, 4096], strides = [1, 1]} : vector<16x8192xi32> to vector<16x4096xi32>
        %slice3A_126 = vector.extract_strided_slice %scan3A_25 {offsets = [0, 0], sizes = [16, 4096], strides = [1, 1]} : vector<16x8192xi32> to vector<16x4096xi32>
        %concatenate3A_127 = tpu.concatenate %slice3A_125, %slice3A_126 in 1 : vector<16x4096xi32>, vector<16x4096xi32> -> vector<16x8192xi32>
        %select_n3A_128 = arith.select %eq3A_114, %concatenate3A_124, %concatenate3A_127 : vector<16x8192xi1>, vector<16x8192xi32>
        %lt3A = arith.cmpf olt, %select_n3A, %scan3A_24 : vector<16x8192xf32>
        %eq3A_129 = arith.cmpf oeq, %select_n3A, %scan3A_24 : vector<16x8192xf32>
        %lt3A_130 = arith.cmpi slt, %select_n3A_128, %scan3A_25 : vector<16x8192xi32>
        %and3A_131 = arith.andi %eq3A_129, %lt3A_130 : vector<16x8192xi1>
        %or3A = arith.ori %lt3A, %and3A_131 : vector<16x8192xi1>
        %xor3A_132 = arith.xori %or3A, %xor3A : vector<16x8192xi1>
        %select_n3A_133 = arith.select %xor3A_132, %select_n3A, %scan3A_24 : vector<16x8192xi1>, vector<16x8192xf32>
        %select_n3A_134 = arith.select %xor3A_132, %select_n3A_128, %scan3A_25 : vector<16x8192xi1>, vector<16x8192xi32>
        scf.yield %select_n3A_133, %select_n3A_134 : vector<16x8192xf32>, vector<16x8192xi32>
      } else {
        scf.yield %scan3A_24, %scan3A_25 : vector<16x8192xf32>, vector<16x8192xi32>
      }
      %ge3A_37 = arith.constant 11 : i32
      %ge3A_38 = arith.cmpi sge, %scan3A_23, %ge3A_37 : i32
      %convert_element_type3A_39 = arith.extui %ge3A_38 : i1 to i32
      %cond3A_40 = arith.constant 0 : i32
      %cond3A_41 = arith.cmpi ne, %convert_element_type3A_39, %cond3A_40 : i32
      %cond3A_42:2 = scf.if %cond3A_41 -> (vector<16x8192xf32>, vector<16x8192xi32>) {
        %and3A_109 = arith.constant 2048 : i32
        %and3A_110 = vector.broadcast %and3A_109 : i32 to vector<16x8192xi32>
        %and3A_111 = arith.andi %iota3A, %and3A_110 : vector<16x8192xi32>
        %eq3A_112 = arith.constant 0 : i32
        %eq3A_113 = vector.broadcast %eq3A_112 : i32 to vector<16x8192xi32>
        %eq3A_114 = arith.cmpi eq, %and3A_111, %eq3A_113 : vector<16x8192xi32>
        %not3A = arith.constant dense<true> : vector<16x8192xi1>
        %not3A_115 = arith.xori %eq3A_114, %not3A : vector<16x8192xi1>
        %xor3A = arith.xori %eq3A_32, %not3A_115 : vector<16x8192xi1>
        %slice3A_116 = vector.extract_strided_slice %cond3A_36#0 {offsets = [0, 2048], sizes = [16, 6144], strides = [1, 1]} : vector<16x8192xf32> to vector<16x6144xf32>
        %slice3A_117 = vector.extract_strided_slice %cond3A_36#0 {offsets = [0, 0], sizes = [16, 2048], strides = [1, 1]} : vector<16x8192xf32> to vector<16x2048xf32>
        %concatenate3A_118 = tpu.concatenate %slice3A_116, %slice3A_117 in 1 : vector<16x6144xf32>, vector<16x2048xf32> -> vector<16x8192xf32>
        %slice3A_119 = vector.extract_strided_slice %cond3A_36#0 {offsets = [0, 6144], sizes = [16, 2048], strides = [1, 1]} : vector<16x8192xf32> to vector<16x2048xf32>
        %slice3A_120 = vector.extract_strided_slice %cond3A_36#0 {offsets = [0, 0], sizes = [16, 6144], strides = [1, 1]} : vector<16x8192xf32> to vector<16x6144xf32>
        %concatenate3A_121 = tpu.concatenate %slice3A_119, %slice3A_120 in 1 : vector<16x2048xf32>, vector<16x6144xf32> -> vector<16x8192xf32>
        %select_n3A = arith.select %eq3A_114, %concatenate3A_118, %concatenate3A_121 : vector<16x8192xi1>, vector<16x8192xf32>
        %slice3A_122 = vector.extract_strided_slice %cond3A_36#1 {offsets = [0, 2048], sizes = [16, 6144], strides = [1, 1]} : vector<16x8192xi32> to vector<16x6144xi32>
        %slice3A_123 = vector.extract_strided_slice %cond3A_36#1 {offsets = [0, 0], sizes = [16, 2048], strides = [1, 1]} : vector<16x8192xi32> to vector<16x2048xi32>
        %concatenate3A_124 = tpu.concatenate %slice3A_122, %slice3A_123 in 1 : vector<16x6144xi32>, vector<16x2048xi32> -> vector<16x8192xi32>
        %slice3A_125 = vector.extract_strided_slice %cond3A_36#1 {offsets = [0, 6144], sizes = [16, 2048], strides = [1, 1]} : vector<16x8192xi32> to vector<16x2048xi32>
        %slice3A_126 = vector.extract_strided_slice %cond3A_36#1 {offsets = [0, 0], sizes = [16, 6144], strides = [1, 1]} : vector<16x8192xi32> to vector<16x6144xi32>
        %concatenate3A_127 = tpu.concatenate %slice3A_125, %slice3A_126 in 1 : vector<16x2048xi32>, vector<16x6144xi32> -> vector<16x8192xi32>
        %select_n3A_128 = arith.select %eq3A_114, %concatenate3A_124, %concatenate3A_127 : vector<16x8192xi1>, vector<16x8192xi32>
        %lt3A = arith.cmpf olt, %select_n3A, %cond3A_36#0 : vector<16x8192xf32>
        %eq3A_129 = arith.cmpf oeq, %select_n3A, %cond3A_36#0 : vector<16x8192xf32>
        %lt3A_130 = arith.cmpi slt, %select_n3A_128, %cond3A_36#1 : vector<16x8192xi32>
        %and3A_131 = arith.andi %eq3A_129, %lt3A_130 : vector<16x8192xi1>
        %or3A = arith.ori %lt3A, %and3A_131 : vector<16x8192xi1>
        %xor3A_132 = arith.xori %or3A, %xor3A : vector<16x8192xi1>
        %select_n3A_133 = arith.select %xor3A_132, %select_n3A, %cond3A_36#0 : vector<16x8192xi1>, vector<16x8192xf32>
        %select_n3A_134 = arith.select %xor3A_132, %select_n3A_128, %cond3A_36#1 : vector<16x8192xi1>, vector<16x8192xi32>
        scf.yield %select_n3A_133, %select_n3A_134 : vector<16x8192xf32>, vector<16x8192xi32>
      } else {
        scf.yield %cond3A_36#0, %cond3A_36#1 : vector<16x8192xf32>, vector<16x8192xi32>
      }
      %ge3A_43 = arith.constant 10 : i32
      %ge3A_44 = arith.cmpi sge, %scan3A_23, %ge3A_43 : i32
      %convert_element_type3A_45 = arith.extui %ge3A_44 : i1 to i32
      %cond3A_46 = arith.constant 0 : i32
      %cond3A_47 = arith.cmpi ne, %convert_element_type3A_45, %cond3A_46 : i32
      %cond3A_48:2 = scf.if %cond3A_47 -> (vector<16x8192xf32>, vector<16x8192xi32>) {
        %and3A_109 = arith.constant 1024 : i32
        %and3A_110 = vector.broadcast %and3A_109 : i32 to vector<16x8192xi32>
        %and3A_111 = arith.andi %iota3A, %and3A_110 : vector<16x8192xi32>
        %eq3A_112 = arith.constant 0 : i32
        %eq3A_113 = vector.broadcast %eq3A_112 : i32 to vector<16x8192xi32>
        %eq3A_114 = arith.cmpi eq, %and3A_111, %eq3A_113 : vector<16x8192xi32>
        %not3A = arith.constant dense<true> : vector<16x8192xi1>
        %not3A_115 = arith.xori %eq3A_114, %not3A : vector<16x8192xi1>
        %xor3A = arith.xori %eq3A_32, %not3A_115 : vector<16x8192xi1>
        %slice3A_116 = vector.extract_strided_slice %cond3A_42#0 {offsets = [0, 1024], sizes = [16, 7168], strides = [1, 1]} : vector<16x8192xf32> to vector<16x7168xf32>
        %slice3A_117 = vector.extract_strided_slice %cond3A_42#0 {offsets = [0, 0], sizes = [16, 1024], strides = [1, 1]} : vector<16x8192xf32> to vector<16x1024xf32>
        %concatenate3A_118 = tpu.concatenate %slice3A_116, %slice3A_117 in 1 : vector<16x7168xf32>, vector<16x1024xf32> -> vector<16x8192xf32>
        %slice3A_119 = vector.extract_strided_slice %cond3A_42#0 {offsets = [0, 7168], sizes = [16, 1024], strides = [1, 1]} : vector<16x8192xf32> to vector<16x1024xf32>
        %slice3A_120 = vector.extract_strided_slice %cond3A_42#0 {offsets = [0, 0], sizes = [16, 7168], strides = [1, 1]} : vector<16x8192xf32> to vector<16x7168xf32>
        %concatenate3A_121 = tpu.concatenate %slice3A_119, %slice3A_120 in 1 : vector<16x1024xf32>, vector<16x7168xf32> -> vector<16x8192xf32>
        %select_n3A = arith.select %eq3A_114, %concatenate3A_118, %concatenate3A_121 : vector<16x8192xi1>, vector<16x8192xf32>
        %slice3A_122 = vector.extract_strided_slice %cond3A_42#1 {offsets = [0, 1024], sizes = [16, 7168], strides = [1, 1]} : vector<16x8192xi32> to vector<16x7168xi32>
        %slice3A_123 = vector.extract_strided_slice %cond3A_42#1 {offsets = [0, 0], sizes = [16, 1024], strides = [1, 1]} : vector<16x8192xi32> to vector<16x1024xi32>
        %concatenate3A_124 = tpu.concatenate %slice3A_122, %slice3A_123 in 1 : vector<16x7168xi32>, vector<16x1024xi32> -> vector<16x8192xi32>
        %slice3A_125 = vector.extract_strided_slice %cond3A_42#1 {offsets = [0, 7168], sizes = [16, 1024], strides = [1, 1]} : vector<16x8192xi32> to vector<16x1024xi32>
        %slice3A_126 = vector.extract_strided_slice %cond3A_42#1 {offsets = [0, 0], sizes = [16, 7168], strides = [1, 1]} : vector<16x8192xi32> to vector<16x7168xi32>
        %concatenate3A_127 = tpu.concatenate %slice3A_125, %slice3A_126 in 1 : vector<16x1024xi32>, vector<16x7168xi32> -> vector<16x8192xi32>
        %select_n3A_128 = arith.select %eq3A_114, %concatenate3A_124, %concatenate3A_127 : vector<16x8192xi1>, vector<16x8192xi32>
        %lt3A = arith.cmpf olt, %select_n3A, %cond3A_42#0 : vector<16x8192xf32>
        %eq3A_129 = arith.cmpf oeq, %select_n3A, %cond3A_42#0 : vector<16x8192xf32>
        %lt3A_130 = arith.cmpi slt, %select_n3A_128, %cond3A_42#1 : vector<16x8192xi32>
        %and3A_131 = arith.andi %eq3A_129, %lt3A_130 : vector<16x8192xi1>
        %or3A = arith.ori %lt3A, %and3A_131 : vector<16x8192xi1>
        %xor3A_132 = arith.xori %or3A, %xor3A : vector<16x8192xi1>
        %select_n3A_133 = arith.select %xor3A_132, %select_n3A, %cond3A_42#0 : vector<16x8192xi1>, vector<16x8192xf32>
        %select_n3A_134 = arith.select %xor3A_132, %select_n3A_128, %cond3A_42#1 : vector<16x8192xi1>, vector<16x8192xi32>
        scf.yield %select_n3A_133, %select_n3A_134 : vector<16x8192xf32>, vector<16x8192xi32>
      } else {
        scf.yield %cond3A_42#0, %cond3A_42#1 : vector<16x8192xf32>, vector<16x8192xi32>
      }
      %ge3A_49 = arith.constant 9 : i32
      %ge3A_50 = arith.cmpi sge, %scan3A_23, %ge3A_49 : i32
      %convert_element_type3A_51 = arith.extui %ge3A_50 : i1 to i32
      %cond3A_52 = arith.constant 0 : i32
      %cond3A_53 = arith.cmpi ne, %convert_element_type3A_51, %cond3A_52 : i32
      %cond3A_54:2 = scf.if %cond3A_53 -> (vector<16x8192xf32>, vector<16x8192xi32>) {
        %and3A_109 = arith.constant 512 : i32
        %and3A_110 = vector.broadcast %and3A_109 : i32 to vector<16x8192xi32>
        %and3A_111 = arith.andi %iota3A, %and3A_110 : vector<16x8192xi32>
        %eq3A_112 = arith.constant 0 : i32
        %eq3A_113 = vector.broadcast %eq3A_112 : i32 to vector<16x8192xi32>
        %eq3A_114 = arith.cmpi eq, %and3A_111, %eq3A_113 : vector<16x8192xi32>
        %not3A = arith.constant dense<true> : vector<16x8192xi1>
        %not3A_115 = arith.xori %eq3A_114, %not3A : vector<16x8192xi1>
        %xor3A = arith.xori %eq3A_32, %not3A_115 : vector<16x8192xi1>
        %slice3A_116 = vector.extract_strided_slice %cond3A_48#0 {offsets = [0, 512], sizes = [16, 7680], strides = [1, 1]} : vector<16x8192xf32> to vector<16x7680xf32>
        %slice3A_117 = vector.extract_strided_slice %cond3A_48#0 {offsets = [0, 0], sizes = [16, 512], strides = [1, 1]} : vector<16x8192xf32> to vector<16x512xf32>
        %concatenate3A_118 = tpu.concatenate %slice3A_116, %slice3A_117 in 1 : vector<16x7680xf32>, vector<16x512xf32> -> vector<16x8192xf32>
        %slice3A_119 = vector.extract_strided_slice %cond3A_48#0 {offsets = [0, 7680], sizes = [16, 512], strides = [1, 1]} : vector<16x8192xf32> to vector<16x512xf32>
        %slice3A_120 = vector.extract_strided_slice %cond3A_48#0 {offsets = [0, 0], sizes = [16, 7680], strides = [1, 1]} : vector<16x8192xf32> to vector<16x7680xf32>
        %concatenate3A_121 = tpu.concatenate %slice3A_119, %slice3A_120 in 1 : vector<16x512xf32>, vector<16x7680xf32> -> vector<16x8192xf32>
        %select_n3A = arith.select %eq3A_114, %concatenate3A_118, %concatenate3A_121 : vector<16x8192xi1>, vector<16x8192xf32>
        %slice3A_122 = vector.extract_strided_slice %cond3A_48#1 {offsets = [0, 512], sizes = [16, 7680], strides = [1, 1]} : vector<16x8192xi32> to vector<16x7680xi32>
        %slice3A_123 = vector.extract_strided_slice %cond3A_48#1 {offsets = [0, 0], sizes = [16, 512], strides = [1, 1]} : vector<16x8192xi32> to vector<16x512xi32>
        %concatenate3A_124 = tpu.concatenate %slice3A_122, %slice3A_123 in 1 : vector<16x7680xi32>, vector<16x512xi32> -> vector<16x8192xi32>
        %slice3A_125 = vector.extract_strided_slice %cond3A_48#1 {offsets = [0, 7680], sizes = [16, 512], strides = [1, 1]} : vector<16x8192xi32> to vector<16x512xi32>
        %slice3A_126 = vector.extract_strided_slice %cond3A_48#1 {offsets = [0, 0], sizes = [16, 7680], strides = [1, 1]} : vector<16x8192xi32> to vector<16x7680xi32>
        %concatenate3A_127 = tpu.concatenate %slice3A_125, %slice3A_126 in 1 : vector<16x512xi32>, vector<16x7680xi32> -> vector<16x8192xi32>
        %select_n3A_128 = arith.select %eq3A_114, %concatenate3A_124, %concatenate3A_127 : vector<16x8192xi1>, vector<16x8192xi32>
        %lt3A = arith.cmpf olt, %select_n3A, %cond3A_48#0 : vector<16x8192xf32>
        %eq3A_129 = arith.cmpf oeq, %select_n3A, %cond3A_48#0 : vector<16x8192xf32>
        %lt3A_130 = arith.cmpi slt, %select_n3A_128, %cond3A_48#1 : vector<16x8192xi32>
        %and3A_131 = arith.andi %eq3A_129, %lt3A_130 : vector<16x8192xi1>
        %or3A = arith.ori %lt3A, %and3A_131 : vector<16x8192xi1>
        %xor3A_132 = arith.xori %or3A, %xor3A : vector<16x8192xi1>
        %select_n3A_133 = arith.select %xor3A_132, %select_n3A, %cond3A_48#0 : vector<16x8192xi1>, vector<16x8192xf32>
        %select_n3A_134 = arith.select %xor3A_132, %select_n3A_128, %cond3A_48#1 : vector<16x8192xi1>, vector<16x8192xi32>
        scf.yield %select_n3A_133, %select_n3A_134 : vector<16x8192xf32>, vector<16x8192xi32>
      } else {
        scf.yield %cond3A_48#0, %cond3A_48#1 : vector<16x8192xf32>, vector<16x8192xi32>
      }
      %ge3A_55 = arith.constant 8 : i32
      %ge3A_56 = arith.cmpi sge, %scan3A_23, %ge3A_55 : i32
      %convert_element_type3A_57 = arith.extui %ge3A_56 : i1 to i32
      %cond3A_58 = arith.constant 0 : i32
      %cond3A_59 = arith.cmpi ne, %convert_element_type3A_57, %cond3A_58 : i32
      %cond3A_60:2 = scf.if %cond3A_59 -> (vector<16x8192xf32>, vector<16x8192xi32>) {
        %and3A_109 = arith.constant 256 : i32
        %and3A_110 = vector.broadcast %and3A_109 : i32 to vector<16x8192xi32>
        %and3A_111 = arith.andi %iota3A, %and3A_110 : vector<16x8192xi32>
        %eq3A_112 = arith.constant 0 : i32
        %eq3A_113 = vector.broadcast %eq3A_112 : i32 to vector<16x8192xi32>
        %eq3A_114 = arith.cmpi eq, %and3A_111, %eq3A_113 : vector<16x8192xi32>
        %not3A = arith.constant dense<true> : vector<16x8192xi1>
        %not3A_115 = arith.xori %eq3A_114, %not3A : vector<16x8192xi1>
        %xor3A = arith.xori %eq3A_32, %not3A_115 : vector<16x8192xi1>
        %slice3A_116 = vector.extract_strided_slice %cond3A_54#0 {offsets = [0, 256], sizes = [16, 7936], strides = [1, 1]} : vector<16x8192xf32> to vector<16x7936xf32>
        %slice3A_117 = vector.extract_strided_slice %cond3A_54#0 {offsets = [0, 0], sizes = [16, 256], strides = [1, 1]} : vector<16x8192xf32> to vector<16x256xf32>
        %concatenate3A_118 = tpu.concatenate %slice3A_116, %slice3A_117 in 1 : vector<16x7936xf32>, vector<16x256xf32> -> vector<16x8192xf32>
        %slice3A_119 = vector.extract_strided_slice %cond3A_54#0 {offsets = [0, 7936], sizes = [16, 256], strides = [1, 1]} : vector<16x8192xf32> to vector<16x256xf32>
        %slice3A_120 = vector.extract_strided_slice %cond3A_54#0 {offsets = [0, 0], sizes = [16, 7936], strides = [1, 1]} : vector<16x8192xf32> to vector<16x7936xf32>
        %concatenate3A_121 = tpu.concatenate %slice3A_119, %slice3A_120 in 1 : vector<16x256xf32>, vector<16x7936xf32> -> vector<16x8192xf32>
        %select_n3A = arith.select %eq3A_114, %concatenate3A_118, %concatenate3A_121 : vector<16x8192xi1>, vector<16x8192xf32>
        %slice3A_122 = vector.extract_strided_slice %cond3A_54#1 {offsets = [0, 256], sizes = [16, 7936], strides = [1, 1]} : vector<16x8192xi32> to vector<16x7936xi32>
        %slice3A_123 = vector.extract_strided_slice %cond3A_54#1 {offsets = [0, 0], sizes = [16, 256], strides = [1, 1]} : vector<16x8192xi32> to vector<16x256xi32>
        %concatenate3A_124 = tpu.concatenate %slice3A_122, %slice3A_123 in 1 : vector<16x7936xi32>, vector<16x256xi32> -> vector<16x8192xi32>
        %slice3A_125 = vector.extract_strided_slice %cond3A_54#1 {offsets = [0, 7936], sizes = [16, 256], strides = [1, 1]} : vector<16x8192xi32> to vector<16x256xi32>
        %slice3A_126 = vector.extract_strided_slice %cond3A_54#1 {offsets = [0, 0], sizes = [16, 7936], strides = [1, 1]} : vector<16x8192xi32> to vector<16x7936xi32>
        %concatenate3A_127 = tpu.concatenate %slice3A_125, %slice3A_126 in 1 : vector<16x256xi32>, vector<16x7936xi32> -> vector<16x8192xi32>
        %select_n3A_128 = arith.select %eq3A_114, %concatenate3A_124, %concatenate3A_127 : vector<16x8192xi1>, vector<16x8192xi32>
        %lt3A = arith.cmpf olt, %select_n3A, %cond3A_54#0 : vector<16x8192xf32>
        %eq3A_129 = arith.cmpf oeq, %select_n3A, %cond3A_54#0 : vector<16x8192xf32>
        %lt3A_130 = arith.cmpi slt, %select_n3A_128, %cond3A_54#1 : vector<16x8192xi32>
        %and3A_131 = arith.andi %eq3A_129, %lt3A_130 : vector<16x8192xi1>
        %or3A = arith.ori %lt3A, %and3A_131 : vector<16x8192xi1>
        %xor3A_132 = arith.xori %or3A, %xor3A : vector<16x8192xi1>
        %select_n3A_133 = arith.select %xor3A_132, %select_n3A, %cond3A_54#0 : vector<16x8192xi1>, vector<16x8192xf32>
        %select_n3A_134 = arith.select %xor3A_132, %select_n3A_128, %cond3A_54#1 : vector<16x8192xi1>, vector<16x8192xi32>
        scf.yield %select_n3A_133, %select_n3A_134 : vector<16x8192xf32>, vector<16x8192xi32>
      } else {
        scf.yield %cond3A_54#0, %cond3A_54#1 : vector<16x8192xf32>, vector<16x8192xi32>
      }
      %ge3A_61 = arith.constant 7 : i32
      %ge3A_62 = arith.cmpi sge, %scan3A_23, %ge3A_61 : i32
      %convert_element_type3A_63 = arith.extui %ge3A_62 : i1 to i32
      %cond3A_64 = arith.constant 0 : i32
      %cond3A_65 = arith.cmpi ne, %convert_element_type3A_63, %cond3A_64 : i32
      %cond3A_66:2 = scf.if %cond3A_65 -> (vector<16x8192xf32>, vector<16x8192xi32>) {
        %and3A_109 = arith.constant 128 : i32
        %and3A_110 = vector.broadcast %and3A_109 : i32 to vector<16x8192xi32>
        %and3A_111 = arith.andi %iota3A, %and3A_110 : vector<16x8192xi32>
        %eq3A_112 = arith.constant 0 : i32
        %eq3A_113 = vector.broadcast %eq3A_112 : i32 to vector<16x8192xi32>
        %eq3A_114 = arith.cmpi eq, %and3A_111, %eq3A_113 : vector<16x8192xi32>
        %not3A = arith.constant dense<true> : vector<16x8192xi1>
        %not3A_115 = arith.xori %eq3A_114, %not3A : vector<16x8192xi1>
        %xor3A = arith.xori %eq3A_32, %not3A_115 : vector<16x8192xi1>
        %slice3A_116 = vector.extract_strided_slice %cond3A_60#0 {offsets = [0, 128], sizes = [16, 8064], strides = [1, 1]} : vector<16x8192xf32> to vector<16x8064xf32>
        %slice3A_117 = vector.extract_strided_slice %cond3A_60#0 {offsets = [0, 0], sizes = [16, 128], strides = [1, 1]} : vector<16x8192xf32> to vector<16x128xf32>
        %concatenate3A_118 = tpu.concatenate %slice3A_116, %slice3A_117 in 1 : vector<16x8064xf32>, vector<16x128xf32> -> vector<16x8192xf32>
        %slice3A_119 = vector.extract_strided_slice %cond3A_60#0 {offsets = [0, 8064], sizes = [16, 128], strides = [1, 1]} : vector<16x8192xf32> to vector<16x128xf32>
        %slice3A_120 = vector.extract_strided_slice %cond3A_60#0 {offsets = [0, 0], sizes = [16, 8064], strides = [1, 1]} : vector<16x8192xf32> to vector<16x8064xf32>
        %concatenate3A_121 = tpu.concatenate %slice3A_119, %slice3A_120 in 1 : vector<16x128xf32>, vector<16x8064xf32> -> vector<16x8192xf32>
        %select_n3A = arith.select %eq3A_114, %concatenate3A_118, %concatenate3A_121 : vector<16x8192xi1>, vector<16x8192xf32>
        %slice3A_122 = vector.extract_strided_slice %cond3A_60#1 {offsets = [0, 128], sizes = [16, 8064], strides = [1, 1]} : vector<16x8192xi32> to vector<16x8064xi32>
        %slice3A_123 = vector.extract_strided_slice %cond3A_60#1 {offsets = [0, 0], sizes = [16, 128], strides = [1, 1]} : vector<16x8192xi32> to vector<16x128xi32>
        %concatenate3A_124 = tpu.concatenate %slice3A_122, %slice3A_123 in 1 : vector<16x8064xi32>, vector<16x128xi32> -> vector<16x8192xi32>
        %slice3A_125 = vector.extract_strided_slice %cond3A_60#1 {offsets = [0, 8064], sizes = [16, 128], strides = [1, 1]} : vector<16x8192xi32> to vector<16x128xi32>
        %slice3A_126 = vector.extract_strided_slice %cond3A_60#1 {offsets = [0, 0], sizes = [16, 8064], strides = [1, 1]} : vector<16x8192xi32> to vector<16x8064xi32>
        %concatenate3A_127 = tpu.concatenate %slice3A_125, %slice3A_126 in 1 : vector<16x128xi32>, vector<16x8064xi32> -> vector<16x8192xi32>
        %select_n3A_128 = arith.select %eq3A_114, %concatenate3A_124, %concatenate3A_127 : vector<16x8192xi1>, vector<16x8192xi32>
        %lt3A = arith.cmpf olt, %select_n3A, %cond3A_60#0 : vector<16x8192xf32>
        %eq3A_129 = arith.cmpf oeq, %select_n3A, %cond3A_60#0 : vector<16x8192xf32>
        %lt3A_130 = arith.cmpi slt, %select_n3A_128, %cond3A_60#1 : vector<16x8192xi32>
        %and3A_131 = arith.andi %eq3A_129, %lt3A_130 : vector<16x8192xi1>
        %or3A = arith.ori %lt3A, %and3A_131 : vector<16x8192xi1>
        %xor3A_132 = arith.xori %or3A, %xor3A : vector<16x8192xi1>
        %select_n3A_133 = arith.select %xor3A_132, %select_n3A, %cond3A_60#0 : vector<16x8192xi1>, vector<16x8192xf32>
        %select_n3A_134 = arith.select %xor3A_132, %select_n3A_128, %cond3A_60#1 : vector<16x8192xi1>, vector<16x8192xi32>
        scf.yield %select_n3A_133, %select_n3A_134 : vector<16x8192xf32>, vector<16x8192xi32>
      } else {
        scf.yield %cond3A_60#0, %cond3A_60#1 : vector<16x8192xf32>, vector<16x8192xi32>
      }
      %ge3A_67 = arith.constant 6 : i32
      %ge3A_68 = arith.cmpi sge, %scan3A_23, %ge3A_67 : i32
      %convert_element_type3A_69 = arith.extui %ge3A_68 : i1 to i32
      %cond3A_70 = arith.constant 0 : i32
      %cond3A_71 = arith.cmpi ne, %convert_element_type3A_69, %cond3A_70 : i32
      %cond3A_72:2 = scf.if %cond3A_71 -> (vector<16x8192xf32>, vector<16x8192xi32>) {
        %and3A_109 = arith.constant 64 : i32
        %and3A_110 = vector.broadcast %and3A_109 : i32 to vector<16x8192xi32>
        %and3A_111 = arith.andi %iota3A, %and3A_110 : vector<16x8192xi32>
        %eq3A_112 = arith.constant 0 : i32
        %eq3A_113 = vector.broadcast %eq3A_112 : i32 to vector<16x8192xi32>
        %eq3A_114 = arith.cmpi eq, %and3A_111, %eq3A_113 : vector<16x8192xi32>
        %not3A = arith.constant dense<true> : vector<16x8192xi1>
        %not3A_115 = arith.xori %eq3A_114, %not3A : vector<16x8192xi1>
        %xor3A = arith.xori %eq3A_32, %not3A_115 : vector<16x8192xi1>
        %slice3A_116 = vector.extract_strided_slice %cond3A_66#0 {offsets = [0, 64], sizes = [16, 8128], strides = [1, 1]} : vector<16x8192xf32> to vector<16x8128xf32>
        %slice3A_117 = vector.extract_strided_slice %cond3A_66#0 {offsets = [0, 0], sizes = [16, 64], strides = [1, 1]} : vector<16x8192xf32> to vector<16x64xf32>
        %concatenate3A_118 = tpu.concatenate %slice3A_116, %slice3A_117 in 1 : vector<16x8128xf32>, vector<16x64xf32> -> vector<16x8192xf32>
        %slice3A_119 = vector.extract_strided_slice %cond3A_66#0 {offsets = [0, 8128], sizes = [16, 64], strides = [1, 1]} : vector<16x8192xf32> to vector<16x64xf32>
        %slice3A_120 = vector.extract_strided_slice %cond3A_66#0 {offsets = [0, 0], sizes = [16, 8128], strides = [1, 1]} : vector<16x8192xf32> to vector<16x8128xf32>
        %concatenate3A_121 = tpu.concatenate %slice3A_119, %slice3A_120 in 1 : vector<16x64xf32>, vector<16x8128xf32> -> vector<16x8192xf32>
        %select_n3A = arith.select %eq3A_114, %concatenate3A_118, %concatenate3A_121 : vector<16x8192xi1>, vector<16x8192xf32>
        %slice3A_122 = vector.extract_strided_slice %cond3A_66#1 {offsets = [0, 64], sizes = [16, 8128], strides = [1, 1]} : vector<16x8192xi32> to vector<16x8128xi32>
        %slice3A_123 = vector.extract_strided_slice %cond3A_66#1 {offsets = [0, 0], sizes = [16, 64], strides = [1, 1]} : vector<16x8192xi32> to vector<16x64xi32>
        %concatenate3A_124 = tpu.concatenate %slice3A_122, %slice3A_123 in 1 : vector<16x8128xi32>, vector<16x64xi32> -> vector<16x8192xi32>
        %slice3A_125 = vector.extract_strided_slice %cond3A_66#1 {offsets = [0, 8128], sizes = [16, 64], strides = [1, 1]} : vector<16x8192xi32> to vector<16x64xi32>
        %slice3A_126 = vector.extract_strided_slice %cond3A_66#1 {offsets = [0, 0], sizes = [16, 8128], strides = [1, 1]} : vector<16x8192xi32> to vector<16x8128xi32>
        %concatenate3A_127 = tpu.concatenate %slice3A_125, %slice3A_126 in 1 : vector<16x64xi32>, vector<16x8128xi32> -> vector<16x8192xi32>
        %select_n3A_128 = arith.select %eq3A_114, %concatenate3A_124, %concatenate3A_127 : vector<16x8192xi1>, vector<16x8192xi32>
        %lt3A = arith.cmpf olt, %select_n3A, %cond3A_66#0 : vector<16x8192xf32>
        %eq3A_129 = arith.cmpf oeq, %select_n3A, %cond3A_66#0 : vector<16x8192xf32>
        %lt3A_130 = arith.cmpi slt, %select_n3A_128, %cond3A_66#1 : vector<16x8192xi32>
        %and3A_131 = arith.andi %eq3A_129, %lt3A_130 : vector<16x8192xi1>
        %or3A = arith.ori %lt3A, %and3A_131 : vector<16x8192xi1>
        %xor3A_132 = arith.xori %or3A, %xor3A : vector<16x8192xi1>
        %select_n3A_133 = arith.select %xor3A_132, %select_n3A, %cond3A_66#0 : vector<16x8192xi1>, vector<16x8192xf32>
        %select_n3A_134 = arith.select %xor3A_132, %select_n3A_128, %cond3A_66#1 : vector<16x8192xi1>, vector<16x8192xi32>
        scf.yield %select_n3A_133, %select_n3A_134 : vector<16x8192xf32>, vector<16x8192xi32>
      } else {
        scf.yield %cond3A_66#0, %cond3A_66#1 : vector<16x8192xf32>, vector<16x8192xi32>
      }
      %ge3A_73 = arith.constant 5 : i32
      %ge3A_74 = arith.cmpi sge, %scan3A_23, %ge3A_73 : i32
      %convert_element_type3A_75 = arith.extui %ge3A_74 : i1 to i32
      %cond3A_76 = arith.constant 0 : i32
      %cond3A_77 = arith.cmpi ne, %convert_element_type3A_75, %cond3A_76 : i32
      %cond3A_78:2 = scf.if %cond3A_77 -> (vector<16x8192xf32>, vector<16x8192xi32>) {
        %and3A_109 = arith.constant 32 : i32
        %and3A_110 = vector.broadcast %and3A_109 : i32 to vector<16x8192xi32>
        %and3A_111 = arith.andi %iota3A, %and3A_110 : vector<16x8192xi32>
        %eq3A_112 = arith.constant 0 : i32
        %eq3A_113 = vector.broadcast %eq3A_112 : i32 to vector<16x8192xi32>
        %eq3A_114 = arith.cmpi eq, %and3A_111, %eq3A_113 : vector<16x8192xi32>
        %not3A = arith.constant dense<true> : vector<16x8192xi1>
        %not3A_115 = arith.xori %eq3A_114, %not3A : vector<16x8192xi1>
        %xor3A = arith.xori %eq3A_32, %not3A_115 : vector<16x8192xi1>
        %slice3A_116 = vector.extract_strided_slice %cond3A_72#0 {offsets = [0, 32], sizes = [16, 8160], strides = [1, 1]} : vector<16x8192xf32> to vector<16x8160xf32>
        %slice3A_117 = vector.extract_strided_slice %cond3A_72#0 {offsets = [0, 0], sizes = [16, 32], strides = [1, 1]} : vector<16x8192xf32> to vector<16x32xf32>
        %concatenate3A_118 = tpu.concatenate %slice3A_116, %slice3A_117 in 1 : vector<16x8160xf32>, vector<16x32xf32> -> vector<16x8192xf32>
        %slice3A_119 = vector.extract_strided_slice %cond3A_72#0 {offsets = [0, 8160], sizes = [16, 32], strides = [1, 1]} : vector<16x8192xf32> to vector<16x32xf32>
        %slice3A_120 = vector.extract_strided_slice %cond3A_72#0 {offsets = [0, 0], sizes = [16, 8160], strides = [1, 1]} : vector<16x8192xf32> to vector<16x8160xf32>
        %concatenate3A_121 = tpu.concatenate %slice3A_119, %slice3A_120 in 1 : vector<16x32xf32>, vector<16x8160xf32> -> vector<16x8192xf32>
        %select_n3A = arith.select %eq3A_114, %concatenate3A_118, %concatenate3A_121 : vector<16x8192xi1>, vector<16x8192xf32>
        %slice3A_122 = vector.extract_strided_slice %cond3A_72#1 {offsets = [0, 32], sizes = [16, 8160], strides = [1, 1]} : vector<16x8192xi32> to vector<16x8160xi32>
        %slice3A_123 = vector.extract_strided_slice %cond3A_72#1 {offsets = [0, 0], sizes = [16, 32], strides = [1, 1]} : vector<16x8192xi32> to vector<16x32xi32>
        %concatenate3A_124 = tpu.concatenate %slice3A_122, %slice3A_123 in 1 : vector<16x8160xi32>, vector<16x32xi32> -> vector<16x8192xi32>
        %slice3A_125 = vector.extract_strided_slice %cond3A_72#1 {offsets = [0, 8160], sizes = [16, 32], strides = [1, 1]} : vector<16x8192xi32> to vector<16x32xi32>
        %slice3A_126 = vector.extract_strided_slice %cond3A_72#1 {offsets = [0, 0], sizes = [16, 8160], strides = [1, 1]} : vector<16x8192xi32> to vector<16x8160xi32>
        %concatenate3A_127 = tpu.concatenate %slice3A_125, %slice3A_126 in 1 : vector<16x32xi32>, vector<16x8160xi32> -> vector<16x8192xi32>
        %select_n3A_128 = arith.select %eq3A_114, %concatenate3A_124, %concatenate3A_127 : vector<16x8192xi1>, vector<16x8192xi32>
        %lt3A = arith.cmpf olt, %select_n3A, %cond3A_72#0 : vector<16x8192xf32>
        %eq3A_129 = arith.cmpf oeq, %select_n3A, %cond3A_72#0 : vector<16x8192xf32>
        %lt3A_130 = arith.cmpi slt, %select_n3A_128, %cond3A_72#1 : vector<16x8192xi32>
        %and3A_131 = arith.andi %eq3A_129, %lt3A_130 : vector<16x8192xi1>
        %or3A = arith.ori %lt3A, %and3A_131 : vector<16x8192xi1>
        %xor3A_132 = arith.xori %or3A, %xor3A : vector<16x8192xi1>
        %select_n3A_133 = arith.select %xor3A_132, %select_n3A, %cond3A_72#0 : vector<16x8192xi1>, vector<16x8192xf32>
        %select_n3A_134 = arith.select %xor3A_132, %select_n3A_128, %cond3A_72#1 : vector<16x8192xi1>, vector<16x8192xi32>
        scf.yield %select_n3A_133, %select_n3A_134 : vector<16x8192xf32>, vector<16x8192xi32>
      } else {
        scf.yield %cond3A_72#0, %cond3A_72#1 : vector<16x8192xf32>, vector<16x8192xi32>
      }
      %ge3A_79 = arith.constant 4 : i32
      %ge3A_80 = arith.cmpi sge, %scan3A_23, %ge3A_79 : i32
      %convert_element_type3A_81 = arith.extui %ge3A_80 : i1 to i32
      %cond3A_82 = arith.constant 0 : i32
      %cond3A_83 = arith.cmpi ne, %convert_element_type3A_81, %cond3A_82 : i32
      %cond3A_84:2 = scf.if %cond3A_83 -> (vector<16x8192xf32>, vector<16x8192xi32>) {
        %and3A_109 = arith.constant 16 : i32
        %and3A_110 = vector.broadcast %and3A_109 : i32 to vector<16x8192xi32>
        %and3A_111 = arith.andi %iota3A, %and3A_110 : vector<16x8192xi32>
        %eq3A_112 = arith.constant 0 : i32
        %eq3A_113 = vector.broadcast %eq3A_112 : i32 to vector<16x8192xi32>
        %eq3A_114 = arith.cmpi eq, %and3A_111, %eq3A_113 : vector<16x8192xi32>
        %not3A = arith.constant dense<true> : vector<16x8192xi1>
        %not3A_115 = arith.xori %eq3A_114, %not3A : vector<16x8192xi1>
        %xor3A = arith.xori %eq3A_32, %not3A_115 : vector<16x8192xi1>
        %slice3A_116 = vector.extract_strided_slice %cond3A_78#0 {offsets = [0, 16], sizes = [16, 8176], strides = [1, 1]} : vector<16x8192xf32> to vector<16x8176xf32>
        %slice3A_117 = vector.extract_strided_slice %cond3A_78#0 {offsets = [0, 0], sizes = [16, 16], strides = [1, 1]} : vector<16x8192xf32> to vector<16x16xf32>
        %concatenate3A_118 = tpu.concatenate %slice3A_116, %slice3A_117 in 1 : vector<16x8176xf32>, vector<16x16xf32> -> vector<16x8192xf32>
        %slice3A_119 = vector.extract_strided_slice %cond3A_78#0 {offsets = [0, 8176], sizes = [16, 16], strides = [1, 1]} : vector<16x8192xf32> to vector<16x16xf32>
        %slice3A_120 = vector.extract_strided_slice %cond3A_78#0 {offsets = [0, 0], sizes = [16, 8176], strides = [1, 1]} : vector<16x8192xf32> to vector<16x8176xf32>
        %concatenate3A_121 = tpu.concatenate %slice3A_119, %slice3A_120 in 1 : vector<16x16xf32>, vector<16x8176xf32> -> vector<16x8192xf32>
        %select_n3A = arith.select %eq3A_114, %concatenate3A_118, %concatenate3A_121 : vector<16x8192xi1>, vector<16x8192xf32>
        %slice3A_122 = vector.extract_strided_slice %cond3A_78#1 {offsets = [0, 16], sizes = [16, 8176], strides = [1, 1]} : vector<16x8192xi32> to vector<16x8176xi32>
        %slice3A_123 = vector.extract_strided_slice %cond3A_78#1 {offsets = [0, 0], sizes = [16, 16], strides = [1, 1]} : vector<16x8192xi32> to vector<16x16xi32>
        %concatenate3A_124 = tpu.concatenate %slice3A_122, %slice3A_123 in 1 : vector<16x8176xi32>, vector<16x16xi32> -> vector<16x8192xi32>
        %slice3A_125 = vector.extract_strided_slice %cond3A_78#1 {offsets = [0, 8176], sizes = [16, 16], strides = [1, 1]} : vector<16x8192xi32> to vector<16x16xi32>
        %slice3A_126 = vector.extract_strided_slice %cond3A_78#1 {offsets = [0, 0], sizes = [16, 8176], strides = [1, 1]} : vector<16x8192xi32> to vector<16x8176xi32>
        %concatenate3A_127 = tpu.concatenate %slice3A_125, %slice3A_126 in 1 : vector<16x16xi32>, vector<16x8176xi32> -> vector<16x8192xi32>
        %select_n3A_128 = arith.select %eq3A_114, %concatenate3A_124, %concatenate3A_127 : vector<16x8192xi1>, vector<16x8192xi32>
        %lt3A = arith.cmpf olt, %select_n3A, %cond3A_78#0 : vector<16x8192xf32>
        %eq3A_129 = arith.cmpf oeq, %select_n3A, %cond3A_78#0 : vector<16x8192xf32>
        %lt3A_130 = arith.cmpi slt, %select_n3A_128, %cond3A_78#1 : vector<16x8192xi32>
        %and3A_131 = arith.andi %eq3A_129, %lt3A_130 : vector<16x8192xi1>
        %or3A = arith.ori %lt3A, %and3A_131 : vector<16x8192xi1>
        %xor3A_132 = arith.xori %or3A, %xor3A : vector<16x8192xi1>
        %select_n3A_133 = arith.select %xor3A_132, %select_n3A, %cond3A_78#0 : vector<16x8192xi1>, vector<16x8192xf32>
        %select_n3A_134 = arith.select %xor3A_132, %select_n3A_128, %cond3A_78#1 : vector<16x8192xi1>, vector<16x8192xi32>
        scf.yield %select_n3A_133, %select_n3A_134 : vector<16x8192xf32>, vector<16x8192xi32>
      } else {
        scf.yield %cond3A_78#0, %cond3A_78#1 : vector<16x8192xf32>, vector<16x8192xi32>
      }
      %ge3A_85 = arith.constant 3 : i32
      %ge3A_86 = arith.cmpi sge, %scan3A_23, %ge3A_85 : i32
      %convert_element_type3A_87 = arith.extui %ge3A_86 : i1 to i32
      %cond3A_88 = arith.constant 0 : i32
      %cond3A_89 = arith.cmpi ne, %convert_element_type3A_87, %cond3A_88 : i32
      %cond3A_90:2 = scf.if %cond3A_89 -> (vector<16x8192xf32>, vector<16x8192xi32>) {
        %and3A_109 = arith.constant 8 : i32
        %and3A_110 = vector.broadcast %and3A_109 : i32 to vector<16x8192xi32>
        %and3A_111 = arith.andi %iota3A, %and3A_110 : vector<16x8192xi32>
        %eq3A_112 = arith.constant 0 : i32
        %eq3A_113 = vector.broadcast %eq3A_112 : i32 to vector<16x8192xi32>
        %eq3A_114 = arith.cmpi eq, %and3A_111, %eq3A_113 : vector<16x8192xi32>
        %not3A = arith.constant dense<true> : vector<16x8192xi1>
        %not3A_115 = arith.xori %eq3A_114, %not3A : vector<16x8192xi1>
        %xor3A = arith.xori %eq3A_32, %not3A_115 : vector<16x8192xi1>
        %slice3A_116 = vector.extract_strided_slice %cond3A_84#0 {offsets = [0, 8], sizes = [16, 8184], strides = [1, 1]} : vector<16x8192xf32> to vector<16x8184xf32>
        %slice3A_117 = vector.extract_strided_slice %cond3A_84#0 {offsets = [0, 0], sizes = [16, 8], strides = [1, 1]} : vector<16x8192xf32> to vector<16x8xf32>
        %concatenate3A_118 = tpu.concatenate %slice3A_116, %slice3A_117 in 1 : vector<16x8184xf32>, vector<16x8xf32> -> vector<16x8192xf32>
        %slice3A_119 = vector.extract_strided_slice %cond3A_84#0 {offsets = [0, 8184], sizes = [16, 8], strides = [1, 1]} : vector<16x8192xf32> to vector<16x8xf32>
        %slice3A_120 = vector.extract_strided_slice %cond3A_84#0 {offsets = [0, 0], sizes = [16, 8184], strides = [1, 1]} : vector<16x8192xf32> to vector<16x8184xf32>
        %concatenate3A_121 = tpu.concatenate %slice3A_119, %slice3A_120 in 1 : vector<16x8xf32>, vector<16x8184xf32> -> vector<16x8192xf32>
        %select_n3A = arith.select %eq3A_114, %concatenate3A_118, %concatenate3A_121 : vector<16x8192xi1>, vector<16x8192xf32>
        %slice3A_122 = vector.extract_strided_slice %cond3A_84#1 {offsets = [0, 8], sizes = [16, 8184], strides = [1, 1]} : vector<16x8192xi32> to vector<16x8184xi32>
        %slice3A_123 = vector.extract_strided_slice %cond3A_84#1 {offsets = [0, 0], sizes = [16, 8], strides = [1, 1]} : vector<16x8192xi32> to vector<16x8xi32>
        %concatenate3A_124 = tpu.concatenate %slice3A_122, %slice3A_123 in 1 : vector<16x8184xi32>, vector<16x8xi32> -> vector<16x8192xi32>
        %slice3A_125 = vector.extract_strided_slice %cond3A_84#1 {offsets = [0, 8184], sizes = [16, 8], strides = [1, 1]} : vector<16x8192xi32> to vector<16x8xi32>
        %slice3A_126 = vector.extract_strided_slice %cond3A_84#1 {offsets = [0, 0], sizes = [16, 8184], strides = [1, 1]} : vector<16x8192xi32> to vector<16x8184xi32>
        %concatenate3A_127 = tpu.concatenate %slice3A_125, %slice3A_126 in 1 : vector<16x8xi32>, vector<16x8184xi32> -> vector<16x8192xi32>
        %select_n3A_128 = arith.select %eq3A_114, %concatenate3A_124, %concatenate3A_127 : vector<16x8192xi1>, vector<16x8192xi32>
        %lt3A = arith.cmpf olt, %select_n3A, %cond3A_84#0 : vector<16x8192xf32>
        %eq3A_129 = arith.cmpf oeq, %select_n3A, %cond3A_84#0 : vector<16x8192xf32>
        %lt3A_130 = arith.cmpi slt, %select_n3A_128, %cond3A_84#1 : vector<16x8192xi32>
        %and3A_131 = arith.andi %eq3A_129, %lt3A_130 : vector<16x8192xi1>
        %or3A = arith.ori %lt3A, %and3A_131 : vector<16x8192xi1>
        %xor3A_132 = arith.xori %or3A, %xor3A : vector<16x8192xi1>
        %select_n3A_133 = arith.select %xor3A_132, %select_n3A, %cond3A_84#0 : vector<16x8192xi1>, vector<16x8192xf32>
        %select_n3A_134 = arith.select %xor3A_132, %select_n3A_128, %cond3A_84#1 : vector<16x8192xi1>, vector<16x8192xi32>
        scf.yield %select_n3A_133, %select_n3A_134 : vector<16x8192xf32>, vector<16x8192xi32>
      } else {
        scf.yield %cond3A_84#0, %cond3A_84#1 : vector<16x8192xf32>, vector<16x8192xi32>
      }
      %ge3A_91 = arith.constant 2 : i32
      %ge3A_92 = arith.cmpi sge, %scan3A_23, %ge3A_91 : i32
      %convert_element_type3A_93 = arith.extui %ge3A_92 : i1 to i32
      %cond3A_94 = arith.constant 0 : i32
      %cond3A_95 = arith.cmpi ne, %convert_element_type3A_93, %cond3A_94 : i32
      %cond3A_96:2 = scf.if %cond3A_95 -> (vector<16x8192xf32>, vector<16x8192xi32>) {
        %and3A_109 = arith.constant 4 : i32
        %and3A_110 = vector.broadcast %and3A_109 : i32 to vector<16x8192xi32>
        %and3A_111 = arith.andi %iota3A, %and3A_110 : vector<16x8192xi32>
        %eq3A_112 = arith.constant 0 : i32
        %eq3A_113 = vector.broadcast %eq3A_112 : i32 to vector<16x8192xi32>
        %eq3A_114 = arith.cmpi eq, %and3A_111, %eq3A_113 : vector<16x8192xi32>
        %not3A = arith.constant dense<true> : vector<16x8192xi1>
        %not3A_115 = arith.xori %eq3A_114, %not3A : vector<16x8192xi1>
        %xor3A = arith.xori %eq3A_32, %not3A_115 : vector<16x8192xi1>
        %slice3A_116 = vector.extract_strided_slice %cond3A_90#0 {offsets = [0, 4], sizes = [16, 8188], strides = [1, 1]} : vector<16x8192xf32> to vector<16x8188xf32>
        %slice3A_117 = vector.extract_strided_slice %cond3A_90#0 {offsets = [0, 0], sizes = [16, 4], strides = [1, 1]} : vector<16x8192xf32> to vector<16x4xf32>
        %concatenate3A_118 = tpu.concatenate %slice3A_116, %slice3A_117 in 1 : vector<16x8188xf32>, vector<16x4xf32> -> vector<16x8192xf32>
        %slice3A_119 = vector.extract_strided_slice %cond3A_90#0 {offsets = [0, 8188], sizes = [16, 4], strides = [1, 1]} : vector<16x8192xf32> to vector<16x4xf32>
        %slice3A_120 = vector.extract_strided_slice %cond3A_90#0 {offsets = [0, 0], sizes = [16, 8188], strides = [1, 1]} : vector<16x8192xf32> to vector<16x8188xf32>
        %concatenate3A_121 = tpu.concatenate %slice3A_119, %slice3A_120 in 1 : vector<16x4xf32>, vector<16x8188xf32> -> vector<16x8192xf32>
        %select_n3A = arith.select %eq3A_114, %concatenate3A_118, %concatenate3A_121 : vector<16x8192xi1>, vector<16x8192xf32>
        %slice3A_122 = vector.extract_strided_slice %cond3A_90#1 {offsets = [0, 4], sizes = [16, 8188], strides = [1, 1]} : vector<16x8192xi32> to vector<16x8188xi32>
        %slice3A_123 = vector.extract_strided_slice %cond3A_90#1 {offsets = [0, 0], sizes = [16, 4], strides = [1, 1]} : vector<16x8192xi32> to vector<16x4xi32>
        %concatenate3A_124 = tpu.concatenate %slice3A_122, %slice3A_123 in 1 : vector<16x8188xi32>, vector<16x4xi32> -> vector<16x8192xi32>
        %slice3A_125 = vector.extract_strided_slice %cond3A_90#1 {offsets = [0, 8188], sizes = [16, 4], strides = [1, 1]} : vector<16x8192xi32> to vector<16x4xi32>
        %slice3A_126 = vector.extract_strided_slice %cond3A_90#1 {offsets = [0, 0], sizes = [16, 8188], strides = [1, 1]} : vector<16x8192xi32> to vector<16x8188xi32>
        %concatenate3A_127 = tpu.concatenate %slice3A_125, %slice3A_126 in 1 : vector<16x4xi32>, vector<16x8188xi32> -> vector<16x8192xi32>
        %select_n3A_128 = arith.select %eq3A_114, %concatenate3A_124, %concatenate3A_127 : vector<16x8192xi1>, vector<16x8192xi32>
        %lt3A = arith.cmpf olt, %select_n3A, %cond3A_90#0 : vector<16x8192xf32>
        %eq3A_129 = arith.cmpf oeq, %select_n3A, %cond3A_90#0 : vector<16x8192xf32>
        %lt3A_130 = arith.cmpi slt, %select_n3A_128, %cond3A_90#1 : vector<16x8192xi32>
        %and3A_131 = arith.andi %eq3A_129, %lt3A_130 : vector<16x8192xi1>
        %or3A = arith.ori %lt3A, %and3A_131 : vector<16x8192xi1>
        %xor3A_132 = arith.xori %or3A, %xor3A : vector<16x8192xi1>
        %select_n3A_133 = arith.select %xor3A_132, %select_n3A, %cond3A_90#0 : vector<16x8192xi1>, vector<16x8192xf32>
        %select_n3A_134 = arith.select %xor3A_132, %select_n3A_128, %cond3A_90#1 : vector<16x8192xi1>, vector<16x8192xi32>
        scf.yield %select_n3A_133, %select_n3A_134 : vector<16x8192xf32>, vector<16x8192xi32>
      } else {
        scf.yield %cond3A_90#0, %cond3A_90#1 : vector<16x8192xf32>, vector<16x8192xi32>
      }
      %ge3A_97 = arith.constant 1 : i32
      %ge3A_98 = arith.cmpi sge, %scan3A_23, %ge3A_97 : i32
      %convert_element_type3A_99 = arith.extui %ge3A_98 : i1 to i32
      %cond3A_100 = arith.constant 0 : i32
      %cond3A_101 = arith.cmpi ne, %convert_element_type3A_99, %cond3A_100 : i32
      %cond3A_102:2 = scf.if %cond3A_101 -> (vector<16x8192xf32>, vector<16x8192xi32>) {
        %and3A_109 = arith.constant 2 : i32
        %and3A_110 = vector.broadcast %and3A_109 : i32 to vector<16x8192xi32>
        %and3A_111 = arith.andi %iota3A, %and3A_110 : vector<16x8192xi32>
        %eq3A_112 = arith.constant 0 : i32
        %eq3A_113 = vector.broadcast %eq3A_112 : i32 to vector<16x8192xi32>
        %eq3A_114 = arith.cmpi eq, %and3A_111, %eq3A_113 : vector<16x8192xi32>
        %not3A = arith.constant dense<true> : vector<16x8192xi1>
        %not3A_115 = arith.xori %eq3A_114, %not3A : vector<16x8192xi1>
        %xor3A = arith.xori %eq3A_32, %not3A_115 : vector<16x8192xi1>
        %slice3A_116 = vector.extract_strided_slice %cond3A_96#0 {offsets = [0, 2], sizes = [16, 8190], strides = [1, 1]} : vector<16x8192xf32> to vector<16x8190xf32>
        %slice3A_117 = vector.extract_strided_slice %cond3A_96#0 {offsets = [0, 0], sizes = [16, 2], strides = [1, 1]} : vector<16x8192xf32> to vector<16x2xf32>
        %concatenate3A_118 = tpu.concatenate %slice3A_116, %slice3A_117 in 1 : vector<16x8190xf32>, vector<16x2xf32> -> vector<16x8192xf32>
        %slice3A_119 = vector.extract_strided_slice %cond3A_96#0 {offsets = [0, 8190], sizes = [16, 2], strides = [1, 1]} : vector<16x8192xf32> to vector<16x2xf32>
        %slice3A_120 = vector.extract_strided_slice %cond3A_96#0 {offsets = [0, 0], sizes = [16, 8190], strides = [1, 1]} : vector<16x8192xf32> to vector<16x8190xf32>
        %concatenate3A_121 = tpu.concatenate %slice3A_119, %slice3A_120 in 1 : vector<16x2xf32>, vector<16x8190xf32> -> vector<16x8192xf32>
        %select_n3A = arith.select %eq3A_114, %concatenate3A_118, %concatenate3A_121 : vector<16x8192xi1>, vector<16x8192xf32>
        %slice3A_122 = vector.extract_strided_slice %cond3A_96#1 {offsets = [0, 2], sizes = [16, 8190], strides = [1, 1]} : vector<16x8192xi32> to vector<16x8190xi32>
        %slice3A_123 = vector.extract_strided_slice %cond3A_96#1 {offsets = [0, 0], sizes = [16, 2], strides = [1, 1]} : vector<16x8192xi32> to vector<16x2xi32>
        %concatenate3A_124 = tpu.concatenate %slice3A_122, %slice3A_123 in 1 : vector<16x8190xi32>, vector<16x2xi32> -> vector<16x8192xi32>
        %slice3A_125 = vector.extract_strided_slice %cond3A_96#1 {offsets = [0, 8190], sizes = [16, 2], strides = [1, 1]} : vector<16x8192xi32> to vector<16x2xi32>
        %slice3A_126 = vector.extract_strided_slice %cond3A_96#1 {offsets = [0, 0], sizes = [16, 8190], strides = [1, 1]} : vector<16x8192xi32> to vector<16x8190xi32>
        %concatenate3A_127 = tpu.concatenate %slice3A_125, %slice3A_126 in 1 : vector<16x2xi32>, vector<16x8190xi32> -> vector<16x8192xi32>
        %select_n3A_128 = arith.select %eq3A_114, %concatenate3A_124, %concatenate3A_127 : vector<16x8192xi1>, vector<16x8192xi32>
        %lt3A = arith.cmpf olt, %select_n3A, %cond3A_96#0 : vector<16x8192xf32>
        %eq3A_129 = arith.cmpf oeq, %select_n3A, %cond3A_96#0 : vector<16x8192xf32>
        %lt3A_130 = arith.cmpi slt, %select_n3A_128, %cond3A_96#1 : vector<16x8192xi32>
        %and3A_131 = arith.andi %eq3A_129, %lt3A_130 : vector<16x8192xi1>
        %or3A = arith.ori %lt3A, %and3A_131 : vector<16x8192xi1>
        %xor3A_132 = arith.xori %or3A, %xor3A : vector<16x8192xi1>
        %select_n3A_133 = arith.select %xor3A_132, %select_n3A, %cond3A_96#0 : vector<16x8192xi1>, vector<16x8192xf32>
        %select_n3A_134 = arith.select %xor3A_132, %select_n3A_128, %cond3A_96#1 : vector<16x8192xi1>, vector<16x8192xi32>
        scf.yield %select_n3A_133, %select_n3A_134 : vector<16x8192xf32>, vector<16x8192xi32>
      } else {
        scf.yield %cond3A_96#0, %cond3A_96#1 : vector<16x8192xf32>, vector<16x8192xi32>
      }
      %ge3A_103 = arith.constant 0 : i32
      %ge3A_104 = arith.cmpi sge, %scan3A_23, %ge3A_103 : i32
      %convert_element_type3A_105 = arith.extui %ge3A_104 : i1 to i32
      %cond3A_106 = arith.constant 0 : i32
      %cond3A_107 = arith.cmpi ne, %convert_element_type3A_105, %cond3A_106 : i32
      %cond3A_108:2 = scf.if %cond3A_107 -> (vector<16x8192xf32>, vector<16x8192xi32>) {
        %and3A_109 = arith.constant 1 : i32
        %and3A_110 = vector.broadcast %and3A_109 : i32 to vector<16x8192xi32>
        %and3A_111 = arith.andi %iota3A, %and3A_110 : vector<16x8192xi32>
        %eq3A_112 = arith.constant 0 : i32
        %eq3A_113 = vector.broadcast %eq3A_112 : i32 to vector<16x8192xi32>
        %eq3A_114 = arith.cmpi eq, %and3A_111, %eq3A_113 : vector<16x8192xi32>
        %not3A = arith.constant dense<true> : vector<16x8192xi1>
        %not3A_115 = arith.xori %eq3A_114, %not3A : vector<16x8192xi1>
        %xor3A = arith.xori %eq3A_32, %not3A_115 : vector<16x8192xi1>
        %slice3A_116 = vector.extract_strided_slice %cond3A_102#0 {offsets = [0, 1], sizes = [16, 8191], strides = [1, 1]} : vector<16x8192xf32> to vector<16x8191xf32>
        %slice3A_117 = vector.extract_strided_slice %cond3A_102#0 {offsets = [0, 0], sizes = [16, 1], strides = [1, 1]} : vector<16x8192xf32> to vector<16x1xf32>
        %concatenate3A_118 = tpu.concatenate %slice3A_116, %slice3A_117 in 1 : vector<16x8191xf32>, vector<16x1xf32> -> vector<16x8192xf32>
        %slice3A_119 = vector.extract_strided_slice %cond3A_102#0 {offsets = [0, 8191], sizes = [16, 1], strides = [1, 1]} : vector<16x8192xf32> to vector<16x1xf32>
        %slice3A_120 = vector.extract_strided_slice %cond3A_102#0 {offsets = [0, 0], sizes = [16, 8191], strides = [1, 1]} : vector<16x8192xf32> to vector<16x8191xf32>
        %concatenate3A_121 = tpu.concatenate %slice3A_119, %slice3A_120 in 1 : vector<16x1xf32>, vector<16x8191xf32> -> vector<16x8192xf32>
        %select_n3A = arith.select %eq3A_114, %concatenate3A_118, %concatenate3A_121 : vector<16x8192xi1>, vector<16x8192xf32>
        %slice3A_122 = vector.extract_strided_slice %cond3A_102#1 {offsets = [0, 1], sizes = [16, 8191], strides = [1, 1]} : vector<16x8192xi32> to vector<16x8191xi32>
        %slice3A_123 = vector.extract_strided_slice %cond3A_102#1 {offsets = [0, 0], sizes = [16, 1], strides = [1, 1]} : vector<16x8192xi32> to vector<16x1xi32>
        %concatenate3A_124 = tpu.concatenate %slice3A_122, %slice3A_123 in 1 : vector<16x8191xi32>, vector<16x1xi32> -> vector<16x8192xi32>
        %slice3A_125 = vector.extract_strided_slice %cond3A_102#1 {offsets = [0, 8191], sizes = [16, 1], strides = [1, 1]} : vector<16x8192xi32> to vector<16x1xi32>
        %slice3A_126 = vector.extract_strided_slice %cond3A_102#1 {offsets = [0, 0], sizes = [16, 8191], strides = [1, 1]} : vector<16x8192xi32> to vector<16x8191xi32>
        %concatenate3A_127 = tpu.concatenate %slice3A_125, %slice3A_126 in 1 : vector<16x1xi32>, vector<16x8191xi32> -> vector<16x8192xi32>
        %select_n3A_128 = arith.select %eq3A_114, %concatenate3A_124, %concatenate3A_127 : vector<16x8192xi1>, vector<16x8192xi32>
        %lt3A = arith.cmpf olt, %select_n3A, %cond3A_102#0 : vector<16x8192xf32>
        %eq3A_129 = arith.cmpf oeq, %select_n3A, %cond3A_102#0 : vector<16x8192xf32>
        %lt3A_130 = arith.cmpi slt, %select_n3A_128, %cond3A_102#1 : vector<16x8192xi32>
        %and3A_131 = arith.andi %eq3A_129, %lt3A_130 : vector<16x8192xi1>
        %or3A = arith.ori %lt3A, %and3A_131 : vector<16x8192xi1>
        %xor3A_132 = arith.xori %or3A, %xor3A : vector<16x8192xi1>
        %select_n3A_133 = arith.select %xor3A_132, %select_n3A, %cond3A_102#0 : vector<16x8192xi1>, vector<16x8192xf32>
        %select_n3A_134 = arith.select %xor3A_132, %select_n3A_128, %cond3A_102#1 : vector<16x8192xi1>, vector<16x8192xi32>
        scf.yield %select_n3A_133, %select_n3A_134 : vector<16x8192xf32>, vector<16x8192xi32>
      } else {
        scf.yield %cond3A_102#0, %cond3A_102#1 : vector<16x8192xf32>, vector<16x8192xi32>
      }
      scf.yield %cond3A_108#0, %cond3A_108#1 : vector<16x8192xf32>, vector<16x8192xi32>
    }
    %scan3A_19 = arith.constant 13 : i32
    %slice3A_20 = vector.extract_strided_slice %scan3A_18#1 {offsets = [0, 0], sizes = [16, 2432], strides = [1, 1]} : vector<16x8192xi32> to vector<16x2432xi32>
    %swap3A = arith.constant 0 : index
    %swap3A_21 = arith.constant 0 : index
    %swap3A_22 = vector.load %arg3[%swap3A, %swap3A_21] : memref<16x2432xi32, #tpu.memory_space<vmem>>, vector<16x2432xi32>
    tpu.vector_store %arg3[%swap3A, %swap3A_21], %slice3A_20 {strides = array<i32>} : memref<16x2432xi32, #tpu.memory_space<vmem>>, vector<16x2432xi32>,
    return
  }
  func.func @transform_0(%arg0: i32) -> (i32, i32) {
    %c0_i32 = arith.constant 0 : i32
    %c0_i32_0 = arith.constant 0 : i32
    return %arg0, %c0_i32 : i32, i32
  }
  func.func @transform_1(%arg0: i32) -> (i32, i32) {
    %c0_i32 = arith.constant 0 : i32
    %c0_i32_0 = arith.constant 0 : i32
    %c0_i32_1 = arith.constant 0 : i32
    return %c0_i32, %c0_i32_0 : i32, i32
  }
  func.func @transform_2(%arg0: i32) -> (i32, i32) {
    %c0_i32 = arith.constant 0 : i32
    %c0_i32_0 = arith.constant 0 : i32
    return %arg0, %c0_i32 : i32, i32
  }
}

module attributes {stable_mosaic.version = 14 : i64} {
  func.func @_xt_p1_kernel(%arg0: i32, %arg1: memref<512x24xf32, #tpu.memory_space<vmem>>, %arg2: memref<24x24xf32, #tpu.memory_space<vmem>>, %arg3: memref<24x24xf32, #tpu.memory_space<vmem>>, %arg4: memref<1x24xf32, #tpu.memory_space<vmem>>, %arg5: memref<512x128xf32, #tpu.memory_space<vmem>>, %arg6: memref<512x24xf32, #tpu.memory_space<vmem>>) attributes {dimension_semantics = [#tpu.dimension_semantics<arbitrary>], iteration_bounds = array<i64: 12>, scalar_prefetch = 0 : i64, scratch_operands = 0 : i64, tpu.core_type = #tpu.core_type<tc>, window_params = [{transform_indices = @transform_0, window_bounds = array<i64: 512, 24>}, {pipeline_mode = #tpu.pipeline_mode<synchronous>, transform_indices = @transform_1, window_bounds = array<i64: 24, 24>}, {pipeline_mode = #tpu.pipeline_mode<synchronous>, transform_indices = @transform_2, window_bounds = array<i64: 24, 24>}, {pipeline_mode = #tpu.pipeline_mode<synchronous>, transform_indices = @transform_3, window_bounds = array<i64: 1, 24>}, {transform_indices = @transform_4, window_bounds = array<i64: 512, 128>}, {transform_indices = @transform_5, window_bounds = array<i64: 512, 24>}]} {
    %get3A = arith.constant 0 : index
    %get3A_0 = arith.constant 0 : index
    %get3A_1 = vector.load %arg1[%get3A, %get3A_0] : memref<512x24xf32, #tpu.memory_space<vmem>>, vector<512x24xf32>
    %get3A_2 = arith.constant 0 : index
    %get3A_3 = arith.constant 0 : index
    %get3A_4 = vector.load %arg2[%get3A_2, %get3A_3] : memref<24x24xf32, #tpu.memory_space<vmem>>, vector<24x24xf32>
    %convert_element_type3A = arith.truncf %get3A_1 : vector<512x24xf32> to vector<512x24xbf16>
    %convert_element_type3A_5 = arith.truncf %get3A_4 : vector<24x24xf32> to vector<24x24xbf16>
    %dot_general3A = arith.constant dense<0.000000e+00> : vector<512x24xf32>
    %dot_general3A_6 = tpu.matmul %convert_element_type3A, %convert_element_type3A_5, %dot_general3A {dimension_numbers = #tpu.dot_dimension_numbers<[1], [0], [0], [1], [0, 0, 1, 1], [], []>, transpose_lhs_hint = false} : vector<512x24xbf16>, vector<24x24xbf16>, vector<512x24xf32> -> vector<512x24xf32>
    %broadcast_in_dim3A = arith.constant 0.000000e+00 : f32
    %broadcast_in_dim3A_7 = vector.broadcast %broadcast_in_dim3A : f32 to vector<512x104xf32>
    %concatenate3A = tpu.concatenate %dot_general3A_6, %broadcast_in_dim3A_7 in 1 : vector<512x24xf32>, vector<512x104xf32> -> vector<512x128xf32>
    %swap3A = arith.constant 0 : index
    %swap3A_8 = arith.constant 0 : index
    %swap3A_9 = vector.load %arg5[%swap3A, %swap3A_8] : memref<512x128xf32, #tpu.memory_space<vmem>>, vector<512x128xf32>
    tpu.vector_store %arg5[%swap3A, %swap3A_8], %concatenate3A {strides = array<i32>} : memref<512x128xf32, #tpu.memory_space<vmem>>, vector<512x128xf32>,
    %get3A_10 = arith.constant 0 : index
    %get3A_11 = arith.constant 0 : index
    %get3A_12 = vector.load %arg3[%get3A_10, %get3A_11] : memref<24x24xf32, #tpu.memory_space<vmem>>, vector<24x24xf32>
    %convert_element_type3A_13 = arith.truncf %dot_general3A_6 : vector<512x24xf32> to vector<512x24xbf16>
    %convert_element_type3A_14 = arith.truncf %get3A_12 : vector<24x24xf32> to vector<24x24xbf16>
    %dot_general3A_15 = arith.constant dense<0.000000e+00> : vector<512x24xf32>
    %dot_general3A_16 = tpu.matmul %convert_element_type3A_13, %convert_element_type3A_14, %dot_general3A_15 {dimension_numbers = #tpu.dot_dimension_numbers<[1], [0], [0], [1], [0, 0, 1, 1], [], []>, transpose_lhs_hint = false} : vector<512x24xbf16>, vector<24x24xbf16>, vector<512x24xf32> -> vector<512x24xf32>
    %get3A_17 = arith.constant 0 : index
    %get3A_18 = arith.constant 0 : index
    %get3A_19 = vector.load %arg4[%get3A_17, %get3A_18] : memref<1x24xf32, #tpu.memory_space<vmem>>, vector<1x24xf32>
    %add3A = vector.broadcast %get3A_19 : vector<1x24xf32> to vector<512x24xf32>
    %add3A_20 = arith.addf %dot_general3A_16, %add3A : vector<512x24xf32>
    %swap3A_21 = arith.constant 0 : index
    %swap3A_22 = arith.constant 0 : index
    %swap3A_23 = vector.load %arg6[%swap3A_21, %swap3A_22] : memref<512x24xf32, #tpu.memory_space<vmem>>, vector<512x24xf32>
    tpu.vector_store %arg6[%swap3A_21, %swap3A_22], %add3A_20 {strides = array<i32>} : memref<512x24xf32, #tpu.memory_space<vmem>>, vector<512x24xf32>,
    return
  }
  func.func @transform_0(%arg0: i32) -> (i32, i32) {
    %c0_i32 = arith.constant 0 : i32
    %c0_i32_0 = arith.constant 0 : i32
    return %arg0, %c0_i32 : i32, i32
  }
  func.func @transform_1(%arg0: i32) -> (i32, i32) {
    %c0_i32 = arith.constant 0 : i32
    %c0_i32_0 = arith.constant 0 : i32
    %c0_i32_1 = arith.constant 0 : i32
    return %c0_i32, %c0_i32_0 : i32, i32
  }
  func.func @transform_2(%arg0: i32) -> (i32, i32) {
    %c0_i32 = arith.constant 0 : i32
    %c0_i32_0 = arith.constant 0 : i32
    %c0_i32_1 = arith.constant 0 : i32
    return %c0_i32, %c0_i32_0 : i32, i32
  }
  func.func @transform_3(%arg0: i32) -> (i32, i32) {
    %c0_i32 = arith.constant 0 : i32
    %c0_i32_0 = arith.constant 0 : i32
    %c0_i32_1 = arith.constant 0 : i32
    return %c0_i32, %c0_i32_0 : i32, i32
  }
  func.func @transform_4(%arg0: i32) -> (i32, i32) {
    %c0_i32 = arith.constant 0 : i32
    %c0_i32_0 = arith.constant 0 : i32
    return %arg0, %c0_i32 : i32, i32
  }
  func.func @transform_5(%arg0: i32) -> (i32, i32) {
    %c0_i32 = arith.constant 0 : i32
    %c0_i32_0 = arith.constant 0 : i32
    return %arg0, %c0_i32 : i32, i32
  }
}

module attributes {stable_mosaic.version = 14 : i64} {
  func.func @_comb_kernel(%arg0: i32, %arg1: memref<256x24xf32, #tpu.memory_space<vmem>>, %arg2: memref<256x32x128xf32, #tpu.memory_space<vmem>>, %arg3: memref<256x24xf32, #tpu.memory_space<vmem>>, %arg4: memref<24x24xf32, #tpu.memory_space<vmem>>, %arg5: memref<24x24xf32, #tpu.memory_space<vmem>>, %arg6: memref<1x24xf32, #tpu.memory_space<vmem>>, %arg7: memref<24x24xf32, #tpu.memory_space<vmem>>, %arg8: memref<1x24xf32, #tpu.memory_space<vmem>>, %arg9: memref<256x24xf32, #tpu.memory_space<vmem>>, %arg10: memref<256x128xf32, #tpu.memory_space<vmem>>, %arg11: memref<256x24xf32, #tpu.memory_space<vmem>>) attributes {dimension_semantics = [#tpu.dimension_semantics<arbitrary>], iteration_bounds = array<i64: 24>, scalar_prefetch = 0 : i64, scratch_operands = 0 : i64, tpu.core_type = #tpu.core_type<tc>, window_params = [{transform_indices = @transform_0, window_bounds = array<i64: 256, 24>}, {transform_indices = @transform_1, window_bounds = array<i64: 256, 32, 128>}, {transform_indices = @transform_2, window_bounds = array<i64: 256, 24>}, {pipeline_mode = #tpu.pipeline_mode<synchronous>, transform_indices = @transform_3, window_bounds = array<i64: 24, 24>}, {pipeline_mode = #tpu.pipeline_mode<synchronous>, transform_indices = @transform_4, window_bounds = array<i64: 24, 24>}, {pipeline_mode = #tpu.pipeline_mode<synchronous>, transform_indices = @transform_5, window_bounds = array<i64: 1, 24>}, {pipeline_mode = #tpu.pipeline_mode<synchronous>, transform_indices = @transform_6, window_bounds = array<i64: 24, 24>}, {pipeline_mode = #tpu.pipeline_mode<synchronous>, transform_indices = @transform_7, window_bounds = array<i64: 1, 24>}, {transform_indices = @transform_8, window_bounds = array<i64: 256, 24>}, {transform_indices = @transform_9, window_bounds = array<i64: 256, 128>}, {transform_indices = @transform_10, window_bounds = array<i64: 256, 24>}]} {
    %get3A = arith.constant 0 : index
    %get3A_0 = arith.constant 0 : index
    %get3A_1 = vector.load %arg1[%get3A, %get3A_0] : memref<256x24xf32, #tpu.memory_space<vmem>>, vector<256x24xf32>
    %get3A_2 = arith.constant 0 : index
    %get3A_3 = arith.constant 0 : index
    %get3A_4 = arith.constant 0 : index
    %get3A_5 = vector.load %arg2[%get3A_2, %get3A_3, %get3A_4] : memref<256x32x128xf32, #tpu.memory_space<vmem>>, vector<256x32x128xf32>
    %get3A_6 = arith.constant 0 : index
    %get3A_7 = arith.constant 0 : index
    %get3A_8 = vector.load %arg3[%get3A_6, %get3A_7] : memref<256x24xf32, #tpu.memory_space<vmem>>, vector<256x24xf32>
    %get3A_9 = arith.constant 0 : index
    %get3A_10 = arith.constant 0 : index
    %get3A_11 = vector.load %arg4[%get3A_9, %get3A_10] : memref<24x24xf32, #tpu.memory_space<vmem>>, vector<24x24xf32>
    %slice3A = vector.extract_strided_slice %get3A_5 {offsets = [0, 0, 0], sizes = [256, 32, 24], strides = [1, 1, 1]} : vector<256x32x128xf32> to vector<256x32x24xf32>
    %broadcast_in_dim3A = vector.shape_cast %get3A_8 : vector<256x24xf32> to vector<256x1x24xf32>
    %sub3A = vector.broadcast %broadcast_in_dim3A : vector<256x1x24xf32> to vector<256x32x24xf32>
    %sub3A_12 = arith.subf %slice3A, %sub3A : vector<256x32x24xf32>
    %reshape3A = vector.shape_cast %sub3A_12 : vector<256x32x24xf32> to vector<8192x24xf32>
    %convert_element_type3A = arith.truncf %reshape3A : vector<8192x24xf32> to vector<8192x24xbf16>
    %convert_element_type3A_13 = arith.truncf %get3A_11 : vector<24x24xf32> to vector<24x24xbf16>
    %dot_general3A = arith.constant dense<0.000000e+00> : vector<8192x24xf32>
    %dot_general3A_14 = tpu.matmul %convert_element_type3A, %convert_element_type3A_13, %dot_general3A {dimension_numbers = #tpu.dot_dimension_numbers<[1], [0], [0], [1], [0, 0, 1, 1], [], []>, transpose_lhs_hint = false} : vector<8192x24xbf16>, vector<24x24xbf16>, vector<8192x24xf32> -> vector<8192x24xf32>
    %reshape3A_15 = vector.shape_cast %dot_general3A_14 : vector<8192x24xf32> to vector<256x32x24xf32>
    %broadcast_in_dim3A_16 = vector.shape_cast %get3A_1 : vector<256x24xf32> to vector<256x1x24xf32>
    %add3A = vector.broadcast %broadcast_in_dim3A_16 : vector<256x1x24xf32> to vector<256x32x24xf32>
    %add3A_17 = arith.addf %add3A, %reshape3A_15 : vector<256x32x24xf32>
    %max3A = arith.constant 0.000000e+00 : f32
    %max3A_18 = vector.broadcast %max3A : f32 to vector<256x32x24xf32>
    %max3A_19 = arith.maximumf %add3A_17, %max3A_18 : vector<256x32x24xf32>
    %reduce_max3A = arith.constant dense<0xFF800000> : vector<256x24xf32>
    %reduce_max3A_20 = vector.multi_reduction <maximumf>, %max3A_19, %reduce_max3A [1] : vector<256x32x24xf32> to vector<256x24xf32>
    %get3A_21 = arith.constant 0 : index
    %get3A_22 = arith.constant 0 : index
    %get3A_23 = vector.load %arg5[%get3A_21, %get3A_22] : memref<24x24xf32, #tpu.memory_space<vmem>>, vector<24x24xf32>
    %convert_element_type3A_24 = arith.truncf %reduce_max3A_20 : vector<256x24xf32> to vector<256x24xbf16>
    %convert_element_type3A_25 = arith.truncf %get3A_23 : vector<24x24xf32> to vector<24x24xbf16>
    %dot_general3A_26 = arith.constant dense<0.000000e+00> : vector<256x24xf32>
    %dot_general3A_27 = tpu.matmul %convert_element_type3A_24, %convert_element_type3A_25, %dot_general3A_26 {dimension_numbers = #tpu.dot_dimension_numbers<[1], [0], [0], [1], [0, 0, 1, 1], [], []>, transpose_lhs_hint = false} : vector<256x24xbf16>, vector<24x24xbf16>, vector<256x24xf32> -> vector<256x24xf32>
    %get3A_28 = arith.constant 0 : index
    %get3A_29 = arith.constant 0 : index
    %get3A_30 = vector.load %arg6[%get3A_28, %get3A_29] : memref<1x24xf32, #tpu.memory_space<vmem>>, vector<1x24xf32>
    %add3A_31 = vector.broadcast %get3A_30 : vector<1x24xf32> to vector<256x24xf32>
    %add3A_32 = arith.addf %dot_general3A_27, %add3A_31 : vector<256x24xf32>
    %max3A_33 = arith.constant 0.000000e+00 : f32
    %max3A_34 = vector.broadcast %max3A_33 : f32 to vector<256x24xf32>
    %max3A_35 = arith.maximumf %add3A_32, %max3A_34 : vector<256x24xf32>
    %swap3A = arith.constant 0 : index
    %swap3A_36 = arith.constant 0 : index
    %swap3A_37 = vector.load %arg9[%swap3A, %swap3A_36] : memref<256x24xf32, #tpu.memory_space<vmem>>, vector<256x24xf32>
    tpu.vector_store %arg9[%swap3A, %swap3A_36], %max3A_35 {strides = array<i32>} : memref<256x24xf32, #tpu.memory_space<vmem>>, vector<256x24xf32>,
    %broadcast_in_dim3A_38 = arith.constant 0.000000e+00 : f32
    %broadcast_in_dim3A_39 = vector.broadcast %broadcast_in_dim3A_38 : f32 to vector<256x104xf32>
    %concatenate3A = tpu.concatenate %max3A_35, %broadcast_in_dim3A_39 in 1 : vector<256x24xf32>, vector<256x104xf32> -> vector<256x128xf32>
    %swap3A_40 = arith.constant 0 : index
    %swap3A_41 = arith.constant 0 : index
    %swap3A_42 = vector.load %arg10[%swap3A_40, %swap3A_41] : memref<256x128xf32, #tpu.memory_space<vmem>>, vector<256x128xf32>
    tpu.vector_store %arg10[%swap3A_40, %swap3A_41], %concatenate3A {strides = array<i32>} : memref<256x128xf32, #tpu.memory_space<vmem>>, vector<256x128xf32>,
    %get3A_43 = arith.constant 0 : index
    %get3A_44 = arith.constant 0 : index
    %get3A_45 = vector.load %arg7[%get3A_43, %get3A_44] : memref<24x24xf32, #tpu.memory_space<vmem>>, vector<24x24xf32>
    %convert_element_type3A_46 = arith.truncf %max3A_35 : vector<256x24xf32> to vector<256x24xbf16>
    %convert_element_type3A_47 = arith.truncf %get3A_45 : vector<24x24xf32> to vector<24x24xbf16>
    %dot_general3A_48 = arith.constant dense<0.000000e+00> : vector<256x24xf32>
    %dot_general3A_49 = tpu.matmul %convert_element_type3A_46, %convert_element_type3A_47, %dot_general3A_48 {dimension_numbers = #tpu.dot_dimension_numbers<[1], [0], [0], [1], [0, 0, 1, 1], [], []>, transpose_lhs_hint = false} : vector<256x24xbf16>, vector<24x24xbf16>, vector<256x24xf32> -> vector<256x24xf32>
    %get3A_50 = arith.constant 0 : index
    %get3A_51 = arith.constant 0 : index
    %get3A_52 = vector.load %arg8[%get3A_50, %get3A_51] : memref<1x24xf32, #tpu.memory_space<vmem>>, vector<1x24xf32>
    %add3A_53 = vector.broadcast %get3A_52 : vector<1x24xf32> to vector<256x24xf32>
    %add3A_54 = arith.addf %dot_general3A_49, %add3A_53 : vector<256x24xf32>
    %swap3A_55 = arith.constant 0 : index
    %swap3A_56 = arith.constant 0 : index
    %swap3A_57 = vector.load %arg11[%swap3A_55, %swap3A_56] : memref<256x24xf32, #tpu.memory_space<vmem>>, vector<256x24xf32>
    tpu.vector_store %arg11[%swap3A_55, %swap3A_56], %add3A_54 {strides = array<i32>} : memref<256x24xf32, #tpu.memory_space<vmem>>, vector<256x24xf32>,
    return
  }
  func.func @transform_0(%arg0: i32) -> (i32, i32) {
    %c0_i32 = arith.constant 0 : i32
    %c0_i32_0 = arith.constant 0 : i32
    return %arg0, %c0_i32 : i32, i32
  }
  func.func @transform_1(%arg0: i32) -> (i32, i32, i32) {
    %c0_i32 = arith.constant 0 : i32
    %c0_i32_0 = arith.constant 0 : i32
    %c0_i32_1 = arith.constant 0 : i32
    return %arg0, %c0_i32, %c0_i32_0 : i32, i32, i32
  }
  func.func @transform_2(%arg0: i32) -> (i32, i32) {
    %c0_i32 = arith.constant 0 : i32
    %c0_i32_0 = arith.constant 0 : i32
    return %arg0, %c0_i32 : i32, i32
  }
  func.func @transform_3(%arg0: i32) -> (i32, i32) {
    %c0_i32 = arith.constant 0 : i32
    %c0_i32_0 = arith.constant 0 : i32
    %c0_i32_1 = arith.constant 0 : i32
    return %c0_i32, %c0_i32_0 : i32, i32
  }
  func.func @transform_4(%arg0: i32) -> (i32, i32) {
    %c0_i32 = arith.constant 0 : i32
    %c0_i32_0 = arith.constant 0 : i32
    %c0_i32_1 = arith.constant 0 : i32
    return %c0_i32, %c0_i32_0 : i32, i32
  }
  func.func @transform_5(%arg0: i32) -> (i32, i32) {
    %c0_i32 = arith.constant 0 : i32
    %c0_i32_0 = arith.constant 0 : i32
    %c0_i32_1 = arith.constant 0 : i32
    return %c0_i32, %c0_i32_0 : i32, i32
  }
  func.func @transform_6(%arg0: i32) -> (i32, i32) {
    %c0_i32 = arith.constant 0 : i32
    %c0_i32_0 = arith.constant 0 : i32
    %c0_i32_1 = arith.constant 0 : i32
    return %c0_i32, %c0_i32_0 : i32, i32
  }
  func.func @transform_7(%arg0: i32) -> (i32, i32) {
    %c0_i32 = arith.constant 0 : i32
    %c0_i32_0 = arith.constant 0 : i32
    %c0_i32_1 = arith.constant 0 : i32
    return %c0_i32, %c0_i32_0 : i32, i32
  }
  func.func @transform_8(%arg0: i32) -> (i32, i32) {
    %c0_i32 = arith.constant 0 : i32
    %c0_i32_0 = arith.constant 0 : i32
    return %arg0, %c0_i32 : i32, i32
  }
  func.func @transform_9(%arg0: i32) -> (i32, i32) {
    %c0_i32 = arith.constant 0 : i32
    %c0_i32_0 = arith.constant 0 : i32
    return %arg0, %c0_i32 : i32, i32
  }
  func.func @transform_10(%arg0: i32) -> (i32, i32) {
    %c0_i32 = arith.constant 0 : i32
    %c0_i32_0 = arith.constant 0 : i32
    return %arg0, %c0_i32 : i32, i32
  }
}

module attributes {stable_mosaic.version = 14 : i64} {
  func.func @_knn_kernel(%arg0: i32, %arg1: memref<32x32xf32, #tpu.memory_space<vmem>>, %arg2: memref<32x6144xf32, #tpu.memory_space<vmem>>, %arg3: memref<32x32xi32, #tpu.memory_space<vmem>>) attributes {dimension_semantics = [#tpu.dimension_semantics<arbitrary>], iteration_bounds = array<i64: 192>, scalar_prefetch = 0 : i64, scratch_operands = 0 : i64, tpu.core_type = #tpu.core_type<tc>, window_params = [{transform_indices = @transform_0, window_bounds = array<i64: 32, 32>}, {pipeline_mode = #tpu.pipeline_mode<synchronous>, transform_indices = @transform_1, window_bounds = array<i64: 32, 6144>}, {transform_indices = @transform_2, window_bounds = array<i64: 32, 32>}]} {
    %get3A = arith.constant 0 : index
    %get3A_0 = arith.constant 0 : index
    %get3A_1 = vector.load %arg1[%get3A, %get3A_0] : memref<32x32xf32, #tpu.memory_space<vmem>>, vector<32x32xf32>
    %get3A_2 = arith.constant 0 : index
    %get3A_3 = arith.constant 0 : index
    %get3A_4 = vector.load %arg2[%get3A_2, %get3A_3] : memref<32x6144xf32, #tpu.memory_space<vmem>>, vector<32x6144xf32>
    %slice3A = vector.extract_strided_slice %get3A_1 {offsets = [0, 24], sizes = [32, 1], strides = [1, 1]} : vector<32x32xf32> to vector<32x1xf32>
    %slice3A_5 = vector.extract_strided_slice %get3A_4 {offsets = [24, 0], sizes = [1, 6144], strides = [1, 1]} : vector<32x6144xf32> to vector<1x6144xf32>
    %add3A = vector.broadcast %slice3A : vector<32x1xf32> to vector<32x6144xf32>
    %add3A_6 = vector.broadcast %slice3A_5 : vector<1x6144xf32> to vector<32x6144xf32>
    %add3A_7 = arith.addf %add3A, %add3A_6 : vector<32x6144xf32>
    %slice3A_8 = vector.extract_strided_slice %get3A_1 {offsets = [0, 0], sizes = [32, 24], strides = [1, 1]} : vector<32x32xf32> to vector<32x24xf32>
    %slice3A_9 = vector.extract_strided_slice %get3A_4 {offsets = [0, 0], sizes = [24, 6144], strides = [1, 1]} : vector<32x6144xf32> to vector<24x6144xf32>
    %convert_element_type3A = arith.truncf %slice3A_8 : vector<32x24xf32> to vector<32x24xbf16>
    %convert_element_type3A_10 = arith.truncf %slice3A_9 : vector<24x6144xf32> to vector<24x6144xbf16>
    %dot_general3A = arith.constant dense<0.000000e+00> : vector<32x6144xf32>
    %dot_general3A_11 = tpu.matmul %convert_element_type3A, %convert_element_type3A_10, %dot_general3A {dimension_numbers = #tpu.dot_dimension_numbers<[1], [0], [0], [1], [0, 0, 1, 1], [], []>, transpose_lhs_hint = false} : vector<32x24xbf16>, vector<24x6144xbf16>, vector<32x6144xf32> -> vector<32x6144xf32>
    %mul3A = arith.constant 2.000000e+00 : f32
    %mul3A_12 = vector.broadcast %mul3A : f32 to vector<32x6144xf32>
    %mul3A_13 = arith.mulf %mul3A_12, %dot_general3A_11 : vector<32x6144xf32>
    %sub3A = arith.subf %add3A_7, %mul3A_13 : vector<32x6144xf32>
    %iota3A = tpu.iota {dimensions = array<i32: 1>} : vector<32x8192xi32>
    %iota3A_14 = tpu.iota {dimensions = array<i32: 1>} : vector<32x32xi32>
    %broadcast_in_dim3A = arith.constant 0x7F800000 : f32
    %broadcast_in_dim3A_15 = vector.broadcast %broadcast_in_dim3A : f32 to vector<32x2048xf32>
    %concatenate3A = tpu.concatenate %sub3A, %broadcast_in_dim3A_15 in 1 : vector<32x6144xf32>, vector<32x2048xf32> -> vector<32x8192xf32>
    %broadcast_in_dim3A_16 = arith.constant 0 : i32
    %broadcast_in_dim3A_17 = vector.broadcast %broadcast_in_dim3A_16 : i32 to vector<32x32xi32>
    %scan3A = arith.constant 0 : i32
    %scan3A_18 = arith.constant 33 : i32
    %scan3A_19 = arith.addi %scan3A, %scan3A_18 : i32
    %scan3A_20 = arith.constant 1 : i32
    %scan3A_21:2 = scf.for %scan3A_25 = %scan3A to %scan3A_19 step %scan3A_20 iter_args(%scan3A_26 = %concatenate3A, %scan3A_27 = %broadcast_in_dim3A_17) -> (vector<32x8192xf32>, vector<32x32xi32>)  : i32 {
      %reduce_min3A = arith.constant dense<0x7F800000> : vector<32xf32>
      %reduce_min3A_28 = vector.multi_reduction <minimumf>, %scan3A_26, %reduce_min3A [1] : vector<32x8192xf32> to vector<32xf32>
      %broadcast_in_dim3A_29 = vector.shape_cast %reduce_min3A_28 : vector<32xf32> to vector<32x1xf32>
      %eq3A = vector.broadcast %broadcast_in_dim3A_29 : vector<32x1xf32> to vector<32x8192xf32>
      %eq3A_30 = arith.cmpf oeq, %scan3A_26, %eq3A : vector<32x8192xf32>
      %jit3A = arith.constant 8192 : i32
      %broadcast_in_dim3A_31 = vector.broadcast %jit3A : i32 to vector<32x8192xi32>
      %select_n3A = arith.select %eq3A_30, %iota3A, %broadcast_in_dim3A_31 : vector<32x8192xi1>, vector<32x8192xi32>
      %reduce_min3A_32 = arith.constant dense<2147483647> : vector<32xi32>
      %reduce_min3A_33 = vector.multi_reduction <minsi>, %select_n3A, %reduce_min3A_32 [1] : vector<32x8192xi32> to vector<32xi32>
      %broadcast_in_dim3A_34 = vector.shape_cast %reduce_min3A_33 : vector<32xi32> to vector<32x1xi32>
      %sub3A_35 = arith.constant 1 : i32
      %sub3A_36 = arith.subi %scan3A_25, %sub3A_35 : i32
      %eq3A_37 = vector.broadcast %sub3A_36 : i32 to vector<32x32xi32>
      %eq3A_38 = arith.cmpi eq, %iota3A_14, %eq3A_37 : vector<32x32xi32>
      %broadcast_in_dim3A_39 = vector.shape_cast %broadcast_in_dim3A_34 : vector<32x1xi32> to vector<32x1xi32>
      %broadcast_in_dim3A_40 = vector.broadcast %broadcast_in_dim3A_39 : vector<32x1xi32> to vector<32x32xi32>
      %select_n3A_41 = arith.select %eq3A_38, %broadcast_in_dim3A_40, %scan3A_27 : vector<32x32xi1>, vector<32x32xi32>
      %eq3A_42 = vector.broadcast %broadcast_in_dim3A_34 : vector<32x1xi32> to vector<32x8192xi32>
      %eq3A_43 = arith.cmpi eq, %iota3A, %eq3A_42 : vector<32x8192xi32>
      %jit3A_44 = arith.constant 0x7F800000 : f32
      %broadcast_in_dim3A_45 = vector.broadcast %jit3A_44 : f32 to vector<32x8192xf32>
      %select_n3A_46 = arith.select %eq3A_43, %broadcast_in_dim3A_45, %scan3A_26 : vector<32x8192xi1>, vector<32x8192xf32>
      scf.yield %select_n3A_46, %select_n3A_41 : vector<32x8192xf32>, vector<32x32xi32>
    }
    %scan3A_22 = arith.constant 33 : i32
    %swap3A = arith.constant 0 : index
    %swap3A_23 = arith.constant 0 : index
    %swap3A_24 = vector.load %arg3[%swap3A, %swap3A_23] : memref<32x32xi32, #tpu.memory_space<vmem>>, vector<32x32xi32>
    tpu.vector_store %arg3[%swap3A, %swap3A_23], %scan3A_21#1 {strides = array<i32>} : memref<32x32xi32, #tpu.memory_space<vmem>>, vector<32x32xi32>,
    return
  }
  func.func @transform_0(%arg0: i32) -> (i32, i32) {
    %c0_i32 = arith.constant 0 : i32
    %c0_i32_0 = arith.constant 0 : i32
    return %arg0, %c0_i32 : i32, i32
  }
  func.func @transform_1(%arg0: i32) -> (i32, i32) {
    %c0_i32 = arith.constant 0 : i32
    %c0_i32_0 = arith.constant 0 : i32
    %c0_i32_1 = arith.constant 0 : i32
    return %c0_i32, %c0_i32_0 : i32, i32
  }
  func.func @transform_2(%arg0: i32) -> (i32, i32) {
    %c0_i32 = arith.constant 0 : i32
    %c0_i32_0 = arith.constant 0 : i32
    return %arg0, %c0_i32 : i32, i32
  }
}

module attributes {stable_mosaic.version = 14 : i64} {
  func.func @_comb3_kernel(%arg0: i32, %arg1: memref<256x24xf32, #tpu.memory_space<vmem>>, %arg2: memref<256x32x128xf32, #tpu.memory_space<vmem>>, %arg3: memref<256x24xf32, #tpu.memory_space<vmem>>, %arg4: memref<24x24xf32, #tpu.memory_space<vmem>>, %arg5: memref<24x24xf32, #tpu.memory_space<vmem>>, %arg6: memref<1x24xf32, #tpu.memory_space<vmem>>, %arg7: memref<256x24xf32, #tpu.memory_space<vmem>>, %arg8: memref<72x60xf32, #tpu.memory_space<vmem>>, %arg9: memref<1x60xf32, #tpu.memory_space<vmem>>, %arg10: memref<60x60xf32, #tpu.memory_space<vmem>>, %arg11: memref<1x60xf32, #tpu.memory_space<vmem>>, %arg12: memref<256x72xf32, #tpu.memory_space<vmem>>, %arg13: memref<256x60xf32, #tpu.memory_space<vmem>>, %arg14: memref<256x60xf32, #tpu.memory_space<vmem>>, %arg15: memref<256x128xf32, #tpu.memory_space<vmem>>) attributes {dimension_semantics = [#tpu.dimension_semantics<arbitrary>], iteration_bounds = array<i64: 24>, scalar_prefetch = 0 : i64, scratch_operands = 0 : i64, tpu.core_type = #tpu.core_type<tc>, window_params = [{transform_indices = @transform_0, window_bounds = array<i64: 256, 24>}, {transform_indices = @transform_1, window_bounds = array<i64: 256, 32, 128>}, {transform_indices = @transform_2, window_bounds = array<i64: 256, 24>}, {pipeline_mode = #tpu.pipeline_mode<synchronous>, transform_indices = @transform_3, window_bounds = array<i64: 24, 24>}, {pipeline_mode = #tpu.pipeline_mode<synchronous>, transform_indices = @transform_4, window_bounds = array<i64: 24, 24>}, {pipeline_mode = #tpu.pipeline_mode<synchronous>, transform_indices = @transform_5, window_bounds = array<i64: 1, 24>}, {transform_indices = @transform_6, window_bounds = array<i64: 256, 24>}, {pipeline_mode = #tpu.pipeline_mode<synchronous>, transform_indices = @transform_7, window_bounds = array<i64: 72, 60>}, {pipeline_mode = #tpu.pipeline_mode<synchronous>, transform_indices = @transform_8, window_bounds = array<i64: 1, 60>}, {pipeline_mode = #tpu.pipeline_mode<synchronous>, transform_indices = @transform_9, window_bounds = array<i64: 60, 60>}, {pipeline_mode = #tpu.pipeline_mode<synchronous>, transform_indices = @transform_10, window_bounds = array<i64: 1, 60>}, {transform_indices = @transform_11, window_bounds = array<i64: 256, 72>}, {transform_indices = @transform_12, window_bounds = array<i64: 256, 60>}, {transform_indices = @transform_13, window_bounds = array<i64: 256, 60>}, {transform_indices = @transform_14, window_bounds = array<i64: 256, 128>}]} {
    %get3A = arith.constant 0 : index
    %get3A_0 = arith.constant 0 : index
    %get3A_1 = vector.load %arg1[%get3A, %get3A_0] : memref<256x24xf32, #tpu.memory_space<vmem>>, vector<256x24xf32>
    %get3A_2 = arith.constant 0 : index
    %get3A_3 = arith.constant 0 : index
    %get3A_4 = arith.constant 0 : index
    %get3A_5 = vector.load %arg2[%get3A_2, %get3A_3, %get3A_4] : memref<256x32x128xf32, #tpu.memory_space<vmem>>, vector<256x32x128xf32>
    %get3A_6 = arith.constant 0 : index
    %get3A_7 = arith.constant 0 : index
    %get3A_8 = vector.load %arg3[%get3A_6, %get3A_7] : memref<256x24xf32, #tpu.memory_space<vmem>>, vector<256x24xf32>
    %get3A_9 = arith.constant 0 : index
    %get3A_10 = arith.constant 0 : index
    %get3A_11 = vector.load %arg4[%get3A_9, %get3A_10] : memref<24x24xf32, #tpu.memory_space<vmem>>, vector<24x24xf32>
    %slice3A = vector.extract_strided_slice %get3A_5 {offsets = [0, 0, 0], sizes = [256, 32, 24], strides = [1, 1, 1]} : vector<256x32x128xf32> to vector<256x32x24xf32>
    %broadcast_in_dim3A = vector.shape_cast %get3A_8 : vector<256x24xf32> to vector<256x1x24xf32>
    %sub3A = vector.broadcast %broadcast_in_dim3A : vector<256x1x24xf32> to vector<256x32x24xf32>
    %sub3A_12 = arith.subf %slice3A, %sub3A : vector<256x32x24xf32>
    %reshape3A = vector.shape_cast %sub3A_12 : vector<256x32x24xf32> to vector<8192x24xf32>
    %convert_element_type3A = arith.truncf %reshape3A : vector<8192x24xf32> to vector<8192x24xbf16>
    %convert_element_type3A_13 = arith.truncf %get3A_11 : vector<24x24xf32> to vector<24x24xbf16>
    %dot_general3A = arith.constant dense<0.000000e+00> : vector<8192x24xf32>
    %dot_general3A_14 = tpu.matmul %convert_element_type3A, %convert_element_type3A_13, %dot_general3A {dimension_numbers = #tpu.dot_dimension_numbers<[1], [0], [0], [1], [0, 0, 1, 1], [], []>, transpose_lhs_hint = false} : vector<8192x24xbf16>, vector<24x24xbf16>, vector<8192x24xf32> -> vector<8192x24xf32>
    %reshape3A_15 = vector.shape_cast %dot_general3A_14 : vector<8192x24xf32> to vector<256x32x24xf32>
    %broadcast_in_dim3A_16 = vector.shape_cast %get3A_1 : vector<256x24xf32> to vector<256x1x24xf32>
    %add3A = vector.broadcast %broadcast_in_dim3A_16 : vector<256x1x24xf32> to vector<256x32x24xf32>
    %add3A_17 = arith.addf %add3A, %reshape3A_15 : vector<256x32x24xf32>
    %max3A = arith.constant 0.000000e+00 : f32
    %max3A_18 = vector.broadcast %max3A : f32 to vector<256x32x24xf32>
    %max3A_19 = arith.maximumf %add3A_17, %max3A_18 : vector<256x32x24xf32>
    %reduce_max3A = arith.constant dense<0xFF800000> : vector<256x24xf32>
    %reduce_max3A_20 = vector.multi_reduction <maximumf>, %max3A_19, %reduce_max3A [1] : vector<256x32x24xf32> to vector<256x24xf32>
    %get3A_21 = arith.constant 0 : index
    %get3A_22 = arith.constant 0 : index
    %get3A_23 = vector.load %arg5[%get3A_21, %get3A_22] : memref<24x24xf32, #tpu.memory_space<vmem>>, vector<24x24xf32>
    %convert_element_type3A_24 = arith.truncf %reduce_max3A_20 : vector<256x24xf32> to vector<256x24xbf16>
    %convert_element_type3A_25 = arith.truncf %get3A_23 : vector<24x24xf32> to vector<24x24xbf16>
    %dot_general3A_26 = arith.constant dense<0.000000e+00> : vector<256x24xf32>
    %dot_general3A_27 = tpu.matmul %convert_element_type3A_24, %convert_element_type3A_25, %dot_general3A_26 {dimension_numbers = #tpu.dot_dimension_numbers<[1], [0], [0], [1], [0, 0, 1, 1], [], []>, transpose_lhs_hint = false} : vector<256x24xbf16>, vector<24x24xbf16>, vector<256x24xf32> -> vector<256x24xf32>
    %get3A_28 = arith.constant 0 : index
    %get3A_29 = arith.constant 0 : index
    %get3A_30 = vector.load %arg6[%get3A_28, %get3A_29] : memref<1x24xf32, #tpu.memory_space<vmem>>, vector<1x24xf32>
    %add3A_31 = vector.broadcast %get3A_30 : vector<1x24xf32> to vector<256x24xf32>
    %add3A_32 = arith.addf %dot_general3A_27, %add3A_31 : vector<256x24xf32>
    %max3A_33 = arith.constant 0.000000e+00 : f32
    %max3A_34 = vector.broadcast %max3A_33 : f32 to vector<256x24xf32>
    %max3A_35 = arith.maximumf %add3A_32, %max3A_34 : vector<256x24xf32>
    %get3A_36 = arith.constant 0 : index
    %get3A_37 = arith.constant 0 : index
    %get3A_38 = vector.load %arg7[%get3A_36, %get3A_37] : memref<256x24xf32, #tpu.memory_space<vmem>>, vector<256x24xf32>
    %get3A_39 = arith.constant 0 : index
    %get3A_40 = arith.constant 0 : index
    %get3A_41 = vector.load %arg3[%get3A_39, %get3A_40] : memref<256x24xf32, #tpu.memory_space<vmem>>, vector<256x24xf32>
    %concatenate3A = tpu.concatenate %get3A_38, %get3A_41, %max3A_35 in 1 : vector<256x24xf32>, vector<256x24xf32>, vector<256x24xf32> -> vector<256x72xf32>
    %get3A_42 = arith.constant 0 : index
    %get3A_43 = arith.constant 0 : index
    %get3A_44 = vector.load %arg8[%get3A_42, %get3A_43] : memref<72x60xf32, #tpu.memory_space<vmem>>, vector<72x60xf32>
    %convert_element_type3A_45 = arith.truncf %concatenate3A : vector<256x72xf32> to vector<256x72xbf16>
    %convert_element_type3A_46 = arith.truncf %get3A_44 : vector<72x60xf32> to vector<72x60xbf16>
    %dot_general3A_47 = arith.constant dense<0.000000e+00> : vector<256x60xf32>
    %dot_general3A_48 = tpu.matmul %convert_element_type3A_45, %convert_element_type3A_46, %dot_general3A_47 {dimension_numbers = #tpu.dot_dimension_numbers<[1], [0], [0], [1], [0, 0, 1, 1], [], []>, transpose_lhs_hint = false} : vector<256x72xbf16>, vector<72x60xbf16>, vector<256x60xf32> -> vector<256x60xf32>
    %get3A_49 = arith.constant 0 : index
    %get3A_50 = arith.constant 0 : index
    %get3A_51 = vector.load %arg9[%get3A_49, %get3A_50] : memref<1x60xf32, #tpu.memory_space<vmem>>, vector<1x60xf32>
    %add3A_52 = vector.broadcast %get3A_51 : vector<1x60xf32> to vector<256x60xf32>
    %add3A_53 = arith.addf %dot_general3A_48, %add3A_52 : vector<256x60xf32>
    %max3A_54 = arith.constant 0.000000e+00 : f32
    %max3A_55 = vector.broadcast %max3A_54 : f32 to vector<256x60xf32>
    %max3A_56 = arith.maximumf %add3A_53, %max3A_55 : vector<256x60xf32>
    %swap3A = arith.constant 0 : index
    %swap3A_57 = arith.constant 0 : index
    %swap3A_58 = vector.load %arg12[%swap3A, %swap3A_57] : memref<256x72xf32, #tpu.memory_space<vmem>>, vector<256x72xf32>
    tpu.vector_store %arg12[%swap3A, %swap3A_57], %concatenate3A {strides = array<i32>} : memref<256x72xf32, #tpu.memory_space<vmem>>, vector<256x72xf32>,
    %swap3A_59 = arith.constant 0 : index
    %swap3A_60 = arith.constant 0 : index
    %swap3A_61 = vector.load %arg13[%swap3A_59, %swap3A_60] : memref<256x60xf32, #tpu.memory_space<vmem>>, vector<256x60xf32>
    tpu.vector_store %arg13[%swap3A_59, %swap3A_60], %max3A_56 {strides = array<i32>} : memref<256x60xf32, #tpu.memory_space<vmem>>, vector<256x60xf32>,
    %get3A_62 = arith.constant 0 : index
    %get3A_63 = arith.constant 0 : index
    %get3A_64 = vector.load %arg10[%get3A_62, %get3A_63] : memref<60x60xf32, #tpu.memory_space<vmem>>, vector<60x60xf32>
    %convert_element_type3A_65 = arith.truncf %max3A_56 : vector<256x60xf32> to vector<256x60xbf16>
    %convert_element_type3A_66 = arith.truncf %get3A_64 : vector<60x60xf32> to vector<60x60xbf16>
    %dot_general3A_67 = arith.constant dense<0.000000e+00> : vector<256x60xf32>
    %dot_general3A_68 = tpu.matmul %convert_element_type3A_65, %convert_element_type3A_66, %dot_general3A_67 {dimension_numbers = #tpu.dot_dimension_numbers<[1], [0], [0], [1], [0, 0, 1, 1], [], []>, transpose_lhs_hint = false} : vector<256x60xbf16>, vector<60x60xbf16>, vector<256x60xf32> -> vector<256x60xf32>
    %get3A_69 = arith.constant 0 : index
    %get3A_70 = arith.constant 0 : index
    %get3A_71 = vector.load %arg11[%get3A_69, %get3A_70] : memref<1x60xf32, #tpu.memory_space<vmem>>, vector<1x60xf32>
    %add3A_72 = vector.broadcast %get3A_71 : vector<1x60xf32> to vector<256x60xf32>
    %add3A_73 = arith.addf %dot_general3A_68, %add3A_72 : vector<256x60xf32>
    %swap3A_74 = arith.constant 0 : index
    %swap3A_75 = arith.constant 0 : index
    %swap3A_76 = vector.load %arg14[%swap3A_74, %swap3A_75] : memref<256x60xf32, #tpu.memory_space<vmem>>, vector<256x60xf32>
    tpu.vector_store %arg14[%swap3A_74, %swap3A_75], %add3A_73 {strides = array<i32>} : memref<256x60xf32, #tpu.memory_space<vmem>>, vector<256x60xf32>,
    %broadcast_in_dim3A_77 = arith.constant 0.000000e+00 : f32
    %broadcast_in_dim3A_78 = vector.broadcast %broadcast_in_dim3A_77 : f32 to vector<256x68xf32>
    %concatenate3A_79 = tpu.concatenate %max3A_56, %broadcast_in_dim3A_78 in 1 : vector<256x60xf32>, vector<256x68xf32> -> vector<256x128xf32>
    %swap3A_80 = arith.constant 0 : index
    %swap3A_81 = arith.constant 0 : index
    %swap3A_82 = vector.load %arg15[%swap3A_80, %swap3A_81] : memref<256x128xf32, #tpu.memory_space<vmem>>, vector<256x128xf32>
    tpu.vector_store %arg15[%swap3A_80, %swap3A_81], %concatenate3A_79 {strides = array<i32>} : memref<256x128xf32, #tpu.memory_space<vmem>>, vector<256x128xf32>,
    return
  }
  func.func @transform_0(%arg0: i32) -> (i32, i32) {
    %c0_i32 = arith.constant 0 : i32
    %c0_i32_0 = arith.constant 0 : i32
    return %arg0, %c0_i32 : i32, i32
  }
  func.func @transform_1(%arg0: i32) -> (i32, i32, i32) {
    %c0_i32 = arith.constant 0 : i32
    %c0_i32_0 = arith.constant 0 : i32
    %c0_i32_1 = arith.constant 0 : i32
    return %arg0, %c0_i32, %c0_i32_0 : i32, i32, i32
  }
  func.func @transform_2(%arg0: i32) -> (i32, i32) {
    %c0_i32 = arith.constant 0 : i32
    %c0_i32_0 = arith.constant 0 : i32
    return %arg0, %c0_i32 : i32, i32
  }
  func.func @transform_3(%arg0: i32) -> (i32, i32) {
    %c0_i32 = arith.constant 0 : i32
    %c0_i32_0 = arith.constant 0 : i32
    %c0_i32_1 = arith.constant 0 : i32
    return %c0_i32, %c0_i32_0 : i32, i32
  }
  func.func @transform_4(%arg0: i32) -> (i32, i32) {
    %c0_i32 = arith.constant 0 : i32
    %c0_i32_0 = arith.constant 0 : i32
    %c0_i32_1 = arith.constant 0 : i32
    return %c0_i32, %c0_i32_0 : i32, i32
  }
  func.func @transform_5(%arg0: i32) -> (i32, i32) {
    %c0_i32 = arith.constant 0 : i32
    %c0_i32_0 = arith.constant 0 : i32
    %c0_i32_1 = arith.constant 0 : i32
    return %c0_i32, %c0_i32_0 : i32, i32
  }
  func.func @transform_6(%arg0: i32) -> (i32, i32) {
    %c0_i32 = arith.constant 0 : i32
    %c0_i32_0 = arith.constant 0 : i32
    return %arg0, %c0_i32 : i32, i32
  }
  func.func @transform_7(%arg0: i32) -> (i32, i32) {
    %c0_i32 = arith.constant 0 : i32
    %c0_i32_0 = arith.constant 0 : i32
    %c0_i32_1 = arith.constant 0 : i32
    return %c0_i32, %c0_i32_0 : i32, i32
  }
  func.func @transform_8(%arg0: i32) -> (i32, i32) {
    %c0_i32 = arith.constant 0 : i32
    %c0_i32_0 = arith.constant 0 : i32
    %c0_i32_1 = arith.constant 0 : i32
    return %c0_i32, %c0_i32_0 : i32, i32
  }
  func.func @transform_9(%arg0: i32) -> (i32, i32) {
    %c0_i32 = arith.constant 0 : i32
    %c0_i32_0 = arith.constant 0 : i32
    %c0_i32_1 = arith.constant 0 : i32
    return %c0_i32, %c0_i32_0 : i32, i32
  }
  func.func @transform_10(%arg0: i32) -> (i32, i32) {
    %c0_i32 = arith.constant 0 : i32
    %c0_i32_0 = arith.constant 0 : i32
    %c0_i32_1 = arith.constant 0 : i32
    return %c0_i32, %c0_i32_0 : i32, i32
  }
  func.func @transform_11(%arg0: i32) -> (i32, i32) {
    %c0_i32 = arith.constant 0 : i32
    %c0_i32_0 = arith.constant 0 : i32
    return %arg0, %c0_i32 : i32, i32
  }
  func.func @transform_12(%arg0: i32) -> (i32, i32) {
    %c0_i32 = arith.constant 0 : i32
    %c0_i32_0 = arith.constant 0 : i32
    return %arg0, %c0_i32 : i32, i32
  }
  func.func @transform_13(%arg0: i32) -> (i32, i32) {
    %c0_i32 = arith.constant 0 : i32
    %c0_i32_0 = arith.constant 0 : i32
    return %arg0, %c0_i32 : i32, i32
  }
  func.func @transform_14(%arg0: i32) -> (i32, i32) {
    %c0_i32 = arith.constant 0 : i32
    %c0_i32_0 = arith.constant 0 : i32
    return %arg0, %c0_i32 : i32, i32
  }
}

module attributes {stable_mosaic.version = 14 : i64} {
  func.func @_comb_dil_kernel(%arg0: i32, %arg1: memref<256x60xf32, #tpu.memory_space<vmem>>, %arg2: memref<256x32x128xf32, #tpu.memory_space<vmem>>, %arg3: memref<256x60xf32, #tpu.memory_space<vmem>>, %arg4: memref<60x60xf32, #tpu.memory_space<vmem>>, %arg5: memref<60x60xf32, #tpu.memory_space<vmem>>, %arg6: memref<1x60xf32, #tpu.memory_space<vmem>>, %arg7: memref<60x60xf32, #tpu.memory_space<vmem>>, %arg8: memref<1x60xf32, #tpu.memory_space<vmem>>, %arg9: memref<256x60xf32, #tpu.memory_space<vmem>>, %arg10: memref<256x128xf32, #tpu.memory_space<vmem>>, %arg11: memref<256x60xf32, #tpu.memory_space<vmem>>) attributes {dimension_semantics = [#tpu.dimension_semantics<arbitrary>], iteration_bounds = array<i64: 24>, scalar_prefetch = 0 : i64, scratch_operands = 0 : i64, tpu.core_type = #tpu.core_type<tc>, window_params = [{transform_indices = @transform_0, window_bounds = array<i64: 256, 60>}, {transform_indices = @transform_1, window_bounds = array<i64: 256, 32, 128>}, {transform_indices = @transform_2, window_bounds = array<i64: 256, 60>}, {pipeline_mode = #tpu.pipeline_mode<synchronous>, transform_indices = @transform_3, window_bounds = array<i64: 60, 60>}, {pipeline_mode = #tpu.pipeline_mode<synchronous>, transform_indices = @transform_4, window_bounds = array<i64: 60, 60>}, {pipeline_mode = #tpu.pipeline_mode<synchronous>, transform_indices = @transform_5, window_bounds = array<i64: 1, 60>}, {pipeline_mode = #tpu.pipeline_mode<synchronous>, transform_indices = @transform_6, window_bounds = array<i64: 60, 60>}, {pipeline_mode = #tpu.pipeline_mode<synchronous>, transform_indices = @transform_7, window_bounds = array<i64: 1, 60>}, {transform_indices = @transform_8, window_bounds = array<i64: 256, 60>}, {transform_indices = @transform_9, window_bounds = array<i64: 256, 128>}, {transform_indices = @transform_10, window_bounds = array<i64: 256, 60>}]} {
    %get3A = arith.constant 0 : index
    %get3A_0 = arith.constant 0 : index
    %get3A_1 = vector.load %arg1[%get3A, %get3A_0] : memref<256x60xf32, #tpu.memory_space<vmem>>, vector<256x60xf32>
    %get3A_2 = arith.constant 0 : index
    %get3A_3 = arith.constant 0 : index
    %get3A_4 = arith.constant 0 : index
    %get3A_5 = vector.load %arg2[%get3A_2, %get3A_3, %get3A_4] : memref<256x32x128xf32, #tpu.memory_space<vmem>>, vector<256x32x128xf32>
    %get3A_6 = arith.constant 0 : index
    %get3A_7 = arith.constant 0 : index
    %get3A_8 = vector.load %arg3[%get3A_6, %get3A_7] : memref<256x60xf32, #tpu.memory_space<vmem>>, vector<256x60xf32>
    %get3A_9 = arith.constant 0 : index
    %get3A_10 = arith.constant 0 : index
    %get3A_11 = vector.load %arg4[%get3A_9, %get3A_10] : memref<60x60xf32, #tpu.memory_space<vmem>>, vector<60x60xf32>
    %slice3A = vector.extract_strided_slice %get3A_5 {offsets = [0, 0, 0], sizes = [256, 32, 60], strides = [1, 1, 1]} : vector<256x32x128xf32> to vector<256x32x60xf32>
    %broadcast_in_dim3A = vector.shape_cast %get3A_8 : vector<256x60xf32> to vector<256x1x60xf32>
    %sub3A = vector.broadcast %broadcast_in_dim3A : vector<256x1x60xf32> to vector<256x32x60xf32>
    %sub3A_12 = arith.subf %slice3A, %sub3A : vector<256x32x60xf32>
    %reshape3A = vector.shape_cast %sub3A_12 : vector<256x32x60xf32> to vector<8192x60xf32>
    %convert_element_type3A = arith.truncf %reshape3A : vector<8192x60xf32> to vector<8192x60xbf16>
    %convert_element_type3A_13 = arith.truncf %get3A_11 : vector<60x60xf32> to vector<60x60xbf16>
    %dot_general3A = arith.constant dense<0.000000e+00> : vector<8192x60xf32>
    %dot_general3A_14 = tpu.matmul %convert_element_type3A, %convert_element_type3A_13, %dot_general3A {dimension_numbers = #tpu.dot_dimension_numbers<[1], [0], [0], [1], [0, 0, 1, 1], [], []>, transpose_lhs_hint = false} : vector<8192x60xbf16>, vector<60x60xbf16>, vector<8192x60xf32> -> vector<8192x60xf32>
    %reshape3A_15 = vector.shape_cast %dot_general3A_14 : vector<8192x60xf32> to vector<256x32x60xf32>
    %broadcast_in_dim3A_16 = vector.shape_cast %get3A_1 : vector<256x60xf32> to vector<256x1x60xf32>
    %add3A = vector.broadcast %broadcast_in_dim3A_16 : vector<256x1x60xf32> to vector<256x32x60xf32>
    %add3A_17 = arith.addf %add3A, %reshape3A_15 : vector<256x32x60xf32>
    %max3A = arith.constant 0.000000e+00 : f32
    %max3A_18 = vector.broadcast %max3A : f32 to vector<256x32x60xf32>
    %max3A_19 = arith.maximumf %add3A_17, %max3A_18 : vector<256x32x60xf32>
    %reduce_max3A = arith.constant dense<0xFF800000> : vector<256x60xf32>
    %reduce_max3A_20 = vector.multi_reduction <maximumf>, %max3A_19, %reduce_max3A [1] : vector<256x32x60xf32> to vector<256x60xf32>
    %get3A_21 = arith.constant 0 : index
    %get3A_22 = arith.constant 0 : index
    %get3A_23 = vector.load %arg5[%get3A_21, %get3A_22] : memref<60x60xf32, #tpu.memory_space<vmem>>, vector<60x60xf32>
    %convert_element_type3A_24 = arith.truncf %reduce_max3A_20 : vector<256x60xf32> to vector<256x60xbf16>
    %convert_element_type3A_25 = arith.truncf %get3A_23 : vector<60x60xf32> to vector<60x60xbf16>
    %dot_general3A_26 = arith.constant dense<0.000000e+00> : vector<256x60xf32>
    %dot_general3A_27 = tpu.matmul %convert_element_type3A_24, %convert_element_type3A_25, %dot_general3A_26 {dimension_numbers = #tpu.dot_dimension_numbers<[1], [0], [0], [1], [0, 0, 1, 1], [], []>, transpose_lhs_hint = false} : vector<256x60xbf16>, vector<60x60xbf16>, vector<256x60xf32> -> vector<256x60xf32>
    %get3A_28 = arith.constant 0 : index
    %get3A_29 = arith.constant 0 : index
    %get3A_30 = vector.load %arg6[%get3A_28, %get3A_29] : memref<1x60xf32, #tpu.memory_space<vmem>>, vector<1x60xf32>
    %add3A_31 = vector.broadcast %get3A_30 : vector<1x60xf32> to vector<256x60xf32>
    %add3A_32 = arith.addf %dot_general3A_27, %add3A_31 : vector<256x60xf32>
    %max3A_33 = arith.constant 0.000000e+00 : f32
    %max3A_34 = vector.broadcast %max3A_33 : f32 to vector<256x60xf32>
    %max3A_35 = arith.maximumf %add3A_32, %max3A_34 : vector<256x60xf32>
    %get3A_36 = arith.constant 0 : index
    %get3A_37 = arith.constant 0 : index
    %get3A_38 = vector.load %arg3[%get3A_36, %get3A_37] : memref<256x60xf32, #tpu.memory_space<vmem>>, vector<256x60xf32>
    %add3A_39 = arith.addf %max3A_35, %get3A_38 : vector<256x60xf32>
    %swap3A = arith.constant 0 : index
    %swap3A_40 = arith.constant 0 : index
    %swap3A_41 = vector.load %arg9[%swap3A, %swap3A_40] : memref<256x60xf32, #tpu.memory_space<vmem>>, vector<256x60xf32>
    tpu.vector_store %arg9[%swap3A, %swap3A_40], %add3A_39 {strides = array<i32>} : memref<256x60xf32, #tpu.memory_space<vmem>>, vector<256x60xf32>,
    %broadcast_in_dim3A_42 = arith.constant 0.000000e+00 : f32
    %broadcast_in_dim3A_43 = vector.broadcast %broadcast_in_dim3A_42 : f32 to vector<256x68xf32>
    %concatenate3A = tpu.concatenate %add3A_39, %broadcast_in_dim3A_43 in 1 : vector<256x60xf32>, vector<256x68xf32> -> vector<256x128xf32>
    %swap3A_44 = arith.constant 0 : index
    %swap3A_45 = arith.constant 0 : index
    %swap3A_46 = vector.load %arg10[%swap3A_44, %swap3A_45] : memref<256x128xf32, #tpu.memory_space<vmem>>, vector<256x128xf32>
    tpu.vector_store %arg10[%swap3A_44, %swap3A_45], %concatenate3A {strides = array<i32>} : memref<256x128xf32, #tpu.memory_space<vmem>>, vector<256x128xf32>,
    %get3A_47 = arith.constant 0 : index
    %get3A_48 = arith.constant 0 : index
    %get3A_49 = vector.load %arg7[%get3A_47, %get3A_48] : memref<60x60xf32, #tpu.memory_space<vmem>>, vector<60x60xf32>
    %convert_element_type3A_50 = arith.truncf %add3A_39 : vector<256x60xf32> to vector<256x60xbf16>
    %convert_element_type3A_51 = arith.truncf %get3A_49 : vector<60x60xf32> to vector<60x60xbf16>
    %dot_general3A_52 = arith.constant dense<0.000000e+00> : vector<256x60xf32>
    %dot_general3A_53 = tpu.matmul %convert_element_type3A_50, %convert_element_type3A_51, %dot_general3A_52 {dimension_numbers = #tpu.dot_dimension_numbers<[1], [0], [0], [1], [0, 0, 1, 1], [], []>, transpose_lhs_hint = false} : vector<256x60xbf16>, vector<60x60xbf16>, vector<256x60xf32> -> vector<256x60xf32>
    %get3A_54 = arith.constant 0 : index
    %get3A_55 = arith.constant 0 : index
    %get3A_56 = vector.load %arg8[%get3A_54, %get3A_55] : memref<1x60xf32, #tpu.memory_space<vmem>>, vector<1x60xf32>
    %add3A_57 = vector.broadcast %get3A_56 : vector<1x60xf32> to vector<256x60xf32>
    %add3A_58 = arith.addf %dot_general3A_53, %add3A_57 : vector<256x60xf32>
    %swap3A_59 = arith.constant 0 : index
    %swap3A_60 = arith.constant 0 : index
    %swap3A_61 = vector.load %arg11[%swap3A_59, %swap3A_60] : memref<256x60xf32, #tpu.memory_space<vmem>>, vector<256x60xf32>
    tpu.vector_store %arg11[%swap3A_59, %swap3A_60], %add3A_58 {strides = array<i32>} : memref<256x60xf32, #tpu.memory_space<vmem>>, vector<256x60xf32>,
    return
  }
  func.func @transform_0(%arg0: i32) -> (i32, i32) {
    %c0_i32 = arith.constant 0 : i32
    %c0_i32_0 = arith.constant 0 : i32
    return %arg0, %c0_i32 : i32, i32
  }
  func.func @transform_1(%arg0: i32) -> (i32, i32, i32) {
    %c0_i32 = arith.constant 0 : i32
    %c0_i32_0 = arith.constant 0 : i32
    %c0_i32_1 = arith.constant 0 : i32
    return %arg0, %c0_i32, %c0_i32_0 : i32, i32, i32
  }
  func.func @transform_2(%arg0: i32) -> (i32, i32) {
    %c0_i32 = arith.constant 0 : i32
    %c0_i32_0 = arith.constant 0 : i32
    return %arg0, %c0_i32 : i32, i32
  }
  func.func @transform_3(%arg0: i32) -> (i32, i32) {
    %c0_i32 = arith.constant 0 : i32
    %c0_i32_0 = arith.constant 0 : i32
    %c0_i32_1 = arith.constant 0 : i32
    return %c0_i32, %c0_i32_0 : i32, i32
  }
  func.func @transform_4(%arg0: i32) -> (i32, i32) {
    %c0_i32 = arith.constant 0 : i32
    %c0_i32_0 = arith.constant 0 : i32
    %c0_i32_1 = arith.constant 0 : i32
    return %c0_i32, %c0_i32_0 : i32, i32
  }
  func.func @transform_5(%arg0: i32) -> (i32, i32) {
    %c0_i32 = arith.constant 0 : i32
    %c0_i32_0 = arith.constant 0 : i32
    %c0_i32_1 = arith.constant 0 : i32
    return %c0_i32, %c0_i32_0 : i32, i32
  }
  func.func @transform_6(%arg0: i32) -> (i32, i32) {
    %c0_i32 = arith.constant 0 : i32
    %c0_i32_0 = arith.constant 0 : i32
    %c0_i32_1 = arith.constant 0 : i32
    return %c0_i32, %c0_i32_0 : i32, i32
  }
  func.func @transform_7(%arg0: i32) -> (i32, i32) {
    %c0_i32 = arith.constant 0 : i32
    %c0_i32_0 = arith.constant 0 : i32
    %c0_i32_1 = arith.constant 0 : i32
    return %c0_i32, %c0_i32_0 : i32, i32
  }
  func.func @transform_8(%arg0: i32) -> (i32, i32) {
    %c0_i32 = arith.constant 0 : i32
    %c0_i32_0 = arith.constant 0 : i32
    return %arg0, %c0_i32 : i32, i32
  }
  func.func @transform_9(%arg0: i32) -> (i32, i32) {
    %c0_i32 = arith.constant 0 : i32
    %c0_i32_0 = arith.constant 0 : i32
    return %arg0, %c0_i32 : i32, i32
  }
  func.func @transform_10(%arg0: i32) -> (i32, i32) {
    %c0_i32 = arith.constant 0 : i32
    %c0_i32_0 = arith.constant 0 : i32
    return %arg0, %c0_i32 : i32, i32
  }
}

module attributes {stable_mosaic.version = 14 : i64} {
  func.func @_comb_dil_kernel(%arg0: i32, %arg1: memref<256x60xf32, #tpu.memory_space<vmem>>, %arg2: memref<256x32x128xf32, #tpu.memory_space<vmem>>, %arg3: memref<256x60xf32, #tpu.memory_space<vmem>>, %arg4: memref<60x60xf32, #tpu.memory_space<vmem>>, %arg5: memref<60x60xf32, #tpu.memory_space<vmem>>, %arg6: memref<1x60xf32, #tpu.memory_space<vmem>>, %arg7: memref<256x60xf32, #tpu.memory_space<vmem>>) attributes {dimension_semantics = [#tpu.dimension_semantics<arbitrary>], iteration_bounds = array<i64: 24>, scalar_prefetch = 0 : i64, scratch_operands = 0 : i64, tpu.core_type = #tpu.core_type<tc>, window_params = [{transform_indices = @transform_0, window_bounds = array<i64: 256, 60>}, {transform_indices = @transform_1, window_bounds = array<i64: 256, 32, 128>}, {transform_indices = @transform_2, window_bounds = array<i64: 256, 60>}, {pipeline_mode = #tpu.pipeline_mode<synchronous>, transform_indices = @transform_3, window_bounds = array<i64: 60, 60>}, {pipeline_mode = #tpu.pipeline_mode<synchronous>, transform_indices = @transform_4, window_bounds = array<i64: 60, 60>}, {pipeline_mode = #tpu.pipeline_mode<synchronous>, transform_indices = @transform_5, window_bounds = array<i64: 1, 60>}, {transform_indices = @transform_6, window_bounds = array<i64: 256, 60>}]} {
    %get3A = arith.constant 0 : index
    %get3A_0 = arith.constant 0 : index
    %get3A_1 = vector.load %arg1[%get3A, %get3A_0] : memref<256x60xf32, #tpu.memory_space<vmem>>, vector<256x60xf32>
    %get3A_2 = arith.constant 0 : index
    %get3A_3 = arith.constant 0 : index
    %get3A_4 = arith.constant 0 : index
    %get3A_5 = vector.load %arg2[%get3A_2, %get3A_3, %get3A_4] : memref<256x32x128xf32, #tpu.memory_space<vmem>>, vector<256x32x128xf32>
    %get3A_6 = arith.constant 0 : index
    %get3A_7 = arith.constant 0 : index
    %get3A_8 = vector.load %arg3[%get3A_6, %get3A_7] : memref<256x60xf32, #tpu.memory_space<vmem>>, vector<256x60xf32>
    %get3A_9 = arith.constant 0 : index
    %get3A_10 = arith.constant 0 : index
    %get3A_11 = vector.load %arg4[%get3A_9, %get3A_10] : memref<60x60xf32, #tpu.memory_space<vmem>>, vector<60x60xf32>
    %slice3A = vector.extract_strided_slice %get3A_5 {offsets = [0, 0, 0], sizes = [256, 32, 60], strides = [1, 1, 1]} : vector<256x32x128xf32> to vector<256x32x60xf32>
    %broadcast_in_dim3A = vector.shape_cast %get3A_8 : vector<256x60xf32> to vector<256x1x60xf32>
    %sub3A = vector.broadcast %broadcast_in_dim3A : vector<256x1x60xf32> to vector<256x32x60xf32>
    %sub3A_12 = arith.subf %slice3A, %sub3A : vector<256x32x60xf32>
    %reshape3A = vector.shape_cast %sub3A_12 : vector<256x32x60xf32> to vector<8192x60xf32>
    %convert_element_type3A = arith.truncf %reshape3A : vector<8192x60xf32> to vector<8192x60xbf16>
    %convert_element_type3A_13 = arith.truncf %get3A_11 : vector<60x60xf32> to vector<60x60xbf16>
    %dot_general3A = arith.constant dense<0.000000e+00> : vector<8192x60xf32>
    %dot_general3A_14 = tpu.matmul %convert_element_type3A, %convert_element_type3A_13, %dot_general3A {dimension_numbers = #tpu.dot_dimension_numbers<[1], [0], [0], [1], [0, 0, 1, 1], [], []>, transpose_lhs_hint = false} : vector<8192x60xbf16>, vector<60x60xbf16>, vector<8192x60xf32> -> vector<8192x60xf32>
    %reshape3A_15 = vector.shape_cast %dot_general3A_14 : vector<8192x60xf32> to vector<256x32x60xf32>
    %broadcast_in_dim3A_16 = vector.shape_cast %get3A_1 : vector<256x60xf32> to vector<256x1x60xf32>
    %add3A = vector.broadcast %broadcast_in_dim3A_16 : vector<256x1x60xf32> to vector<256x32x60xf32>
    %add3A_17 = arith.addf %add3A, %reshape3A_15 : vector<256x32x60xf32>
    %max3A = arith.constant 0.000000e+00 : f32
    %max3A_18 = vector.broadcast %max3A : f32 to vector<256x32x60xf32>
    %max3A_19 = arith.maximumf %add3A_17, %max3A_18 : vector<256x32x60xf32>
    %reduce_max3A = arith.constant dense<0xFF800000> : vector<256x60xf32>
    %reduce_max3A_20 = vector.multi_reduction <maximumf>, %max3A_19, %reduce_max3A [1] : vector<256x32x60xf32> to vector<256x60xf32>
    %get3A_21 = arith.constant 0 : index
    %get3A_22 = arith.constant 0 : index
    %get3A_23 = vector.load %arg5[%get3A_21, %get3A_22] : memref<60x60xf32, #tpu.memory_space<vmem>>, vector<60x60xf32>
    %convert_element_type3A_24 = arith.truncf %reduce_max3A_20 : vector<256x60xf32> to vector<256x60xbf16>
    %convert_element_type3A_25 = arith.truncf %get3A_23 : vector<60x60xf32> to vector<60x60xbf16>
    %dot_general3A_26 = arith.constant dense<0.000000e+00> : vector<256x60xf32>
    %dot_general3A_27 = tpu.matmul %convert_element_type3A_24, %convert_element_type3A_25, %dot_general3A_26 {dimension_numbers = #tpu.dot_dimension_numbers<[1], [0], [0], [1], [0, 0, 1, 1], [], []>, transpose_lhs_hint = false} : vector<256x60xbf16>, vector<60x60xbf16>, vector<256x60xf32> -> vector<256x60xf32>
    %get3A_28 = arith.constant 0 : index
    %get3A_29 = arith.constant 0 : index
    %get3A_30 = vector.load %arg6[%get3A_28, %get3A_29] : memref<1x60xf32, #tpu.memory_space<vmem>>, vector<1x60xf32>
    %add3A_31 = vector.broadcast %get3A_30 : vector<1x60xf32> to vector<256x60xf32>
    %add3A_32 = arith.addf %dot_general3A_27, %add3A_31 : vector<256x60xf32>
    %max3A_33 = arith.constant 0.000000e+00 : f32
    %max3A_34 = vector.broadcast %max3A_33 : f32 to vector<256x60xf32>
    %max3A_35 = arith.maximumf %add3A_32, %max3A_34 : vector<256x60xf32>
    %get3A_36 = arith.constant 0 : index
    %get3A_37 = arith.constant 0 : index
    %get3A_38 = vector.load %arg3[%get3A_36, %get3A_37] : memref<256x60xf32, #tpu.memory_space<vmem>>, vector<256x60xf32>
    %add3A_39 = arith.addf %max3A_35, %get3A_38 : vector<256x60xf32>
    %swap3A = arith.constant 0 : index
    %swap3A_40 = arith.constant 0 : index
    %swap3A_41 = vector.load %arg7[%swap3A, %swap3A_40] : memref<256x60xf32, #tpu.memory_space<vmem>>, vector<256x60xf32>
    tpu.vector_store %arg7[%swap3A, %swap3A_40], %add3A_39 {strides = array<i32>} : memref<256x60xf32, #tpu.memory_space<vmem>>, vector<256x60xf32>,
    return
  }
  func.func @transform_0(%arg0: i32) -> (i32, i32) {
    %c0_i32 = arith.constant 0 : i32
    %c0_i32_0 = arith.constant 0 : i32
    return %arg0, %c0_i32 : i32, i32
  }
  func.func @transform_1(%arg0: i32) -> (i32, i32, i32) {
    %c0_i32 = arith.constant 0 : i32
    %c0_i32_0 = arith.constant 0 : i32
    %c0_i32_1 = arith.constant 0 : i32
    return %arg0, %c0_i32, %c0_i32_0 : i32, i32, i32
  }
  func.func @transform_2(%arg0: i32) -> (i32, i32) {
    %c0_i32 = arith.constant 0 : i32
    %c0_i32_0 = arith.constant 0 : i32
    return %arg0, %c0_i32 : i32, i32
  }
  func.func @transform_3(%arg0: i32) -> (i32, i32) {
    %c0_i32 = arith.constant 0 : i32
    %c0_i32_0 = arith.constant 0 : i32
    %c0_i32_1 = arith.constant 0 : i32
    return %c0_i32, %c0_i32_0 : i32, i32
  }
  func.func @transform_4(%arg0: i32) -> (i32, i32) {
    %c0_i32 = arith.constant 0 : i32
    %c0_i32_0 = arith.constant 0 : i32
    %c0_i32_1 = arith.constant 0 : i32
    return %c0_i32, %c0_i32_0 : i32, i32
  }
  func.func @transform_5(%arg0: i32) -> (i32, i32) {
    %c0_i32 = arith.constant 0 : i32
    %c0_i32_0 = arith.constant 0 : i32
    %c0_i32_1 = arith.constant 0 : i32
    return %c0_i32, %c0_i32_0 : i32, i32
  }
  func.func @transform_6(%arg0: i32) -> (i32, i32) {
    %c0_i32 = arith.constant 0 : i32
    %c0_i32_0 = arith.constant 0 : i32
    return %arg0, %c0_i32 : i32, i32
  }
}

module attributes {stable_mosaic.version = 14 : i64} {
  func.func @_head_a_kernel(%arg0: i32, %arg1: memref<256x60xf32, #tpu.memory_space<vmem>>, %arg2: memref<256x60xf32, #tpu.memory_space<vmem>>, %arg3: memref<256x60xf32, #tpu.memory_space<vmem>>, %arg4: memref<256x60xf32, #tpu.memory_space<vmem>>, %arg5: memref<256x60xf32, #tpu.memory_space<vmem>>, %arg6: memref<300x160xf32, #tpu.memory_space<vmem>>, %arg7: memref<1x160xf32, #tpu.memory_space<vmem>>, %arg8: memref<1x160xf32, #tpu.memory_space<vmem>>, %arg9: memref<1x160xf32, #tpu.memory_space<vmem>>, %arg10: memref<160x17xf32, #tpu.memory_space<vmem>>, %arg11: memref<1x17xf32, #tpu.memory_space<vmem>>, %arg12: memref<256x17xf32, #tpu.memory_space<vmem>>, %arg13: memref<256x8xf32, #tpu.memory_space<vmem>>) attributes {dimension_semantics = [#tpu.dimension_semantics<arbitrary>], iteration_bounds = array<i64: 24>, scalar_prefetch = 0 : i64, scratch_operands = 0 : i64, tpu.core_type = #tpu.core_type<tc>, window_params = [{transform_indices = @transform_0, window_bounds = array<i64: 256, 60>}, {transform_indices = @transform_1, window_bounds = array<i64: 256, 60>}, {transform_indices = @transform_2, window_bounds = array<i64: 256, 60>}, {transform_indices = @transform_3, window_bounds = array<i64: 256, 60>}, {transform_indices = @transform_4, window_bounds = array<i64: 256, 60>}, {pipeline_mode = #tpu.pipeline_mode<synchronous>, transform_indices = @transform_5, window_bounds = array<i64: 300, 160>}, {pipeline_mode = #tpu.pipeline_mode<synchronous>, transform_indices = @transform_6, window_bounds = array<i64: 1, 160>}, {pipeline_mode = #tpu.pipeline_mode<synchronous>, transform_indices = @transform_7, window_bounds = array<i64: 1, 160>}, {pipeline_mode = #tpu.pipeline_mode<synchronous>, transform_indices = @transform_8, window_bounds = array<i64: 1, 160>}, {pipeline_mode = #tpu.pipeline_mode<synchronous>, transform_indices = @transform_9, window_bounds = array<i64: 160, 17>}, {pipeline_mode = #tpu.pipeline_mode<synchronous>, transform_indices = @transform_10, window_bounds = array<i64: 1, 17>}, {transform_indices = @transform_11, window_bounds = array<i64: 256, 17>}, {transform_indices = @transform_12, window_bounds = array<i64: 256, 8>}]} {
    %get3A = arith.constant 0 : index
    %get3A_0 = arith.constant 0 : index
    %get3A_1 = vector.load %arg1[%get3A, %get3A_0] : memref<256x60xf32, #tpu.memory_space<vmem>>, vector<256x60xf32>
    %get3A_2 = arith.constant 0 : index
    %get3A_3 = arith.constant 0 : index
    %get3A_4 = vector.load %arg2[%get3A_2, %get3A_3] : memref<256x60xf32, #tpu.memory_space<vmem>>, vector<256x60xf32>
    %get3A_5 = arith.constant 0 : index
    %get3A_6 = arith.constant 0 : index
    %get3A_7 = vector.load %arg3[%get3A_5, %get3A_6] : memref<256x60xf32, #tpu.memory_space<vmem>>, vector<256x60xf32>
    %get3A_8 = arith.constant 0 : index
    %get3A_9 = arith.constant 0 : index
    %get3A_10 = vector.load %arg4[%get3A_8, %get3A_9] : memref<256x60xf32, #tpu.memory_space<vmem>>, vector<256x60xf32>
    %get3A_11 = arith.constant 0 : index
    %get3A_12 = arith.constant 0 : index
    %get3A_13 = vector.load %arg5[%get3A_11, %get3A_12] : memref<256x60xf32, #tpu.memory_space<vmem>>, vector<256x60xf32>
    %concatenate3A = tpu.concatenate %get3A_1, %get3A_4, %get3A_7, %get3A_10, %get3A_13 in 1 : vector<256x60xf32>, vector<256x60xf32>, vector<256x60xf32>, vector<256x60xf32>, vector<256x60xf32> -> vector<256x300xf32>
    %get3A_14 = arith.constant 0 : index
    %get3A_15 = arith.constant 0 : index
    %get3A_16 = vector.load %arg6[%get3A_14, %get3A_15] : memref<300x160xf32, #tpu.memory_space<vmem>>, vector<300x160xf32>
    %convert_element_type3A = arith.truncf %concatenate3A : vector<256x300xf32> to vector<256x300xbf16>
    %convert_element_type3A_17 = arith.truncf %get3A_16 : vector<300x160xf32> to vector<300x160xbf16>
    %dot_general3A = arith.constant dense<0.000000e+00> : vector<256x160xf32>
    %dot_general3A_18 = tpu.matmul %convert_element_type3A, %convert_element_type3A_17, %dot_general3A {dimension_numbers = #tpu.dot_dimension_numbers<[1], [0], [0], [1], [0, 0, 1, 1], [], []>, transpose_lhs_hint = false} : vector<256x300xbf16>, vector<300x160xbf16>, vector<256x160xf32> -> vector<256x160xf32>
    %get3A_19 = arith.constant 0 : index
    %get3A_20 = arith.constant 0 : index
    %get3A_21 = vector.load %arg7[%get3A_19, %get3A_20] : memref<1x160xf32, #tpu.memory_space<vmem>>, vector<1x160xf32>
    %add3A = vector.broadcast %get3A_21 : vector<1x160xf32> to vector<256x160xf32>
    %add3A_22 = arith.addf %dot_general3A_18, %add3A : vector<256x160xf32>
    %reduce_sum3A = arith.constant dense<0.000000e+00> : vector<256xf32>
    %reduce_sum3A_23 = vector.multi_reduction <add>, %add3A_22, %reduce_sum3A [1] : vector<256x160xf32> to vector<256xf32>
    %broadcast_in_dim3A = vector.shape_cast %reduce_sum3A_23 : vector<256xf32> to vector<256x1xf32>
    %div3A = arith.constant 1.600000e+02 : f32
    %div3A_24 = vector.broadcast %div3A : f32 to vector<256x1xf32>
    %div3A_25 = arith.divf %broadcast_in_dim3A, %div3A_24 : vector<256x1xf32>
    %sub3A = vector.broadcast %div3A_25 : vector<256x1xf32> to vector<256x160xf32>
    %sub3A_26 = arith.subf %add3A_22, %sub3A : vector<256x160xf32>
    %integer_pow3A = arith.mulf %sub3A_26, %sub3A_26 : vector<256x160xf32>
    %reduce_sum3A_27 = arith.constant dense<0.000000e+00> : vector<256xf32>
    %reduce_sum3A_28 = vector.multi_reduction <add>, %integer_pow3A, %reduce_sum3A_27 [1] : vector<256x160xf32> to vector<256xf32>
    %broadcast_in_dim3A_29 = vector.shape_cast %reduce_sum3A_28 : vector<256xf32> to vector<256x1xf32>
    %div3A_30 = arith.constant 1.600000e+02 : f32
    %div3A_31 = vector.broadcast %div3A_30 : f32 to vector<256x1xf32>
    %div3A_32 = arith.divf %broadcast_in_dim3A_29, %div3A_31 : vector<256x1xf32>
    %sub3A_33 = vector.broadcast %div3A_25 : vector<256x1xf32> to vector<256x160xf32>
    %sub3A_34 = arith.subf %add3A_22, %sub3A_33 : vector<256x160xf32>
    %add3A_35 = arith.constant 9.99999974E-6 : f32
    %add3A_36 = vector.broadcast %add3A_35 : f32 to vector<256x1xf32>
    %add3A_37 = arith.addf %div3A_32, %add3A_36 : vector<256x1xf32>
    %sqrt3A = math.sqrt %add3A_37 : vector<256x1xf32>
    %div3A_38 = vector.broadcast %sqrt3A : vector<256x1xf32> to vector<256x160xf32>
    %div3A_39 = arith.divf %sub3A_34, %div3A_38 : vector<256x160xf32>
    %get3A_40 = arith.constant 0 : index
    %get3A_41 = arith.constant 0 : index
    %get3A_42 = vector.load %arg8[%get3A_40, %get3A_41] : memref<1x160xf32, #tpu.memory_space<vmem>>, vector<1x160xf32>
    %mul3A = vector.broadcast %get3A_42 : vector<1x160xf32> to vector<256x160xf32>
    %mul3A_43 = arith.mulf %div3A_39, %mul3A : vector<256x160xf32>
    %get3A_44 = arith.constant 0 : index
    %get3A_45 = arith.constant 0 : index
    %get3A_46 = vector.load %arg9[%get3A_44, %get3A_45] : memref<1x160xf32, #tpu.memory_space<vmem>>, vector<1x160xf32>
    %add3A_47 = vector.broadcast %get3A_46 : vector<1x160xf32> to vector<256x160xf32>
    %add3A_48 = arith.addf %mul3A_43, %add3A_47 : vector<256x160xf32>
    %max3A = arith.constant 0.000000e+00 : f32
    %max3A_49 = vector.broadcast %max3A : f32 to vector<256x160xf32>
    %max3A_50 = arith.maximumf %add3A_48, %max3A_49 : vector<256x160xf32>
    %get3A_51 = arith.constant 0 : index
    %get3A_52 = arith.constant 0 : index
    %get3A_53 = vector.load %arg10[%get3A_51, %get3A_52] : memref<160x17xf32, #tpu.memory_space<vmem>>, vector<160x17xf32>
    %convert_element_type3A_54 = arith.truncf %max3A_50 : vector<256x160xf32> to vector<256x160xbf16>
    %convert_element_type3A_55 = arith.truncf %get3A_53 : vector<160x17xf32> to vector<160x17xbf16>
    %dot_general3A_56 = arith.constant dense<0.000000e+00> : vector<256x17xf32>
    %dot_general3A_57 = tpu.matmul %convert_element_type3A_54, %convert_element_type3A_55, %dot_general3A_56 {dimension_numbers = #tpu.dot_dimension_numbers<[1], [0], [0], [1], [0, 0, 1, 1], [], []>, transpose_lhs_hint = false} : vector<256x160xbf16>, vector<160x17xbf16>, vector<256x17xf32> -> vector<256x17xf32>
    %get3A_58 = arith.constant 0 : index
    %get3A_59 = arith.constant 0 : index
    %get3A_60 = vector.load %arg11[%get3A_58, %get3A_59] : memref<1x17xf32, #tpu.memory_space<vmem>>, vector<1x17xf32>
    %add3A_61 = vector.broadcast %get3A_60 : vector<1x17xf32> to vector<256x17xf32>
    %add3A_62 = arith.addf %dot_general3A_57, %add3A_61 : vector<256x17xf32>
    %swap3A = arith.constant 0 : index
    %swap3A_63 = arith.constant 0 : index
    %swap3A_64 = vector.load %arg12[%swap3A, %swap3A_63] : memref<256x17xf32, #tpu.memory_space<vmem>>, vector<256x17xf32>
    tpu.vector_store %arg12[%swap3A, %swap3A_63], %add3A_62 {strides = array<i32>} : memref<256x17xf32, #tpu.memory_space<vmem>>, vector<256x17xf32>,
    %reduce_max3A = arith.constant dense<0xFF800000> : vector<256xf32>
    %reduce_max3A_65 = vector.multi_reduction <maximumf>, %add3A_62, %reduce_max3A [1] : vector<256x17xf32> to vector<256xf32>
    %broadcast_in_dim3A_66 = vector.shape_cast %reduce_max3A_65 : vector<256xf32> to vector<256x1xf32>
    %iota3A = tpu.iota {dimensions = array<i32: 1>} : vector<256x17xi32>
    %eq3A = vector.broadcast %broadcast_in_dim3A_66 : vector<256x1xf32> to vector<256x17xf32>
    %eq3A_67 = arith.cmpf oeq, %add3A_62, %eq3A : vector<256x17xf32>
    %jit3A = arith.constant 17 : i32
    %broadcast_in_dim3A_68 = vector.broadcast %jit3A : i32 to vector<256x17xi32>
    %select_n3A = arith.select %eq3A_67, %iota3A, %broadcast_in_dim3A_68 : vector<256x17xi1>, vector<256x17xi32>
    %reduce_min3A = arith.constant dense<2147483647> : vector<256xi32>
    %reduce_min3A_69 = vector.multi_reduction <minsi>, %select_n3A, %reduce_min3A [1] : vector<256x17xi32> to vector<256xi32>
    %broadcast_in_dim3A_70 = vector.shape_cast %reduce_min3A_69 : vector<256xi32> to vector<256x1xi32>
    %convert_element_type3A_71 = arith.sitofp %broadcast_in_dim3A_70 : vector<256x1xi32> to vector<256x1xf32>
    %broadcast_in_dim3A_72 = vector.shape_cast %convert_element_type3A_71 : vector<256x1xf32> to vector<256x1xf32>
    %broadcast_in_dim3A_73 = vector.broadcast %broadcast_in_dim3A_72 : vector<256x1xf32> to vector<256x8xf32>
    %swap3A_74 = arith.constant 0 : index
    %swap3A_75 = arith.constant 0 : index
    %swap3A_76 = vector.load %arg13[%swap3A_74, %swap3A_75] : memref<256x8xf32, #tpu.memory_space<vmem>>, vector<256x8xf32>
    tpu.vector_store %arg13[%swap3A_74, %swap3A_75], %broadcast_in_dim3A_73 {strides = array<i32>} : memref<256x8xf32, #tpu.memory_space<vmem>>, vector<256x8xf32>,
    return
  }
  func.func @transform_0(%arg0: i32) -> (i32, i32) {
    %c0_i32 = arith.constant 0 : i32
    %c0_i32_0 = arith.constant 0 : i32
    return %arg0, %c0_i32 : i32, i32
  }
  func.func @transform_1(%arg0: i32) -> (i32, i32) {
    %c0_i32 = arith.constant 0 : i32
    %c0_i32_0 = arith.constant 0 : i32
    return %arg0, %c0_i32 : i32, i32
  }
  func.func @transform_2(%arg0: i32) -> (i32, i32) {
    %c0_i32 = arith.constant 0 : i32
    %c0_i32_0 = arith.constant 0 : i32
    return %arg0, %c0_i32 : i32, i32
  }
  func.func @transform_3(%arg0: i32) -> (i32, i32) {
    %c0_i32 = arith.constant 0 : i32
    %c0_i32_0 = arith.constant 0 : i32
    return %arg0, %c0_i32 : i32, i32
  }
  func.func @transform_4(%arg0: i32) -> (i32, i32) {
    %c0_i32 = arith.constant 0 : i32
    %c0_i32_0 = arith.constant 0 : i32
    return %arg0, %c0_i32 : i32, i32
  }
  func.func @transform_5(%arg0: i32) -> (i32, i32) {
    %c0_i32 = arith.constant 0 : i32
    %c0_i32_0 = arith.constant 0 : i32
    %c0_i32_1 = arith.constant 0 : i32
    return %c0_i32, %c0_i32_0 : i32, i32
  }
  func.func @transform_6(%arg0: i32) -> (i32, i32) {
    %c0_i32 = arith.constant 0 : i32
    %c0_i32_0 = arith.constant 0 : i32
    %c0_i32_1 = arith.constant 0 : i32
    return %c0_i32, %c0_i32_0 : i32, i32
  }
  func.func @transform_7(%arg0: i32) -> (i32, i32) {
    %c0_i32 = arith.constant 0 : i32
    %c0_i32_0 = arith.constant 0 : i32
    %c0_i32_1 = arith.constant 0 : i32
    return %c0_i32, %c0_i32_0 : i32, i32
  }
  func.func @transform_8(%arg0: i32) -> (i32, i32) {
    %c0_i32 = arith.constant 0 : i32
    %c0_i32_0 = arith.constant 0 : i32
    %c0_i32_1 = arith.constant 0 : i32
    return %c0_i32, %c0_i32_0 : i32, i32
  }
  func.func @transform_9(%arg0: i32) -> (i32, i32) {
    %c0_i32 = arith.constant 0 : i32
    %c0_i32_0 = arith.constant 0 : i32
    %c0_i32_1 = arith.constant 0 : i32
    return %c0_i32, %c0_i32_0 : i32, i32
  }
  func.func @transform_10(%arg0: i32) -> (i32, i32) {
    %c0_i32 = arith.constant 0 : i32
    %c0_i32_0 = arith.constant 0 : i32
    %c0_i32_1 = arith.constant 0 : i32
    return %c0_i32, %c0_i32_0 : i32, i32
  }
  func.func @transform_11(%arg0: i32) -> (i32, i32) {
    %c0_i32 = arith.constant 0 : i32
    %c0_i32_0 = arith.constant 0 : i32
    return %arg0, %c0_i32 : i32, i32
  }
  func.func @transform_12(%arg0: i32) -> (i32, i32) {
    %c0_i32 = arith.constant 0 : i32
    %c0_i32_0 = arith.constant 0 : i32
    return %arg0, %c0_i32 : i32, i32
  }
}

module attributes {stable_mosaic.version = 14 : i64} {
  func.func @_head_c_kernel(%arg0: i32, %arg1: memref<256x72xf32, #tpu.memory_space<vmem>>, %arg2: memref<256x60xf32, #tpu.memory_space<vmem>>, %arg3: memref<256x60xf32, #tpu.memory_space<vmem>>, %arg4: memref<256x60xf32, #tpu.memory_space<vmem>>, %arg5: memref<256x60xf32, #tpu.memory_space<vmem>>, %arg6: memref<256x60xf32, #tpu.memory_space<vmem>>, %arg7: memref<256x17xf32, #tpu.memory_space<vmem>>, %arg8: memref<256x8xf32, #tpu.memory_space<vmem>>, %arg9: memref<256x12x128xf32, #tpu.memory_space<vmem>>, %arg10: memref<256x16xf32, #tpu.memory_space<vmem>>, %arg11: memref<72x320xf32, #tpu.memory_space<vmem>>, %arg12: memref<1x320xf32, #tpu.memory_space<vmem>>, %arg13: memref<60x320xf32, #tpu.memory_space<vmem>>, %arg14: memref<1x320xf32, #tpu.memory_space<vmem>>, %arg15: memref<240x320xf32, #tpu.memory_space<vmem>>, %arg16: memref<1x320xf32, #tpu.memory_space<vmem>>, %arg17: memref<6x96xf32, #tpu.memory_space<vmem>>, %arg18: memref<1x96xf32, #tpu.memory_space<vmem>>, %arg19: memref<96x160xf32, #tpu.memory_space<vmem>>, %arg20: memref<1x160xf32, #tpu.memory_space<vmem>>, %arg21: memref<480x320xf32, #tpu.memory_space<vmem>>, %arg22: memref<1x320xf32, #tpu.memory_space<vmem>>, %arg23: memref<320x3xf32, #tpu.memory_space<vmem>>, %arg24: memref<1x3xf32, #tpu.memory_space<vmem>>, %arg25: memref<320x320xf32, #tpu.memory_space<vmem>>, %arg26: memref<1x320xf32, #tpu.memory_space<vmem>>, %arg27: memref<320x320xf32, #tpu.memory_space<vmem>>, %arg28: memref<1x320xf32, #tpu.memory_space<vmem>>, %arg29: memref<320x320xf32, #tpu.memory_space<vmem>>, %arg30: memref<1x320xf32, #tpu.memory_space<vmem>>, %arg31: memref<320x448xf32, #tpu.memory_space<vmem>>, %arg32: memref<1x448xf32, #tpu.memory_space<vmem>>, %arg33: memref<448x448xf32, #tpu.memory_space<vmem>>, %arg34: memref<1x448xf32, #tpu.memory_space<vmem>>, %arg35: memref<320x448xf32, #tpu.memory_space<vmem>>, %arg36: memref<1x448xf32, #tpu.memory_space<vmem>>, %arg37: memref<448x320xf32, #tpu.memory_space<vmem>>, %arg38: memref<1x320xf32, #tpu.memory_space<vmem>>, %arg39: memref<320x320xf32, #tpu.memory_space<vmem>>, %arg40: memref<1x320xf32, #tpu.memory_space<vmem>>, %arg41: memref<448x320xf32, #tpu.memory_space<vmem>>, %arg42: memref<1x320xf32, #tpu.memory_space<vmem>>, %arg43: memref<320x17xf32, #tpu.memory_space<vmem>>, %arg44: memref<1x17xf32, #tpu.memory_space<vmem>>, %arg45: memref<256x17xf32, #tpu.memory_space<vmem>>) attributes {dimension_semantics = [#tpu.dimension_semantics<arbitrary>], iteration_bounds = array<i64: 24>, scalar_prefetch = 0 : i64, scratch_operands = 0 : i64, tpu.core_type = #tpu.core_type<tc>, window_params = [{transform_indices = @transform_0, window_bounds = array<i64: 256, 72>}, {transform_indices = @transform_1, window_bounds = array<i64: 256, 60>}, {transform_indices = @transform_2, window_bounds = array<i64: 256, 60>}, {transform_indices = @transform_3, window_bounds = array<i64: 256, 60>}, {transform_indices = @transform_4, window_bounds = array<i64: 256, 60>}, {transform_indices = @transform_5, window_bounds = array<i64: 256, 60>}, {transform_indices = @transform_6, window_bounds = array<i64: 256, 17>}, {transform_indices = @transform_7, window_bounds = array<i64: 256, 8>}, {transform_indices = @transform_8, window_bounds = array<i64: 256, 12, 128>}, {transform_indices = @transform_9, window_bounds = array<i64: 256, 16>}, {pipeline_mode = #tpu.pipeline_mode<synchronous>, transform_indices = @transform_10, window_bounds = array<i64: 72, 320>}, {pipeline_mode = #tpu.pipeline_mode<synchronous>, transform_indices = @transform_11, window_bounds = array<i64: 1, 320>}, {pipeline_mode = #tpu.pipeline_mode<synchronous>, transform_indices = @transform_12, window_bounds = array<i64: 60, 320>}, {pipeline_mode = #tpu.pipeline_mode<synchronous>, transform_indices = @transform_13, window_bounds = array<i64: 1, 320>}, {pipeline_mode = #tpu.pipeline_mode<synchronous>, transform_indices = @transform_14, window_bounds = array<i64: 240, 320>}, {pipeline_mode = #tpu.pipeline_mode<synchronous>, transform_indices = @transform_15, window_bounds = array<i64: 1, 320>}, {pipeline_mode = #tpu.pipeline_mode<synchronous>, transform_indices = @transform_16, window_bounds = array<i64: 6, 96>}, {pipeline_mode = #tpu.pipeline_mode<synchronous>, transform_indices = @transform_17, window_bounds = array<i64: 1, 96>}, {pipeline_mode = #tpu.pipeline_mode<synchronous>, transform_indices = @transform_18, window_bounds = array<i64: 96, 160>}, {pipeline_mode = #tpu.pipeline_mode<synchronous>, transform_indices = @transform_19, window_bounds = array<i64: 1, 160>}, {pipeline_mode = #tpu.pipeline_mode<synchronous>, transform_indices = @transform_20, window_bounds = array<i64: 480, 320>}, {pipeline_mode = #tpu.pipeline_mode<synchronous>, transform_indices = @transform_21, window_bounds = array<i64: 1, 320>}, {pipeline_mode = #tpu.pipeline_mode<synchronous>, transform_indices = @transform_22, window_bounds = array<i64: 320, 3>}, {pipeline_mode = #tpu.pipeline_mode<synchronous>, transform_indices = @transform_23, window_bounds = array<i64: 1, 3>}, {pipeline_mode = #tpu.pipeline_mode<synchronous>, transform_indices = @transform_24, window_bounds = array<i64: 320, 320>}, {pipeline_mode = #tpu.pipeline_mode<synchronous>, transform_indices = @transform_25, window_bounds = array<i64: 1, 320>}, {pipeline_mode = #tpu.pipeline_mode<synchronous>, transform_indices = @transform_26, window_bounds = array<i64: 320, 320>}, {pipeline_mode = #tpu.pipeline_mode<synchronous>, transform_indices = @transform_27, window_bounds = array<i64: 1, 320>}, {pipeline_mode = #tpu.pipeline_mode<synchronous>, transform_indices = @transform_28, window_bounds = array<i64: 320, 320>}, {pipeline_mode = #tpu.pipeline_mode<synchronous>, transform_indices = @transform_29, window_bounds = array<i64: 1, 320>}, {pipeline_mode = #tpu.pipeline_mode<synchronous>, transform_indices = @transform_30, window_bounds = array<i64: 320, 448>}, {pipeline_mode = #tpu.pipeline_mode<synchronous>, transform_indices = @transform_31, window_bounds = array<i64: 1, 448>}, {pipeline_mode = #tpu.pipeline_mode<synchronous>, transform_indices = @transform_32, window_bounds = array<i64: 448, 448>}, {pipeline_mode = #tpu.pipeline_mode<synchronous>, transform_indices = @transform_33, window_bounds = array<i64: 1, 448>}, {pipeline_mode = #tpu.pipeline_mode<synchronous>, transform_indices = @transform_34, window_bounds = array<i64: 320, 448>}, {pipeline_mode = #tpu.pipeline_mode<synchronous>, transform_indices = @transform_35, window_bounds = array<i64: 1, 448>}, {pipeline_mode = #tpu.pipeline_mode<synchronous>, transform_indices = @transform_36, window_bounds = array<i64: 448, 320>}, {pipeline_mode = #tpu.pipeline_mode<synchronous>, transform_indices = @transform_37, window_bounds = array<i64: 1, 320>}, {pipeline_mode = #tpu.pipeline_mode<synchronous>, transform_indices = @transform_38, window_bounds = array<i64: 320, 320>}, {pipeline_mode = #tpu.pipeline_mode<synchronous>, transform_indices = @transform_39, window_bounds = array<i64: 1, 320>}, {pipeline_mode = #tpu.pipeline_mode<synchronous>, transform_indices = @transform_40, window_bounds = array<i64: 448, 320>}, {pipeline_mode = #tpu.pipeline_mode<synchronous>, transform_indices = @transform_41, window_bounds = array<i64: 1, 320>}, {pipeline_mode = #tpu.pipeline_mode<synchronous>, transform_indices = @transform_42, window_bounds = array<i64: 320, 17>}, {pipeline_mode = #tpu.pipeline_mode<synchronous>, transform_indices = @transform_43, window_bounds = array<i64: 1, 17>}, {transform_indices = @transform_44, window_bounds = array<i64: 256, 17>}]} {
    %get3A = arith.constant 0 : index
    %get3A_0 = arith.constant 0 : index
    %get3A_1 = vector.load %arg7[%get3A, %get3A_0] : memref<256x17xf32, #tpu.memory_space<vmem>>, vector<256x17xf32>
    %get3A_2 = arith.constant 0 : index
    %get3A_3 = arith.constant 0 : index
    %get3A_4 = vector.load %arg8[%get3A_2, %get3A_3] : memref<256x8xf32, #tpu.memory_space<vmem>>, vector<256x1xf32>
    %get3A_5 = arith.constant 0 : index
    %get3A_6 = arith.constant 0 : index
    %get3A_7 = arith.constant 3 : index
    %get3A_8 = vector.load %arg9[%get3A_5, %get3A_6, %get3A_7] : memref<256x12x128xf32, #tpu.memory_space<vmem>>, vector<256x12x1xf32>
    %get3A_9 = vector.shape_cast %get3A_8 : vector<256x12x1xf32> to vector<256x12xf32>
    %ne3A = vector.broadcast %get3A_4 : vector<256x1xf32> to vector<256x12xf32>
    %ne3A_10 = arith.cmpf one, %get3A_9, %ne3A : vector<256x12xf32>
    %convert_element_type3A = arith.extui %ne3A_10 : vector<256x12xi1> to vector<256x12xi32>
    %convert_element_type3A_11 = arith.sitofp %convert_element_type3A : vector<256x12xi32> to vector<256x12xf32>
    %reduce_sum3A = arith.constant dense<0.000000e+00> : vector<256xf32>
    %reduce_sum3A_12 = vector.multi_reduction <add>, %convert_element_type3A_11, %reduce_sum3A [1] : vector<256x12xf32> to vector<256xf32>
    %broadcast_in_dim3A = vector.shape_cast %reduce_sum3A_12 : vector<256xf32> to vector<256x1xf32>
    %div3A = arith.constant 1.200000e+01 : f32
    %div3A_13 = vector.broadcast %div3A : f32 to vector<256x1xf32>
    %div3A_14 = arith.divf %broadcast_in_dim3A, %div3A_13 : vector<256x1xf32>
    %get3A_15 = arith.constant 0 : index
    %get3A_16 = arith.constant 0 : index
    %get3A_17 = arith.constant 0 : index
    %get3A_18 = vector.load %arg9[%get3A_15, %get3A_16, %get3A_17] : memref<256x12x128xf32, #tpu.memory_space<vmem>>, vector<256x12x1xf32>
    %get3A_19 = vector.shape_cast %get3A_18 : vector<256x12x1xf32> to vector<256x12xf32>
    %get3A_20 = arith.constant 0 : index
    %get3A_21 = arith.constant 0 : index
    %get3A_22 = vector.load %arg10[%get3A_20, %get3A_21] : memref<256x16xf32, #tpu.memory_space<vmem>>, vector<256x1xf32>
    %sub3A = vector.broadcast %get3A_22 : vector<256x1xf32> to vector<256x12xf32>
    %sub3A_23 = arith.subf %get3A_19, %sub3A : vector<256x12xf32>
    %get3A_24 = arith.constant 0 : index
    %get3A_25 = arith.constant 0 : index
    %get3A_26 = arith.constant 1 : index
    %get3A_27 = vector.load %arg9[%get3A_24, %get3A_25, %get3A_26] : memref<256x12x128xf32, #tpu.memory_space<vmem>>, vector<256x12x1xf32>
    %get3A_28 = vector.shape_cast %get3A_27 : vector<256x12x1xf32> to vector<256x12xf32>
    %get3A_29 = arith.constant 0 : index
    %get3A_30 = arith.constant 1 : index
    %get3A_31 = vector.load %arg10[%get3A_29, %get3A_30] : memref<256x16xf32, #tpu.memory_space<vmem>>, vector<256x1xf32>
    %sub3A_32 = vector.broadcast %get3A_31 : vector<256x1xf32> to vector<256x12xf32>
    %sub3A_33 = arith.subf %get3A_28, %sub3A_32 : vector<256x12xf32>
    %get3A_34 = arith.constant 0 : index
    %get3A_35 = arith.constant 0 : index
    %get3A_36 = arith.constant 2 : index
    %get3A_37 = vector.load %arg9[%get3A_34, %get3A_35, %get3A_36] : memref<256x12x128xf32, #tpu.memory_space<vmem>>, vector<256x12x1xf32>
    %get3A_38 = vector.shape_cast %get3A_37 : vector<256x12x1xf32> to vector<256x12xf32>
    %get3A_39 = arith.constant 0 : index
    %get3A_40 = arith.constant 2 : index
    %get3A_41 = vector.load %arg10[%get3A_39, %get3A_40] : memref<256x16xf32, #tpu.memory_space<vmem>>, vector<256x1xf32>
    %sub3A_42 = vector.broadcast %get3A_41 : vector<256x1xf32> to vector<256x12xf32>
    %sub3A_43 = arith.subf %get3A_38, %sub3A_42 : vector<256x12xf32>
    %mul3A = arith.mulf %sub3A_23, %sub3A_23 : vector<256x12xf32>
    %mul3A_44 = arith.mulf %sub3A_33, %sub3A_33 : vector<256x12xf32>
    %add3A = arith.addf %mul3A, %mul3A_44 : vector<256x12xf32>
    %mul3A_45 = arith.mulf %sub3A_43, %sub3A_43 : vector<256x12xf32>
    %add3A_46 = arith.addf %add3A, %mul3A_45 : vector<256x12xf32>
    %sqrt3A = math.sqrt %add3A_46 : vector<256x12xf32>
    %sub3A_47 = arith.constant 1.000000e+00 : f32
    %sub3A_48 = vector.broadcast %sub3A_47 : f32 to vector<256x12xf32>
    %sub3A_49 = arith.subf %sub3A_48, %convert_element_type3A_11 : vector<256x12xf32>
    %mul3A_50 = arith.mulf %sqrt3A, %sub3A_49 : vector<256x12xf32>
    %reduce_sum3A_51 = arith.constant dense<0.000000e+00> : vector<256xf32>
    %reduce_sum3A_52 = vector.multi_reduction <add>, %mul3A_50, %reduce_sum3A_51 [1] : vector<256x12xf32> to vector<256xf32>
    %broadcast_in_dim3A_53 = vector.shape_cast %reduce_sum3A_52 : vector<256xf32> to vector<256x1xf32>
    %reduce_sum3A_54 = arith.constant dense<0.000000e+00> : vector<256xf32>
    %reduce_sum3A_55 = vector.multi_reduction <add>, %sub3A_49, %reduce_sum3A_54 [1] : vector<256x12xf32> to vector<256xf32>
    %broadcast_in_dim3A_56 = vector.shape_cast %reduce_sum3A_55 : vector<256xf32> to vector<256x1xf32>
    %add3A_57 = arith.constant 9.99999997E-7 : f32
    %add3A_58 = vector.broadcast %add3A_57 : f32 to vector<256x1xf32>
    %add3A_59 = arith.addf %broadcast_in_dim3A_56, %add3A_58 : vector<256x1xf32>
    %div3A_60 = arith.divf %broadcast_in_dim3A_53, %add3A_59 : vector<256x1xf32>
    %gt3A = arith.constant 0.000000e+00 : f32
    %gt3A_61 = vector.broadcast %gt3A : f32 to vector<256x12xf32>
    %gt3A_62 = arith.cmpf ogt, %convert_element_type3A_11, %gt3A_61 : vector<256x12xf32>
    %jit3A = arith.constant 0x7F800000 : f32
    %broadcast_in_dim3A_63 = vector.broadcast %jit3A : f32 to vector<256x12xf32>
    %select_n3A = arith.select %gt3A_62, %sqrt3A, %broadcast_in_dim3A_63 : vector<256x12xi1>, vector<256x12xf32>
    %reduce_min3A = arith.constant dense<0x7F800000> : vector<256xf32>
    %reduce_min3A_64 = vector.multi_reduction <minimumf>, %select_n3A, %reduce_min3A [1] : vector<256x12xf32> to vector<256xf32>
    %broadcast_in_dim3A_65 = vector.shape_cast %reduce_min3A_64 : vector<256xf32> to vector<256x1xf32>
    %is_finite3A = tpu.weird %broadcast_in_dim3A_65 : vector<256x1xf32> -> vector<256x1xi1>
    %is_finite3A_66 = arith.constant dense<true> : vector<256x1xi1>
    %is_finite3A_67 = arith.xori %is_finite3A, %is_finite3A_66 : vector<256x1xi1>
    %select_n3A_68 = arith.select %is_finite3A_67, %broadcast_in_dim3A_65, %div3A_60 : vector<256x1xi1>, vector<256x1xf32>
    %reduce_sum3A_69 = arith.constant dense<0.000000e+00> : vector<256xf32>
    %reduce_sum3A_70 = vector.multi_reduction <add>, %sqrt3A, %reduce_sum3A_69 [1] : vector<256x12xf32> to vector<256xf32>
    %broadcast_in_dim3A_71 = vector.shape_cast %reduce_sum3A_70 : vector<256xf32> to vector<256x1xf32>
    %div3A_72 = arith.constant 1.200000e+01 : f32
    %div3A_73 = vector.broadcast %div3A_72 : f32 to vector<256x1xf32>
    %div3A_74 = arith.divf %broadcast_in_dim3A_71, %div3A_73 : vector<256x1xf32>
    %add3A_75 = arith.constant 9.99999997E-7 : f32
    %add3A_76 = vector.broadcast %add3A_75 : f32 to vector<256x1xf32>
    %add3A_77 = arith.addf %div3A_74, %add3A_76 : vector<256x1xf32>
    %div3A_78 = arith.constant 1.000000e+00 : f32
    %div3A_79 = vector.broadcast %div3A_78 : f32 to vector<256x1xf32>
    %div3A_80 = arith.divf %div3A_79, %add3A_77 : vector<256x1xf32>
    %sub3A_81 = vector.broadcast %div3A_74 : vector<256x1xf32> to vector<256x12xf32>
    %sub3A_82 = arith.subf %sqrt3A, %sub3A_81 : vector<256x12xf32>
    %integer_pow3A = arith.mulf %sub3A_82, %sub3A_82 : vector<256x12xf32>
    %reduce_sum3A_83 = arith.constant dense<0.000000e+00> : vector<256xf32>
    %reduce_sum3A_84 = vector.multi_reduction <add>, %integer_pow3A, %reduce_sum3A_83 [1] : vector<256x12xf32> to vector<256xf32>
    %broadcast_in_dim3A_85 = vector.shape_cast %reduce_sum3A_84 : vector<256xf32> to vector<256x1xf32>
    %div3A_86 = arith.constant 1.100000e+01 : f32
    %div3A_87 = vector.broadcast %div3A_86 : f32 to vector<256x1xf32>
    %div3A_88 = arith.divf %broadcast_in_dim3A_85, %div3A_87 : vector<256x1xf32>
    %sqrt3A_89 = math.sqrt %div3A_88 : vector<256x1xf32>
    %add3A_90 = arith.constant 9.99999997E-7 : f32
    %add3A_91 = vector.broadcast %add3A_90 : f32 to vector<256x1xf32>
    %add3A_92 = arith.addf %div3A_74, %add3A_91 : vector<256x1xf32>
    %div3A_93 = arith.divf %sqrt3A_89, %add3A_92 : vector<256x1xf32>
    %div3A_94 = arith.constant 7.500000e-01 : f32
    %div3A_95 = vector.broadcast %div3A_94 : f32 to vector<256x17xf32>
    %div3A_96 = arith.divf %get3A_1, %div3A_95 : vector<256x17xf32>
    %reduce_max3A = arith.constant dense<0xFF800000> : vector<256xf32>
    %reduce_max3A_97 = vector.multi_reduction <maximumf>, %div3A_96, %reduce_max3A [1] : vector<256x17xf32> to vector<256xf32>
    %broadcast_in_dim3A_98 = vector.shape_cast %reduce_max3A_97 : vector<256xf32> to vector<256x1xf32>
    %sub3A_99 = vector.broadcast %broadcast_in_dim3A_98 : vector<256x1xf32> to vector<256x17xf32>
    %sub3A_100 = arith.subf %div3A_96, %sub3A_99 : vector<256x17xf32>
    %exp3A = math.exp %sub3A_100 : vector<256x17xf32>
    %reduce_sum3A_101 = arith.constant dense<0.000000e+00> : vector<256xf32>
    %reduce_sum3A_102 = vector.multi_reduction <add>, %exp3A, %reduce_sum3A_101 [1] : vector<256x17xf32> to vector<256xf32>
    %broadcast_in_dim3A_103 = vector.shape_cast %reduce_sum3A_102 : vector<256xf32> to vector<256x1xf32>
    %div3A_104 = vector.broadcast %broadcast_in_dim3A_103 : vector<256x1xf32> to vector<256x17xf32>
    %div3A_105 = arith.divf %exp3A, %div3A_104 : vector<256x17xf32>
    %reduce_max3A_106 = arith.constant dense<0xFF800000> : vector<256xf32>
    %reduce_max3A_107 = vector.multi_reduction <maximumf>, %div3A_105, %reduce_max3A_106 [1] : vector<256x17xf32> to vector<256xf32>
    %broadcast_in_dim3A_108 = vector.shape_cast %reduce_max3A_107 : vector<256xf32> to vector<256x1xf32>
    %add3A_109 = arith.constant 9.99999993E-9 : f32
    %add3A_110 = vector.broadcast %add3A_109 : f32 to vector<256x17xf32>
    %add3A_111 = arith.addf %div3A_105, %add3A_110 : vector<256x17xf32>
    %log3A = math.log %add3A_111 : vector<256x17xf32>
    %mul3A_112 = arith.mulf %div3A_105, %log3A : vector<256x17xf32>
    %reduce_sum3A_113 = arith.constant dense<0.000000e+00> : vector<256xf32>
    %reduce_sum3A_114 = vector.multi_reduction <add>, %mul3A_112, %reduce_sum3A_113 [1] : vector<256x17xf32> to vector<256xf32>
    %broadcast_in_dim3A_115 = vector.shape_cast %reduce_sum3A_114 : vector<256xf32> to vector<256x1xf32>
    %neg3A = arith.constant 0.000000e+00 : f32
    %neg3A_116 = vector.broadcast %neg3A : f32 to vector<256x1xf32>
    %neg3A_117 = arith.subf %neg3A_116, %broadcast_in_dim3A_115 : vector<256x1xf32>
    %log3A_118 = arith.constant 1.700000e+01 : f32
    %log3A_119 = math.log %log3A_118 : f32
    %div3A_120 = vector.broadcast %log3A_119 : f32 to vector<256x1xf32>
    %div3A_121 = arith.divf %neg3A_117, %div3A_120 : vector<256x1xf32>
    %concatenate3A = tpu.concatenate %div3A_14, %broadcast_in_dim3A_108, %div3A_121, %div3A_80, %div3A_93, %select_n3A_68 in 1 : vector<256x1xf32>, vector<256x1xf32>, vector<256x1xf32>, vector<256x1xf32>, vector<256x1xf32>, vector<256x1xf32> -> vector<256x6xf32>
    %get3A_122 = arith.constant 0 : index
    %get3A_123 = arith.constant 0 : index
    %get3A_124 = vector.load %arg17[%get3A_122, %get3A_123] : memref<6x96xf32, #tpu.memory_space<vmem>>, vector<6x96xf32>
    %convert_element_type3A_125 = arith.truncf %concatenate3A : vector<256x6xf32> to vector<256x6xbf16>
    %convert_element_type3A_126 = arith.truncf %get3A_124 : vector<6x96xf32> to vector<6x96xbf16>
    %dot_general3A = arith.constant dense<0.000000e+00> : vector<256x96xf32>
    %dot_general3A_127 = tpu.matmul %convert_element_type3A_125, %convert_element_type3A_126, %dot_general3A {dimension_numbers = #tpu.dot_dimension_numbers<[1], [0], [0], [1], [0, 0, 1, 1], [], []>, transpose_lhs_hint = false} : vector<256x6xbf16>, vector<6x96xbf16>, vector<256x96xf32> -> vector<256x96xf32>
    %get3A_128 = arith.constant 0 : index
    %get3A_129 = arith.constant 0 : index
    %get3A_130 = vector.load %arg18[%get3A_128, %get3A_129] : memref<1x96xf32, #tpu.memory_space<vmem>>, vector<1x96xf32>
    %add3A_131 = vector.broadcast %get3A_130 : vector<1x96xf32> to vector<256x96xf32>
    %add3A_132 = arith.addf %dot_general3A_127, %add3A_131 : vector<256x96xf32>
    %max3A = arith.constant 0.000000e+00 : f32
    %max3A_133 = vector.broadcast %max3A : f32 to vector<256x96xf32>
    %max3A_134 = arith.maximumf %add3A_132, %max3A_133 : vector<256x96xf32>
    %get3A_135 = arith.constant 0 : index
    %get3A_136 = arith.constant 0 : index
    %get3A_137 = vector.load %arg19[%get3A_135, %get3A_136] : memref<96x160xf32, #tpu.memory_space<vmem>>, vector<96x160xf32>
    %convert_element_type3A_138 = arith.truncf %max3A_134 : vector<256x96xf32> to vector<256x96xbf16>
    %convert_element_type3A_139 = arith.truncf %get3A_137 : vector<96x160xf32> to vector<96x160xbf16>
    %dot_general3A_140 = arith.constant dense<0.000000e+00> : vector<256x160xf32>
    %dot_general3A_141 = tpu.matmul %convert_element_type3A_138, %convert_element_type3A_139, %dot_general3A_140 {dimension_numbers = #tpu.dot_dimension_numbers<[1], [0], [0], [1], [0, 0, 1, 1], [], []>, transpose_lhs_hint = false} : vector<256x96xbf16>, vector<96x160xbf16>, vector<256x160xf32> -> vector<256x160xf32>
    %get3A_142 = arith.constant 0 : index
    %get3A_143 = arith.constant 0 : index
    %get3A_144 = vector.load %arg20[%get3A_142, %get3A_143] : memref<1x160xf32, #tpu.memory_space<vmem>>, vector<1x160xf32>
    %add3A_145 = vector.broadcast %get3A_144 : vector<1x160xf32> to vector<256x160xf32>
    %add3A_146 = arith.addf %dot_general3A_141, %add3A_145 : vector<256x160xf32>
    %max3A_147 = arith.constant 0.000000e+00 : f32
    %max3A_148 = vector.broadcast %max3A_147 : f32 to vector<256x160xf32>
    %max3A_149 = arith.maximumf %add3A_146, %max3A_148 : vector<256x160xf32>
    %get3A_150 = arith.constant 0 : index
    %get3A_151 = arith.constant 0 : index
    %get3A_152 = vector.load %arg3[%get3A_150, %get3A_151] : memref<256x60xf32, #tpu.memory_space<vmem>>, vector<256x60xf32>
    %get3A_153 = arith.constant 0 : index
    %get3A_154 = arith.constant 0 : index
    %get3A_155 = vector.load %arg4[%get3A_153, %get3A_154] : memref<256x60xf32, #tpu.memory_space<vmem>>, vector<256x60xf32>
    %get3A_156 = arith.constant 0 : index
    %get3A_157 = arith.constant 0 : index
    %get3A_158 = vector.load %arg5[%get3A_156, %get3A_157] : memref<256x60xf32, #tpu.memory_space<vmem>>, vector<256x60xf32>
    %get3A_159 = arith.constant 0 : index
    %get3A_160 = arith.constant 0 : index
    %get3A_161 = vector.load %arg6[%get3A_159, %get3A_160] : memref<256x60xf32, #tpu.memory_space<vmem>>, vector<256x60xf32>
    %concatenate3A_162 = tpu.concatenate %get3A_152, %get3A_155, %get3A_158, %get3A_161 in 1 : vector<256x60xf32>, vector<256x60xf32>, vector<256x60xf32>, vector<256x60xf32> -> vector<256x240xf32>
    %get3A_163 = arith.constant 0 : index
    %get3A_164 = arith.constant 0 : index
    %get3A_165 = vector.load %arg1[%get3A_163, %get3A_164] : memref<256x72xf32, #tpu.memory_space<vmem>>, vector<256x72xf32>
    %get3A_166 = arith.constant 0 : index
    %get3A_167 = arith.constant 0 : index
    %get3A_168 = vector.load %arg11[%get3A_166, %get3A_167] : memref<72x320xf32, #tpu.memory_space<vmem>>, vector<72x320xf32>
    %convert_element_type3A_169 = arith.truncf %get3A_165 : vector<256x72xf32> to vector<256x72xbf16>
    %convert_element_type3A_170 = arith.truncf %get3A_168 : vector<72x320xf32> to vector<72x320xbf16>
    %dot_general3A_171 = arith.constant dense<0.000000e+00> : vector<256x320xf32>
    %dot_general3A_172 = tpu.matmul %convert_element_type3A_169, %convert_element_type3A_170, %dot_general3A_171 {dimension_numbers = #tpu.dot_dimension_numbers<[1], [0], [0], [1], [0, 0, 1, 1], [], []>, transpose_lhs_hint = false} : vector<256x72xbf16>, vector<72x320xbf16>, vector<256x320xf32> -> vector<256x320xf32>
    %get3A_173 = arith.constant 0 : index
    %get3A_174 = arith.constant 0 : index
    %get3A_175 = vector.load %arg12[%get3A_173, %get3A_174] : memref<1x320xf32, #tpu.memory_space<vmem>>, vector<1x320xf32>
    %add3A_176 = vector.broadcast %get3A_175 : vector<1x320xf32> to vector<256x320xf32>
    %add3A_177 = arith.addf %dot_general3A_172, %add3A_176 : vector<256x320xf32>
    %get3A_178 = arith.constant 0 : index
    %get3A_179 = arith.constant 0 : index
    %get3A_180 = vector.load %arg2[%get3A_178, %get3A_179] : memref<256x60xf32, #tpu.memory_space<vmem>>, vector<256x60xf32>
    %get3A_181 = arith.constant 0 : index
    %get3A_182 = arith.constant 0 : index
    %get3A_183 = vector.load %arg13[%get3A_181, %get3A_182] : memref<60x320xf32, #tpu.memory_space<vmem>>, vector<60x320xf32>
    %convert_element_type3A_184 = arith.truncf %get3A_180 : vector<256x60xf32> to vector<256x60xbf16>
    %convert_element_type3A_185 = arith.truncf %get3A_183 : vector<60x320xf32> to vector<60x320xbf16>
    %dot_general3A_186 = arith.constant dense<0.000000e+00> : vector<256x320xf32>
    %dot_general3A_187 = tpu.matmul %convert_element_type3A_184, %convert_element_type3A_185, %dot_general3A_186 {dimension_numbers = #tpu.dot_dimension_numbers<[1], [0], [0], [1], [0, 0, 1, 1], [], []>, transpose_lhs_hint = false} : vector<256x60xbf16>, vector<60x320xbf16>, vector<256x320xf32> -> vector<256x320xf32>
    %get3A_188 = arith.constant 0 : index
    %get3A_189 = arith.constant 0 : index
    %get3A_190 = vector.load %arg14[%get3A_188, %get3A_189] : memref<1x320xf32, #tpu.memory_space<vmem>>, vector<1x320xf32>
    %add3A_191 = vector.broadcast %get3A_190 : vector<1x320xf32> to vector<256x320xf32>
    %add3A_192 = arith.addf %dot_general3A_187, %add3A_191 : vector<256x320xf32>
    %get3A_193 = arith.constant 0 : index
    %get3A_194 = arith.constant 0 : index
    %get3A_195 = vector.load %arg15[%get3A_193, %get3A_194] : memref<240x320xf32, #tpu.memory_space<vmem>>, vector<240x320xf32>
    %convert_element_type3A_196 = arith.truncf %concatenate3A_162 : vector<256x240xf32> to vector<256x240xbf16>
    %convert_element_type3A_197 = arith.truncf %get3A_195 : vector<240x320xf32> to vector<240x320xbf16>
    %dot_general3A_198 = arith.constant dense<0.000000e+00> : vector<256x320xf32>
    %dot_general3A_199 = tpu.matmul %convert_element_type3A_196, %convert_element_type3A_197, %dot_general3A_198 {dimension_numbers = #tpu.dot_dimension_numbers<[1], [0], [0], [1], [0, 0, 1, 1], [], []>, transpose_lhs_hint = false} : vector<256x240xbf16>, vector<240x320xbf16>, vector<256x320xf32> -> vector<256x320xf32>
    %get3A_200 = arith.constant 0 : index
    %get3A_201 = arith.constant 0 : index
    %get3A_202 = vector.load %arg16[%get3A_200, %get3A_201] : memref<1x320xf32, #tpu.memory_space<vmem>>, vector<1x320xf32>
    %add3A_203 = vector.broadcast %get3A_202 : vector<1x320xf32> to vector<256x320xf32>
    %add3A_204 = arith.addf %dot_general3A_199, %add3A_203 : vector<256x320xf32>
    %add3A_205 = arith.addf %add3A_177, %add3A_192 : vector<256x320xf32>
    %add3A_206 = arith.addf %add3A_205, %add3A_204 : vector<256x320xf32>
    %div3A_207 = arith.constant 3.000000e+00 : f32
    %div3A_208 = vector.broadcast %div3A_207 : f32 to vector<256x320xf32>
    %div3A_209 = arith.divf %add3A_206, %div3A_208 : vector<256x320xf32>
    %concatenate3A_210 = tpu.concatenate %div3A_209, %max3A_149 in 1 : vector<256x320xf32>, vector<256x160xf32> -> vector<256x480xf32>
    %get3A_211 = arith.constant 0 : index
    %get3A_212 = arith.constant 0 : index
    %get3A_213 = vector.load %arg21[%get3A_211, %get3A_212] : memref<480x320xf32, #tpu.memory_space<vmem>>, vector<480x320xf32>
    %convert_element_type3A_214 = arith.truncf %concatenate3A_210 : vector<256x480xf32> to vector<256x480xbf16>
    %convert_element_type3A_215 = arith.truncf %get3A_213 : vector<480x320xf32> to vector<480x320xbf16>
    %dot_general3A_216 = arith.constant dense<0.000000e+00> : vector<256x320xf32>
    %dot_general3A_217 = tpu.matmul %convert_element_type3A_214, %convert_element_type3A_215, %dot_general3A_216 {dimension_numbers = #tpu.dot_dimension_numbers<[1], [0], [0], [1], [0, 0, 1, 1], [], []>, transpose_lhs_hint = false} : vector<256x480xbf16>, vector<480x320xbf16>, vector<256x320xf32> -> vector<256x320xf32>
    %get3A_218 = arith.constant 0 : index
    %get3A_219 = arith.constant 0 : index
    %get3A_220 = vector.load %arg22[%get3A_218, %get3A_219] : memref<1x320xf32, #tpu.memory_space<vmem>>, vector<1x320xf32>
    %add3A_221 = vector.broadcast %get3A_220 : vector<1x320xf32> to vector<256x320xf32>
    %add3A_222 = arith.addf %dot_general3A_217, %add3A_221 : vector<256x320xf32>
    %max3A_223 = arith.constant 0.000000e+00 : f32
    %max3A_224 = vector.broadcast %max3A_223 : f32 to vector<256x320xf32>
    %max3A_225 = arith.maximumf %add3A_222, %max3A_224 : vector<256x320xf32>
    %get3A_226 = arith.constant 0 : index
    %get3A_227 = arith.constant 0 : index
    %get3A_228 = vector.load %arg23[%get3A_226, %get3A_227] : memref<320x3xf32, #tpu.memory_space<vmem>>, vector<320x3xf32>
    %convert_element_type3A_229 = arith.truncf %max3A_225 : vector<256x320xf32> to vector<256x320xbf16>
    %convert_element_type3A_230 = arith.truncf %get3A_228 : vector<320x3xf32> to vector<320x3xbf16>
    %dot_general3A_231 = arith.constant dense<0.000000e+00> : vector<256x3xf32>
    %dot_general3A_232 = tpu.matmul %convert_element_type3A_229, %convert_element_type3A_230, %dot_general3A_231 {dimension_numbers = #tpu.dot_dimension_numbers<[1], [0], [0], [1], [0, 0, 1, 1], [], []>, transpose_lhs_hint = false} : vector<256x320xbf16>, vector<320x3xbf16>, vector<256x3xf32> -> vector<256x3xf32>
    %get3A_233 = arith.constant 0 : index
    %get3A_234 = arith.constant 0 : index
    %get3A_235 = vector.load %arg24[%get3A_233, %get3A_234] : memref<1x3xf32, #tpu.memory_space<vmem>>, vector<1x3xf32>
    %add3A_236 = vector.broadcast %get3A_235 : vector<1x3xf32> to vector<256x3xf32>
    %add3A_237 = arith.addf %dot_general3A_232, %add3A_236 : vector<256x3xf32>
    %reduce_max3A_238 = arith.constant dense<0xFF800000> : vector<256xf32>
    %reduce_max3A_239 = vector.multi_reduction <maximumf>, %add3A_237, %reduce_max3A_238 [1] : vector<256x3xf32> to vector<256xf32>
    %broadcast_in_dim3A_240 = vector.shape_cast %reduce_max3A_239 : vector<256xf32> to vector<256x1xf32>
    %sub3A_241 = vector.broadcast %broadcast_in_dim3A_240 : vector<256x1xf32> to vector<256x3xf32>
    %sub3A_242 = arith.subf %add3A_237, %sub3A_241 : vector<256x3xf32>
    %exp3A_243 = math.exp %sub3A_242 : vector<256x3xf32>
    %reduce_sum3A_244 = arith.constant dense<0.000000e+00> : vector<256xf32>
    %reduce_sum3A_245 = vector.multi_reduction <add>, %exp3A_243, %reduce_sum3A_244 [1] : vector<256x3xf32> to vector<256xf32>
    %broadcast_in_dim3A_246 = vector.shape_cast %reduce_sum3A_245 : vector<256xf32> to vector<256x1xf32>
    %div3A_247 = vector.broadcast %broadcast_in_dim3A_246 : vector<256x1xf32> to vector<256x3xf32>
    %div3A_248 = arith.divf %exp3A_243, %div3A_247 : vector<256x3xf32>
    %slice3A = vector.extract_strided_slice %div3A_248 {offsets = [0, 0], sizes = [256, 1], strides = [1, 1]} : vector<256x3xf32> to vector<256x1xf32>
    %mul3A_249 = vector.broadcast %slice3A : vector<256x1xf32> to vector<256x320xf32>
    %mul3A_250 = arith.mulf %add3A_177, %mul3A_249 : vector<256x320xf32>
    %slice3A_251 = vector.extract_strided_slice %div3A_248 {offsets = [0, 1], sizes = [256, 1], strides = [1, 1]} : vector<256x3xf32> to vector<256x1xf32>
    %mul3A_252 = vector.broadcast %slice3A_251 : vector<256x1xf32> to vector<256x320xf32>
    %mul3A_253 = arith.mulf %add3A_192, %mul3A_252 : vector<256x320xf32>
    %add3A_254 = arith.addf %mul3A_250, %mul3A_253 : vector<256x320xf32>
    %slice3A_255 = vector.extract_strided_slice %div3A_248 {offsets = [0, 2], sizes = [256, 1], strides = [1, 1]} : vector<256x3xf32> to vector<256x1xf32>
    %mul3A_256 = vector.broadcast %slice3A_255 : vector<256x1xf32> to vector<256x320xf32>
    %mul3A_257 = arith.mulf %add3A_204, %mul3A_256 : vector<256x320xf32>
    %add3A_258 = arith.addf %add3A_254, %mul3A_257 : vector<256x320xf32>
    %get3A_259 = arith.constant 0 : index
    %get3A_260 = arith.constant 0 : index
    %get3A_261 = vector.load %arg25[%get3A_259, %get3A_260] : memref<320x320xf32, #tpu.memory_space<vmem>>, vector<320x320xf32>
    %convert_element_type3A_262 = arith.truncf %add3A_258 : vector<256x320xf32> to vector<256x320xbf16>
    %convert_element_type3A_263 = arith.truncf %get3A_261 : vector<320x320xf32> to vector<320x320xbf16>
    %dot_general3A_264 = arith.constant dense<0.000000e+00> : vector<256x320xf32>
    %dot_general3A_265 = tpu.matmul %convert_element_type3A_262, %convert_element_type3A_263, %dot_general3A_264 {dimension_numbers = #tpu.dot_dimension_numbers<[1], [0], [0], [1], [0, 0, 1, 1], [], []>, transpose_lhs_hint = false} : vector<256x320xbf16>, vector<320x320xbf16>, vector<256x320xf32> -> vector<256x320xf32>
    %get3A_266 = arith.constant 0 : index
    %get3A_267 = arith.constant 0 : index
    %get3A_268 = vector.load %arg26[%get3A_266, %get3A_267] : memref<1x320xf32, #tpu.memory_space<vmem>>, vector<1x320xf32>
    %add3A_269 = vector.broadcast %get3A_268 : vector<1x320xf32> to vector<256x320xf32>
    %add3A_270 = arith.addf %dot_general3A_265, %add3A_269 : vector<256x320xf32>
    %max3A_271 = arith.constant 0.000000e+00 : f32
    %max3A_272 = vector.broadcast %max3A_271 : f32 to vector<256x320xf32>
    %max3A_273 = arith.maximumf %add3A_270, %max3A_272 : vector<256x320xf32>
    %get3A_274 = arith.constant 0 : index
    %get3A_275 = arith.constant 0 : index
    %get3A_276 = vector.load %arg27[%get3A_274, %get3A_275] : memref<320x320xf32, #tpu.memory_space<vmem>>, vector<320x320xf32>
    %convert_element_type3A_277 = arith.truncf %max3A_273 : vector<256x320xf32> to vector<256x320xbf16>
    %convert_element_type3A_278 = arith.truncf %get3A_276 : vector<320x320xf32> to vector<320x320xbf16>
    %dot_general3A_279 = arith.constant dense<0.000000e+00> : vector<256x320xf32>
    %dot_general3A_280 = tpu.matmul %convert_element_type3A_277, %convert_element_type3A_278, %dot_general3A_279 {dimension_numbers = #tpu.dot_dimension_numbers<[1], [0], [0], [1], [0, 0, 1, 1], [], []>, transpose_lhs_hint = false} : vector<256x320xbf16>, vector<320x320xbf16>, vector<256x320xf32> -> vector<256x320xf32>
    %get3A_281 = arith.constant 0 : index
    %get3A_282 = arith.constant 0 : index
    %get3A_283 = vector.load %arg28[%get3A_281, %get3A_282] : memref<1x320xf32, #tpu.memory_space<vmem>>, vector<1x320xf32>
    %add3A_284 = vector.broadcast %get3A_283 : vector<1x320xf32> to vector<256x320xf32>
    %add3A_285 = arith.addf %dot_general3A_280, %add3A_284 : vector<256x320xf32>
    %add3A_286 = arith.addf %add3A_285, %div3A_209 : vector<256x320xf32>
    %get3A_287 = arith.constant 0 : index
    %get3A_288 = arith.constant 0 : index
    %get3A_289 = vector.load %arg29[%get3A_287, %get3A_288] : memref<320x320xf32, #tpu.memory_space<vmem>>, vector<320x320xf32>
    %convert_element_type3A_290 = arith.truncf %add3A_286 : vector<256x320xf32> to vector<256x320xbf16>
    %convert_element_type3A_291 = arith.truncf %get3A_289 : vector<320x320xf32> to vector<320x320xbf16>
    %dot_general3A_292 = arith.constant dense<0.000000e+00> : vector<256x320xf32>
    %dot_general3A_293 = tpu.matmul %convert_element_type3A_290, %convert_element_type3A_291, %dot_general3A_292 {dimension_numbers = #tpu.dot_dimension_numbers<[1], [0], [0], [1], [0, 0, 1, 1], [], []>, transpose_lhs_hint = false} : vector<256x320xbf16>, vector<320x320xbf16>, vector<256x320xf32> -> vector<256x320xf32>
    %get3A_294 = arith.constant 0 : index
    %get3A_295 = arith.constant 0 : index
    %get3A_296 = vector.load %arg30[%get3A_294, %get3A_295] : memref<1x320xf32, #tpu.memory_space<vmem>>, vector<1x320xf32>
    %add3A_297 = vector.broadcast %get3A_296 : vector<1x320xf32> to vector<256x320xf32>
    %add3A_298 = arith.addf %dot_general3A_293, %add3A_297 : vector<256x320xf32>
    %neg3A_299 = arith.constant 0.000000e+00 : f32
    %neg3A_300 = vector.broadcast %neg3A_299 : f32 to vector<256x320xf32>
    %neg3A_301 = arith.subf %neg3A_300, %add3A_298 : vector<256x320xf32>
    %exp3A_302 = math.exp %neg3A_301 : vector<256x320xf32>
    %add3A_303 = arith.constant 1.000000e+00 : f32
    %add3A_304 = vector.broadcast %add3A_303 : f32 to vector<256x320xf32>
    %add3A_305 = arith.addf %add3A_304, %exp3A_302 : vector<256x320xf32>
    %div3A_306 = arith.constant 1.000000e+00 : f32
    %div3A_307 = vector.broadcast %div3A_306 : f32 to vector<256x320xf32>
    %div3A_308 = arith.divf %div3A_307, %add3A_305 : vector<256x320xf32>
    %mul3A_309 = arith.mulf %add3A_286, %div3A_308 : vector<256x320xf32>
    %get3A_310 = arith.constant 0 : index
    %get3A_311 = arith.constant 0 : index
    %get3A_312 = vector.load %arg31[%get3A_310, %get3A_311] : memref<320x448xf32, #tpu.memory_space<vmem>>, vector<320x448xf32>
    %convert_element_type3A_313 = arith.truncf %mul3A_309 : vector<256x320xf32> to vector<256x320xbf16>
    %convert_element_type3A_314 = arith.truncf %get3A_312 : vector<320x448xf32> to vector<320x448xbf16>
    %dot_general3A_315 = arith.constant dense<0.000000e+00> : vector<256x448xf32>
    %dot_general3A_316 = tpu.matmul %convert_element_type3A_313, %convert_element_type3A_314, %dot_general3A_315 {dimension_numbers = #tpu.dot_dimension_numbers<[1], [0], [0], [1], [0, 0, 1, 1], [], []>, transpose_lhs_hint = false} : vector<256x320xbf16>, vector<320x448xbf16>, vector<256x448xf32> -> vector<256x448xf32>
    %get3A_317 = arith.constant 0 : index
    %get3A_318 = arith.constant 0 : index
    %get3A_319 = vector.load %arg32[%get3A_317, %get3A_318] : memref<1x448xf32, #tpu.memory_space<vmem>>, vector<1x448xf32>
    %add3A_320 = vector.broadcast %get3A_319 : vector<1x448xf32> to vector<256x448xf32>
    %add3A_321 = arith.addf %dot_general3A_316, %add3A_320 : vector<256x448xf32>
    %max3A_322 = arith.constant 0.000000e+00 : f32
    %max3A_323 = vector.broadcast %max3A_322 : f32 to vector<256x448xf32>
    %max3A_324 = arith.maximumf %add3A_321, %max3A_323 : vector<256x448xf32>
    %get3A_325 = arith.constant 0 : index
    %get3A_326 = arith.constant 0 : index
    %get3A_327 = vector.load %arg33[%get3A_325, %get3A_326] : memref<448x448xf32, #tpu.memory_space<vmem>>, vector<448x448xf32>
    %convert_element_type3A_328 = arith.truncf %max3A_324 : vector<256x448xf32> to vector<256x448xbf16>
    %convert_element_type3A_329 = arith.truncf %get3A_327 : vector<448x448xf32> to vector<448x448xbf16>
    %dot_general3A_330 = arith.constant dense<0.000000e+00> : vector<256x448xf32>
    %dot_general3A_331 = tpu.matmul %convert_element_type3A_328, %convert_element_type3A_329, %dot_general3A_330 {dimension_numbers = #tpu.dot_dimension_numbers<[1], [0], [0], [1], [0, 0, 1, 1], [], []>, transpose_lhs_hint = false} : vector<256x448xbf16>, vector<448x448xbf16>, vector<256x448xf32> -> vector<256x448xf32>
    %get3A_332 = arith.constant 0 : index
    %get3A_333 = arith.constant 0 : index
    %get3A_334 = vector.load %arg34[%get3A_332, %get3A_333] : memref<1x448xf32, #tpu.memory_space<vmem>>, vector<1x448xf32>
    %add3A_335 = vector.broadcast %get3A_334 : vector<1x448xf32> to vector<256x448xf32>
    %add3A_336 = arith.addf %dot_general3A_331, %add3A_335 : vector<256x448xf32>
    %get3A_337 = arith.constant 0 : index
    %get3A_338 = arith.constant 0 : index
    %get3A_339 = vector.load %arg35[%get3A_337, %get3A_338] : memref<320x448xf32, #tpu.memory_space<vmem>>, vector<320x448xf32>
    %convert_element_type3A_340 = arith.truncf %mul3A_309 : vector<256x320xf32> to vector<256x320xbf16>
    %convert_element_type3A_341 = arith.truncf %get3A_339 : vector<320x448xf32> to vector<320x448xbf16>
    %dot_general3A_342 = arith.constant dense<0.000000e+00> : vector<256x448xf32>
    %dot_general3A_343 = tpu.matmul %convert_element_type3A_340, %convert_element_type3A_341, %dot_general3A_342 {dimension_numbers = #tpu.dot_dimension_numbers<[1], [0], [0], [1], [0, 0, 1, 1], [], []>, transpose_lhs_hint = false} : vector<256x320xbf16>, vector<320x448xbf16>, vector<256x448xf32> -> vector<256x448xf32>
    %add3A_344 = arith.addf %add3A_336, %dot_general3A_343 : vector<256x448xf32>
    %get3A_345 = arith.constant 0 : index
    %get3A_346 = arith.constant 0 : index
    %get3A_347 = vector.load %arg36[%get3A_345, %get3A_346] : memref<1x448xf32, #tpu.memory_space<vmem>>, vector<1x448xf32>
    %add3A_348 = vector.broadcast %get3A_347 : vector<1x448xf32> to vector<256x448xf32>
    %add3A_349 = arith.addf %add3A_344, %add3A_348 : vector<256x448xf32>
    %max3A_350 = arith.constant 0.000000e+00 : f32
    %max3A_351 = vector.broadcast %max3A_350 : f32 to vector<256x448xf32>
    %max3A_352 = arith.maximumf %add3A_349, %max3A_351 : vector<256x448xf32>
    %get3A_353 = arith.constant 0 : index
    %get3A_354 = arith.constant 0 : index
    %get3A_355 = vector.load %arg37[%get3A_353, %get3A_354] : memref<448x320xf32, #tpu.memory_space<vmem>>, vector<448x320xf32>
    %convert_element_type3A_356 = arith.truncf %max3A_352 : vector<256x448xf32> to vector<256x448xbf16>
    %convert_element_type3A_357 = arith.truncf %get3A_355 : vector<448x320xf32> to vector<448x320xbf16>
    %dot_general3A_358 = arith.constant dense<0.000000e+00> : vector<256x320xf32>
    %dot_general3A_359 = tpu.matmul %convert_element_type3A_356, %convert_element_type3A_357, %dot_general3A_358 {dimension_numbers = #tpu.dot_dimension_numbers<[1], [0], [0], [1], [0, 0, 1, 1], [], []>, transpose_lhs_hint = false} : vector<256x448xbf16>, vector<448x320xbf16>, vector<256x320xf32> -> vector<256x320xf32>
    %get3A_360 = arith.constant 0 : index
    %get3A_361 = arith.constant 0 : index
    %get3A_362 = vector.load %arg38[%get3A_360, %get3A_361] : memref<1x320xf32, #tpu.memory_space<vmem>>, vector<1x320xf32>
    %add3A_363 = vector.broadcast %get3A_362 : vector<1x320xf32> to vector<256x320xf32>
    %add3A_364 = arith.addf %dot_general3A_359, %add3A_363 : vector<256x320xf32>
    %max3A_365 = arith.constant 0.000000e+00 : f32
    %max3A_366 = vector.broadcast %max3A_365 : f32 to vector<256x320xf32>
    %max3A_367 = arith.maximumf %add3A_364, %max3A_366 : vector<256x320xf32>
    %get3A_368 = arith.constant 0 : index
    %get3A_369 = arith.constant 0 : index
    %get3A_370 = vector.load %arg39[%get3A_368, %get3A_369] : memref<320x320xf32, #tpu.memory_space<vmem>>, vector<320x320xf32>
    %convert_element_type3A_371 = arith.truncf %max3A_367 : vector<256x320xf32> to vector<256x320xbf16>
    %convert_element_type3A_372 = arith.truncf %get3A_370 : vector<320x320xf32> to vector<320x320xbf16>
    %dot_general3A_373 = arith.constant dense<0.000000e+00> : vector<256x320xf32>
    %dot_general3A_374 = tpu.matmul %convert_element_type3A_371, %convert_element_type3A_372, %dot_general3A_373 {dimension_numbers = #tpu.dot_dimension_numbers<[1], [0], [0], [1], [0, 0, 1, 1], [], []>, transpose_lhs_hint = false} : vector<256x320xbf16>, vector<320x320xbf16>, vector<256x320xf32> -> vector<256x320xf32>
    %get3A_375 = arith.constant 0 : index
    %get3A_376 = arith.constant 0 : index
    %get3A_377 = vector.load %arg40[%get3A_375, %get3A_376] : memref<1x320xf32, #tpu.memory_space<vmem>>, vector<1x320xf32>
    %add3A_378 = vector.broadcast %get3A_377 : vector<1x320xf32> to vector<256x320xf32>
    %add3A_379 = arith.addf %dot_general3A_374, %add3A_378 : vector<256x320xf32>
    %get3A_380 = arith.constant 0 : index
    %get3A_381 = arith.constant 0 : index
    %get3A_382 = vector.load %arg41[%get3A_380, %get3A_381] : memref<448x320xf32, #tpu.memory_space<vmem>>, vector<448x320xf32>
    %convert_element_type3A_383 = arith.truncf %max3A_352 : vector<256x448xf32> to vector<256x448xbf16>
    %convert_element_type3A_384 = arith.truncf %get3A_382 : vector<448x320xf32> to vector<448x320xbf16>
    %dot_general3A_385 = arith.constant dense<0.000000e+00> : vector<256x320xf32>
    %dot_general3A_386 = tpu.matmul %convert_element_type3A_383, %convert_element_type3A_384, %dot_general3A_385 {dimension_numbers = #tpu.dot_dimension_numbers<[1], [0], [0], [1], [0, 0, 1, 1], [], []>, transpose_lhs_hint = false} : vector<256x448xbf16>, vector<448x320xbf16>, vector<256x320xf32> -> vector<256x320xf32>
    %add3A_387 = arith.addf %add3A_379, %dot_general3A_386 : vector<256x320xf32>
    %get3A_388 = arith.constant 0 : index
    %get3A_389 = arith.constant 0 : index
    %get3A_390 = vector.load %arg42[%get3A_388, %get3A_389] : memref<1x320xf32, #tpu.memory_space<vmem>>, vector<1x320xf32>
    %add3A_391 = vector.broadcast %get3A_390 : vector<1x320xf32> to vector<256x320xf32>
    %add3A_392 = arith.addf %add3A_387, %add3A_391 : vector<256x320xf32>
    %max3A_393 = arith.constant 0.000000e+00 : f32
    %max3A_394 = vector.broadcast %max3A_393 : f32 to vector<256x320xf32>
    %max3A_395 = arith.maximumf %add3A_392, %max3A_394 : vector<256x320xf32>
    %get3A_396 = arith.constant 0 : index
    %get3A_397 = arith.constant 0 : index
    %get3A_398 = vector.load %arg43[%get3A_396, %get3A_397] : memref<320x17xf32, #tpu.memory_space<vmem>>, vector<320x17xf32>
    %convert_element_type3A_399 = arith.truncf %max3A_395 : vector<256x320xf32> to vector<256x320xbf16>
    %convert_element_type3A_400 = arith.truncf %get3A_398 : vector<320x17xf32> to vector<320x17xbf16>
    %dot_general3A_401 = arith.constant dense<0.000000e+00> : vector<256x17xf32>
    %dot_general3A_402 = tpu.matmul %convert_element_type3A_399, %convert_element_type3A_400, %dot_general3A_401 {dimension_numbers = #tpu.dot_dimension_numbers<[1], [0], [0], [1], [0, 0, 1, 1], [], []>, transpose_lhs_hint = false} : vector<256x320xbf16>, vector<320x17xbf16>, vector<256x17xf32> -> vector<256x17xf32>
    %get3A_403 = arith.constant 0 : index
    %get3A_404 = arith.constant 0 : index
    %get3A_405 = vector.load %arg44[%get3A_403, %get3A_404] : memref<1x17xf32, #tpu.memory_space<vmem>>, vector<1x17xf32>
    %add3A_406 = vector.broadcast %get3A_405 : vector<1x17xf32> to vector<256x17xf32>
    %add3A_407 = arith.addf %dot_general3A_402, %add3A_406 : vector<256x17xf32>
    %swap3A = arith.constant 0 : index
    %swap3A_408 = arith.constant 0 : index
    %swap3A_409 = vector.load %arg45[%swap3A, %swap3A_408] : memref<256x17xf32, #tpu.memory_space<vmem>>, vector<256x17xf32>
    tpu.vector_store %arg45[%swap3A, %swap3A_408], %add3A_407 {strides = array<i32>} : memref<256x17xf32, #tpu.memory_space<vmem>>, vector<256x17xf32>,
    return
  }
  func.func @transform_0(%arg0: i32) -> (i32, i32) {
    %c0_i32 = arith.constant 0 : i32
    %c0_i32_0 = arith.constant 0 : i32
    return %arg0, %c0_i32 : i32, i32
  }
  func.func @transform_1(%arg0: i32) -> (i32, i32) {
    %c0_i32 = arith.constant 0 : i32
    %c0_i32_0 = arith.constant 0 : i32
    return %arg0, %c0_i32 : i32, i32
  }
  func.func @transform_2(%arg0: i32) -> (i32, i32) {
    %c0_i32 = arith.constant 0 : i32
    %c0_i32_0 = arith.constant 0 : i32
    return %arg0, %c0_i32 : i32, i32
  }
  func.func @transform_3(%arg0: i32) -> (i32, i32) {
    %c0_i32 = arith.constant 0 : i32
    %c0_i32_0 = arith.constant 0 : i32
    return %arg0, %c0_i32 : i32, i32
  }
  func.func @transform_4(%arg0: i32) -> (i32, i32) {
    %c0_i32 = arith.constant 0 : i32
    %c0_i32_0 = arith.constant 0 : i32
    return %arg0, %c0_i32 : i32, i32
  }
  func.func @transform_5(%arg0: i32) -> (i32, i32) {
    %c0_i32 = arith.constant 0 : i32
    %c0_i32_0 = arith.constant 0 : i32
    return %arg0, %c0_i32 : i32, i32
  }
  func.func @transform_6(%arg0: i32) -> (i32, i32) {
    %c0_i32 = arith.constant 0 : i32
    %c0_i32_0 = arith.constant 0 : i32
    return %arg0, %c0_i32 : i32, i32
  }
  func.func @transform_7(%arg0: i32) -> (i32, i32) {
    %c0_i32 = arith.constant 0 : i32
    %c0_i32_0 = arith.constant 0 : i32
    return %arg0, %c0_i32 : i32, i32
  }
  func.func @transform_8(%arg0: i32) -> (i32, i32, i32) {
    %c0_i32 = arith.constant 0 : i32
    %c0_i32_0 = arith.constant 0 : i32
    %c0_i32_1 = arith.constant 0 : i32
    return %arg0, %c0_i32, %c0_i32_0 : i32, i32, i32
  }
  func.func @transform_9(%arg0: i32) -> (i32, i32) {
    %c0_i32 = arith.constant 0 : i32
    %c0_i32_0 = arith.constant 0 : i32
    return %arg0, %c0_i32 : i32, i32
  }
  func.func @transform_10(%arg0: i32) -> (i32, i32) {
    %c0_i32 = arith.constant 0 : i32
    %c0_i32_0 = arith.constant 0 : i32
    %c0_i32_1 = arith.constant 0 : i32
    return %c0_i32, %c0_i32_0 : i32, i32
  }
  func.func @transform_11(%arg0: i32) -> (i32, i32) {
    %c0_i32 = arith.constant 0 : i32
    %c0_i32_0 = arith.constant 0 : i32
    %c0_i32_1 = arith.constant 0 : i32
    return %c0_i32, %c0_i32_0 : i32, i32
  }
  func.func @transform_12(%arg0: i32) -> (i32, i32) {
    %c0_i32 = arith.constant 0 : i32
    %c0_i32_0 = arith.constant 0 : i32
    %c0_i32_1 = arith.constant 0 : i32
    return %c0_i32, %c0_i32_0 : i32, i32
  }
  func.func @transform_13(%arg0: i32) -> (i32, i32) {
    %c0_i32 = arith.constant 0 : i32
    %c0_i32_0 = arith.constant 0 : i32
    %c0_i32_1 = arith.constant 0 : i32
    return %c0_i32, %c0_i32_0 : i32, i32
  }
  func.func @transform_14(%arg0: i32) -> (i32, i32) {
    %c0_i32 = arith.constant 0 : i32
    %c0_i32_0 = arith.constant 0 : i32
    %c0_i32_1 = arith.constant 0 : i32
    return %c0_i32, %c0_i32_0 : i32, i32
  }
  func.func @transform_15(%arg0: i32) -> (i32, i32) {
    %c0_i32 = arith.constant 0 : i32
    %c0_i32_0 = arith.constant 0 : i32
    %c0_i32_1 = arith.constant 0 : i32
    return %c0_i32, %c0_i32_0 : i32, i32
  }
  func.func @transform_16(%arg0: i32) -> (i32, i32) {
    %c0_i32 = arith.constant 0 : i32
    %c0_i32_0 = arith.constant 0 : i32
    %c0_i32_1 = arith.constant 0 : i32
    return %c0_i32, %c0_i32_0 : i32, i32
  }
  func.func @transform_17(%arg0: i32) -> (i32, i32) {
    %c0_i32 = arith.constant 0 : i32
    %c0_i32_0 = arith.constant 0 : i32
    %c0_i32_1 = arith.constant 0 : i32
    return %c0_i32, %c0_i32_0 : i32, i32
  }
  func.func @transform_18(%arg0: i32) -> (i32, i32) {
    %c0_i32 = arith.constant 0 : i32
    %c0_i32_0 = arith.constant 0 : i32
    %c0_i32_1 = arith.constant 0 : i32
    return %c0_i32, %c0_i32_0 : i32, i32
  }
  func.func @transform_19(%arg0: i32) -> (i32, i32) {
    %c0_i32 = arith.constant 0 : i32
    %c0_i32_0 = arith.constant 0 : i32
    %c0_i32_1 = arith.constant 0 : i32
    return %c0_i32, %c0_i32_0 : i32, i32
  }
  func.func @transform_20(%arg0: i32) -> (i32, i32) {
    %c0_i32 = arith.constant 0 : i32
    %c0_i32_0 = arith.constant 0 : i32
    %c0_i32_1 = arith.constant 0 : i32
    return %c0_i32, %c0_i32_0 : i32, i32
  }
  func.func @transform_21(%arg0: i32) -> (i32, i32) {
    %c0_i32 = arith.constant 0 : i32
    %c0_i32_0 = arith.constant 0 : i32
    %c0_i32_1 = arith.constant 0 : i32
    return %c0_i32, %c0_i32_0 : i32, i32
  }
  func.func @transform_22(%arg0: i32) -> (i32, i32) {
    %c0_i32 = arith.constant 0 : i32
    %c0_i32_0 = arith.constant 0 : i32
    %c0_i32_1 = arith.constant 0 : i32
    return %c0_i32, %c0_i32_0 : i32, i32
  }
  func.func @transform_23(%arg0: i32) -> (i32, i32) {
    %c0_i32 = arith.constant 0 : i32
    %c0_i32_0 = arith.constant 0 : i32
    %c0_i32_1 = arith.constant 0 : i32
    return %c0_i32, %c0_i32_0 : i32, i32
  }
  func.func @transform_24(%arg0: i32) -> (i32, i32) {
    %c0_i32 = arith.constant 0 : i32
    %c0_i32_0 = arith.constant 0 : i32
    %c0_i32_1 = arith.constant 0 : i32
    return %c0_i32, %c0_i32_0 : i32, i32
  }
  func.func @transform_25(%arg0: i32) -> (i32, i32) {
    %c0_i32 = arith.constant 0 : i32
    %c0_i32_0 = arith.constant 0 : i32
    %c0_i32_1 = arith.constant 0 : i32
    return %c0_i32, %c0_i32_0 : i32, i32
  }
  func.func @transform_26(%arg0: i32) -> (i32, i32) {
    %c0_i32 = arith.constant 0 : i32
    %c0_i32_0 = arith.constant 0 : i32
    %c0_i32_1 = arith.constant 0 : i32
    return %c0_i32, %c0_i32_0 : i32, i32
  }
  func.func @transform_27(%arg0: i32) -> (i32, i32) {
    %c0_i32 = arith.constant 0 : i32
    %c0_i32_0 = arith.constant 0 : i32
    %c0_i32_1 = arith.constant 0 : i32
    return %c0_i32, %c0_i32_0 : i32, i32
  }
  func.func @transform_28(%arg0: i32) -> (i32, i32) {
    %c0_i32 = arith.constant 0 : i32
    %c0_i32_0 = arith.constant 0 : i32
    %c0_i32_1 = arith.constant 0 : i32
    return %c0_i32, %c0_i32_0 : i32, i32
  }
  func.func @transform_29(%arg0: i32) -> (i32, i32) {
    %c0_i32 = arith.constant 0 : i32
    %c0_i32_0 = arith.constant 0 : i32
    %c0_i32_1 = arith.constant 0 : i32
    return %c0_i32, %c0_i32_0 : i32, i32
  }
  func.func @transform_30(%arg0: i32) -> (i32, i32) {
    %c0_i32 = arith.constant 0 : i32
    %c0_i32_0 = arith.constant 0 : i32
    %c0_i32_1 = arith.constant 0 : i32
    return %c0_i32, %c0_i32_0 : i32, i32
  }
  func.func @transform_31(%arg0: i32) -> (i32, i32) {
    %c0_i32 = arith.constant 0 : i32
    %c0_i32_0 = arith.constant 0 : i32
    %c0_i32_1 = arith.constant 0 : i32
    return %c0_i32, %c0_i32_0 : i32, i32
  }
  func.func @transform_32(%arg0: i32) -> (i32, i32) {
    %c0_i32 = arith.constant 0 : i32
    %c0_i32_0 = arith.constant 0 : i32
    %c0_i32_1 = arith.constant 0 : i32
    return %c0_i32, %c0_i32_0 : i32, i32
  }
  func.func @transform_33(%arg0: i32) -> (i32, i32) {
    %c0_i32 = arith.constant 0 : i32
    %c0_i32_0 = arith.constant 0 : i32
    %c0_i32_1 = arith.constant 0 : i32
    return %c0_i32, %c0_i32_0 : i32, i32
  }
  func.func @transform_34(%arg0: i32) -> (i32, i32) {
    %c0_i32 = arith.constant 0 : i32
    %c0_i32_0 = arith.constant 0 : i32
    %c0_i32_1 = arith.constant 0 : i32
    return %c0_i32, %c0_i32_0 : i32, i32
  }
  func.func @transform_35(%arg0: i32) -> (i32, i32) {
    %c0_i32 = arith.constant 0 : i32
    %c0_i32_0 = arith.constant 0 : i32
    %c0_i32_1 = arith.constant 0 : i32
    return %c0_i32, %c0_i32_0 : i32, i32
  }
  func.func @transform_36(%arg0: i32) -> (i32, i32) {
    %c0_i32 = arith.constant 0 : i32
    %c0_i32_0 = arith.constant 0 : i32
    %c0_i32_1 = arith.constant 0 : i32
    return %c0_i32, %c0_i32_0 : i32, i32
  }
  func.func @transform_37(%arg0: i32) -> (i32, i32) {
    %c0_i32 = arith.constant 0 : i32
    %c0_i32_0 = arith.constant 0 : i32
    %c0_i32_1 = arith.constant 0 : i32
    return %c0_i32, %c0_i32_0 : i32, i32
  }
  func.func @transform_38(%arg0: i32) -> (i32, i32) {
    %c0_i32 = arith.constant 0 : i32
    %c0_i32_0 = arith.constant 0 : i32
    %c0_i32_1 = arith.constant 0 : i32
    return %c0_i32, %c0_i32_0 : i32, i32
  }
  func.func @transform_39(%arg0: i32) -> (i32, i32) {
    %c0_i32 = arith.constant 0 : i32
    %c0_i32_0 = arith.constant 0 : i32
    %c0_i32_1 = arith.constant 0 : i32
    return %c0_i32, %c0_i32_0 : i32, i32
  }
  func.func @transform_40(%arg0: i32) -> (i32, i32) {
    %c0_i32 = arith.constant 0 : i32
    %c0_i32_0 = arith.constant 0 : i32
    %c0_i32_1 = arith.constant 0 : i32
    return %c0_i32, %c0_i32_0 : i32, i32
  }
  func.func @transform_41(%arg0: i32) -> (i32, i32) {
    %c0_i32 = arith.constant 0 : i32
    %c0_i32_0 = arith.constant 0 : i32
    %c0_i32_1 = arith.constant 0 : i32
    return %c0_i32, %c0_i32_0 : i32, i32
  }
  func.func @transform_42(%arg0: i32) -> (i32, i32) {
    %c0_i32 = arith.constant 0 : i32
    %c0_i32_0 = arith.constant 0 : i32
    %c0_i32_1 = arith.constant 0 : i32
    return %c0_i32, %c0_i32_0 : i32, i32
  }
  func.func @transform_43(%arg0: i32) -> (i32, i32) {
    %c0_i32 = arith.constant 0 : i32
    %c0_i32_0 = arith.constant 0 : i32
    %c0_i32_1 = arith.constant 0 : i32
    return %c0_i32, %c0_i32_0 : i32, i32
  }
  func.func @transform_44(%arg0: i32) -> (i32, i32) {
    %c0_i32 = arith.constant 0 : i32
    %c0_i32_0 = arith.constant 0 : i32
    return %arg0, %c0_i32 : i32, i32
  }
}

</mosaic_0001>

<sc_bundles>
// kernel: kernel.25.cloned.1.call-start
scs
__scs_entry_jumppad:
0x0: {  	(pc) =	sbr.rel $0x88, $3  }
0x1: {  	(tag) =	ssettag $0x0;
	lr =	simm.s32 $0x1  }
0x2: {  	[smem:$0x3F4D] =	sst lr;
	_ =	strace $0xD0000000  }
0x3: {  	_ = 	snop  }
0x4: {  	_ = 	snop  }
0x5: {  	_ = 	snop  }
0x6: {  	_ = 	snop  }
0x7: {  	_ = 	snop  }
__scs_overlays_trampoline_lowered:
0x8: {  	[smem:$0x3F5C] =	sst s0  }
0x9: {  	[smem:$0x3F5D] =	sst s1  }
0xa: {  	[smem:$0x3F5E] =	sst s2  }
0xb: {  	[smem:$0x3F5F] =	sst s3  }
0xc: {  	[smem:$0x3F60] =	sst s4  }
0xd: {  	[smem:$0x3F61] =	sst s5  }
0xe: {  	[smem:$0x3F62] =	sst s6  }
0xf: {  	[smem:$0x3F63] =	sst s7  }
0x10: {  	[smem:$0x3F64] =	sst s8  }
0x11: {  	[smem:$0x3F65] =	sst s9;
	s0 =	simm.s32 @!p0 $0x0  }
0x12: {  	s1 =	sld [smem:$0x3F4B];
	s0 =	simm.s32 @p0 $0x1  }
0x13: {  	[smem:$0x3F66] =	sst s0;
	s0 =	simm.s32 @!p1 $0x0  }
0x14: {  	s2 =	sld [smem:$0x3F4A];
	s0 =	simm.s32 @p1 $0x1  }
0x15: {  	[smem:$0x3F67] =	sst s0;
	s0 =	simm.s32 @!p2 $0x0  }
0x16: {  	s3 =	sld [smem:$0x3FDB];
	s0 =	simm.s32 @p2 $0x1  }
0x17: {  	s4 =	simm.s32 $0x1BF5;
	[smem:$0x3F69] =	sst s0  }
0x18: {  	s0 =	sld [smem:$0x3F4C];
	_ =	swait.ge [sflag:s4], $0x0  }
0x19: {  	s7 =	sld [smem:$0x3F4D]  }
0x1a: {  	s8 =	sadd.s32 $0xFFFFE003, lr  }
0x1b: {  	s9 =	sadd.s32 $0xFFFFFEF7, lr;
	s5 =	simm.s32 $0xFFFFFFFF;
	p2 =	slt.u32 s8, $0xFFFFF086  }
0x1c: {  	p1 =	slt.u32 s9, $0xF7A;
	s5 =	simm.s32 @!p2 $0x0  }
0x1d: {  	s5 =	simm.s32 @p1 $0x1;
	p0 =	seq.s32 s7, s2  }
0x1e: {  	s7 =	smul.u32 @!p0 $0xF7A, s2;
	p2 =	seq.s32 @!p0 s5, $0x0  }
0x1f: {  	s9 =	smul.u32 $0xF7A, s1;
	s8 =	simm.s32 @!p0 $0x1BF5;
	p2 =	por !p2, p0  }
0x20: {  	[sflag:s8] =	ssyncset.s32 @!p0 $0xFFFFF086;
	s6 =	sadd.s32 @!p0 s3, s7;
	s7 =	simm.s32 @!p0 $0x108  }
0x21: {  	s3 =	sadd.s32 s3, s9;
	s6 =	sadd.s32 @!p0 $0x88, s6;
	s7 =	simm.s32 @p2 $0x1082  }
0x22: {  	[simem:s7], [sflag:s8] =	dma.local @!p0 [hbm:s6], $0xF7A  }
0x23: {  	s9 =	sor.u32 $0xD0000000, s2;
	s6 =	simm.s32 $0x108;
	_ =	swait.ge @!p0 [sflag:s8], $0x0  }
0x24: {  	s3 =	sadd.s32 $0x88, s3;
	s6 =	simm.s32 @!p1 $0x1082;
	[sflag:s4] =	ssyncset.s32 $0xFFFFF086  }
0x25: {  	[simem:s6], [sflag:s4] =	dma.local [hbm:s3], $0xF7A  }
0x26: {  	[smem:$0x3F4D] =	sst s1;
	(tag) =	ssettag s2;
	_ =	strace s9  }
0x27: {  	s1 =	sld [smem:$0x3F5D]  }
0x28: {  	s2 =	sld [smem:$0x3F5E]  }
0x29: {  	s4 =	sld [smem:$0x3F60]  }
0x2a: {  	p0 =	seq.s32 s5, $0x0;
	s5 =	sld [smem:$0x3F61]  }
0x2b: {  	s6 =	sld [smem:$0x3F62]  }
0x2c: {  	s7 =	sld [smem:$0x3F63]  }
0x2d: {  	s3 =	simm.s32 $0x108;
	s8 =	sld [smem:$0x3F64]  }
0x2e: {  	s3 =	simm.s32 @!p0 $0x1082;
	s9 =	sld [smem:$0x3F65]  }
0x2f: {  	lr =	sadd.s32 s0, s3;
	s0 =	sld [smem:$0x3F5C]  }
0x30: {  	s3 =	sld [smem:$0x3F5F]  }
0x31: {  	[smem:$0x3F68] =	sst s10  }
0x32: {  	s10 =	sld [smem:$0x3F66];
	_ =	sdelay $0x3  }
0x33: {  	p0 =	seq.s32 s10, $0x1;
	s10 =	sld [smem:$0x3F68];
	_ =	sdelay $0x3  }
0x34: {  	[smem:$0x3F68] =	sst s10  }
0x35: {  	s10 =	sld [smem:$0x3F67];
	_ =	sdelay $0x3  }
0x36: {  	p1 =	seq.s32 s10, $0x1;
	s10 =	sld [smem:$0x3F68];
	_ =	sdelay $0x3  }
0x37: {  	[smem:$0x3F68] =	sst s10  }
0x38: {  	s10 =	sld [smem:$0x3F69]  }
0x39: {  	_ = 	snop;
	(pc) =	sbr.ind lr, $3  }
0x3a: {  	_ = 	snop  }
0x3b: {  	_ = 	snop  }
0x3c: {  	p2 =	seq.s32 s10, $0x1;
	s10 =	sld [smem:$0x3F68]  }
0x3d: {  	_ =	shalt  }
0x3e: {  	_ =	shalt  }
0x3f: {  	_ =	shalt  }
0x40: {  	_ =	shalt  }
0x41: {  	_ =	shalt  }
0x42: {  	_ =	shalt  }
0x43: {  	_ =	shalt  }
0x44: {  	_ =	shalt  }
0x45: {  	_ =	shalt  }
0x46: {  	_ =	shalt  }
0x47: {  	_ =	shalt  }
0x48: {  	_ =	shalt  }
0x49: {  	_ =	shalt  }
0x4a: {  	_ =	shalt  }
0x4b: {  	_ =	shalt  }
0x4c: {  	_ =	shalt  }
0x4d: {  	_ =	shalt  }
0x4e: {  	_ =	shalt  }
0x4f: {  	_ =	shalt  }
0x50: {  	_ =	shalt  }
0x51: {  	_ =	shalt  }
0x52: {  	_ =	shalt  }
0x53: {  	_ =	shalt  }
0x54: {  	_ =	shalt  }
0x55: {  	_ =	shalt  }
0x56: {  	_ =	shalt  }
0x57: {  	_ =	shalt  }
0x58: {  	_ =	shalt  }
0x59: {  	_ =	shalt  }
0x5a: {  	_ =	shalt  }
0x5b: {  	_ =	shalt  }
0x5c: {  	_ =	shalt  }
0x5d: {  	_ =	shalt  }
0x5e: {  	_ =	shalt  }
0x5f: {  	_ =	shalt  }
0x60: {  	_ =	shalt  }
0x61: {  	_ =	shalt  }
0x62: {  	_ =	shalt  }
0x63: {  	_ =	shalt  }
0x64: {  	_ =	shalt  }
0x65: {  	_ =	shalt  }
0x66: {  	_ =	shalt  }
0x67: {  	_ =	shalt  }
0x68: {  	_ =	shalt  }
0x69: {  	_ =	shalt  }
0x6a: {  	_ =	shalt  }
0x6b: {  	_ =	shalt  }
0x6c: {  	_ =	shalt  }
0x6d: {  	_ =	shalt  }
0x6e: {  	_ =	shalt  }
0x6f: {  	_ =	shalt  }
0x70: {  	_ =	shalt  }
0x71: {  	_ =	shalt  }
0x72: {  	_ =	shalt  }
0x73: {  	_ =	shalt  }
0x74: {  	_ =	shalt  }
0x75: {  	_ =	shalt  }
0x76: {  	_ =	shalt  }
0x77: {  	_ =	shalt  }
0x78: {  	_ =	shalt  }
0x79: {  	_ =	shalt  }
0x7a: {  	_ =	shalt  }
0x7b: {  	_ =	shalt  }
0x7c: {  	_ =	shalt  }
0x7d: {  	_ =	shalt  }
0x7e: {  	_ =	shalt  }
0x7f: {  	_ =	shalt  }
0x80: {  	_ =	shalt  }
0x81: {  	_ =	shalt  }
0x82: {  	_ =	shalt  }
0x83: {  	_ =	shalt  }
0x84: {  	_ =	shalt  }
0x85: {  	_ =	shalt  }
0x86: {  	_ =	shalt  }
0x87: {  	_ =	shalt  }
.Lfunc_end0:
.L_simem_size_0:
called_computation_lowered:
.L_overlay_start_0:
0x88: {  	s2 =	sld [smem:$0x3FD9]  }
0x89: {  	s3 =	sld [smem:$0x3FFE];
	_ =	sdelay $0x1  }
0x8a: {  	s1 =	srdreg.scid  }
0x8b: {  	s0 =	sand.u32 $0x1, s1  }
0x8c: {  	s16 =	sshll.u32 s0, $0xA;
	s2 =	sadd.s32 s3, s2  }
0x8d: {  	s2 =	sadd.s32 s2, s16  }
0x8e: {  	[smem:$0x3F74] =	sst s2  }
0x8f: {  	_ = 	snop  }
0x90: {  	(tm) =	ssettm $0x1  }
0x91: {  	s17 =	sld [smem:$0x3FFB];
	_ =	sdelay $0x3  }
0x92: {  	_ =	strace s17  }
0x93: {  	s2 =	sld [smem:$0x3FFC];
	_ =	sdelay $0x3  }
0x94: {  	_ =	strace s2  }
0x95: {  	s2 =	sld [smem:$0x3FFD];
	_ =	sdelay $0x3  }
0x96: {  	_ =	strace s2  }
0x97: {  	_ =	strace $0x8FFFFFFF  }
0x98: {  	s18 =	sld [smem:$0x3FDB];
	_ =	sdelay $0x1  }
0x99: {  	s19 =	simm.s32 $_scs_section_size  }
0x9a: {  	s4 =	simm.s32 $_size__tile_overlayer_lowered;
	s5 =	simm.s32 $_tile_overlayer_lowered  }
0x9b: {  	s22 =	simm.s32 $0x1BFF;
	s21 =	sshll.u32 s5, $0x1;
	s2 =	sadd.s32 s19, s18  }
0x9c: {  	s6 =	simm.s32 $0x0;
	s20 =	sshll.u32 s4, $0x1;
	s4 =	sadd.s32 s21, s2  }
0x9d: {  	[timem:s6], [sflag:s22] =	dma.local [hbm:s4], s20  }
0x9e: {  	_ =	swait.ge [sflag:s22], s20  }
0x9f: {  	s3 =	ssub.s32 $0x0, s20;
	[sflag:s22] =	ssyncset.done $0x0  }
0xa0: {  	[sflag:s22] =	ssyncadd.s32 s3;
	_ =	sdelay $0x1  }
0xa1: {  	s23 =	simm.s32 $0x1B8B  }
0xa2: {  	_ =	swait.ge [sflag:s23], $0x1  }
0xa3: {  	[sflag:s23] =	ssyncset.done $0x0  }
0xa4: {  	s25 =	simm.s32 $0x1B8E;
	s24 =	sld [smem:$0x3FFE];
	[sflag:s23] =	ssyncadd.s32 $0xFFFFFFFF  }
0xa5: {  	s26 =	simm.s32 $execute0_lowered;
	[smem:$0x3FD2] =	sst s25  }
0xa6: {  	s4 =	sshll.u32 s26, $0x1;
	_ =	strace $0x80000046;
	[dreg:$0x1] =	wrdreg $0xFFFFFFFF  }
0xa7: {  	s28 =	simm.s32 $_size_execute0_lowered;
	s2 =	sadd.s32 s2, s4;
	[dreg:$0x0] =	wrdreg $0x0  }
0xa8: {  	s4 =	sshll.u32 s28, $0x1;
	[dreg:$0x2] =	wrdreg s2  }
0xa9: {  	[dreg:$0x3] =	wrdreg s4  }
0xaa: {  	[dreg:$0x4] =	wrdreg $0xC0  }
0xab: {  	_ =	task [dreg:s6], $0x5FFFF  }
0xac: {  	[dreg:$0x1] =	wrdreg $0xFFFFFFFF  }
0xad: {  	[dreg:$0x0] =	wrdreg $0x60  }
0xae: {  	[dreg:$0x2] =	wrdreg s24  }
0xaf: {  	[dreg:$0x3] =	wrdreg $0x9  }
0xb0: {  	_ =	task.clear_ibuf [dreg:s6], $0x4FFFF;
	_ =	strace $0x90000046  }
0xb1: {  	s29 =	simm.s32 $0x9;
	_ =	strace $0x80000048  }
0xb2: {  	_ =	swait.ge [sflag:s29], $0x1  }
0xb3: {  	[sflag:s29] =	ssyncadd.s32 $0xFFFFFFFF  }
0xb4: {  	_ =	strace $0x90000048  }
0xb5: {  	_ =	sfence  }
0xb6: {  	s30 =	sld [smem:$0x0];
	_ =	sdelay $0x2  }
0xb7: {  	s31 =	sshll.u32 s1, $0xD;
	s1 =	sshrl.u32 s1, $0x2  }
0xb8: {  	s3 =	sand.u32 $0x4000, s31;
	s1 =	sadd.s32 s1, s30  }
0xb9: {  	s0 =	sor.u32 s3, s0;
	s1 =	sshll.u32 s1, $0x11  }
0xba: {  	s0 =	sor.u32 s1, s0  }
0xbb: {  	s0 =	sadd.s32 $0x8F2B, s0  }
0xbc: {  	[sflag:s0] =	ssyncadd.remote.s32 $0x1  }
0xbd: {  	_ =	sfence.sel $0xFFFF  }
0xbe: {  	[dreg:$0x0] =	wrdreg $0xFFFFFFFF;
	(pc) =	sbr.abs _section_cstart, $3  }
0xbf: {  	[dreg:$0x1] =	wrdreg $0xFFFFFFFF  }
0xc0: {  	_ =	task.clear_ibuf [dreg:s6], $0x2FFFF;
	_ =	strace $0x9FFFFFFF  }
0xc1: {  	(tm) =	ssettm $0x7FFFFFFF  }
tec
execute0_lowered:
.L_overlay_start_1:
0x0: {  	(tag) =	ssettag $0x1  }
0x1: {  	s4 =	rddreg [dreg:$0x0]  }
0x2: {  	s0 =	rddreg [dreg:$0x1];
	s2 =	simm.s32 $0x0;
	s1 =	stileid.u32  }
0x3: {  	s3 =	srdreg.scid;
	s10 =	simm.s32 $0x0;
	s6 =	smul.u32 $0x3000, s1  }
0x4: {  	[smem:$0x7FF] =	sst s2;
	s5 =	sand.u32 $0x1, s3;
	s8 =	smul.u32 $0x30000, s1  }
0x5: {  	s3 =	sadd.s32 $0x1F6200, s4;
	s7 =	smul.u32 $0x1800, s5;
	s9 =	ssub.s32 $0x2, s5  }
0x6: {  	_ =	strace $0x80000047;
	s5 =	smul.u32 $0x18000, s5;
	s31 =	sshrl.u32 s9, $0x1  }
0x7: {  	s8 =	sadd.s32 s8, s4;
	s6 =	sadd.s32 s7, s6;
	s7 =	ssub.s32 s9, s31  }
0x8: {  	s5 =	sadd.s32 s5, s8;
	s8 =	simm.s32 $0x80;
	s6 =	sshrl.u32 s6, $0x3  }
0x9: {  	s9 =	simm.s32 $0x1;
	s5 =	sadd.s32 $0x20E200, s5;
	s6 =	sadd.s32 s6, s4  }
0xa: {  	s4 =	smax.u32 s7, $0x1;
	s7 =	simm.s32 $0x2;
	s6 =	sadd.s32 $0x1F0200, s6  }
.LBB2_1:
0xb: {  	s11 =	sadd.s32 $0x0, s6  }
0xc: {  	[tilespmem:s2], [sflag:$0x2] =	stream.linear.gather [hbm4b:s11+s2], $0x80, $0x38;
	[tilespmem:$0x4080] =	vst v63  }
0xd: {  	_ =	swait.ge [sflag:s7], $0x80  }
0xe: {  	[sflag:s7] =	ssyncset.done $0x0  }
0xf: {  	[sflag:s7] =	ssyncadd.s32 $0xFFFFFF80  }
0x10: {  	[tilespmem:s8], [sflag:$0x1] =	stream.indirect.gather [hbm4b:s3+s8], $0x80, s2, s8, $0xb8;
	[tilespmem:$0x4080] =	vst v63  }
0x11: {  	_ =	swait.ge [sflag:s9], $0x4000  }
0x12: {  	[sflag:s9] =	ssyncset.done $0x0  }
0x13: {  	[sflag:s9] =	ssyncadd.s32 $0xFFFFC000  }
0x14: {  	[hbm4b:s5+s2] =	stream.linear.scatter [tilespmem:s8], [sflag:$0x2], $0x4000, $0x38;
	[tilespmem:$0x4080] =	vst v63  }
0x15: {  	s12 =	simm.s32 $0x10;
	_ =	swait.ge [sflag:s7], $0x4000  }
0x16: {  	s13 =	simm.s32 $0x20;
	s11 =	sadd.s32 $0x800, s5;
	[sflag:s7] =	ssyncset.done $0x0  }
.LBB2_2:
0x17: {  	s14 =	sadd.s32 s12, s6  }
0x18: {  	[sflag:s7] =	ssyncadd.s32 $0xFFFFC000;
	s12 =	smov.u32 s13;
	s15 =	sadd.s32 $0x10, s13  }
0x19: {  	[tilespmem:s2], [sflag:$0x2] =	stream.linear.gather [hbm4b:s14+s2], $0x80, $0x38;
	[tilespmem:$0x4080] =	vst v63  }
0x1a: {  	p0 =	sne.s32 s13, $0x2F0;
	_ =	swait.ge [sflag:s7], $0x80  }
0x1b: {  	[sflag:s7] =	ssyncset.done $0x0  }
0x1c: {  	[sflag:s7] =	ssyncadd.s32 $0xFFFFFF80  }
0x1d: {  	[tilespmem:s8], [sflag:$0x1] =	stream.indirect.gather [hbm4b:s3+s8], $0x80, s2, s8, $0xb8;
	[tilespmem:$0x4080] =	vst v63  }
0x1e: {  	_ =	swait.ge [sflag:s9], $0x4000  }
.Ltmp0:
0x1f: {  	[sflag:s9] =	ssyncset.done $0x0;
	(pc) =	sbr.rel @p0 .LBB2_2-.Ltmp0, $4  }
0x20: {  	[sflag:s9] =	ssyncadd.s32 $0xFFFFC000  }
0x21: {  	[hbm4b:s11+s2] =	stream.linear.scatter [tilespmem:s8], [sflag:$0x2], $0x4000, $0x38;
	[tilespmem:$0x4080] =	vst v63  }
0x22: {  	_ =	swait.ge [sflag:s7], $0x4000  }
0x23: {  	s13 =	smov.u32 s15;
	s11 =	sadd.s32 $0x800, s11;
	[sflag:s7] =	ssyncset.done $0x0  }
0x24: {  	s12 =	sadd.s32 s12, s6;
	[sflag:s7] =	ssyncadd.s32 $0xFFFFC000  }
0x25: {  	[tilespmem:s2], [sflag:$0x2] =	stream.linear.gather [hbm4b:s12+s2], $0x80, $0x38;
	[tilespmem:$0x4080] =	vst v63  }
0x26: {  	_ =	swait.ge [sflag:s7], $0x80  }
0x27: {  	[sflag:s7] =	ssyncset.done $0x0  }
0x28: {  	[sflag:s7] =	ssyncadd.s32 $0xFFFFFF80  }
0x29: {  	[tilespmem:s8], [sflag:$0x1] =	stream.indirect.gather [hbm4b:s3+s8], $0x80, s2, s8, $0xb8;
	[tilespmem:$0x4080] =	vst v63  }
0x2a: {  	s10 =	sadd.s32 $0x1, s10;
	_ =	swait.ge [sflag:s9], $0x4000  }
0x2b: {  	p0 =	sne.s32 s10, s4;
	[sflag:s9] =	ssyncset.done $0x0  }
.Ltmp1:
0x2c: {  	[sflag:s9] =	ssyncadd.s32 $0xFFFFC000;
	(pc) =	sbr.rel @p0 .LBB2_1-.Ltmp1, $4  }
0x2d: {  	[hbm4b:s11+s2] =	stream.linear.scatter [tilespmem:s8], [sflag:$0x2], $0x4000, $0x38;
	[tilespmem:$0x4080] =	vst v63  }
0x2e: {  	_ =	swait.ge [sflag:s7], $0x4000  }
0x2f: {  	[sflag:s7] =	ssyncset.done $0x0  }
0x30: {  	[sflag:s7] =	ssyncadd.s32 $0xFFFFC000  }
0x31: {  	_ =	sfence.sel $0x180000  }
0x32: {  	[bflag:$0x0] =	sbarrier.arrive $0xFFFF  }
0x33: {  	p0 =	sne.s32 s1, $0x0;
	_ =	strace $0x90000047  }
0x34: {  	s0 =	sadd.s32 @!p0 $0x100000, s0;
	[bflag:$0x2] =	sbarrier.arrive $0xFFFF  }
0x35: {  	[sflag:s0] =	ssyncadd.tile.s32 @!p0 $0x1;
	_ =	shalt  }
.Lfunc_end2:
_tile_overlayer_lowered:
.L_overlay_start_2:
0x36: {  	(tag) =	ssettag $0x2  }
0x37: {  	s0 =	rddreg [dreg:$0x0];
	s2 =	stileid.u32  }
0x38: {  	s1 =	rddreg [dreg:$0x1];
	p0 =	sne.s32 s2, $0x0  }
0x39: {  	s3 =	rddreg [dreg:$0x2];
	[bflag:$0x3] =	sbarrier.arrive $0xFFFF;
	s2 =	simm.s32 @!p0 $0x1C02  }
0x3a: {  	[timem:s3], [sflag:s2] =	dma.local @!p0 [hbm:s0], s1  }
0x3b: {  	s0 =	simm.s32 @!p0 $0x2  }
0x3c: {  	_ =	swait.ge @!p0 [sflag:s0], s1  }
0x3d: {  	s1 =	ssub.s32 @!p0 $0x0, s1;
	[sflag:s0] =	ssyncset.done @!p0 $0x0  }
0x3e: {  	[sflag:s0] =	ssyncadd.s32 @!p0 s1  }
0x3f: {  	[bflag:$0x3] =	sbarrier.arrive $0xFFFF  }
0x40: {  	_ =	shalt  }

// kernel: kernel.28.cloned.1.call-start
scs
__scs_entry_jumppad:
0x0: {  	(pc) =	sbr.rel $0x88, $3  }
0x1: {  	(tag) =	ssettag $0x0;
	lr =	simm.s32 $0x1  }
0x2: {  	[smem:$0x3F4D] =	sst lr;
	_ =	strace $0xD0000000  }
0x3: {  	_ = 	snop  }
0x4: {  	_ = 	snop  }
0x5: {  	_ = 	snop  }
0x6: {  	_ = 	snop  }
0x7: {  	_ = 	snop  }
__scs_overlays_trampoline_lowered:
0x8: {  	[smem:$0x3F5C] =	sst s0  }
0x9: {  	[smem:$0x3F5D] =	sst s1  }
0xa: {  	[smem:$0x3F5E] =	sst s2  }
0xb: {  	[smem:$0x3F5F] =	sst s3  }
0xc: {  	[smem:$0x3F60] =	sst s4  }
0xd: {  	[smem:$0x3F61] =	sst s5  }
0xe: {  	[smem:$0x3F62] =	sst s6  }
0xf: {  	[smem:$0x3F63] =	sst s7  }
0x10: {  	[smem:$0x3F64] =	sst s8  }
0x11: {  	[smem:$0x3F65] =	sst s9;
	s0 =	simm.s32 @!p0 $0x0  }
0x12: {  	s1 =	sld [smem:$0x3F4B];
	s0 =	simm.s32 @p0 $0x1  }
0x13: {  	[smem:$0x3F66] =	sst s0;
	s0 =	simm.s32 @!p1 $0x0  }
0x14: {  	s2 =	sld [smem:$0x3F4A];
	s0 =	simm.s32 @p1 $0x1  }
0x15: {  	[smem:$0x3F67] =	sst s0;
	s0 =	simm.s32 @!p2 $0x0  }
0x16: {  	s3 =	sld [smem:$0x3FDB];
	s0 =	simm.s32 @p2 $0x1  }
0x17: {  	s4 =	simm.s32 $0x1BF5;
	[smem:$0x3F69] =	sst s0  }
0x18: {  	s0 =	sld [smem:$0x3F4C];
	_ =	swait.ge [sflag:s4], $0x0  }
0x19: {  	s7 =	sld [smem:$0x3F4D]  }
0x1a: {  	s8 =	sadd.s32 $0xFFFFE003, lr  }
0x1b: {  	s9 =	sadd.s32 $0xFFFFFEF7, lr;
	s5 =	simm.s32 $0xFFFFFFFF;
	p2 =	slt.u32 s8, $0xFFFFF086  }
0x1c: {  	p1 =	slt.u32 s9, $0xF7A;
	s5 =	simm.s32 @!p2 $0x0  }
0x1d: {  	s5 =	simm.s32 @p1 $0x1;
	p0 =	seq.s32 s7, s2  }
0x1e: {  	s7 =	smul.u32 @!p0 $0xF7A, s2;
	p2 =	seq.s32 @!p0 s5, $0x0  }
0x1f: {  	s9 =	smul.u32 $0xF7A, s1;
	s8 =	simm.s32 @!p0 $0x1BF5;
	p2 =	por !p2, p0  }
0x20: {  	[sflag:s8] =	ssyncset.s32 @!p0 $0xFFFFF086;
	s6 =	sadd.s32 @!p0 s3, s7;
	s7 =	simm.s32 @!p0 $0x108  }
0x21: {  	s3 =	sadd.s32 s3, s9;
	s6 =	sadd.s32 @!p0 $0x88, s6;
	s7 =	simm.s32 @p2 $0x1082  }
0x22: {  	[simem:s7], [sflag:s8] =	dma.local @!p0 [hbm:s6], $0xF7A  }
0x23: {  	s9 =	sor.u32 $0xD0000000, s2;
	s6 =	simm.s32 $0x108;
	_ =	swait.ge @!p0 [sflag:s8], $0x0  }
0x24: {  	s3 =	sadd.s32 $0x88, s3;
	s6 =	simm.s32 @!p1 $0x1082;
	[sflag:s4] =	ssyncset.s32 $0xFFFFF086  }
0x25: {  	[simem:s6], [sflag:s4] =	dma.local [hbm:s3], $0xF7A  }
0x26: {  	[smem:$0x3F4D] =	sst s1;
	(tag) =	ssettag s2;
	_ =	strace s9  }
0x27: {  	s1 =	sld [smem:$0x3F5D]  }
0x28: {  	s2 =	sld [smem:$0x3F5E]  }
0x29: {  	s4 =	sld [smem:$0x3F60]  }
0x2a: {  	p0 =	seq.s32 s5, $0x0;
	s5 =	sld [smem:$0x3F61]  }
0x2b: {  	s6 =	sld [smem:$0x3F62]  }
0x2c: {  	s7 =	sld [smem:$0x3F63]  }
0x2d: {  	s3 =	simm.s32 $0x108;
	s8 =	sld [smem:$0x3F64]  }
0x2e: {  	s3 =	simm.s32 @!p0 $0x1082;
	s9 =	sld [smem:$0x3F65]  }
0x2f: {  	lr =	sadd.s32 s0, s3;
	s0 =	sld [smem:$0x3F5C]  }
0x30: {  	s3 =	sld [smem:$0x3F5F]  }
0x31: {  	[smem:$0x3F68] =	sst s10  }
0x32: {  	s10 =	sld [smem:$0x3F66];
	_ =	sdelay $0x3  }
0x33: {  	p0 =	seq.s32 s10, $0x1;
	s10 =	sld [smem:$0x3F68];
	_ =	sdelay $0x3  }
0x34: {  	[smem:$0x3F68] =	sst s10  }
0x35: {  	s10 =	sld [smem:$0x3F67];
	_ =	sdelay $0x3  }
0x36: {  	p1 =	seq.s32 s10, $0x1;
	s10 =	sld [smem:$0x3F68];
	_ =	sdelay $0x3  }
0x37: {  	[smem:$0x3F68] =	sst s10  }
0x38: {  	s10 =	sld [smem:$0x3F69]  }
0x39: {  	_ = 	snop;
	(pc) =	sbr.ind lr, $3  }
0x3a: {  	_ = 	snop  }
0x3b: {  	_ = 	snop  }
0x3c: {  	p2 =	seq.s32 s10, $0x1;
	s10 =	sld [smem:$0x3F68]  }
0x3d: {  	_ =	shalt  }
0x3e: {  	_ =	shalt  }
0x3f: {  	_ =	shalt  }
0x40: {  	_ =	shalt  }
0x41: {  	_ =	shalt  }
0x42: {  	_ =	shalt  }
0x43: {  	_ =	shalt  }
0x44: {  	_ =	shalt  }
0x45: {  	_ =	shalt  }
0x46: {  	_ =	shalt  }
0x47: {  	_ =	shalt  }
0x48: {  	_ =	shalt  }
0x49: {  	_ =	shalt  }
0x4a: {  	_ =	shalt  }
0x4b: {  	_ =	shalt  }
0x4c: {  	_ =	shalt  }
0x4d: {  	_ =	shalt  }
0x4e: {  	_ =	shalt  }
0x4f: {  	_ =	shalt  }
0x50: {  	_ =	shalt  }
0x51: {  	_ =	shalt  }
0x52: {  	_ =	shalt  }
0x53: {  	_ =	shalt  }
0x54: {  	_ =	shalt  }
0x55: {  	_ =	shalt  }
0x56: {  	_ =	shalt  }
0x57: {  	_ =	shalt  }
0x58: {  	_ =	shalt  }
0x59: {  	_ =	shalt  }
0x5a: {  	_ =	shalt  }
0x5b: {  	_ =	shalt  }
0x5c: {  	_ =	shalt  }
0x5d: {  	_ =	shalt  }
0x5e: {  	_ =	shalt  }
0x5f: {  	_ =	shalt  }
0x60: {  	_ =	shalt  }
0x61: {  	_ =	shalt  }
0x62: {  	_ =	shalt  }
0x63: {  	_ =	shalt  }
0x64: {  	_ =	shalt  }
0x65: {  	_ =	shalt  }
0x66: {  	_ =	shalt  }
0x67: {  	_ =	shalt  }
0x68: {  	_ =	shalt  }
0x69: {  	_ =	shalt  }
0x6a: {  	_ =	shalt  }
0x6b: {  	_ =	shalt  }
0x6c: {  	_ =	shalt  }
0x6d: {  	_ =	shalt  }
0x6e: {  	_ =	shalt  }
0x6f: {  	_ =	shalt  }
0x70: {  	_ =	shalt  }
0x71: {  	_ =	shalt  }
0x72: {  	_ =	shalt  }
0x73: {  	_ =	shalt  }
0x74: {  	_ =	shalt  }
0x75: {  	_ =	shalt  }
0x76: {  	_ =	shalt  }
0x77: {  	_ =	shalt  }
0x78: {  	_ =	shalt  }
0x79: {  	_ =	shalt  }
0x7a: {  	_ =	shalt  }
0x7b: {  	_ =	shalt  }
0x7c: {  	_ =	shalt  }
0x7d: {  	_ =	shalt  }
0x7e: {  	_ =	shalt  }
0x7f: {  	_ =	shalt  }
0x80: {  	_ =	shalt  }
0x81: {  	_ =	shalt  }
0x82: {  	_ =	shalt  }
0x83: {  	_ =	shalt  }
0x84: {  	_ =	shalt  }
0x85: {  	_ =	shalt  }
0x86: {  	_ =	shalt  }
0x87: {  	_ =	shalt  }
.Lfunc_end0:
.L_simem_size_0:
called_computation.1_lowered:
.L_overlay_start_0:
0x88: {  	s2 =	sld [smem:$0x3FD9]  }
0x89: {  	s3 =	sld [smem:$0x3FFE];
	_ =	sdelay $0x1  }
0x8a: {  	s1 =	srdreg.scid  }
0x8b: {  	s0 =	sand.u32 $0x1, s1  }
0x8c: {  	s16 =	sshll.u32 s0, $0xA;
	s2 =	sadd.s32 s3, s2  }
0x8d: {  	s2 =	sadd.s32 s2, s16  }
0x8e: {  	[smem:$0x3F74] =	sst s2  }
0x8f: {  	_ = 	snop  }
0x90: {  	(tm) =	ssettm $0x1  }
0x91: {  	s17 =	sld [smem:$0x3FFB];
	_ =	sdelay $0x3  }
0x92: {  	_ =	strace s17  }
0x93: {  	s2 =	sld [smem:$0x3FFC];
	_ =	sdelay $0x3  }
0x94: {  	_ =	strace s2  }
0x95: {  	s2 =	sld [smem:$0x3FFD];
	_ =	sdelay $0x3  }
0x96: {  	_ =	strace s2  }
0x97: {  	_ =	strace $0x8FFFFFFF  }
0x98: {  	s18 =	sld [smem:$0x3FDB];
	_ =	sdelay $0x1  }
0x99: {  	s19 =	simm.s32 $_scs_section_size  }
0x9a: {  	s4 =	simm.s32 $_size__tile_overlayer_lowered;
	s5 =	simm.s32 $_tile_overlayer_lowered  }
0x9b: {  	s22 =	simm.s32 $0x1BFF;
	s21 =	sshll.u32 s5, $0x1;
	s2 =	sadd.s32 s19, s18  }
0x9c: {  	s6 =	simm.s32 $0x0;
	s20 =	sshll.u32 s4, $0x1;
	s4 =	sadd.s32 s21, s2  }
0x9d: {  	[timem:s6], [sflag:s22] =	dma.local [hbm:s4], s20  }
0x9e: {  	_ =	swait.ge [sflag:s22], s20  }
0x9f: {  	s3 =	ssub.s32 $0x0, s20;
	[sflag:s22] =	ssyncset.done $0x0  }
0xa0: {  	[sflag:s22] =	ssyncadd.s32 s3;
	_ =	sdelay $0x1  }
0xa1: {  	s23 =	simm.s32 $0x1B8B  }
0xa2: {  	_ =	swait.ge [sflag:s23], $0x1  }
0xa3: {  	[sflag:s23] =	ssyncset.done $0x0  }
0xa4: {  	s25 =	simm.s32 $0x1B8E;
	s24 =	sld [smem:$0x3FFE];
	[sflag:s23] =	ssyncadd.s32 $0xFFFFFFFF  }
0xa5: {  	s26 =	simm.s32 $execute0_lowered;
	[smem:$0x3FD2] =	sst s25  }
0xa6: {  	s4 =	sshll.u32 s26, $0x1;
	_ =	strace $0x80000049;
	[dreg:$0x1] =	wrdreg $0xFFFFFFFF  }
0xa7: {  	s28 =	simm.s32 $_size_execute0_lowered;
	s2 =	sadd.s32 s2, s4;
	[dreg:$0x0] =	wrdreg $0x0  }
0xa8: {  	s4 =	sshll.u32 s28, $0x1;
	[dreg:$0x2] =	wrdreg s2  }
0xa9: {  	[dreg:$0x3] =	wrdreg s4  }
0xaa: {  	[dreg:$0x4] =	wrdreg $0xC0  }
0xab: {  	_ =	task [dreg:s6], $0x5FFFF  }
0xac: {  	[dreg:$0x1] =	wrdreg $0xFFFFFFFF  }
0xad: {  	[dreg:$0x0] =	wrdreg $0x60  }
0xae: {  	[dreg:$0x2] =	wrdreg s24  }
0xaf: {  	[dreg:$0x3] =	wrdreg $0x9  }
0xb0: {  	_ =	task.clear_ibuf [dreg:s6], $0x4FFFF;
	_ =	strace $0x90000049  }
0xb1: {  	s29 =	simm.s32 $0x9;
	_ =	strace $0x8000004B  }
0xb2: {  	_ =	swait.ge [sflag:s29], $0x1  }
0xb3: {  	[sflag:s29] =	ssyncadd.s32 $0xFFFFFFFF  }
0xb4: {  	_ =	strace $0x9000004B  }
0xb5: {  	_ =	sfence  }
0xb6: {  	s30 =	sld [smem:$0x0];
	_ =	sdelay $0x2  }
0xb7: {  	s31 =	sshll.u32 s1, $0xD;
	s1 =	sshrl.u32 s1, $0x2  }
0xb8: {  	s3 =	sand.u32 $0x4000, s31;
	s1 =	sadd.s32 s1, s30  }
0xb9: {  	s0 =	sor.u32 s3, s0;
	s1 =	sshll.u32 s1, $0x11  }
0xba: {  	s0 =	sor.u32 s1, s0  }
0xbb: {  	s0 =	sadd.s32 $0x8F2B, s0  }
0xbc: {  	[sflag:s0] =	ssyncadd.remote.s32 $0x1  }
0xbd: {  	_ =	sfence.sel $0xFFFF  }
0xbe: {  	[dreg:$0x0] =	wrdreg $0xFFFFFFFF;
	(pc) =	sbr.abs _section_cstart, $3  }
0xbf: {  	[dreg:$0x1] =	wrdreg $0xFFFFFFFF  }
0xc0: {  	_ =	task.clear_ibuf [dreg:s6], $0x2FFFF;
	_ =	strace $0x9FFFFFFF  }
0xc1: {  	(tm) =	ssettm $0x7FFFFFFF  }
tec
execute0_lowered:
.L_overlay_start_1:
0x0: {  	(tag) =	ssettag $0x1  }
0x1: {  	s4 =	rddreg [dreg:$0x0]  }
0x2: {  	s0 =	rddreg [dreg:$0x1];
	s2 =	simm.s32 $0x0;
	s1 =	stileid.u32  }
0x3: {  	s3 =	srdreg.scid;
	s10 =	simm.s32 $0x0;
	s6 =	smul.u32 $0x3000, s1  }
0x4: {  	[smem:$0x7FF] =	sst s2;
	s5 =	sand.u32 $0x1, s3;
	s8 =	smul.u32 $0x30000, s1  }
0x5: {  	s3 =	sadd.s32 $0x1F0200, s4;
	s7 =	smul.u32 $0x1800, s5;
	s9 =	ssub.s32 $0x2, s5  }
0x6: {  	_ =	strace $0x8000004A;
	s5 =	smul.u32 $0x18000, s5;
	s31 =	sshrl.u32 s9, $0x1  }
0x7: {  	s8 =	sadd.s32 s8, s4;
	s6 =	sadd.s32 s7, s6;
	s7 =	ssub.s32 s9, s31  }
0x8: {  	s5 =	sadd.s32 s5, s8;
	s8 =	simm.s32 $0x80;
	s6 =	sshrl.u32 s6, $0x3  }
0x9: {  	s9 =	simm.s32 $0x1;
	s5 =	sadd.s32 $0x20E200, s5;
	s6 =	sadd.s32 s6, s4  }
0xa: {  	s4 =	smax.u32 s7, $0x1;
	s7 =	simm.s32 $0x2;
	s6 =	sadd.s32 $0x208200, s6  }
.LBB2_1:
0xb: {  	s11 =	sadd.s32 $0x0, s6  }
0xc: {  	[tilespmem:s2], [sflag:$0x2] =	stream.linear.gather [hbm4b:s11+s2], $0x80, $0x38;
	[tilespmem:$0x4080] =	vst v63  }
0xd: {  	_ =	swait.ge [sflag:s7], $0x80  }
0xe: {  	[sflag:s7] =	ssyncset.done $0x0  }
0xf: {  	[sflag:s7] =	ssyncadd.s32 $0xFFFFFF80  }
0x10: {  	[tilespmem:s8], [sflag:$0x1] =	stream.indirect.gather [hbm4b:s3+s8], $0x80, s2, s8, $0xb8;
	[tilespmem:$0x4080] =	vst v63  }
0x11: {  	_ =	swait.ge [sflag:s9], $0x4000  }
0x12: {  	[sflag:s9] =	ssyncset.done $0x0  }
0x13: {  	[sflag:s9] =	ssyncadd.s32 $0xFFFFC000  }
0x14: {  	[hbm4b:s5+s2] =	stream.linear.scatter [tilespmem:s8], [sflag:$0x2], $0x4000, $0x38;
	[tilespmem:$0x4080] =	vst v63  }
0x15: {  	s12 =	simm.s32 $0x10;
	_ =	swait.ge [sflag:s7], $0x4000  }
0x16: {  	s13 =	simm.s32 $0x20;
	s11 =	sadd.s32 $0x800, s5;
	[sflag:s7] =	ssyncset.done $0x0  }
.LBB2_2:
0x17: {  	s14 =	sadd.s32 s12, s6  }
0x18: {  	[sflag:s7] =	ssyncadd.s32 $0xFFFFC000;
	s12 =	smov.u32 s13;
	s15 =	sadd.s32 $0x10, s13  }
0x19: {  	[tilespmem:s2], [sflag:$0x2] =	stream.linear.gather [hbm4b:s14+s2], $0x80, $0x38;
	[tilespmem:$0x4080] =	vst v63  }
0x1a: {  	p0 =	sne.s32 s13, $0x2F0;
	_ =	swait.ge [sflag:s7], $0x80  }
0x1b: {  	[sflag:s7] =	ssyncset.done $0x0  }
0x1c: {  	[sflag:s7] =	ssyncadd.s32 $0xFFFFFF80  }
0x1d: {  	[tilespmem:s8], [sflag:$0x1] =	stream.indirect.gather [hbm4b:s3+s8], $0x80, s2, s8, $0xb8;
	[tilespmem:$0x4080] =	vst v63  }
0x1e: {  	_ =	swait.ge [sflag:s9], $0x4000  }
.Ltmp0:
0x1f: {  	[sflag:s9] =	ssyncset.done $0x0;
	(pc) =	sbr.rel @p0 .LBB2_2-.Ltmp0, $4  }
0x20: {  	[sflag:s9] =	ssyncadd.s32 $0xFFFFC000  }
0x21: {  	[hbm4b:s11+s2] =	stream.linear.scatter [tilespmem:s8], [sflag:$0x2], $0x4000, $0x38;
	[tilespmem:$0x4080] =	vst v63  }
0x22: {  	_ =	swait.ge [sflag:s7], $0x4000  }
0x23: {  	s13 =	smov.u32 s15;
	s11 =	sadd.s32 $0x800, s11;
	[sflag:s7] =	ssyncset.done $0x0  }
0x24: {  	s12 =	sadd.s32 s12, s6;
	[sflag:s7] =	ssyncadd.s32 $0xFFFFC000  }
0x25: {  	[tilespmem:s2], [sflag:$0x2] =	stream.linear.gather [hbm4b:s12+s2], $0x80, $0x38;
	[tilespmem:$0x4080] =	vst v63  }
0x26: {  	_ =	swait.ge [sflag:s7], $0x80  }
0x27: {  	[sflag:s7] =	ssyncset.done $0x0  }
0x28: {  	[sflag:s7] =	ssyncadd.s32 $0xFFFFFF80  }
0x29: {  	[tilespmem:s8], [sflag:$0x1] =	stream.indirect.gather [hbm4b:s3+s8], $0x80, s2, s8, $0xb8;
	[tilespmem:$0x4080] =	vst v63  }
0x2a: {  	s10 =	sadd.s32 $0x1, s10;
	_ =	swait.ge [sflag:s9], $0x4000  }
0x2b: {  	p0 =	sne.s32 s10, s4;
	[sflag:s9] =	ssyncset.done $0x0  }
.Ltmp1:
0x2c: {  	[sflag:s9] =	ssyncadd.s32 $0xFFFFC000;
	(pc) =	sbr.rel @p0 .LBB2_1-.Ltmp1, $4  }
0x2d: {  	[hbm4b:s11+s2] =	stream.linear.scatter [tilespmem:s8], [sflag:$0x2], $0x4000, $0x38;
	[tilespmem:$0x4080] =	vst v63  }
0x2e: {  	_ =	swait.ge [sflag:s7], $0x4000  }
0x2f: {  	[sflag:s7] =	ssyncset.done $0x0  }
0x30: {  	[sflag:s7] =	ssyncadd.s32 $0xFFFFC000  }
0x31: {  	_ =	sfence.sel $0x180000  }
0x32: {  	[bflag:$0x0] =	sbarrier.arrive $0xFFFF  }
0x33: {  	p0 =	sne.s32 s1, $0x0;
	_ =	strace $0x9000004A  }
0x34: {  	s0 =	sadd.s32 @!p0 $0x100000, s0;
	[bflag:$0x2] =	sbarrier.arrive $0xFFFF  }
0x35: {  	[sflag:s0] =	ssyncadd.tile.s32 @!p0 $0x1;
	_ =	shalt  }
.Lfunc_end2:
_tile_overlayer_lowered:
.L_overlay_start_2:
0x36: {  	(tag) =	ssettag $0x2  }
0x37: {  	s0 =	rddreg [dreg:$0x0];
	s2 =	stileid.u32  }
0x38: {  	s1 =	rddreg [dreg:$0x1];
	p0 =	sne.s32 s2, $0x0  }
0x39: {  	s3 =	rddreg [dreg:$0x2];
	[bflag:$0x3] =	sbarrier.arrive $0xFFFF;
	s2 =	simm.s32 @!p0 $0x1C02  }
0x3a: {  	[timem:s3], [sflag:s2] =	dma.local @!p0 [hbm:s0], s1  }
0x3b: {  	s0 =	simm.s32 @!p0 $0x2  }
0x3c: {  	_ =	swait.ge @!p0 [sflag:s0], s1  }
0x3d: {  	s1 =	ssub.s32 @!p0 $0x0, s1;
	[sflag:s0] =	ssyncset.done @!p0 $0x0  }
0x3e: {  	[sflag:s0] =	ssyncadd.s32 @!p0 s1  }
0x3f: {  	[bflag:$0x3] =	sbarrier.arrive $0xFFFF  }
0x40: {  	_ =	shalt  }

// kernel: kernel.31.cloned.1.call-start
scs
__scs_entry_jumppad:
0x0: {  	(pc) =	sbr.rel $0x88, $3  }
0x1: {  	(tag) =	ssettag $0x0;
	lr =	simm.s32 $0x1  }
0x2: {  	[smem:$0x3F4D] =	sst lr;
	_ =	strace $0xD0000000  }
0x3: {  	_ = 	snop  }
0x4: {  	_ = 	snop  }
0x5: {  	_ = 	snop  }
0x6: {  	_ = 	snop  }
0x7: {  	_ = 	snop  }
__scs_overlays_trampoline_lowered:
0x8: {  	[smem:$0x3F5C] =	sst s0  }
0x9: {  	[smem:$0x3F5D] =	sst s1  }
0xa: {  	[smem:$0x3F5E] =	sst s2  }
0xb: {  	[smem:$0x3F5F] =	sst s3  }
0xc: {  	[smem:$0x3F60] =	sst s4  }
0xd: {  	[smem:$0x3F61] =	sst s5  }
0xe: {  	[smem:$0x3F62] =	sst s6  }
0xf: {  	[smem:$0x3F63] =	sst s7  }
0x10: {  	[smem:$0x3F64] =	sst s8  }
0x11: {  	[smem:$0x3F65] =	sst s9;
	s0 =	simm.s32 @!p0 $0x0  }
0x12: {  	s1 =	sld [smem:$0x3F4B];
	s0 =	simm.s32 @p0 $0x1  }
0x13: {  	[smem:$0x3F66] =	sst s0;
	s0 =	simm.s32 @!p1 $0x0  }
0x14: {  	s2 =	sld [smem:$0x3F4A];
	s0 =	simm.s32 @p1 $0x1  }
0x15: {  	[smem:$0x3F67] =	sst s0;
	s0 =	simm.s32 @!p2 $0x0  }
0x16: {  	s3 =	sld [smem:$0x3FDB];
	s0 =	simm.s32 @p2 $0x1  }
0x17: {  	s4 =	simm.s32 $0x1BF5;
	[smem:$0x3F69] =	sst s0  }
0x18: {  	s0 =	sld [smem:$0x3F4C];
	_ =	swait.ge [sflag:s4], $0x0  }
0x19: {  	s7 =	sld [smem:$0x3F4D]  }
0x1a: {  	s8 =	sadd.s32 $0xFFFFE003, lr  }
0x1b: {  	s9 =	sadd.s32 $0xFFFFFEF7, lr;
	s5 =	simm.s32 $0xFFFFFFFF;
	p2 =	slt.u32 s8, $0xFFFFF086  }
0x1c: {  	p1 =	slt.u32 s9, $0xF7A;
	s5 =	simm.s32 @!p2 $0x0  }
0x1d: {  	s5 =	simm.s32 @p1 $0x1;
	p0 =	seq.s32 s7, s2  }
0x1e: {  	s7 =	smul.u32 @!p0 $0xF7A, s2;
	p2 =	seq.s32 @!p0 s5, $0x0  }
0x1f: {  	s9 =	smul.u32 $0xF7A, s1;
	s8 =	simm.s32 @!p0 $0x1BF5;
	p2 =	por !p2, p0  }
0x20: {  	[sflag:s8] =	ssyncset.s32 @!p0 $0xFFFFF086;
	s6 =	sadd.s32 @!p0 s3, s7;
	s7 =	simm.s32 @!p0 $0x108  }
0x21: {  	s3 =	sadd.s32 s3, s9;
	s6 =	sadd.s32 @!p0 $0x88, s6;
	s7 =	simm.s32 @p2 $0x1082  }
0x22: {  	[simem:s7], [sflag:s8] =	dma.local @!p0 [hbm:s6], $0xF7A  }
0x23: {  	s9 =	sor.u32 $0xD0000000, s2;
	s6 =	simm.s32 $0x108;
	_ =	swait.ge @!p0 [sflag:s8], $0x0  }
0x24: {  	s3 =	sadd.s32 $0x88, s3;
	s6 =	simm.s32 @!p1 $0x1082;
	[sflag:s4] =	ssyncset.s32 $0xFFFFF086  }
0x25: {  	[simem:s6], [sflag:s4] =	dma.local [hbm:s3], $0xF7A  }
0x26: {  	[smem:$0x3F4D] =	sst s1;
	(tag) =	ssettag s2;
	_ =	strace s9  }
0x27: {  	s1 =	sld [smem:$0x3F5D]  }
0x28: {  	s2 =	sld [smem:$0x3F5E]  }
0x29: {  	s4 =	sld [smem:$0x3F60]  }
0x2a: {  	p0 =	seq.s32 s5, $0x0;
	s5 =	sld [smem:$0x3F61]  }
0x2b: {  	s6 =	sld [smem:$0x3F62]  }
0x2c: {  	s7 =	sld [smem:$0x3F63]  }
0x2d: {  	s3 =	simm.s32 $0x108;
	s8 =	sld [smem:$0x3F64]  }
0x2e: {  	s3 =	simm.s32 @!p0 $0x1082;
	s9 =	sld [smem:$0x3F65]  }
0x2f: {  	lr =	sadd.s32 s0, s3;
	s0 =	sld [smem:$0x3F5C]  }
0x30: {  	s3 =	sld [smem:$0x3F5F]  }
0x31: {  	[smem:$0x3F68] =	sst s10  }
0x32: {  	s10 =	sld [smem:$0x3F66];
	_ =	sdelay $0x3  }
0x33: {  	p0 =	seq.s32 s10, $0x1;
	s10 =	sld [smem:$0x3F68];
	_ =	sdelay $0x3  }
0x34: {  	[smem:$0x3F68] =	sst s10  }
0x35: {  	s10 =	sld [smem:$0x3F67];
	_ =	sdelay $0x3  }
0x36: {  	p1 =	seq.s32 s10, $0x1;
	s10 =	sld [smem:$0x3F68];
	_ =	sdelay $0x3  }
0x37: {  	[smem:$0x3F68] =	sst s10  }
0x38: {  	s10 =	sld [smem:$0x3F69]  }
0x39: {  	_ = 	snop;
	(pc) =	sbr.ind lr, $3  }
0x3a: {  	_ = 	snop  }
0x3b: {  	_ = 	snop  }
0x3c: {  	p2 =	seq.s32 s10, $0x1;
	s10 =	sld [smem:$0x3F68]  }
0x3d: {  	_ =	shalt  }
0x3e: {  	_ =	shalt  }
0x3f: {  	_ =	shalt  }
0x40: {  	_ =	shalt  }
0x41: {  	_ =	shalt  }
0x42: {  	_ =	shalt  }
0x43: {  	_ =	shalt  }
0x44: {  	_ =	shalt  }
0x45: {  	_ =	shalt  }
0x46: {  	_ =	shalt  }
0x47: {  	_ =	shalt  }
0x48: {  	_ =	shalt  }
0x49: {  	_ =	shalt  }
0x4a: {  	_ =	shalt  }
0x4b: {  	_ =	shalt  }
0x4c: {  	_ =	shalt  }
0x4d: {  	_ =	shalt  }
0x4e: {  	_ =	shalt  }
0x4f: {  	_ =	shalt  }
0x50: {  	_ =	shalt  }
0x51: {  	_ =	shalt  }
0x52: {  	_ =	shalt  }
0x53: {  	_ =	shalt  }
0x54: {  	_ =	shalt  }
0x55: {  	_ =	shalt  }
0x56: {  	_ =	shalt  }
0x57: {  	_ =	shalt  }
0x58: {  	_ =	shalt  }
0x59: {  	_ =	shalt  }
0x5a: {  	_ =	shalt  }
0x5b: {  	_ =	shalt  }
0x5c: {  	_ =	shalt  }
0x5d: {  	_ =	shalt  }
0x5e: {  	_ =	shalt  }
0x5f: {  	_ =	shalt  }
0x60: {  	_ =	shalt  }
0x61: {  	_ =	shalt  }
0x62: {  	_ =	shalt  }
0x63: {  	_ =	shalt  }
0x64: {  	_ =	shalt  }
0x65: {  	_ =	shalt  }
0x66: {  	_ =	shalt  }
0x67: {  	_ =	shalt  }
0x68: {  	_ =	shalt  }
0x69: {  	_ =	shalt  }
0x6a: {  	_ =	shalt  }
0x6b: {  	_ =	shalt  }
0x6c: {  	_ =	shalt  }
0x6d: {  	_ =	shalt  }
0x6e: {  	_ =	shalt  }
0x6f: {  	_ =	shalt  }
0x70: {  	_ =	shalt  }
0x71: {  	_ =	shalt  }
0x72: {  	_ =	shalt  }
0x73: {  	_ =	shalt  }
0x74: {  	_ =	shalt  }
0x75: {  	_ =	shalt  }
0x76: {  	_ =	shalt  }
0x77: {  	_ =	shalt  }
0x78: {  	_ =	shalt  }
0x79: {  	_ =	shalt  }
0x7a: {  	_ =	shalt  }
0x7b: {  	_ =	shalt  }
0x7c: {  	_ =	shalt  }
0x7d: {  	_ =	shalt  }
0x7e: {  	_ =	shalt  }
0x7f: {  	_ =	shalt  }
0x80: {  	_ =	shalt  }
0x81: {  	_ =	shalt  }
0x82: {  	_ =	shalt  }
0x83: {  	_ =	shalt  }
0x84: {  	_ =	shalt  }
0x85: {  	_ =	shalt  }
0x86: {  	_ =	shalt  }
0x87: {  	_ =	shalt  }
.Lfunc_end0:
.L_simem_size_0:
called_computation.2_lowered:
.L_overlay_start_0:
0x88: {  	s2 =	sld [smem:$0x3FD9]  }
0x89: {  	s3 =	sld [smem:$0x3FFE];
	_ =	sdelay $0x1  }
0x8a: {  	s1 =	srdreg.scid  }
0x8b: {  	s0 =	sand.u32 $0x1, s1  }
0x8c: {  	s16 =	sshll.u32 s0, $0xA;
	s2 =	sadd.s32 s3, s2  }
0x8d: {  	s2 =	sadd.s32 s2, s16  }
0x8e: {  	[smem:$0x3F74] =	sst s2  }
0x8f: {  	_ = 	snop  }
0x90: {  	(tm) =	ssettm $0x1  }
0x91: {  	s17 =	sld [smem:$0x3FFB];
	_ =	sdelay $0x3  }
0x92: {  	_ =	strace s17  }
0x93: {  	s2 =	sld [smem:$0x3FFC];
	_ =	sdelay $0x3  }
0x94: {  	_ =	strace s2  }
0x95: {  	s2 =	sld [smem:$0x3FFD];
	_ =	sdelay $0x3  }
0x96: {  	_ =	strace s2  }
0x97: {  	_ =	strace $0x8FFFFFFF  }
0x98: {  	s18 =	sld [smem:$0x3FDB];
	_ =	sdelay $0x1  }
0x99: {  	s19 =	simm.s32 $_scs_section_size  }
0x9a: {  	s4 =	simm.s32 $_size__tile_overlayer_lowered;
	s5 =	simm.s32 $_tile_overlayer_lowered  }
0x9b: {  	s22 =	simm.s32 $0x1BFF;
	s21 =	sshll.u32 s5, $0x1;
	s2 =	sadd.s32 s19, s18  }
0x9c: {  	s6 =	simm.s32 $0x0;
	s20 =	sshll.u32 s4, $0x1;
	s4 =	sadd.s32 s21, s2  }
0x9d: {  	[timem:s6], [sflag:s22] =	dma.local [hbm:s4], s20  }
0x9e: {  	_ =	swait.ge [sflag:s22], s20  }
0x9f: {  	s3 =	ssub.s32 $0x0, s20;
	[sflag:s22] =	ssyncset.done $0x0  }
0xa0: {  	[sflag:s22] =	ssyncadd.s32 s3;
	_ =	sdelay $0x1  }
0xa1: {  	s23 =	simm.s32 $0x1B8B  }
0xa2: {  	_ =	swait.ge [sflag:s23], $0x1  }
0xa3: {  	[sflag:s23] =	ssyncset.done $0x0  }
0xa4: {  	s25 =	simm.s32 $0x1B8E;
	s24 =	sld [smem:$0x3FFE];
	[sflag:s23] =	ssyncadd.s32 $0xFFFFFFFF  }
0xa5: {  	s26 =	simm.s32 $execute0_lowered;
	[smem:$0x3FD2] =	sst s25  }
0xa6: {  	s4 =	sshll.u32 s26, $0x1;
	_ =	strace $0x8000004C;
	[dreg:$0x1] =	wrdreg $0xFFFFFFFF  }
0xa7: {  	s28 =	simm.s32 $_size_execute0_lowered;
	s2 =	sadd.s32 s2, s4;
	[dreg:$0x0] =	wrdreg $0x0  }
0xa8: {  	s4 =	sshll.u32 s28, $0x1;
	[dreg:$0x2] =	wrdreg s2  }
0xa9: {  	[dreg:$0x3] =	wrdreg s4  }
0xaa: {  	[dreg:$0x4] =	wrdreg $0xC0  }
0xab: {  	_ =	task [dreg:s6], $0x5FFFF  }
0xac: {  	[dreg:$0x1] =	wrdreg $0xFFFFFFFF  }
0xad: {  	[dreg:$0x0] =	wrdreg $0x60  }
0xae: {  	[dreg:$0x2] =	wrdreg s24  }
0xaf: {  	[dreg:$0x3] =	wrdreg $0x9  }
0xb0: {  	_ =	task.clear_ibuf [dreg:s6], $0x4FFFF;
	_ =	strace $0x9000004C  }
0xb1: {  	s29 =	simm.s32 $0x9;
	_ =	strace $0x8000004E  }
0xb2: {  	_ =	swait.ge [sflag:s29], $0x1  }
0xb3: {  	[sflag:s29] =	ssyncadd.s32 $0xFFFFFFFF  }
0xb4: {  	_ =	strace $0x9000004E  }
0xb5: {  	_ =	sfence  }
0xb6: {  	s30 =	sld [smem:$0x0];
	_ =	sdelay $0x2  }
0xb7: {  	s31 =	sshll.u32 s1, $0xD;
	s1 =	sshrl.u32 s1, $0x2  }
0xb8: {  	s3 =	sand.u32 $0x4000, s31;
	s1 =	sadd.s32 s1, s30  }
0xb9: {  	s0 =	sor.u32 s3, s0;
	s1 =	sshll.u32 s1, $0x11  }
0xba: {  	s0 =	sor.u32 s1, s0  }
0xbb: {  	s0 =	sadd.s32 $0x8F2B, s0  }
0xbc: {  	[sflag:s0] =	ssyncadd.remote.s32 $0x1  }
0xbd: {  	_ =	sfence.sel $0xFFFF  }
0xbe: {  	[dreg:$0x0] =	wrdreg $0xFFFFFFFF;
	(pc) =	sbr.abs _section_cstart, $3  }
0xbf: {  	[dreg:$0x1] =	wrdreg $0xFFFFFFFF  }
0xc0: {  	_ =	task.clear_ibuf [dreg:s6], $0x2FFFF;
	_ =	strace $0x9FFFFFFF  }
0xc1: {  	(tm) =	ssettm $0x7FFFFFFF  }
tec
execute0_lowered:
.L_overlay_start_1:
0x0: {  	(tag) =	ssettag $0x1  }
0x1: {  	s4 =	rddreg [dreg:$0x0]  }
0x2: {  	s0 =	rddreg [dreg:$0x1];
	s2 =	simm.s32 $0x0;
	s1 =	stileid.u32  }
0x3: {  	s3 =	srdreg.scid;
	s10 =	simm.s32 $0x0;
	s6 =	smul.u32 $0x3000, s1  }
0x4: {  	[smem:$0x7FF] =	sst s2;
	s5 =	sand.u32 $0x1, s3;
	s8 =	smul.u32 $0x30000, s1  }
0x5: {  	s3 =	sadd.s32 $0x1F0200, s4;
	s7 =	smul.u32 $0x1800, s5;
	s9 =	ssub.s32 $0x2, s5  }
0x6: {  	_ =	strace $0x8000004D;
	s5 =	smul.u32 $0x18000, s5;
	s31 =	sshrl.u32 s9, $0x1  }
0x7: {  	s8 =	sadd.s32 s8, s4;
	s6 =	sadd.s32 s7, s6;
	s7 =	ssub.s32 s9, s31  }
0x8: {  	s5 =	sadd.s32 s5, s8;
	s8 =	simm.s32 $0x80;
	s6 =	sshrl.u32 s6, $0x3  }
0x9: {  	s9 =	simm.s32 $0x1;
	s5 =	sadd.s32 $0x20E200, s5;
	s6 =	sadd.s32 s6, s4  }
0xa: {  	s4 =	smax.u32 s7, $0x1;
	s7 =	simm.s32 $0x2;
	s6 =	sadd.s32 $0x208200, s6  }
.LBB2_1:
0xb: {  	s11 =	sadd.s32 $0x0, s6  }
0xc: {  	[tilespmem:s2], [sflag:$0x2] =	stream.linear.gather [hbm4b:s11+s2], $0x80, $0x38;
	[tilespmem:$0x4080] =	vst v63  }
0xd: {  	_ =	swait.ge [sflag:s7], $0x80  }
0xe: {  	[sflag:s7] =	ssyncset.done $0x0  }
0xf: {  	[sflag:s7] =	ssyncadd.s32 $0xFFFFFF80  }
0x10: {  	[tilespmem:s8], [sflag:$0x1] =	stream.indirect.gather [hbm4b:s3+s8], $0x80, s2, s8, $0xb8;
	[tilespmem:$0x4080] =	vst v63  }
0x11: {  	_ =	swait.ge [sflag:s9], $0x4000  }
0x12: {  	[sflag:s9] =	ssyncset.done $0x0  }
0x13: {  	[sflag:s9] =	ssyncadd.s32 $0xFFFFC000  }
0x14: {  	[hbm4b:s5+s2] =	stream.linear.scatter [tilespmem:s8], [sflag:$0x2], $0x4000, $0x38;
	[tilespmem:$0x4080] =	vst v63  }
0x15: {  	s12 =	simm.s32 $0x10;
	_ =	swait.ge [sflag:s7], $0x4000  }
0x16: {  	s13 =	simm.s32 $0x20;
	s11 =	sadd.s32 $0x800, s5;
	[sflag:s7] =	ssyncset.done $0x0  }
.LBB2_2:
0x17: {  	s14 =	sadd.s32 s12, s6  }
0x18: {  	[sflag:s7] =	ssyncadd.s32 $0xFFFFC000;
	s12 =	smov.u32 s13;
	s15 =	sadd.s32 $0x10, s13  }
0x19: {  	[tilespmem:s2], [sflag:$0x2] =	stream.linear.gather [hbm4b:s14+s2], $0x80, $0x38;
	[tilespmem:$0x4080] =	vst v63  }
0x1a: {  	p0 =	sne.s32 s13, $0x2F0;
	_ =	swait.ge [sflag:s7], $0x80  }
0x1b: {  	[sflag:s7] =	ssyncset.done $0x0  }
0x1c: {  	[sflag:s7] =	ssyncadd.s32 $0xFFFFFF80  }
0x1d: {  	[tilespmem:s8], [sflag:$0x1] =	stream.indirect.gather [hbm4b:s3+s8], $0x80, s2, s8, $0xb8;
	[tilespmem:$0x4080] =	vst v63  }
0x1e: {  	_ =	swait.ge [sflag:s9], $0x4000  }
.Ltmp0:
0x1f: {  	[sflag:s9] =	ssyncset.done $0x0;
	(pc) =	sbr.rel @p0 .LBB2_2-.Ltmp0, $4  }
0x20: {  	[sflag:s9] =	ssyncadd.s32 $0xFFFFC000  }
0x21: {  	[hbm4b:s11+s2] =	stream.linear.scatter [tilespmem:s8], [sflag:$0x2], $0x4000, $0x38;
	[tilespmem:$0x4080] =	vst v63  }
0x22: {  	_ =	swait.ge [sflag:s7], $0x4000  }
0x23: {  	s13 =	smov.u32 s15;
	s11 =	sadd.s32 $0x800, s11;
	[sflag:s7] =	ssyncset.done $0x0  }
0x24: {  	s12 =	sadd.s32 s12, s6;
	[sflag:s7] =	ssyncadd.s32 $0xFFFFC000  }
0x25: {  	[tilespmem:s2], [sflag:$0x2] =	stream.linear.gather [hbm4b:s12+s2], $0x80, $0x38;
	[tilespmem:$0x4080] =	vst v63  }
0x26: {  	_ =	swait.ge [sflag:s7], $0x80  }
0x27: {  	[sflag:s7] =	ssyncset.done $0x0  }
0x28: {  	[sflag:s7] =	ssyncadd.s32 $0xFFFFFF80  }
0x29: {  	[tilespmem:s8], [sflag:$0x1] =	stream.indirect.gather [hbm4b:s3+s8], $0x80, s2, s8, $0xb8;
	[tilespmem:$0x4080] =	vst v63  }
0x2a: {  	s10 =	sadd.s32 $0x1, s10;
	_ =	swait.ge [sflag:s9], $0x4000  }
0x2b: {  	p0 =	sne.s32 s10, s4;
	[sflag:s9] =	ssyncset.done $0x0  }
.Ltmp1:
0x2c: {  	[sflag:s9] =	ssyncadd.s32 $0xFFFFC000;
	(pc) =	sbr.rel @p0 .LBB2_1-.Ltmp1, $4  }
0x2d: {  	[hbm4b:s11+s2] =	stream.linear.scatter [tilespmem:s8], [sflag:$0x2], $0x4000, $0x38;
	[tilespmem:$0x4080] =	vst v63  }
0x2e: {  	_ =	swait.ge [sflag:s7], $0x4000  }
0x2f: {  	[sflag:s7] =	ssyncset.done $0x0  }
0x30: {  	[sflag:s7] =	ssyncadd.s32 $0xFFFFC000  }
0x31: {  	_ =	sfence.sel $0x180000  }
0x32: {  	[bflag:$0x0] =	sbarrier.arrive $0xFFFF  }
0x33: {  	p0 =	sne.s32 s1, $0x0;
	_ =	strace $0x9000004D  }
0x34: {  	s0 =	sadd.s32 @!p0 $0x100000, s0;
	[bflag:$0x2] =	sbarrier.arrive $0xFFFF  }
0x35: {  	[sflag:s0] =	ssyncadd.tile.s32 @!p0 $0x1;
	_ =	shalt  }
.Lfunc_end2:
_tile_overlayer_lowered:
.L_overlay_start_2:
0x36: {  	(tag) =	ssettag $0x2  }
0x37: {  	s0 =	rddreg [dreg:$0x0];
	s2 =	stileid.u32  }
0x38: {  	s1 =	rddreg [dreg:$0x1];
	p0 =	sne.s32 s2, $0x0  }
0x39: {  	s3 =	rddreg [dreg:$0x2];
	[bflag:$0x3] =	sbarrier.arrive $0xFFFF;
	s2 =	simm.s32 @!p0 $0x1C02  }
0x3a: {  	[timem:s3], [sflag:s2] =	dma.local @!p0 [hbm:s0], s1  }
0x3b: {  	s0 =	simm.s32 @!p0 $0x2  }
0x3c: {  	_ =	swait.ge @!p0 [sflag:s0], s1  }
0x3d: {  	s1 =	ssub.s32 @!p0 $0x0, s1;
	[sflag:s0] =	ssyncset.done @!p0 $0x0  }
0x3e: {  	[sflag:s0] =	ssyncadd.s32 @!p0 s1  }
0x3f: {  	[bflag:$0x3] =	sbarrier.arrive $0xFFFF  }
0x40: {  	_ =	shalt  }

// kernel: kernel.34.cloned.1.call-start
scs
__scs_entry_jumppad:
0x0: {  	(pc) =	sbr.rel $0x88, $3  }
0x1: {  	(tag) =	ssettag $0x0;
	lr =	simm.s32 $0x1  }
0x2: {  	[smem:$0x3F4D] =	sst lr;
	_ =	strace $0xD0000000  }
0x3: {  	_ = 	snop  }
0x4: {  	_ = 	snop  }
0x5: {  	_ = 	snop  }
0x6: {  	_ = 	snop  }
0x7: {  	_ = 	snop  }
__scs_overlays_trampoline_lowered:
0x8: {  	[smem:$0x3F5C] =	sst s0  }
0x9: {  	[smem:$0x3F5D] =	sst s1  }
0xa: {  	[smem:$0x3F5E] =	sst s2  }
0xb: {  	[smem:$0x3F5F] =	sst s3  }
0xc: {  	[smem:$0x3F60] =	sst s4  }
0xd: {  	[smem:$0x3F61] =	sst s5  }
0xe: {  	[smem:$0x3F62] =	sst s6  }
0xf: {  	[smem:$0x3F63] =	sst s7  }
0x10: {  	[smem:$0x3F64] =	sst s8  }
0x11: {  	[smem:$0x3F65] =	sst s9;
	s0 =	simm.s32 @!p0 $0x0  }
0x12: {  	s1 =	sld [smem:$0x3F4B];
	s0 =	simm.s32 @p0 $0x1  }
0x13: {  	[smem:$0x3F66] =	sst s0;
	s0 =	simm.s32 @!p1 $0x0  }
0x14: {  	s2 =	sld [smem:$0x3F4A];
	s0 =	simm.s32 @p1 $0x1  }
0x15: {  	[smem:$0x3F67] =	sst s0;
	s0 =	simm.s32 @!p2 $0x0  }
0x16: {  	s3 =	sld [smem:$0x3FDB];
	s0 =	simm.s32 @p2 $0x1  }
0x17: {  	s4 =	simm.s32 $0x1BF5;
	[smem:$0x3F69] =	sst s0  }
0x18: {  	s0 =	sld [smem:$0x3F4C];
	_ =	swait.ge [sflag:s4], $0x0  }
0x19: {  	s7 =	sld [smem:$0x3F4D]  }
0x1a: {  	s8 =	sadd.s32 $0xFFFFE003, lr  }
0x1b: {  	s9 =	sadd.s32 $0xFFFFFEF7, lr;
	s5 =	simm.s32 $0xFFFFFFFF;
	p2 =	slt.u32 s8, $0xFFFFF086  }
0x1c: {  	p1 =	slt.u32 s9, $0xF7A;
	s5 =	simm.s32 @!p2 $0x0  }
0x1d: {  	s5 =	simm.s32 @p1 $0x1;
	p0 =	seq.s32 s7, s2  }
0x1e: {  	s7 =	smul.u32 @!p0 $0xF7A, s2;
	p2 =	seq.s32 @!p0 s5, $0x0  }
0x1f: {  	s9 =	smul.u32 $0xF7A, s1;
	s8 =	simm.s32 @!p0 $0x1BF5;
	p2 =	por !p2, p0  }
0x20: {  	[sflag:s8] =	ssyncset.s32 @!p0 $0xFFFFF086;
	s6 =	sadd.s32 @!p0 s3, s7;
	s7 =	simm.s32 @!p0 $0x108  }
0x21: {  	s3 =	sadd.s32 s3, s9;
	s6 =	sadd.s32 @!p0 $0x88, s6;
	s7 =	simm.s32 @p2 $0x1082  }
0x22: {  	[simem:s7], [sflag:s8] =	dma.local @!p0 [hbm:s6], $0xF7A  }
0x23: {  	s9 =	sor.u32 $0xD0000000, s2;
	s6 =	simm.s32 $0x108;
	_ =	swait.ge @!p0 [sflag:s8], $0x0  }
0x24: {  	s3 =	sadd.s32 $0x88, s3;
	s6 =	simm.s32 @!p1 $0x1082;
	[sflag:s4] =	ssyncset.s32 $0xFFFFF086  }
0x25: {  	[simem:s6], [sflag:s4] =	dma.local [hbm:s3], $0xF7A  }
0x26: {  	[smem:$0x3F4D] =	sst s1;
	(tag) =	ssettag s2;
	_ =	strace s9  }
0x27: {  	s1 =	sld [smem:$0x3F5D]  }
0x28: {  	s2 =	sld [smem:$0x3F5E]  }
0x29: {  	s4 =	sld [smem:$0x3F60]  }
0x2a: {  	p0 =	seq.s32 s5, $0x0;
	s5 =	sld [smem:$0x3F61]  }
0x2b: {  	s6 =	sld [smem:$0x3F62]  }
0x2c: {  	s7 =	sld [smem:$0x3F63]  }
0x2d: {  	s3 =	simm.s32 $0x108;
	s8 =	sld [smem:$0x3F64]  }
0x2e: {  	s3 =	simm.s32 @!p0 $0x1082;
	s9 =	sld [smem:$0x3F65]  }
0x2f: {  	lr =	sadd.s32 s0, s3;
	s0 =	sld [smem:$0x3F5C]  }
0x30: {  	s3 =	sld [smem:$0x3F5F]  }
0x31: {  	[smem:$0x3F68] =	sst s10  }
0x32: {  	s10 =	sld [smem:$0x3F66];
	_ =	sdelay $0x3  }
0x33: {  	p0 =	seq.s32 s10, $0x1;
	s10 =	sld [smem:$0x3F68];
	_ =	sdelay $0x3  }
0x34: {  	[smem:$0x3F68] =	sst s10  }
0x35: {  	s10 =	sld [smem:$0x3F67];
	_ =	sdelay $0x3  }
0x36: {  	p1 =	seq.s32 s10, $0x1;
	s10 =	sld [smem:$0x3F68];
	_ =	sdelay $0x3  }
0x37: {  	[smem:$0x3F68] =	sst s10  }
0x38: {  	s10 =	sld [smem:$0x3F69]  }
0x39: {  	_ = 	snop;
	(pc) =	sbr.ind lr, $3  }
0x3a: {  	_ = 	snop  }
0x3b: {  	_ = 	snop  }
0x3c: {  	p2 =	seq.s32 s10, $0x1;
	s10 =	sld [smem:$0x3F68]  }
0x3d: {  	_ =	shalt  }
0x3e: {  	_ =	shalt  }
0x3f: {  	_ =	shalt  }
0x40: {  	_ =	shalt  }
0x41: {  	_ =	shalt  }
0x42: {  	_ =	shalt  }
0x43: {  	_ =	shalt  }
0x44: {  	_ =	shalt  }
0x45: {  	_ =	shalt  }
0x46: {  	_ =	shalt  }
0x47: {  	_ =	shalt  }
0x48: {  	_ =	shalt  }
0x49: {  	_ =	shalt  }
0x4a: {  	_ =	shalt  }
0x4b: {  	_ =	shalt  }
0x4c: {  	_ =	shalt  }
0x4d: {  	_ =	shalt  }
0x4e: {  	_ =	shalt  }
0x4f: {  	_ =	shalt  }
0x50: {  	_ =	shalt  }
0x51: {  	_ =	shalt  }
0x52: {  	_ =	shalt  }
0x53: {  	_ =	shalt  }
0x54: {  	_ =	shalt  }
0x55: {  	_ =	shalt  }
0x56: {  	_ =	shalt  }
0x57: {  	_ =	shalt  }
0x58: {  	_ =	shalt  }
0x59: {  	_ =	shalt  }
0x5a: {  	_ =	shalt  }
0x5b: {  	_ =	shalt  }
0x5c: {  	_ =	shalt  }
0x5d: {  	_ =	shalt  }
0x5e: {  	_ =	shalt  }
0x5f: {  	_ =	shalt  }
0x60: {  	_ =	shalt  }
0x61: {  	_ =	shalt  }
0x62: {  	_ =	shalt  }
0x63: {  	_ =	shalt  }
0x64: {  	_ =	shalt  }
0x65: {  	_ =	shalt  }
0x66: {  	_ =	shalt  }
0x67: {  	_ =	shalt  }
0x68: {  	_ =	shalt  }
0x69: {  	_ =	shalt  }
0x6a: {  	_ =	shalt  }
0x6b: {  	_ =	shalt  }
0x6c: {  	_ =	shalt  }
0x6d: {  	_ =	shalt  }
0x6e: {  	_ =	shalt  }
0x6f: {  	_ =	shalt  }
0x70: {  	_ =	shalt  }
0x71: {  	_ =	shalt  }
0x72: {  	_ =	shalt  }
0x73: {  	_ =	shalt  }
0x74: {  	_ =	shalt  }
0x75: {  	_ =	shalt  }
0x76: {  	_ =	shalt  }
0x77: {  	_ =	shalt  }
0x78: {  	_ =	shalt  }
0x79: {  	_ =	shalt  }
0x7a: {  	_ =	shalt  }
0x7b: {  	_ =	shalt  }
0x7c: {  	_ =	shalt  }
0x7d: {  	_ =	shalt  }
0x7e: {  	_ =	shalt  }
0x7f: {  	_ =	shalt  }
0x80: {  	_ =	shalt  }
0x81: {  	_ =	shalt  }
0x82: {  	_ =	shalt  }
0x83: {  	_ =	shalt  }
0x84: {  	_ =	shalt  }
0x85: {  	_ =	shalt  }
0x86: {  	_ =	shalt  }
0x87: {  	_ =	shalt  }
.Lfunc_end0:
.L_simem_size_0:
called_computation.3_lowered:
.L_overlay_start_0:
0x88: {  	s2 =	sld [smem:$0x3FD9]  }
0x89: {  	s3 =	sld [smem:$0x3FFE];
	_ =	sdelay $0x1  }
0x8a: {  	s1 =	srdreg.scid  }
0x8b: {  	s0 =	sand.u32 $0x1, s1  }
0x8c: {  	s16 =	sshll.u32 s0, $0xA;
	s2 =	sadd.s32 s3, s2  }
0x8d: {  	s2 =	sadd.s32 s2, s16  }
0x8e: {  	[smem:$0x3F74] =	sst s2  }
0x8f: {  	_ = 	snop  }
0x90: {  	(tm) =	ssettm $0x1  }
0x91: {  	s17 =	sld [smem:$0x3FFB];
	_ =	sdelay $0x3  }
0x92: {  	_ =	strace s17  }
0x93: {  	s2 =	sld [smem:$0x3FFC];
	_ =	sdelay $0x3  }
0x94: {  	_ =	strace s2  }
0x95: {  	s2 =	sld [smem:$0x3FFD];
	_ =	sdelay $0x3  }
0x96: {  	_ =	strace s2  }
0x97: {  	_ =	strace $0x8FFFFFFF  }
0x98: {  	s18 =	sld [smem:$0x3FDB];
	_ =	sdelay $0x1  }
0x99: {  	s19 =	simm.s32 $_scs_section_size  }
0x9a: {  	s4 =	simm.s32 $_size__tile_overlayer_lowered;
	s5 =	simm.s32 $_tile_overlayer_lowered  }
0x9b: {  	s22 =	simm.s32 $0x1BFF;
	s21 =	sshll.u32 s5, $0x1;
	s2 =	sadd.s32 s19, s18  }
0x9c: {  	s6 =	simm.s32 $0x0;
	s20 =	sshll.u32 s4, $0x1;
	s4 =	sadd.s32 s21, s2  }
0x9d: {  	[timem:s6], [sflag:s22] =	dma.local [hbm:s4], s20  }
0x9e: {  	_ =	swait.ge [sflag:s22], s20  }
0x9f: {  	s3 =	ssub.s32 $0x0, s20;
	[sflag:s22] =	ssyncset.done $0x0  }
0xa0: {  	[sflag:s22] =	ssyncadd.s32 s3;
	_ =	sdelay $0x1  }
0xa1: {  	s23 =	simm.s32 $0x1B8B  }
0xa2: {  	_ =	swait.ge [sflag:s23], $0x1  }
0xa3: {  	[sflag:s23] =	ssyncset.done $0x0  }
0xa4: {  	s25 =	simm.s32 $0x1B8E;
	s24 =	sld [smem:$0x3FFE];
	[sflag:s23] =	ssyncadd.s32 $0xFFFFFFFF  }
0xa5: {  	s26 =	simm.s32 $execute0_lowered;
	[smem:$0x3FD2] =	sst s25  }
0xa6: {  	s4 =	sshll.u32 s26, $0x1;
	_ =	strace $0x8000004F;
	[dreg:$0x1] =	wrdreg $0xFFFFFFFF  }
0xa7: {  	s28 =	simm.s32 $_size_execute0_lowered;
	s2 =	sadd.s32 s2, s4;
	[dreg:$0x0] =	wrdreg $0x0  }
0xa8: {  	s4 =	sshll.u32 s28, $0x1;
	[dreg:$0x2] =	wrdreg s2  }
0xa9: {  	[dreg:$0x3] =	wrdreg s4  }
0xaa: {  	[dreg:$0x4] =	wrdreg $0xC0  }
0xab: {  	_ =	task [dreg:s6], $0x5FFFF  }
0xac: {  	[dreg:$0x1] =	wrdreg $0xFFFFFFFF  }
0xad: {  	[dreg:$0x0] =	wrdreg $0x60  }
0xae: {  	[dreg:$0x2] =	wrdreg s24  }
0xaf: {  	[dreg:$0x3] =	wrdreg $0x9  }
0xb0: {  	_ =	task.clear_ibuf [dreg:s6], $0x4FFFF;
	_ =	strace $0x9000004F  }
0xb1: {  	s29 =	simm.s32 $0x9;
	_ =	strace $0x80000051  }
0xb2: {  	_ =	swait.ge [sflag:s29], $0x1  }
0xb3: {  	[sflag:s29] =	ssyncadd.s32 $0xFFFFFFFF  }
0xb4: {  	_ =	strace $0x90000051  }
0xb5: {  	_ =	sfence  }
0xb6: {  	s30 =	sld [smem:$0x0];
	_ =	sdelay $0x2  }
0xb7: {  	s31 =	sshll.u32 s1, $0xD;
	s1 =	sshrl.u32 s1, $0x2  }
0xb8: {  	s3 =	sand.u32 $0x4000, s31;
	s1 =	sadd.s32 s1, s30  }
0xb9: {  	s0 =	sor.u32 s3, s0;
	s1 =	sshll.u32 s1, $0x11  }
0xba: {  	s0 =	sor.u32 s1, s0  }
0xbb: {  	s0 =	sadd.s32 $0x8F2B, s0  }
0xbc: {  	[sflag:s0] =	ssyncadd.remote.s32 $0x1  }
0xbd: {  	_ =	sfence.sel $0xFFFF  }
0xbe: {  	[dreg:$0x0] =	wrdreg $0xFFFFFFFF;
	(pc) =	sbr.abs _section_cstart, $3  }
0xbf: {  	[dreg:$0x1] =	wrdreg $0xFFFFFFFF  }
0xc0: {  	_ =	task.clear_ibuf [dreg:s6], $0x2FFFF;
	_ =	strace $0x9FFFFFFF  }
0xc1: {  	(tm) =	ssettm $0x7FFFFFFF  }
tec
execute0_lowered:
.L_overlay_start_1:
0x0: {  	(tag) =	ssettag $0x1  }
0x1: {  	s4 =	rddreg [dreg:$0x0]  }
0x2: {  	s0 =	rddreg [dreg:$0x1];
	s2 =	simm.s32 $0x0;
	s1 =	stileid.u32  }
0x3: {  	s3 =	srdreg.scid;
	s10 =	simm.s32 $0x0;
	s6 =	smul.u32 $0x3000, s1  }
0x4: {  	[smem:$0x7FF] =	sst s2;
	s5 =	sand.u32 $0x1, s3;
	s8 =	smul.u32 $0x30000, s1  }
0x5: {  	s3 =	sadd.s32 $0x1F0200, s4;
	s7 =	smul.u32 $0x1800, s5;
	s9 =	ssub.s32 $0x2, s5  }
0x6: {  	_ =	strace $0x80000050;
	s5 =	smul.u32 $0x18000, s5;
	s31 =	sshrl.u32 s9, $0x1  }
0x7: {  	s8 =	sadd.s32 s8, s4;
	s6 =	sadd.s32 s7, s6;
	s7 =	ssub.s32 s9, s31  }
0x8: {  	s5 =	sadd.s32 s5, s8;
	s8 =	simm.s32 $0x80;
	s6 =	sshrl.u32 s6, $0x3  }
0x9: {  	s9 =	simm.s32 $0x1;
	s5 =	sadd.s32 $0x514200, s5;
	s6 =	sadd.s32 s6, s4  }
0xa: {  	s4 =	smax.u32 s7, $0x1;
	s7 =	simm.s32 $0x2;
	s6 =	sadd.s32 $0x50E200, s6  }
.LBB2_1:
0xb: {  	s11 =	sadd.s32 $0x0, s6  }
0xc: {  	[tilespmem:s2], [sflag:$0x2] =	stream.linear.gather [hbm4b:s11+s2], $0x80, $0x38;
	[tilespmem:$0x4080] =	vst v63  }
0xd: {  	_ =	swait.ge [sflag:s7], $0x80  }
0xe: {  	[sflag:s7] =	ssyncset.done $0x0  }
0xf: {  	[sflag:s7] =	ssyncadd.s32 $0xFFFFFF80  }
0x10: {  	[tilespmem:s8], [sflag:$0x1] =	stream.indirect.gather [hbm4b:s3+s8], $0x80, s2, s8, $0xb8;
	[tilespmem:$0x4080] =	vst v63  }
0x11: {  	_ =	swait.ge [sflag:s9], $0x4000  }
0x12: {  	[sflag:s9] =	ssyncset.done $0x0  }
0x13: {  	[sflag:s9] =	ssyncadd.s32 $0xFFFFC000  }
0x14: {  	[hbm4b:s5+s2] =	stream.linear.scatter [tilespmem:s8], [sflag:$0x2], $0x4000, $0x38;
	[tilespmem:$0x4080] =	vst v63  }
0x15: {  	s12 =	simm.s32 $0x10;
	_ =	swait.ge [sflag:s7], $0x4000  }
0x16: {  	s13 =	simm.s32 $0x20;
	s11 =	sadd.s32 $0x800, s5;
	[sflag:s7] =	ssyncset.done $0x0  }
.LBB2_2:
0x17: {  	s14 =	sadd.s32 s12, s6  }
0x18: {  	[sflag:s7] =	ssyncadd.s32 $0xFFFFC000;
	s12 =	smov.u32 s13;
	s15 =	sadd.s32 $0x10, s13  }
0x19: {  	[tilespmem:s2], [sflag:$0x2] =	stream.linear.gather [hbm4b:s14+s2], $0x80, $0x38;
	[tilespmem:$0x4080] =	vst v63  }
0x1a: {  	p0 =	sne.s32 s13, $0x2F0;
	_ =	swait.ge [sflag:s7], $0x80  }
0x1b: {  	[sflag:s7] =	ssyncset.done $0x0  }
0x1c: {  	[sflag:s7] =	ssyncadd.s32 $0xFFFFFF80  }
0x1d: {  	[tilespmem:s8], [sflag:$0x1] =	stream.indirect.gather [hbm4b:s3+s8], $0x80, s2, s8, $0xb8;
	[tilespmem:$0x4080] =	vst v63  }
0x1e: {  	_ =	swait.ge [sflag:s9], $0x4000  }
.Ltmp0:
0x1f: {  	[sflag:s9] =	ssyncset.done $0x0;
	(pc) =	sbr.rel @p0 .LBB2_2-.Ltmp0, $4  }
0x20: {  	[sflag:s9] =	ssyncadd.s32 $0xFFFFC000  }
0x21: {  	[hbm4b:s11+s2] =	stream.linear.scatter [tilespmem:s8], [sflag:$0x2], $0x4000, $0x38;
	[tilespmem:$0x4080] =	vst v63  }
0x22: {  	_ =	swait.ge [sflag:s7], $0x4000  }
0x23: {  	s13 =	smov.u32 s15;
	s11 =	sadd.s32 $0x800, s11;
	[sflag:s7] =	ssyncset.done $0x0  }
0x24: {  	s12 =	sadd.s32 s12, s6;
	[sflag:s7] =	ssyncadd.s32 $0xFFFFC000  }
0x25: {  	[tilespmem:s2], [sflag:$0x2] =	stream.linear.gather [hbm4b:s12+s2], $0x80, $0x38;
	[tilespmem:$0x4080] =	vst v63  }
0x26: {  	_ =	swait.ge [sflag:s7], $0x80  }
0x27: {  	[sflag:s7] =	ssyncset.done $0x0  }
0x28: {  	[sflag:s7] =	ssyncadd.s32 $0xFFFFFF80  }
0x29: {  	[tilespmem:s8], [sflag:$0x1] =	stream.indirect.gather [hbm4b:s3+s8], $0x80, s2, s8, $0xb8;
	[tilespmem:$0x4080] =	vst v63  }
0x2a: {  	s10 =	sadd.s32 $0x1, s10;
	_ =	swait.ge [sflag:s9], $0x4000  }
0x2b: {  	p0 =	sne.s32 s10, s4;
	[sflag:s9] =	ssyncset.done $0x0  }
.Ltmp1:
0x2c: {  	[sflag:s9] =	ssyncadd.s32 $0xFFFFC000;
	(pc) =	sbr.rel @p0 .LBB2_1-.Ltmp1, $4  }
0x2d: {  	[hbm4b:s11+s2] =	stream.linear.scatter [tilespmem:s8], [sflag:$0x2], $0x4000, $0x38;
	[tilespmem:$0x4080] =	vst v63  }
0x2e: {  	_ =	swait.ge [sflag:s7], $0x4000  }
0x2f: {  	[sflag:s7] =	ssyncset.done $0x0  }
0x30: {  	[sflag:s7] =	ssyncadd.s32 $0xFFFFC000  }
0x31: {  	_ =	sfence.sel $0x180000  }
0x32: {  	[bflag:$0x0] =	sbarrier.arrive $0xFFFF  }
0x33: {  	p0 =	sne.s32 s1, $0x0;
	_ =	strace $0x90000050  }
0x34: {  	s0 =	sadd.s32 @!p0 $0x100000, s0;
	[bflag:$0x2] =	sbarrier.arrive $0xFFFF  }
0x35: {  	[sflag:s0] =	ssyncadd.tile.s32 @!p0 $0x1;
	_ =	shalt  }
.Lfunc_end2:
_tile_overlayer_lowered:
.L_overlay_start_2:
0x36: {  	(tag) =	ssettag $0x2  }
0x37: {  	s0 =	rddreg [dreg:$0x0];
	s2 =	stileid.u32  }
0x38: {  	s1 =	rddreg [dreg:$0x1];
	p0 =	sne.s32 s2, $0x0  }
0x39: {  	s3 =	rddreg [dreg:$0x2];
	[bflag:$0x3] =	sbarrier.arrive $0xFFFF;
	s2 =	simm.s32 @!p0 $0x1C02  }
0x3a: {  	[timem:s3], [sflag:s2] =	dma.local @!p0 [hbm:s0], s1  }
0x3b: {  	s0 =	simm.s32 @!p0 $0x2  }
0x3c: {  	_ =	swait.ge @!p0 [sflag:s0], s1  }
0x3d: {  	s1 =	ssub.s32 @!p0 $0x0, s1;
	[sflag:s0] =	ssyncset.done @!p0 $0x0  }
0x3e: {  	[sflag:s0] =	ssyncadd.s32 @!p0 s1  }
0x3f: {  	[bflag:$0x3] =	sbarrier.arrive $0xFFFF  }
0x40: {  	_ =	shalt  }

// kernel: kernel.37.cloned.1.call-start
scs
__scs_entry_jumppad:
0x0: {  	(pc) =	sbr.rel $0x88, $3  }
0x1: {  	(tag) =	ssettag $0x0;
	lr =	simm.s32 $0x1  }
0x2: {  	[smem:$0x3F4D] =	sst lr;
	_ =	strace $0xD0000000  }
0x3: {  	_ = 	snop  }
0x4: {  	_ = 	snop  }
0x5: {  	_ = 	snop  }
0x6: {  	_ = 	snop  }
0x7: {  	_ = 	snop  }
__scs_overlays_trampoline_lowered:
0x8: {  	[smem:$0x3F5C] =	sst s0  }
0x9: {  	[smem:$0x3F5D] =	sst s1  }
0xa: {  	[smem:$0x3F5E] =	sst s2  }
0xb: {  	[smem:$0x3F5F] =	sst s3  }
0xc: {  	[smem:$0x3F60] =	sst s4  }
0xd: {  	[smem:$0x3F61] =	sst s5  }
0xe: {  	[smem:$0x3F62] =	sst s6  }
0xf: {  	[smem:$0x3F63] =	sst s7  }
0x10: {  	[smem:$0x3F64] =	sst s8  }
0x11: {  	[smem:$0x3F65] =	sst s9;
	s0 =	simm.s32 @!p0 $0x0  }
0x12: {  	s1 =	sld [smem:$0x3F4B];
	s0 =	simm.s32 @p0 $0x1  }
0x13: {  	[smem:$0x3F66] =	sst s0;
	s0 =	simm.s32 @!p1 $0x0  }
0x14: {  	s2 =	sld [smem:$0x3F4A];
	s0 =	simm.s32 @p1 $0x1  }
0x15: {  	[smem:$0x3F67] =	sst s0;
	s0 =	simm.s32 @!p2 $0x0  }
0x16: {  	s3 =	sld [smem:$0x3FDB];
	s0 =	simm.s32 @p2 $0x1  }
0x17: {  	s4 =	simm.s32 $0x1BF5;
	[smem:$0x3F69] =	sst s0  }
0x18: {  	s0 =	sld [smem:$0x3F4C];
	_ =	swait.ge [sflag:s4], $0x0  }
0x19: {  	s7 =	sld [smem:$0x3F4D]  }
0x1a: {  	s8 =	sadd.s32 $0xFFFFE003, lr  }
0x1b: {  	s9 =	sadd.s32 $0xFFFFFEF7, lr;
	s5 =	simm.s32 $0xFFFFFFFF;
	p2 =	slt.u32 s8, $0xFFFFF086  }
0x1c: {  	p1 =	slt.u32 s9, $0xF7A;
	s5 =	simm.s32 @!p2 $0x0  }
0x1d: {  	s5 =	simm.s32 @p1 $0x1;
	p0 =	seq.s32 s7, s2  }
0x1e: {  	s7 =	smul.u32 @!p0 $0xF7A, s2;
	p2 =	seq.s32 @!p0 s5, $0x0  }
0x1f: {  	s9 =	smul.u32 $0xF7A, s1;
	s8 =	simm.s32 @!p0 $0x1BF5;
	p2 =	por !p2, p0  }
0x20: {  	[sflag:s8] =	ssyncset.s32 @!p0 $0xFFFFF086;
	s6 =	sadd.s32 @!p0 s3, s7;
	s7 =	simm.s32 @!p0 $0x108  }
0x21: {  	s3 =	sadd.s32 s3, s9;
	s6 =	sadd.s32 @!p0 $0x88, s6;
	s7 =	simm.s32 @p2 $0x1082  }
0x22: {  	[simem:s7], [sflag:s8] =	dma.local @!p0 [hbm:s6], $0xF7A  }
0x23: {  	s9 =	sor.u32 $0xD0000000, s2;
	s6 =	simm.s32 $0x108;
	_ =	swait.ge @!p0 [sflag:s8], $0x0  }
0x24: {  	s3 =	sadd.s32 $0x88, s3;
	s6 =	simm.s32 @!p1 $0x1082;
	[sflag:s4] =	ssyncset.s32 $0xFFFFF086  }
0x25: {  	[simem:s6], [sflag:s4] =	dma.local [hbm:s3], $0xF7A  }
0x26: {  	[smem:$0x3F4D] =	sst s1;
	(tag) =	ssettag s2;
	_ =	strace s9  }
0x27: {  	s1 =	sld [smem:$0x3F5D]  }
0x28: {  	s2 =	sld [smem:$0x3F5E]  }
0x29: {  	s4 =	sld [smem:$0x3F60]  }
0x2a: {  	p0 =	seq.s32 s5, $0x0;
	s5 =	sld [smem:$0x3F61]  }
0x2b: {  	s6 =	sld [smem:$0x3F62]  }
0x2c: {  	s7 =	sld [smem:$0x3F63]  }
0x2d: {  	s3 =	simm.s32 $0x108;
	s8 =	sld [smem:$0x3F64]  }
0x2e: {  	s3 =	simm.s32 @!p0 $0x1082;
	s9 =	sld [smem:$0x3F65]  }
0x2f: {  	lr =	sadd.s32 s0, s3;
	s0 =	sld [smem:$0x3F5C]  }
0x30: {  	s3 =	sld [smem:$0x3F5F]  }
0x31: {  	[smem:$0x3F68] =	sst s10  }
0x32: {  	s10 =	sld [smem:$0x3F66];
	_ =	sdelay $0x3  }
0x33: {  	p0 =	seq.s32 s10, $0x1;
	s10 =	sld [smem:$0x3F68];
	_ =	sdelay $0x3  }
0x34: {  	[smem:$0x3F68] =	sst s10  }
0x35: {  	s10 =	sld [smem:$0x3F67];
	_ =	sdelay $0x3  }
0x36: {  	p1 =	seq.s32 s10, $0x1;
	s10 =	sld [smem:$0x3F68];
	_ =	sdelay $0x3  }
0x37: {  	[smem:$0x3F68] =	sst s10  }
0x38: {  	s10 =	sld [smem:$0x3F69]  }
0x39: {  	_ = 	snop;
	(pc) =	sbr.ind lr, $3  }
0x3a: {  	_ = 	snop  }
0x3b: {  	_ = 	snop  }
0x3c: {  	p2 =	seq.s32 s10, $0x1;
	s10 =	sld [smem:$0x3F68]  }
0x3d: {  	_ =	shalt  }
0x3e: {  	_ =	shalt  }
0x3f: {  	_ =	shalt  }
0x40: {  	_ =	shalt  }
0x41: {  	_ =	shalt  }
0x42: {  	_ =	shalt  }
0x43: {  	_ =	shalt  }
0x44: {  	_ =	shalt  }
0x45: {  	_ =	shalt  }
0x46: {  	_ =	shalt  }
0x47: {  	_ =	shalt  }
0x48: {  	_ =	shalt  }
0x49: {  	_ =	shalt  }
0x4a: {  	_ =	shalt  }
0x4b: {  	_ =	shalt  }
0x4c: {  	_ =	shalt  }
0x4d: {  	_ =	shalt  }
0x4e: {  	_ =	shalt  }
0x4f: {  	_ =	shalt  }
0x50: {  	_ =	shalt  }
0x51: {  	_ =	shalt  }
0x52: {  	_ =	shalt  }
0x53: {  	_ =	shalt  }
0x54: {  	_ =	shalt  }
0x55: {  	_ =	shalt  }
0x56: {  	_ =	shalt  }
0x57: {  	_ =	shalt  }
0x58: {  	_ =	shalt  }
0x59: {  	_ =	shalt  }
0x5a: {  	_ =	shalt  }
0x5b: {  	_ =	shalt  }
0x5c: {  	_ =	shalt  }
0x5d: {  	_ =	shalt  }
0x5e: {  	_ =	shalt  }
0x5f: {  	_ =	shalt  }
0x60: {  	_ =	shalt  }
0x61: {  	_ =	shalt  }
0x62: {  	_ =	shalt  }
0x63: {  	_ =	shalt  }
0x64: {  	_ =	shalt  }
0x65: {  	_ =	shalt  }
0x66: {  	_ =	shalt  }
0x67: {  	_ =	shalt  }
0x68: {  	_ =	shalt  }
0x69: {  	_ =	shalt  }
0x6a: {  	_ =	shalt  }
0x6b: {  	_ =	shalt  }
0x6c: {  	_ =	shalt  }
0x6d: {  	_ =	shalt  }
0x6e: {  	_ =	shalt  }
0x6f: {  	_ =	shalt  }
0x70: {  	_ =	shalt  }
0x71: {  	_ =	shalt  }
0x72: {  	_ =	shalt  }
0x73: {  	_ =	shalt  }
0x74: {  	_ =	shalt  }
0x75: {  	_ =	shalt  }
0x76: {  	_ =	shalt  }
0x77: {  	_ =	shalt  }
0x78: {  	_ =	shalt  }
0x79: {  	_ =	shalt  }
0x7a: {  	_ =	shalt  }
0x7b: {  	_ =	shalt  }
0x7c: {  	_ =	shalt  }
0x7d: {  	_ =	shalt  }
0x7e: {  	_ =	shalt  }
0x7f: {  	_ =	shalt  }
0x80: {  	_ =	shalt  }
0x81: {  	_ =	shalt  }
0x82: {  	_ =	shalt  }
0x83: {  	_ =	shalt  }
0x84: {  	_ =	shalt  }
0x85: {  	_ =	shalt  }
0x86: {  	_ =	shalt  }
0x87: {  	_ =	shalt  }
.Lfunc_end0:
.L_simem_size_0:
called_computation.4_lowered:
.L_overlay_start_0:
0x88: {  	s2 =	sld [smem:$0x3FD9]  }
0x89: {  	s3 =	sld [smem:$0x3FFE];
	_ =	sdelay $0x1  }
0x8a: {  	s1 =	srdreg.scid  }
0x8b: {  	s0 =	sand.u32 $0x1, s1  }
0x8c: {  	s16 =	sshll.u32 s0, $0xA;
	s2 =	sadd.s32 s3, s2  }
0x8d: {  	s2 =	sadd.s32 s2, s16  }
0x8e: {  	[smem:$0x3F74] =	sst s2  }
0x8f: {  	_ = 	snop  }
0x90: {  	(tm) =	ssettm $0x1  }
0x91: {  	s17 =	sld [smem:$0x3FFB];
	_ =	sdelay $0x3  }
0x92: {  	_ =	strace s17  }
0x93: {  	s2 =	sld [smem:$0x3FFC];
	_ =	sdelay $0x3  }
0x94: {  	_ =	strace s2  }
0x95: {  	s2 =	sld [smem:$0x3FFD];
	_ =	sdelay $0x3  }
0x96: {  	_ =	strace s2  }
0x97: {  	_ =	strace $0x8FFFFFFF  }
0x98: {  	s18 =	sld [smem:$0x3FDB];
	_ =	sdelay $0x1  }
0x99: {  	s19 =	simm.s32 $_scs_section_size  }
0x9a: {  	s4 =	simm.s32 $_size__tile_overlayer_lowered;
	s5 =	simm.s32 $_tile_overlayer_lowered  }
0x9b: {  	s22 =	simm.s32 $0x1BFF;
	s21 =	sshll.u32 s5, $0x1;
	s2 =	sadd.s32 s19, s18  }
0x9c: {  	s6 =	simm.s32 $0x0;
	s20 =	sshll.u32 s4, $0x1;
	s4 =	sadd.s32 s21, s2  }
0x9d: {  	[timem:s6], [sflag:s22] =	dma.local [hbm:s4], s20  }
0x9e: {  	_ =	swait.ge [sflag:s22], s20  }
0x9f: {  	s3 =	ssub.s32 $0x0, s20;
	[sflag:s22] =	ssyncset.done $0x0  }
0xa0: {  	[sflag:s22] =	ssyncadd.s32 s3;
	_ =	sdelay $0x1  }
0xa1: {  	s23 =	simm.s32 $0x1B8B  }
0xa2: {  	_ =	swait.ge [sflag:s23], $0x1  }
0xa3: {  	[sflag:s23] =	ssyncset.done $0x0  }
0xa4: {  	s25 =	simm.s32 $0x1B8E;
	s24 =	sld [smem:$0x3FFE];
	[sflag:s23] =	ssyncadd.s32 $0xFFFFFFFF  }
0xa5: {  	s26 =	simm.s32 $execute0_lowered;
	[smem:$0x3FD2] =	sst s25  }
0xa6: {  	s4 =	sshll.u32 s26, $0x1;
	_ =	strace $0x80000052;
	[dreg:$0x1] =	wrdreg $0xFFFFFFFF  }
0xa7: {  	s28 =	simm.s32 $_size_execute0_lowered;
	s2 =	sadd.s32 s2, s4;
	[dreg:$0x0] =	wrdreg $0x0  }
0xa8: {  	s4 =	sshll.u32 s28, $0x1;
	[dreg:$0x2] =	wrdreg s2  }
0xa9: {  	[dreg:$0x3] =	wrdreg s4  }
0xaa: {  	[dreg:$0x4] =	wrdreg $0xC0  }
0xab: {  	_ =	task [dreg:s6], $0x5FFFF  }
0xac: {  	[dreg:$0x1] =	wrdreg $0xFFFFFFFF  }
0xad: {  	[dreg:$0x0] =	wrdreg $0x60  }
0xae: {  	[dreg:$0x2] =	wrdreg s24  }
0xaf: {  	[dreg:$0x3] =	wrdreg $0x9  }
0xb0: {  	_ =	task.clear_ibuf [dreg:s6], $0x4FFFF;
	_ =	strace $0x90000052  }
0xb1: {  	s29 =	simm.s32 $0x9;
	_ =	strace $0x80000054  }
0xb2: {  	_ =	swait.ge [sflag:s29], $0x1  }
0xb3: {  	[sflag:s29] =	ssyncadd.s32 $0xFFFFFFFF  }
0xb4: {  	_ =	strace $0x90000054  }
0xb5: {  	_ =	sfence  }
0xb6: {  	s30 =	sld [smem:$0x0];
	_ =	sdelay $0x2  }
0xb7: {  	s31 =	sshll.u32 s1, $0xD;
	s1 =	sshrl.u32 s1, $0x2  }
0xb8: {  	s3 =	sand.u32 $0x4000, s31;
	s1 =	sadd.s32 s1, s30  }
0xb9: {  	s0 =	sor.u32 s3, s0;
	s1 =	sshll.u32 s1, $0x11  }
0xba: {  	s0 =	sor.u32 s1, s0  }
0xbb: {  	s0 =	sadd.s32 $0x8F2B, s0  }
0xbc: {  	[sflag:s0] =	ssyncadd.remote.s32 $0x1  }
0xbd: {  	_ =	sfence.sel $0xFFFF  }
0xbe: {  	[dreg:$0x0] =	wrdreg $0xFFFFFFFF;
	(pc) =	sbr.abs _section_cstart, $3  }
0xbf: {  	[dreg:$0x1] =	wrdreg $0xFFFFFFFF  }
0xc0: {  	_ =	task.clear_ibuf [dreg:s6], $0x2FFFF;
	_ =	strace $0x9FFFFFFF  }
0xc1: {  	(tm) =	ssettm $0x7FFFFFFF  }
tec
execute0_lowered:
.L_overlay_start_1:
0x0: {  	(tag) =	ssettag $0x1  }
0x1: {  	s4 =	rddreg [dreg:$0x0]  }
0x2: {  	s0 =	rddreg [dreg:$0x1];
	s2 =	simm.s32 $0x0;
	s1 =	stileid.u32  }
0x3: {  	s3 =	srdreg.scid;
	s10 =	simm.s32 $0x0;
	s6 =	smul.u32 $0x3000, s1  }
0x4: {  	[smem:$0x7FF] =	sst s2;
	s5 =	sand.u32 $0x1, s3;
	s8 =	smul.u32 $0x30000, s1  }
0x5: {  	s3 =	sadd.s32 $0x1F0200, s4;
	s7 =	smul.u32 $0x1800, s5;
	s9 =	ssub.s32 $0x2, s5  }
0x6: {  	_ =	strace $0x80000053;
	s5 =	smul.u32 $0x18000, s5;
	s31 =	sshrl.u32 s9, $0x1  }
0x7: {  	s8 =	sadd.s32 s8, s4;
	s6 =	sadd.s32 s7, s6;
	s7 =	ssub.s32 s9, s31  }
0x8: {  	s5 =	sadd.s32 s5, s8;
	s8 =	simm.s32 $0x80;
	s6 =	sshrl.u32 s6, $0x3  }
0x9: {  	s9 =	simm.s32 $0x1;
	s5 =	sadd.s32 $0x256200, s5;
	s6 =	sadd.s32 s6, s4  }
0xa: {  	s4 =	smax.u32 s7, $0x1;
	s7 =	simm.s32 $0x2;
	s6 =	sadd.s32 $0x238200, s6  }
.LBB2_1:
0xb: {  	s11 =	sadd.s32 $0x0, s6  }
0xc: {  	[tilespmem:s2], [sflag:$0x2] =	stream.linear.gather [hbm4b:s11+s2], $0x80, $0x38;
	[tilespmem:$0x4080] =	vst v63  }
0xd: {  	_ =	swait.ge [sflag:s7], $0x80  }
0xe: {  	[sflag:s7] =	ssyncset.done $0x0  }
0xf: {  	[sflag:s7] =	ssyncadd.s32 $0xFFFFFF80  }
0x10: {  	[tilespmem:s8], [sflag:$0x1] =	stream.indirect.gather [hbm4b:s3+s8], $0x80, s2, s8, $0xb8;
	[tilespmem:$0x4080] =	vst v63  }
0x11: {  	_ =	swait.ge [sflag:s9], $0x4000  }
0x12: {  	[sflag:s9] =	ssyncset.done $0x0  }
0x13: {  	[sflag:s9] =	ssyncadd.s32 $0xFFFFC000  }
0x14: {  	[hbm4b:s5+s2] =	stream.linear.scatter [tilespmem:s8], [sflag:$0x2], $0x4000, $0x38;
	[tilespmem:$0x4080] =	vst v63  }
0x15: {  	s12 =	simm.s32 $0x10;
	_ =	swait.ge [sflag:s7], $0x4000  }
0x16: {  	s13 =	simm.s32 $0x20;
	s11 =	sadd.s32 $0x800, s5;
	[sflag:s7] =	ssyncset.done $0x0  }
.LBB2_2:
0x17: {  	s14 =	sadd.s32 s12, s6  }
0x18: {  	[sflag:s7] =	ssyncadd.s32 $0xFFFFC000;
	s12 =	smov.u32 s13;
	s15 =	sadd.s32 $0x10, s13  }
0x19: {  	[tilespmem:s2], [sflag:$0x2] =	stream.linear.gather [hbm4b:s14+s2], $0x80, $0x38;
	[tilespmem:$0x4080] =	vst v63  }
0x1a: {  	p0 =	sne.s32 s13, $0x2F0;
	_ =	swait.ge [sflag:s7], $0x80  }
0x1b: {  	[sflag:s7] =	ssyncset.done $0x0  }
0x1c: {  	[sflag:s7] =	ssyncadd.s32 $0xFFFFFF80  }
0x1d: {  	[tilespmem:s8], [sflag:$0x1] =	stream.indirect.gather [hbm4b:s3+s8], $0x80, s2, s8, $0xb8;
	[tilespmem:$0x4080] =	vst v63  }
0x1e: {  	_ =	swait.ge [sflag:s9], $0x4000  }
.Ltmp0:
0x1f: {  	[sflag:s9] =	ssyncset.done $0x0;
	(pc) =	sbr.rel @p0 .LBB2_2-.Ltmp0, $4  }
0x20: {  	[sflag:s9] =	ssyncadd.s32 $0xFFFFC000  }
0x21: {  	[hbm4b:s11+s2] =	stream.linear.scatter [tilespmem:s8], [sflag:$0x2], $0x4000, $0x38;
	[tilespmem:$0x4080] =	vst v63  }
0x22: {  	_ =	swait.ge [sflag:s7], $0x4000  }
0x23: {  	s13 =	smov.u32 s15;
	s11 =	sadd.s32 $0x800, s11;
	[sflag:s7] =	ssyncset.done $0x0  }
0x24: {  	s12 =	sadd.s32 s12, s6;
	[sflag:s7] =	ssyncadd.s32 $0xFFFFC000  }
0x25: {  	[tilespmem:s2], [sflag:$0x2] =	stream.linear.gather [hbm4b:s12+s2], $0x80, $0x38;
	[tilespmem:$0x4080] =	vst v63  }
0x26: {  	_ =	swait.ge [sflag:s7], $0x80  }
0x27: {  	[sflag:s7] =	ssyncset.done $0x0  }
0x28: {  	[sflag:s7] =	ssyncadd.s32 $0xFFFFFF80  }
0x29: {  	[tilespmem:s8], [sflag:$0x1] =	stream.indirect.gather [hbm4b:s3+s8], $0x80, s2, s8, $0xb8;
	[tilespmem:$0x4080] =	vst v63  }
0x2a: {  	s10 =	sadd.s32 $0x1, s10;
	_ =	swait.ge [sflag:s9], $0x4000  }
0x2b: {  	p0 =	sne.s32 s10, s4;
	[sflag:s9] =	ssyncset.done $0x0  }
.Ltmp1:
0x2c: {  	[sflag:s9] =	ssyncadd.s32 $0xFFFFC000;
	(pc) =	sbr.rel @p0 .LBB2_1-.Ltmp1, $4  }
0x2d: {  	[hbm4b:s11+s2] =	stream.linear.scatter [tilespmem:s8], [sflag:$0x2], $0x4000, $0x38;
	[tilespmem:$0x4080] =	vst v63  }
0x2e: {  	_ =	swait.ge [sflag:s7], $0x4000  }
0x2f: {  	[sflag:s7] =	ssyncset.done $0x0  }
0x30: {  	[sflag:s7] =	ssyncadd.s32 $0xFFFFC000  }
0x31: {  	_ =	sfence.sel $0x180000  }
0x32: {  	[bflag:$0x0] =	sbarrier.arrive $0xFFFF  }
0x33: {  	p0 =	sne.s32 s1, $0x0;
	_ =	strace $0x90000053  }
0x34: {  	s0 =	sadd.s32 @!p0 $0x100000, s0;
	[bflag:$0x2] =	sbarrier.arrive $0xFFFF  }
0x35: {  	[sflag:s0] =	ssyncadd.tile.s32 @!p0 $0x1;
	_ =	shalt  }
.Lfunc_end2:
_tile_overlayer_lowered:
.L_overlay_start_2:
0x36: {  	(tag) =	ssettag $0x2  }
0x37: {  	s0 =	rddreg [dreg:$0x0];
	s2 =	stileid.u32  }
0x38: {  	s1 =	rddreg [dreg:$0x1];
	p0 =	sne.s32 s2, $0x0  }
0x39: {  	s3 =	rddreg [dreg:$0x2];
	[bflag:$0x3] =	sbarrier.arrive $0xFFFF;
	s2 =	simm.s32 @!p0 $0x1C02  }
0x3a: {  	[timem:s3], [sflag:s2] =	dma.local @!p0 [hbm:s0], s1  }
0x3b: {  	s0 =	simm.s32 @!p0 $0x2  }
0x3c: {  	_ =	swait.ge @!p0 [sflag:s0], s1  }
0x3d: {  	s1 =	ssub.s32 @!p0 $0x0, s1;
	[sflag:s0] =	ssyncset.done @!p0 $0x0  }
0x3e: {  	[sflag:s0] =	ssyncadd.s32 @!p0 s1  }
0x3f: {  	[bflag:$0x3] =	sbarrier.arrive $0xFFFF  }
0x40: {  	_ =	shalt  }

// kernel: kernel.40.cloned.1.call-start
scs
__scs_entry_jumppad:
0x0: {  	(pc) =	sbr.rel $0x88, $3  }
0x1: {  	(tag) =	ssettag $0x0;
	lr =	simm.s32 $0x1  }
0x2: {  	[smem:$0x3F4D] =	sst lr;
	_ =	strace $0xD0000000  }
0x3: {  	_ = 	snop  }
0x4: {  	_ = 	snop  }
0x5: {  	_ = 	snop  }
0x6: {  	_ = 	snop  }
0x7: {  	_ = 	snop  }
__scs_overlays_trampoline_lowered:
0x8: {  	[smem:$0x3F5C] =	sst s0  }
0x9: {  	[smem:$0x3F5D] =	sst s1  }
0xa: {  	[smem:$0x3F5E] =	sst s2  }
0xb: {  	[smem:$0x3F5F] =	sst s3  }
0xc: {  	[smem:$0x3F60] =	sst s4  }
0xd: {  	[smem:$0x3F61] =	sst s5  }
0xe: {  	[smem:$0x3F62] =	sst s6  }
0xf: {  	[smem:$0x3F63] =	sst s7  }
0x10: {  	[smem:$0x3F64] =	sst s8  }
0x11: {  	[smem:$0x3F65] =	sst s9;
	s0 =	simm.s32 @!p0 $0x0  }
0x12: {  	s1 =	sld [smem:$0x3F4B];
	s0 =	simm.s32 @p0 $0x1  }
0x13: {  	[smem:$0x3F66] =	sst s0;
	s0 =	simm.s32 @!p1 $0x0  }
0x14: {  	s2 =	sld [smem:$0x3F4A];
	s0 =	simm.s32 @p1 $0x1  }
0x15: {  	[smem:$0x3F67] =	sst s0;
	s0 =	simm.s32 @!p2 $0x0  }
0x16: {  	s3 =	sld [smem:$0x3FDB];
	s0 =	simm.s32 @p2 $0x1  }
0x17: {  	s4 =	simm.s32 $0x1BF5;
	[smem:$0x3F69] =	sst s0  }
0x18: {  	s0 =	sld [smem:$0x3F4C];
	_ =	swait.ge [sflag:s4], $0x0  }
0x19: {  	s7 =	sld [smem:$0x3F4D]  }
0x1a: {  	s8 =	sadd.s32 $0xFFFFE003, lr  }
0x1b: {  	s9 =	sadd.s32 $0xFFFFFEF7, lr;
	s5 =	simm.s32 $0xFFFFFFFF;
	p2 =	slt.u32 s8, $0xFFFFF086  }
0x1c: {  	p1 =	slt.u32 s9, $0xF7A;
	s5 =	simm.s32 @!p2 $0x0  }
0x1d: {  	s5 =	simm.s32 @p1 $0x1;
	p0 =	seq.s32 s7, s2  }
0x1e: {  	s7 =	smul.u32 @!p0 $0xF7A, s2;
	p2 =	seq.s32 @!p0 s5, $0x0  }
0x1f: {  	s9 =	smul.u32 $0xF7A, s1;
	s8 =	simm.s32 @!p0 $0x1BF5;
	p2 =	por !p2, p0  }
0x20: {  	[sflag:s8] =	ssyncset.s32 @!p0 $0xFFFFF086;
	s6 =	sadd.s32 @!p0 s3, s7;
	s7 =	simm.s32 @!p0 $0x108  }
0x21: {  	s3 =	sadd.s32 s3, s9;
	s6 =	sadd.s32 @!p0 $0x88, s6;
	s7 =	simm.s32 @p2 $0x1082  }
0x22: {  	[simem:s7], [sflag:s8] =	dma.local @!p0 [hbm:s6], $0xF7A  }
0x23: {  	s9 =	sor.u32 $0xD0000000, s2;
	s6 =	simm.s32 $0x108;
	_ =	swait.ge @!p0 [sflag:s8], $0x0  }
0x24: {  	s3 =	sadd.s32 $0x88, s3;
	s6 =	simm.s32 @!p1 $0x1082;
	[sflag:s4] =	ssyncset.s32 $0xFFFFF086  }
0x25: {  	[simem:s6], [sflag:s4] =	dma.local [hbm:s3], $0xF7A  }
0x26: {  	[smem:$0x3F4D] =	sst s1;
	(tag) =	ssettag s2;
	_ =	strace s9  }
0x27: {  	s1 =	sld [smem:$0x3F5D]  }
0x28: {  	s2 =	sld [smem:$0x3F5E]  }
0x29: {  	s4 =	sld [smem:$0x3F60]  }
0x2a: {  	p0 =	seq.s32 s5, $0x0;
	s5 =	sld [smem:$0x3F61]  }
0x2b: {  	s6 =	sld [smem:$0x3F62]  }
0x2c: {  	s7 =	sld [smem:$0x3F63]  }
0x2d: {  	s3 =	simm.s32 $0x108;
	s8 =	sld [smem:$0x3F64]  }
0x2e: {  	s3 =	simm.s32 @!p0 $0x1082;
	s9 =	sld [smem:$0x3F65]  }
0x2f: {  	lr =	sadd.s32 s0, s3;
	s0 =	sld [smem:$0x3F5C]  }
0x30: {  	s3 =	sld [smem:$0x3F5F]  }
0x31: {  	[smem:$0x3F68] =	sst s10  }
0x32: {  	s10 =	sld [smem:$0x3F66];
	_ =	sdelay $0x3  }
0x33: {  	p0 =	seq.s32 s10, $0x1;
	s10 =	sld [smem:$0x3F68];
	_ =	sdelay $0x3  }
0x34: {  	[smem:$0x3F68] =	sst s10  }
0x35: {  	s10 =	sld [smem:$0x3F67];
	_ =	sdelay $0x3  }
0x36: {  	p1 =	seq.s32 s10, $0x1;
	s10 =	sld [smem:$0x3F68];
	_ =	sdelay $0x3  }
0x37: {  	[smem:$0x3F68] =	sst s10  }
0x38: {  	s10 =	sld [smem:$0x3F69]  }
0x39: {  	_ = 	snop;
	(pc) =	sbr.ind lr, $3  }
0x3a: {  	_ = 	snop  }
0x3b: {  	_ = 	snop  }
0x3c: {  	p2 =	seq.s32 s10, $0x1;
	s10 =	sld [smem:$0x3F68]  }
0x3d: {  	_ =	shalt  }
0x3e: {  	_ =	shalt  }
0x3f: {  	_ =	shalt  }
0x40: {  	_ =	shalt  }
0x41: {  	_ =	shalt  }
0x42: {  	_ =	shalt  }
0x43: {  	_ =	shalt  }
0x44: {  	_ =	shalt  }
0x45: {  	_ =	shalt  }
0x46: {  	_ =	shalt  }
0x47: {  	_ =	shalt  }
0x48: {  	_ =	shalt  }
0x49: {  	_ =	shalt  }
0x4a: {  	_ =	shalt  }
0x4b: {  	_ =	shalt  }
0x4c: {  	_ =	shalt  }
0x4d: {  	_ =	shalt  }
0x4e: {  	_ =	shalt  }
0x4f: {  	_ =	shalt  }
0x50: {  	_ =	shalt  }
0x51: {  	_ =	shalt  }
0x52: {  	_ =	shalt  }
0x53: {  	_ =	shalt  }
0x54: {  	_ =	shalt  }
0x55: {  	_ =	shalt  }
0x56: {  	_ =	shalt  }
0x57: {  	_ =	shalt  }
0x58: {  	_ =	shalt  }
0x59: {  	_ =	shalt  }
0x5a: {  	_ =	shalt  }
0x5b: {  	_ =	shalt  }
0x5c: {  	_ =	shalt  }
0x5d: {  	_ =	shalt  }
0x5e: {  	_ =	shalt  }
0x5f: {  	_ =	shalt  }
0x60: {  	_ =	shalt  }
0x61: {  	_ =	shalt  }
0x62: {  	_ =	shalt  }
0x63: {  	_ =	shalt  }
0x64: {  	_ =	shalt  }
0x65: {  	_ =	shalt  }
0x66: {  	_ =	shalt  }
0x67: {  	_ =	shalt  }
0x68: {  	_ =	shalt  }
0x69: {  	_ =	shalt  }
0x6a: {  	_ =	shalt  }
0x6b: {  	_ =	shalt  }
0x6c: {  	_ =	shalt  }
0x6d: {  	_ =	shalt  }
0x6e: {  	_ =	shalt  }
0x6f: {  	_ =	shalt  }
0x70: {  	_ =	shalt  }
0x71: {  	_ =	shalt  }
0x72: {  	_ =	shalt  }
0x73: {  	_ =	shalt  }
0x74: {  	_ =	shalt  }
0x75: {  	_ =	shalt  }
0x76: {  	_ =	shalt  }
0x77: {  	_ =	shalt  }
0x78: {  	_ =	shalt  }
0x79: {  	_ =	shalt  }
0x7a: {  	_ =	shalt  }
0x7b: {  	_ =	shalt  }
0x7c: {  	_ =	shalt  }
0x7d: {  	_ =	shalt  }
0x7e: {  	_ =	shalt  }
0x7f: {  	_ =	shalt  }
0x80: {  	_ =	shalt  }
0x81: {  	_ =	shalt  }
0x82: {  	_ =	shalt  }
0x83: {  	_ =	shalt  }
0x84: {  	_ =	shalt  }
0x85: {  	_ =	shalt  }
0x86: {  	_ =	shalt  }
0x87: {  	_ =	shalt  }
.Lfunc_end0:
.L_simem_size_0:
called_computation.5_lowered:
.L_overlay_start_0:
0x88: {  	s2 =	sld [smem:$0x3FD9]  }
0x89: {  	s3 =	sld [smem:$0x3FFE];
	_ =	sdelay $0x1  }
0x8a: {  	s1 =	srdreg.scid  }
0x8b: {  	s0 =	sand.u32 $0x1, s1  }
0x8c: {  	s16 =	sshll.u32 s0, $0xA;
	s2 =	sadd.s32 s3, s2  }
0x8d: {  	s2 =	sadd.s32 s2, s16  }
0x8e: {  	[smem:$0x3F74] =	sst s2  }
0x8f: {  	_ = 	snop  }
0x90: {  	(tm) =	ssettm $0x1  }
0x91: {  	s17 =	sld [smem:$0x3FFB];
	_ =	sdelay $0x3  }
0x92: {  	_ =	strace s17  }
0x93: {  	s2 =	sld [smem:$0x3FFC];
	_ =	sdelay $0x3  }
0x94: {  	_ =	strace s2  }
0x95: {  	s2 =	sld [smem:$0x3FFD];
	_ =	sdelay $0x3  }
0x96: {  	_ =	strace s2  }
0x97: {  	_ =	strace $0x8FFFFFFF  }
0x98: {  	s18 =	sld [smem:$0x3FDB];
	_ =	sdelay $0x1  }
0x99: {  	s19 =	simm.s32 $_scs_section_size  }
0x9a: {  	s4 =	simm.s32 $_size__tile_overlayer_lowered;
	s5 =	simm.s32 $_tile_overlayer_lowered  }
0x9b: {  	s22 =	simm.s32 $0x1BFF;
	s21 =	sshll.u32 s5, $0x1;
	s2 =	sadd.s32 s19, s18  }
0x9c: {  	s6 =	simm.s32 $0x0;
	s20 =	sshll.u32 s4, $0x1;
	s4 =	sadd.s32 s21, s2  }
0x9d: {  	[timem:s6], [sflag:s22] =	dma.local [hbm:s4], s20  }
0x9e: {  	_ =	swait.ge [sflag:s22], s20  }
0x9f: {  	s3 =	ssub.s32 $0x0, s20;
	[sflag:s22] =	ssyncset.done $0x0  }
0xa0: {  	[sflag:s22] =	ssyncadd.s32 s3;
	_ =	sdelay $0x1  }
0xa1: {  	s23 =	simm.s32 $0x1B8B  }
0xa2: {  	_ =	swait.ge [sflag:s23], $0x1  }
0xa3: {  	[sflag:s23] =	ssyncset.done $0x0  }
0xa4: {  	s25 =	simm.s32 $0x1B8E;
	s24 =	sld [smem:$0x3FFE];
	[sflag:s23] =	ssyncadd.s32 $0xFFFFFFFF  }
0xa5: {  	s26 =	simm.s32 $execute0_lowered;
	[smem:$0x3FD2] =	sst s25  }
0xa6: {  	s4 =	sshll.u32 s26, $0x1;
	_ =	strace $0x80000055;
	[dreg:$0x1] =	wrdreg $0xFFFFFFFF  }
0xa7: {  	s28 =	simm.s32 $_size_execute0_lowered;
	s2 =	sadd.s32 s2, s4;
	[dreg:$0x0] =	wrdreg $0x0  }
0xa8: {  	s4 =	sshll.u32 s28, $0x1;
	[dreg:$0x2] =	wrdreg s2  }
0xa9: {  	[dreg:$0x3] =	wrdreg s4  }
0xaa: {  	[dreg:$0x4] =	wrdreg $0xC0  }
0xab: {  	_ =	task [dreg:s6], $0x5FFFF  }
0xac: {  	[dreg:$0x1] =	wrdreg $0xFFFFFFFF  }
0xad: {  	[dreg:$0x0] =	wrdreg $0x60  }
0xae: {  	[dreg:$0x2] =	wrdreg s24  }
0xaf: {  	[dreg:$0x3] =	wrdreg $0x9  }
0xb0: {  	_ =	task.clear_ibuf [dreg:s6], $0x4FFFF;
	_ =	strace $0x90000055  }
0xb1: {  	s29 =	simm.s32 $0x9;
	_ =	strace $0x80000057  }
0xb2: {  	_ =	swait.ge [sflag:s29], $0x1  }
0xb3: {  	[sflag:s29] =	ssyncadd.s32 $0xFFFFFFFF  }
0xb4: {  	_ =	strace $0x90000057  }
0xb5: {  	_ =	sfence  }
0xb6: {  	s30 =	sld [smem:$0x0];
	_ =	sdelay $0x2  }
0xb7: {  	s31 =	sshll.u32 s1, $0xD;
	s1 =	sshrl.u32 s1, $0x2  }
0xb8: {  	s3 =	sand.u32 $0x4000, s31;
	s1 =	sadd.s32 s1, s30  }
0xb9: {  	s0 =	sor.u32 s3, s0;
	s1 =	sshll.u32 s1, $0x11  }
0xba: {  	s0 =	sor.u32 s1, s0  }
0xbb: {  	s0 =	sadd.s32 $0x8F2B, s0  }
0xbc: {  	[sflag:s0] =	ssyncadd.remote.s32 $0x1  }
0xbd: {  	_ =	sfence.sel $0xFFFF  }
0xbe: {  	[dreg:$0x0] =	wrdreg $0xFFFFFFFF;
	(pc) =	sbr.abs _section_cstart, $3  }
0xbf: {  	[dreg:$0x1] =	wrdreg $0xFFFFFFFF  }
0xc0: {  	_ =	task.clear_ibuf [dreg:s6], $0x2FFFF;
	_ =	strace $0x9FFFFFFF  }
0xc1: {  	(tm) =	ssettm $0x7FFFFFFF  }
tec
execute0_lowered:
.L_overlay_start_1:
0x0: {  	(tag) =	ssettag $0x1  }
0x1: {  	s4 =	rddreg [dreg:$0x0]  }
0x2: {  	s0 =	rddreg [dreg:$0x1];
	s2 =	simm.s32 $0x0;
	s1 =	stileid.u32  }
0x3: {  	s3 =	srdreg.scid;
	s10 =	simm.s32 $0x0;
	s6 =	smul.u32 $0x3000, s1  }
0x4: {  	[smem:$0x7FF] =	sst s2;
	s5 =	sand.u32 $0x1, s3;
	s8 =	smul.u32 $0x30000, s1  }
0x5: {  	s3 =	sadd.s32 $0x1F0200, s4;
	s7 =	smul.u32 $0x1800, s5;
	s9 =	ssub.s32 $0x2, s5  }
0x6: {  	_ =	strace $0x80000056;
	s5 =	smul.u32 $0x18000, s5;
	s31 =	sshrl.u32 s9, $0x1  }
0x7: {  	s8 =	sadd.s32 s8, s4;
	s6 =	sadd.s32 s7, s6;
	s7 =	ssub.s32 s9, s31  }
0x8: {  	s5 =	sadd.s32 s5, s8;
	s8 =	simm.s32 $0x80;
	s6 =	sshrl.u32 s6, $0x3  }
0x9: {  	s9 =	simm.s32 $0x1;
	s5 =	sadd.s32 $0x55C200, s5;
	s6 =	sadd.s32 s6, s4  }
0xa: {  	s4 =	smax.u32 s7, $0x1;
	s7 =	simm.s32 $0x2;
	s6 =	sadd.s32 $0x556200, s6  }
.LBB2_1:
0xb: {  	s11 =	sadd.s32 $0x0, s6  }
0xc: {  	[tilespmem:s2], [sflag:$0x2] =	stream.linear.gather [hbm4b:s11+s2], $0x80, $0x38;
	[tilespmem:$0x4080] =	vst v63  }
0xd: {  	_ =	swait.ge [sflag:s7], $0x80  }
0xe: {  	[sflag:s7] =	ssyncset.done $0x0  }
0xf: {  	[sflag:s7] =	ssyncadd.s32 $0xFFFFFF80  }
0x10: {  	[tilespmem:s8], [sflag:$0x1] =	stream.indirect.gather [hbm4b:s3+s8], $0x80, s2, s8, $0xb8;
	[tilespmem:$0x4080] =	vst v63  }
0x11: {  	_ =	swait.ge [sflag:s9], $0x4000  }
0x12: {  	[sflag:s9] =	ssyncset.done $0x0  }
0x13: {  	[sflag:s9] =	ssyncadd.s32 $0xFFFFC000  }
0x14: {  	[hbm4b:s5+s2] =	stream.linear.scatter [tilespmem:s8], [sflag:$0x2], $0x4000, $0x38;
	[tilespmem:$0x4080] =	vst v63  }
0x15: {  	s12 =	simm.s32 $0x10;
	_ =	swait.ge [sflag:s7], $0x4000  }
0x16: {  	s13 =	simm.s32 $0x20;
	s11 =	sadd.s32 $0x800, s5;
	[sflag:s7] =	ssyncset.done $0x0  }
.LBB2_2:
0x17: {  	s14 =	sadd.s32 s12, s6  }
0x18: {  	[sflag:s7] =	ssyncadd.s32 $0xFFFFC000;
	s12 =	smov.u32 s13;
	s15 =	sadd.s32 $0x10, s13  }
0x19: {  	[tilespmem:s2], [sflag:$0x2] =	stream.linear.gather [hbm4b:s14+s2], $0x80, $0x38;
	[tilespmem:$0x4080] =	vst v63  }
0x1a: {  	p0 =	sne.s32 s13, $0x2F0;
	_ =	swait.ge [sflag:s7], $0x80  }
0x1b: {  	[sflag:s7] =	ssyncset.done $0x0  }
0x1c: {  	[sflag:s7] =	ssyncadd.s32 $0xFFFFFF80  }
0x1d: {  	[tilespmem:s8], [sflag:$0x1] =	stream.indirect.gather [hbm4b:s3+s8], $0x80, s2, s8, $0xb8;
	[tilespmem:$0x4080] =	vst v63  }
0x1e: {  	_ =	swait.ge [sflag:s9], $0x4000  }
.Ltmp0:
0x1f: {  	[sflag:s9] =	ssyncset.done $0x0;
	(pc) =	sbr.rel @p0 .LBB2_2-.Ltmp0, $4  }
0x20: {  	[sflag:s9] =	ssyncadd.s32 $0xFFFFC000  }
0x21: {  	[hbm4b:s11+s2] =	stream.linear.scatter [tilespmem:s8], [sflag:$0x2], $0x4000, $0x38;
	[tilespmem:$0x4080] =	vst v63  }
0x22: {  	_ =	swait.ge [sflag:s7], $0x4000  }
0x23: {  	s13 =	smov.u32 s15;
	s11 =	sadd.s32 $0x800, s11;
	[sflag:s7] =	ssyncset.done $0x0  }
0x24: {  	s12 =	sadd.s32 s12, s6;
	[sflag:s7] =	ssyncadd.s32 $0xFFFFC000  }
0x25: {  	[tilespmem:s2], [sflag:$0x2] =	stream.linear.gather [hbm4b:s12+s2], $0x80, $0x38;
	[tilespmem:$0x4080] =	vst v63  }
0x26: {  	_ =	swait.ge [sflag:s7], $0x80  }
0x27: {  	[sflag:s7] =	ssyncset.done $0x0  }
0x28: {  	[sflag:s7] =	ssyncadd.s32 $0xFFFFFF80  }
0x29: {  	[tilespmem:s8], [sflag:$0x1] =	stream.indirect.gather [hbm4b:s3+s8], $0x80, s2, s8, $0xb8;
	[tilespmem:$0x4080] =	vst v63  }
0x2a: {  	s10 =	sadd.s32 $0x1, s10;
	_ =	swait.ge [sflag:s9], $0x4000  }
0x2b: {  	p0 =	sne.s32 s10, s4;
	[sflag:s9] =	ssyncset.done $0x0  }
.Ltmp1:
0x2c: {  	[sflag:s9] =	ssyncadd.s32 $0xFFFFC000;
	(pc) =	sbr.rel @p0 .LBB2_1-.Ltmp1, $4  }
0x2d: {  	[hbm4b:s11+s2] =	stream.linear.scatter [tilespmem:s8], [sflag:$0x2], $0x4000, $0x38;
	[tilespmem:$0x4080] =	vst v63  }
0x2e: {  	_ =	swait.ge [sflag:s7], $0x4000  }
0x2f: {  	[sflag:s7] =	ssyncset.done $0x0  }
0x30: {  	[sflag:s7] =	ssyncadd.s32 $0xFFFFC000  }
0x31: {  	_ =	sfence.sel $0x180000  }
0x32: {  	[bflag:$0x0] =	sbarrier.arrive $0xFFFF  }
0x33: {  	p0 =	sne.s32 s1, $0x0;
	_ =	strace $0x90000056  }
0x34: {  	s0 =	sadd.s32 @!p0 $0x100000, s0;
	[bflag:$0x2] =	sbarrier.arrive $0xFFFF  }
0x35: {  	[sflag:s0] =	ssyncadd.tile.s32 @!p0 $0x1;
	_ =	shalt  }
.Lfunc_end2:
_tile_overlayer_lowered:
.L_overlay_start_2:
0x36: {  	(tag) =	ssettag $0x2  }
0x37: {  	s0 =	rddreg [dreg:$0x0];
	s2 =	stileid.u32  }
0x38: {  	s1 =	rddreg [dreg:$0x1];
	p0 =	sne.s32 s2, $0x0  }
0x39: {  	s3 =	rddreg [dreg:$0x2];
	[bflag:$0x3] =	sbarrier.arrive $0xFFFF;
	s2 =	simm.s32 @!p0 $0x1C02  }
0x3a: {  	[timem:s3], [sflag:s2] =	dma.local @!p0 [hbm:s0], s1  }
0x3b: {  	s0 =	simm.s32 @!p0 $0x2  }
0x3c: {  	_ =	swait.ge @!p0 [sflag:s0], s1  }
0x3d: {  	s1 =	ssub.s32 @!p0 $0x0, s1;
	[sflag:s0] =	ssyncset.done @!p0 $0x0  }
0x3e: {  	[sflag:s0] =	ssyncadd.s32 @!p0 s1  }
0x3f: {  	[bflag:$0x3] =	sbarrier.arrive $0xFFFF  }
0x40: {  	_ =	shalt  }

// kernel: kernel.43.cloned.1.call-start
scs
__scs_entry_jumppad:
0x0: {  	(pc) =	sbr.rel $0x88, $3  }
0x1: {  	(tag) =	ssettag $0x0;
	lr =	simm.s32 $0x1  }
0x2: {  	[smem:$0x3F4D] =	sst lr;
	_ =	strace $0xD0000000  }
0x3: {  	_ = 	snop  }
0x4: {  	_ = 	snop  }
0x5: {  	_ = 	snop  }
0x6: {  	_ = 	snop  }
0x7: {  	_ = 	snop  }
__scs_overlays_trampoline_lowered:
0x8: {  	[smem:$0x3F5C] =	sst s0  }
0x9: {  	[smem:$0x3F5D] =	sst s1  }
0xa: {  	[smem:$0x3F5E] =	sst s2  }
0xb: {  	[smem:$0x3F5F] =	sst s3  }
0xc: {  	[smem:$0x3F60] =	sst s4  }
0xd: {  	[smem:$0x3F61] =	sst s5  }
0xe: {  	[smem:$0x3F62] =	sst s6  }
0xf: {  	[smem:$0x3F63] =	sst s7  }
0x10: {  	[smem:$0x3F64] =	sst s8  }
0x11: {  	[smem:$0x3F65] =	sst s9;
	s0 =	simm.s32 @!p0 $0x0  }
0x12: {  	s1 =	sld [smem:$0x3F4B];
	s0 =	simm.s32 @p0 $0x1  }
0x13: {  	[smem:$0x3F66] =	sst s0;
	s0 =	simm.s32 @!p1 $0x0  }
0x14: {  	s2 =	sld [smem:$0x3F4A];
	s0 =	simm.s32 @p1 $0x1  }
0x15: {  	[smem:$0x3F67] =	sst s0;
	s0 =	simm.s32 @!p2 $0x0  }
0x16: {  	s3 =	sld [smem:$0x3FDB];
	s0 =	simm.s32 @p2 $0x1  }
0x17: {  	s4 =	simm.s32 $0x1BF5;
	[smem:$0x3F69] =	sst s0  }
0x18: {  	s0 =	sld [smem:$0x3F4C];
	_ =	swait.ge [sflag:s4], $0x0  }
0x19: {  	s7 =	sld [smem:$0x3F4D]  }
0x1a: {  	s8 =	sadd.s32 $0xFFFFE003, lr  }
0x1b: {  	s9 =	sadd.s32 $0xFFFFFEF7, lr;
	s5 =	simm.s32 $0xFFFFFFFF;
	p2 =	slt.u32 s8, $0xFFFFF086  }
0x1c: {  	p1 =	slt.u32 s9, $0xF7A;
	s5 =	simm.s32 @!p2 $0x0  }
0x1d: {  	s5 =	simm.s32 @p1 $0x1;
	p0 =	seq.s32 s7, s2  }
0x1e: {  	s7 =	smul.u32 @!p0 $0xF7A, s2;
	p2 =	seq.s32 @!p0 s5, $0x0  }
0x1f: {  	s9 =	smul.u32 $0xF7A, s1;
	s8 =	simm.s32 @!p0 $0x1BF5;
	p2 =	por !p2, p0  }
0x20: {  	[sflag:s8] =	ssyncset.s32 @!p0 $0xFFFFF086;
	s6 =	sadd.s32 @!p0 s3, s7;
	s7 =	simm.s32 @!p0 $0x108  }
0x21: {  	s3 =	sadd.s32 s3, s9;
	s6 =	sadd.s32 @!p0 $0x88, s6;
	s7 =	simm.s32 @p2 $0x1082  }
0x22: {  	[simem:s7], [sflag:s8] =	dma.local @!p0 [hbm:s6], $0xF7A  }
0x23: {  	s9 =	sor.u32 $0xD0000000, s2;
	s6 =	simm.s32 $0x108;
	_ =	swait.ge @!p0 [sflag:s8], $0x0  }
0x24: {  	s3 =	sadd.s32 $0x88, s3;
	s6 =	simm.s32 @!p1 $0x1082;
	[sflag:s4] =	ssyncset.s32 $0xFFFFF086  }
0x25: {  	[simem:s6], [sflag:s4] =	dma.local [hbm:s3], $0xF7A  }
0x26: {  	[smem:$0x3F4D] =	sst s1;
	(tag) =	ssettag s2;
	_ =	strace s9  }
0x27: {  	s1 =	sld [smem:$0x3F5D]  }
0x28: {  	s2 =	sld [smem:$0x3F5E]  }
0x29: {  	s4 =	sld [smem:$0x3F60]  }
0x2a: {  	p0 =	seq.s32 s5, $0x0;
	s5 =	sld [smem:$0x3F61]  }
0x2b: {  	s6 =	sld [smem:$0x3F62]  }
0x2c: {  	s7 =	sld [smem:$0x3F63]  }
0x2d: {  	s3 =	simm.s32 $0x108;
	s8 =	sld [smem:$0x3F64]  }
0x2e: {  	s3 =	simm.s32 @!p0 $0x1082;
	s9 =	sld [smem:$0x3F65]  }
0x2f: {  	lr =	sadd.s32 s0, s3;
	s0 =	sld [smem:$0x3F5C]  }
0x30: {  	s3 =	sld [smem:$0x3F5F]  }
0x31: {  	[smem:$0x3F68] =	sst s10  }
0x32: {  	s10 =	sld [smem:$0x3F66];
	_ =	sdelay $0x3  }
0x33: {  	p0 =	seq.s32 s10, $0x1;
	s10 =	sld [smem:$0x3F68];
	_ =	sdelay $0x3  }
0x34: {  	[smem:$0x3F68] =	sst s10  }
0x35: {  	s10 =	sld [smem:$0x3F67];
	_ =	sdelay $0x3  }
0x36: {  	p1 =	seq.s32 s10, $0x1;
	s10 =	sld [smem:$0x3F68];
	_ =	sdelay $0x3  }
0x37: {  	[smem:$0x3F68] =	sst s10  }
0x38: {  	s10 =	sld [smem:$0x3F69]  }
0x39: {  	_ = 	snop;
	(pc) =	sbr.ind lr, $3  }
0x3a: {  	_ = 	snop  }
0x3b: {  	_ = 	snop  }
0x3c: {  	p2 =	seq.s32 s10, $0x1;
	s10 =	sld [smem:$0x3F68]  }
0x3d: {  	_ =	shalt  }
0x3e: {  	_ =	shalt  }
0x3f: {  	_ =	shalt  }
0x40: {  	_ =	shalt  }
0x41: {  	_ =	shalt  }
0x42: {  	_ =	shalt  }
0x43: {  	_ =	shalt  }
0x44: {  	_ =	shalt  }
0x45: {  	_ =	shalt  }
0x46: {  	_ =	shalt  }
0x47: {  	_ =	shalt  }
0x48: {  	_ =	shalt  }
0x49: {  	_ =	shalt  }
0x4a: {  	_ =	shalt  }
0x4b: {  	_ =	shalt  }
0x4c: {  	_ =	shalt  }
0x4d: {  	_ =	shalt  }
0x4e: {  	_ =	shalt  }
0x4f: {  	_ =	shalt  }
0x50: {  	_ =	shalt  }
0x51: {  	_ =	shalt  }
0x52: {  	_ =	shalt  }
0x53: {  	_ =	shalt  }
0x54: {  	_ =	shalt  }
0x55: {  	_ =	shalt  }
0x56: {  	_ =	shalt  }
0x57: {  	_ =	shalt  }
0x58: {  	_ =	shalt  }
0x59: {  	_ =	shalt  }
0x5a: {  	_ =	shalt  }
0x5b: {  	_ =	shalt  }
0x5c: {  	_ =	shalt  }
0x5d: {  	_ =	shalt  }
0x5e: {  	_ =	shalt  }
0x5f: {  	_ =	shalt  }
0x60: {  	_ =	shalt  }
0x61: {  	_ =	shalt  }
0x62: {  	_ =	shalt  }
0x63: {  	_ =	shalt  }
0x64: {  	_ =	shalt  }
0x65: {  	_ =	shalt  }
0x66: {  	_ =	shalt  }
0x67: {  	_ =	shalt  }
0x68: {  	_ =	shalt  }
0x69: {  	_ =	shalt  }
0x6a: {  	_ =	shalt  }
0x6b: {  	_ =	shalt  }
0x6c: {  	_ =	shalt  }
0x6d: {  	_ =	shalt  }
0x6e: {  	_ =	shalt  }
0x6f: {  	_ =	shalt  }
0x70: {  	_ =	shalt  }
0x71: {  	_ =	shalt  }
0x72: {  	_ =	shalt  }
0x73: {  	_ =	shalt  }
0x74: {  	_ =	shalt  }
0x75: {  	_ =	shalt  }
0x76: {  	_ =	shalt  }
0x77: {  	_ =	shalt  }
0x78: {  	_ =	shalt  }
0x79: {  	_ =	shalt  }
0x7a: {  	_ =	shalt  }
0x7b: {  	_ =	shalt  }
0x7c: {  	_ =	shalt  }
0x7d: {  	_ =	shalt  }
0x7e: {  	_ =	shalt  }
0x7f: {  	_ =	shalt  }
0x80: {  	_ =	shalt  }
0x81: {  	_ =	shalt  }
0x82: {  	_ =	shalt  }
0x83: {  	_ =	shalt  }
0x84: {  	_ =	shalt  }
0x85: {  	_ =	shalt  }
0x86: {  	_ =	shalt  }
0x87: {  	_ =	shalt  }
.Lfunc_end0:
.L_simem_size_0:
called_computation.6_lowered:
.L_overlay_start_0:
0x88: {  	s2 =	sld [smem:$0x3FD9]  }
0x89: {  	s3 =	sld [smem:$0x3FFE];
	_ =	sdelay $0x1  }
0x8a: {  	s1 =	srdreg.scid  }
0x8b: {  	s0 =	sand.u32 $0x1, s1  }
0x8c: {  	s16 =	sshll.u32 s0, $0xA;
	s2 =	sadd.s32 s3, s2  }
0x8d: {  	s2 =	sadd.s32 s2, s16  }
0x8e: {  	[smem:$0x3F74] =	sst s2  }
0x8f: {  	_ = 	snop  }
0x90: {  	(tm) =	ssettm $0x1  }
0x91: {  	s17 =	sld [smem:$0x3FFB];
	_ =	sdelay $0x3  }
0x92: {  	_ =	strace s17  }
0x93: {  	s2 =	sld [smem:$0x3FFC];
	_ =	sdelay $0x3  }
0x94: {  	_ =	strace s2  }
0x95: {  	s2 =	sld [smem:$0x3FFD];
	_ =	sdelay $0x3  }
0x96: {  	_ =	strace s2  }
0x97: {  	_ =	strace $0x8FFFFFFF  }
0x98: {  	s18 =	sld [smem:$0x3FDB];
	_ =	sdelay $0x1  }
0x99: {  	s19 =	simm.s32 $_scs_section_size  }
0x9a: {  	s4 =	simm.s32 $_size__tile_overlayer_lowered;
	s5 =	simm.s32 $_tile_overlayer_lowered  }
0x9b: {  	s22 =	simm.s32 $0x1BFF;
	s21 =	sshll.u32 s5, $0x1;
	s2 =	sadd.s32 s19, s18  }
0x9c: {  	s6 =	simm.s32 $0x0;
	s20 =	sshll.u32 s4, $0x1;
	s4 =	sadd.s32 s21, s2  }
0x9d: {  	[timem:s6], [sflag:s22] =	dma.local [hbm:s4], s20  }
0x9e: {  	_ =	swait.ge [sflag:s22], s20  }
0x9f: {  	s3 =	ssub.s32 $0x0, s20;
	[sflag:s22] =	ssyncset.done $0x0  }
0xa0: {  	[sflag:s22] =	ssyncadd.s32 s3;
	_ =	sdelay $0x1  }
0xa1: {  	s23 =	simm.s32 $0x1B8B  }
0xa2: {  	_ =	swait.ge [sflag:s23], $0x1  }
0xa3: {  	[sflag:s23] =	ssyncset.done $0x0  }
0xa4: {  	s25 =	simm.s32 $0x1B8E;
	s24 =	sld [smem:$0x3FFE];
	[sflag:s23] =	ssyncadd.s32 $0xFFFFFFFF  }
0xa5: {  	s26 =	simm.s32 $execute0_lowered;
	[smem:$0x3FD2] =	sst s25  }
0xa6: {  	s4 =	sshll.u32 s26, $0x1;
	_ =	strace $0x80000058;
	[dreg:$0x1] =	wrdreg $0xFFFFFFFF  }
0xa7: {  	s28 =	simm.s32 $_size_execute0_lowered;
	s2 =	sadd.s32 s2, s4;
	[dreg:$0x0] =	wrdreg $0x0  }
0xa8: {  	s4 =	sshll.u32 s28, $0x1;
	[dreg:$0x2] =	wrdreg s2  }
0xa9: {  	[dreg:$0x3] =	wrdreg s4  }
0xaa: {  	[dreg:$0x4] =	wrdreg $0xC0  }
0xab: {  	_ =	task [dreg:s6], $0x5FFFF  }
0xac: {  	[dreg:$0x1] =	wrdreg $0xFFFFFFFF  }
0xad: {  	[dreg:$0x0] =	wrdreg $0x60  }
0xae: {  	[dreg:$0x2] =	wrdreg s24  }
0xaf: {  	[dreg:$0x3] =	wrdreg $0x9  }
0xb0: {  	_ =	task.clear_ibuf [dreg:s6], $0x4FFFF;
	_ =	strace $0x90000058  }
0xb1: {  	s29 =	simm.s32 $0x9;
	_ =	strace $0x8000005A  }
0xb2: {  	_ =	swait.ge [sflag:s29], $0x1  }
0xb3: {  	[sflag:s29] =	ssyncadd.s32 $0xFFFFFFFF  }
0xb4: {  	_ =	strace $0x9000005A  }
0xb5: {  	_ =	sfence  }
0xb6: {  	s30 =	sld [smem:$0x0];
	_ =	sdelay $0x2  }
0xb7: {  	s31 =	sshll.u32 s1, $0xD;
	s1 =	sshrl.u32 s1, $0x2  }
0xb8: {  	s3 =	sand.u32 $0x4000, s31;
	s1 =	sadd.s32 s1, s30  }
0xb9: {  	s0 =	sor.u32 s3, s0;
	s1 =	sshll.u32 s1, $0x11  }
0xba: {  	s0 =	sor.u32 s1, s0  }
0xbb: {  	s0 =	sadd.s32 $0x8F2B, s0  }
0xbc: {  	[sflag:s0] =	ssyncadd.remote.s32 $0x1  }
0xbd: {  	_ =	sfence.sel $0xFFFF  }
0xbe: {  	[dreg:$0x0] =	wrdreg $0xFFFFFFFF;
	(pc) =	sbr.abs _section_cstart, $3  }
0xbf: {  	[dreg:$0x1] =	wrdreg $0xFFFFFFFF  }
0xc0: {  	_ =	task.clear_ibuf [dreg:s6], $0x2FFFF;
	_ =	strace $0x9FFFFFFF  }
0xc1: {  	(tm) =	ssettm $0x7FFFFFFF  }
tec
execute0_lowered:
.L_overlay_start_1:
0x0: {  	(tag) =	ssettag $0x1  }
0x1: {  	s4 =	rddreg [dreg:$0x0]  }
0x2: {  	s0 =	rddreg [dreg:$0x1];
	s2 =	simm.s32 $0x0;
	s1 =	stileid.u32  }
0x3: {  	s3 =	srdreg.scid;
	s10 =	simm.s32 $0x0;
	s6 =	smul.u32 $0x3000, s1  }
0x4: {  	[smem:$0x7FF] =	sst s2;
	s5 =	sand.u32 $0x1, s3;
	s8 =	smul.u32 $0x30000, s1  }
0x5: {  	s3 =	sadd.s32 $0x1F0200, s4;
	s7 =	smul.u32 $0x1800, s5;
	s9 =	ssub.s32 $0x2, s5  }
0x6: {  	_ =	strace $0x80000059;
	s5 =	smul.u32 $0x18000, s5;
	s31 =	sshrl.u32 s9, $0x1  }
0x7: {  	s8 =	sadd.s32 s8, s4;
	s6 =	sadd.s32 s7, s6;
	s7 =	ssub.s32 s9, s31  }
0x8: {  	s5 =	sadd.s32 s5, s8;
	s8 =	simm.s32 $0x80;
	s6 =	sshrl.u32 s6, $0x3  }
0x9: {  	s9 =	simm.s32 $0x1;
	s5 =	sadd.s32 $0x286200, s5;
	s6 =	sadd.s32 s6, s4  }
0xa: {  	s4 =	smax.u32 s7, $0x1;
	s7 =	simm.s32 $0x2;
	s6 =	sadd.s32 $0x238200, s6  }
.LBB2_1:
0xb: {  	s11 =	sadd.s32 $0x0, s6  }
0xc: {  	[tilespmem:s2], [sflag:$0x2] =	stream.linear.gather [hbm4b:s11+s2], $0x80, $0x38;
	[tilespmem:$0x4080] =	vst v63  }
0xd: {  	_ =	swait.ge [sflag:s7], $0x80  }
0xe: {  	[sflag:s7] =	ssyncset.done $0x0  }
0xf: {  	[sflag:s7] =	ssyncadd.s32 $0xFFFFFF80  }
0x10: {  	[tilespmem:s8], [sflag:$0x1] =	stream.indirect.gather [hbm4b:s3+s8], $0x80, s2, s8, $0xb8;
	[tilespmem:$0x4080] =	vst v63  }
0x11: {  	_ =	swait.ge [sflag:s9], $0x4000  }
0x12: {  	[sflag:s9] =	ssyncset.done $0x0  }
0x13: {  	[sflag:s9] =	ssyncadd.s32 $0xFFFFC000  }
0x14: {  	[hbm4b:s5+s2] =	stream.linear.scatter [tilespmem:s8], [sflag:$0x2], $0x4000, $0x38;
	[tilespmem:$0x4080] =	vst v63  }
0x15: {  	s12 =	simm.s32 $0x10;
	_ =	swait.ge [sflag:s7], $0x4000  }
0x16: {  	s13 =	simm.s32 $0x20;
	s11 =	sadd.s32 $0x800, s5;
	[sflag:s7] =	ssyncset.done $0x0  }
.LBB2_2:
0x17: {  	s14 =	sadd.s32 s12, s6  }
0x18: {  	[sflag:s7] =	ssyncadd.s32 $0xFFFFC000;
	s12 =	smov.u32 s13;
	s15 =	sadd.s32 $0x10, s13  }
0x19: {  	[tilespmem:s2], [sflag:$0x2] =	stream.linear.gather [hbm4b:s14+s2], $0x80, $0x38;
	[tilespmem:$0x4080] =	vst v63  }
0x1a: {  	p0 =	sne.s32 s13, $0x2F0;
	_ =	swait.ge [sflag:s7], $0x80  }
0x1b: {  	[sflag:s7] =	ssyncset.done $0x0  }
0x1c: {  	[sflag:s7] =	ssyncadd.s32 $0xFFFFFF80  }
0x1d: {  	[tilespmem:s8], [sflag:$0x1] =	stream.indirect.gather [hbm4b:s3+s8], $0x80, s2, s8, $0xb8;
	[tilespmem:$0x4080] =	vst v63  }
0x1e: {  	_ =	swait.ge [sflag:s9], $0x4000  }
.Ltmp0:
0x1f: {  	[sflag:s9] =	ssyncset.done $0x0;
	(pc) =	sbr.rel @p0 .LBB2_2-.Ltmp0, $4  }
0x20: {  	[sflag:s9] =	ssyncadd.s32 $0xFFFFC000  }
0x21: {  	[hbm4b:s11+s2] =	stream.linear.scatter [tilespmem:s8], [sflag:$0x2], $0x4000, $0x38;
	[tilespmem:$0x4080] =	vst v63  }
0x22: {  	_ =	swait.ge [sflag:s7], $0x4000  }
0x23: {  	s13 =	smov.u32 s15;
	s11 =	sadd.s32 $0x800, s11;
	[sflag:s7] =	ssyncset.done $0x0  }
0x24: {  	s12 =	sadd.s32 s12, s6;
	[sflag:s7] =	ssyncadd.s32 $0xFFFFC000  }
0x25: {  	[tilespmem:s2], [sflag:$0x2] =	stream.linear.gather [hbm4b:s12+s2], $0x80, $0x38;
	[tilespmem:$0x4080] =	vst v63  }
0x26: {  	_ =	swait.ge [sflag:s7], $0x80  }
0x27: {  	[sflag:s7] =	ssyncset.done $0x0  }
0x28: {  	[sflag:s7] =	ssyncadd.s32 $0xFFFFFF80  }
0x29: {  	[tilespmem:s8], [sflag:$0x1] =	stream.indirect.gather [hbm4b:s3+s8], $0x80, s2, s8, $0xb8;
	[tilespmem:$0x4080] =	vst v63  }
0x2a: {  	s10 =	sadd.s32 $0x1, s10;
	_ =	swait.ge [sflag:s9], $0x4000  }
0x2b: {  	p0 =	sne.s32 s10, s4;
	[sflag:s9] =	ssyncset.done $0x0  }
.Ltmp1:
0x2c: {  	[sflag:s9] =	ssyncadd.s32 $0xFFFFC000;
	(pc) =	sbr.rel @p0 .LBB2_1-.Ltmp1, $4  }
0x2d: {  	[hbm4b:s11+s2] =	stream.linear.scatter [tilespmem:s8], [sflag:$0x2], $0x4000, $0x38;
	[tilespmem:$0x4080] =	vst v63  }
0x2e: {  	_ =	swait.ge [sflag:s7], $0x4000  }
0x2f: {  	[sflag:s7] =	ssyncset.done $0x0  }
0x30: {  	[sflag:s7] =	ssyncadd.s32 $0xFFFFC000  }
0x31: {  	_ =	sfence.sel $0x180000  }
0x32: {  	[bflag:$0x0] =	sbarrier.arrive $0xFFFF  }
0x33: {  	p0 =	sne.s32 s1, $0x0;
	_ =	strace $0x90000059  }
0x34: {  	s0 =	sadd.s32 @!p0 $0x100000, s0;
	[bflag:$0x2] =	sbarrier.arrive $0xFFFF  }
0x35: {  	[sflag:s0] =	ssyncadd.tile.s32 @!p0 $0x1;
	_ =	shalt  }
.Lfunc_end2:
_tile_overlayer_lowered:
.L_overlay_start_2:
0x36: {  	(tag) =	ssettag $0x2  }
0x37: {  	s0 =	rddreg [dreg:$0x0];
	s2 =	stileid.u32  }
0x38: {  	s1 =	rddreg [dreg:$0x1];
	p0 =	sne.s32 s2, $0x0  }
0x39: {  	s3 =	rddreg [dreg:$0x2];
	[bflag:$0x3] =	sbarrier.arrive $0xFFFF;
	s2 =	simm.s32 @!p0 $0x1C02  }
0x3a: {  	[timem:s3], [sflag:s2] =	dma.local @!p0 [hbm:s0], s1  }
0x3b: {  	s0 =	simm.s32 @!p0 $0x2  }
0x3c: {  	_ =	swait.ge @!p0 [sflag:s0], s1  }
0x3d: {  	s1 =	ssub.s32 @!p0 $0x0, s1;
	[sflag:s0] =	ssyncset.done @!p0 $0x0  }
0x3e: {  	[sflag:s0] =	ssyncadd.s32 @!p0 s1  }
0x3f: {  	[bflag:$0x3] =	sbarrier.arrive $0xFFFF  }
0x40: {  	_ =	shalt  }

// kernel: kernel.46.cloned.1.call-start
scs
__scs_entry_jumppad:
0x0: {  	(pc) =	sbr.rel $0x88, $3  }
0x1: {  	(tag) =	ssettag $0x0;
	lr =	simm.s32 $0x1  }
0x2: {  	[smem:$0x3F4D] =	sst lr;
	_ =	strace $0xD0000000  }
0x3: {  	_ = 	snop  }
0x4: {  	_ = 	snop  }
0x5: {  	_ = 	snop  }
0x6: {  	_ = 	snop  }
0x7: {  	_ = 	snop  }
__scs_overlays_trampoline_lowered:
0x8: {  	[smem:$0x3F5C] =	sst s0  }
0x9: {  	[smem:$0x3F5D] =	sst s1  }
0xa: {  	[smem:$0x3F5E] =	sst s2  }
0xb: {  	[smem:$0x3F5F] =	sst s3  }
0xc: {  	[smem:$0x3F60] =	sst s4  }
0xd: {  	[smem:$0x3F61] =	sst s5  }
0xe: {  	[smem:$0x3F62] =	sst s6  }
0xf: {  	[smem:$0x3F63] =	sst s7  }
0x10: {  	[smem:$0x3F64] =	sst s8  }
0x11: {  	[smem:$0x3F65] =	sst s9;
	s0 =	simm.s32 @!p0 $0x0  }
0x12: {  	s1 =	sld [smem:$0x3F4B];
	s0 =	simm.s32 @p0 $0x1  }
0x13: {  	[smem:$0x3F66] =	sst s0;
	s0 =	simm.s32 @!p1 $0x0  }
0x14: {  	s2 =	sld [smem:$0x3F4A];
	s0 =	simm.s32 @p1 $0x1  }
0x15: {  	[smem:$0x3F67] =	sst s0;
	s0 =	simm.s32 @!p2 $0x0  }
0x16: {  	s3 =	sld [smem:$0x3FDB];
	s0 =	simm.s32 @p2 $0x1  }
0x17: {  	s4 =	simm.s32 $0x1BF5;
	[smem:$0x3F69] =	sst s0  }
0x18: {  	s0 =	sld [smem:$0x3F4C];
	_ =	swait.ge [sflag:s4], $0x0  }
0x19: {  	s7 =	sld [smem:$0x3F4D]  }
0x1a: {  	s8 =	sadd.s32 $0xFFFFE003, lr  }
0x1b: {  	s9 =	sadd.s32 $0xFFFFFEF7, lr;
	s5 =	simm.s32 $0xFFFFFFFF;
	p2 =	slt.u32 s8, $0xFFFFF086  }
0x1c: {  	p1 =	slt.u32 s9, $0xF7A;
	s5 =	simm.s32 @!p2 $0x0  }
0x1d: {  	s5 =	simm.s32 @p1 $0x1;
	p0 =	seq.s32 s7, s2  }
0x1e: {  	s7 =	smul.u32 @!p0 $0xF7A, s2;
	p2 =	seq.s32 @!p0 s5, $0x0  }
0x1f: {  	s9 =	smul.u32 $0xF7A, s1;
	s8 =	simm.s32 @!p0 $0x1BF5;
	p2 =	por !p2, p0  }
0x20: {  	[sflag:s8] =	ssyncset.s32 @!p0 $0xFFFFF086;
	s6 =	sadd.s32 @!p0 s3, s7;
	s7 =	simm.s32 @!p0 $0x108  }
0x21: {  	s3 =	sadd.s32 s3, s9;
	s6 =	sadd.s32 @!p0 $0x88, s6;
	s7 =	simm.s32 @p2 $0x1082  }
0x22: {  	[simem:s7], [sflag:s8] =	dma.local @!p0 [hbm:s6], $0xF7A  }
0x23: {  	s9 =	sor.u32 $0xD0000000, s2;
	s6 =	simm.s32 $0x108;
	_ =	swait.ge @!p0 [sflag:s8], $0x0  }
0x24: {  	s3 =	sadd.s32 $0x88, s3;
	s6 =	simm.s32 @!p1 $0x1082;
	[sflag:s4] =	ssyncset.s32 $0xFFFFF086  }
0x25: {  	[simem:s6], [sflag:s4] =	dma.local [hbm:s3], $0xF7A  }
0x26: {  	[smem:$0x3F4D] =	sst s1;
	(tag) =	ssettag s2;
	_ =	strace s9  }
0x27: {  	s1 =	sld [smem:$0x3F5D]  }
0x28: {  	s2 =	sld [smem:$0x3F5E]  }
0x29: {  	s4 =	sld [smem:$0x3F60]  }
0x2a: {  	p0 =	seq.s32 s5, $0x0;
	s5 =	sld [smem:$0x3F61]  }
0x2b: {  	s6 =	sld [smem:$0x3F62]  }
0x2c: {  	s7 =	sld [smem:$0x3F63]  }
0x2d: {  	s3 =	simm.s32 $0x108;
	s8 =	sld [smem:$0x3F64]  }
0x2e: {  	s3 =	simm.s32 @!p0 $0x1082;
	s9 =	sld [smem:$0x3F65]  }
0x2f: {  	lr =	sadd.s32 s0, s3;
	s0 =	sld [smem:$0x3F5C]  }
0x30: {  	s3 =	sld [smem:$0x3F5F]  }
0x31: {  	[smem:$0x3F68] =	sst s10  }
0x32: {  	s10 =	sld [smem:$0x3F66];
	_ =	sdelay $0x3  }
0x33: {  	p0 =	seq.s32 s10, $0x1;
	s10 =	sld [smem:$0x3F68];
	_ =	sdelay $0x3  }
0x34: {  	[smem:$0x3F68] =	sst s10  }
0x35: {  	s10 =	sld [smem:$0x3F67];
	_ =	sdelay $0x3  }
0x36: {  	p1 =	seq.s32 s10, $0x1;
	s10 =	sld [smem:$0x3F68];
	_ =	sdelay $0x3  }
0x37: {  	[smem:$0x3F68] =	sst s10  }
0x38: {  	s10 =	sld [smem:$0x3F69]  }
0x39: {  	_ = 	snop;
	(pc) =	sbr.ind lr, $3  }
0x3a: {  	_ = 	snop  }
0x3b: {  	_ = 	snop  }
0x3c: {  	p2 =	seq.s32 s10, $0x1;
	s10 =	sld [smem:$0x3F68]  }
0x3d: {  	_ =	shalt  }
0x3e: {  	_ =	shalt  }
0x3f: {  	_ =	shalt  }
0x40: {  	_ =	shalt  }
0x41: {  	_ =	shalt  }
0x42: {  	_ =	shalt  }
0x43: {  	_ =	shalt  }
0x44: {  	_ =	shalt  }
0x45: {  	_ =	shalt  }
0x46: {  	_ =	shalt  }
0x47: {  	_ =	shalt  }
0x48: {  	_ =	shalt  }
0x49: {  	_ =	shalt  }
0x4a: {  	_ =	shalt  }
0x4b: {  	_ =	shalt  }
0x4c: {  	_ =	shalt  }
0x4d: {  	_ =	shalt  }
0x4e: {  	_ =	shalt  }
0x4f: {  	_ =	shalt  }
0x50: {  	_ =	shalt  }
0x51: {  	_ =	shalt  }
0x52: {  	_ =	shalt  }
0x53: {  	_ =	shalt  }
0x54: {  	_ =	shalt  }
0x55: {  	_ =	shalt  }
0x56: {  	_ =	shalt  }
0x57: {  	_ =	shalt  }
0x58: {  	_ =	shalt  }
0x59: {  	_ =	shalt  }
0x5a: {  	_ =	shalt  }
0x5b: {  	_ =	shalt  }
0x5c: {  	_ =	shalt  }
0x5d: {  	_ =	shalt  }
0x5e: {  	_ =	shalt  }
0x5f: {  	_ =	shalt  }
0x60: {  	_ =	shalt  }
0x61: {  	_ =	shalt  }
0x62: {  	_ =	shalt  }
0x63: {  	_ =	shalt  }
0x64: {  	_ =	shalt  }
0x65: {  	_ =	shalt  }
0x66: {  	_ =	shalt  }
0x67: {  	_ =	shalt  }
0x68: {  	_ =	shalt  }
0x69: {  	_ =	shalt  }
0x6a: {  	_ =	shalt  }
0x6b: {  	_ =	shalt  }
0x6c: {  	_ =	shalt  }
0x6d: {  	_ =	shalt  }
0x6e: {  	_ =	shalt  }
0x6f: {  	_ =	shalt  }
0x70: {  	_ =	shalt  }
0x71: {  	_ =	shalt  }
0x72: {  	_ =	shalt  }
0x73: {  	_ =	shalt  }
0x74: {  	_ =	shalt  }
0x75: {  	_ =	shalt  }
0x76: {  	_ =	shalt  }
0x77: {  	_ =	shalt  }
0x78: {  	_ =	shalt  }
0x79: {  	_ =	shalt  }
0x7a: {  	_ =	shalt  }
0x7b: {  	_ =	shalt  }
0x7c: {  	_ =	shalt  }
0x7d: {  	_ =	shalt  }
0x7e: {  	_ =	shalt  }
0x7f: {  	_ =	shalt  }
0x80: {  	_ =	shalt  }
0x81: {  	_ =	shalt  }
0x82: {  	_ =	shalt  }
0x83: {  	_ =	shalt  }
0x84: {  	_ =	shalt  }
0x85: {  	_ =	shalt  }
0x86: {  	_ =	shalt  }
0x87: {  	_ =	shalt  }
.Lfunc_end0:
.L_simem_size_0:
called_computation.7_lowered:
.L_overlay_start_0:
0x88: {  	s2 =	sld [smem:$0x3FD9]  }
0x89: {  	s3 =	sld [smem:$0x3FFE];
	_ =	sdelay $0x1  }
0x8a: {  	s1 =	srdreg.scid  }
0x8b: {  	s0 =	sand.u32 $0x1, s1  }
0x8c: {  	s17 =	sshll.u32 s0, $0xA;
	s2 =	sadd.s32 s3, s2  }
0x8d: {  	s2 =	sadd.s32 s2, s17  }
0x8e: {  	[smem:$0x3F74] =	sst s2  }
0x8f: {  	_ = 	snop  }
0x90: {  	s2 =	sld [smem:$0x3FD0];
	(tm) =	ssettm $0x1  }
0x91: {  	s18 =	sld [smem:$0x3FFB];
	_ =	sdelay $0x3  }
0x92: {  	_ =	strace s18  }
0x93: {  	s3 =	sld [smem:$0x3FFC];
	_ =	sdelay $0x3  }
0x94: {  	_ =	strace s3  }
0x95: {  	s3 =	sld [smem:$0x3FFD];
	_ =	sdelay $0x3  }
0x96: {  	_ =	strace s3  }
0x97: {  	_ =	strace $0x8FFFFFFF  }
0x98: {  	s19 =	sld [smem:$0x3FDB];
	_ =	sdelay $0x1  }
0x99: {  	s4 =	simm.s32 $_scs_section_size  }
0x9a: {  	s5 =	simm.s32 $_size__tile_overlayer_lowered;
	s6 =	simm.s32 $_tile_overlayer_lowered  }
0x9b: {  	s22 =	simm.s32 $0x1BFF;
	s21 =	sshll.u32 s6, $0x1;
	s3 =	sadd.s32 s4, s19  }
0x9c: {  	s7 =	simm.s32 $0x0;
	s20 =	sshll.u32 s5, $0x1;
	s5 =	sadd.s32 s21, s3  }
0x9d: {  	[timem:s7], [sflag:s22] =	dma.local [hbm:s5], s20  }
0x9e: {  	_ =	swait.ge [sflag:s22], s20  }
0x9f: {  	s4 =	ssub.s32 $0x0, s20;
	[sflag:s22] =	ssyncset.done $0x0  }
0xa0: {  	[sflag:s22] =	ssyncadd.s32 s4;
	_ =	sdelay $0x1  }
0xa1: {  	s23 =	simm.s32 $0x1B8B  }
0xa2: {  	_ =	swait.ge [sflag:s23], $0x1  }
0xa3: {  	[sflag:s23] =	ssyncset.done $0x0  }
0xa4: {  	s25 =	simm.s32 $0x1B8E;
	s24 =	sld [smem:$0x3FFE];
	[sflag:s23] =	ssyncadd.s32 $0xFFFFFFFF  }
0xa5: {  	s26 =	simm.s32 $execute0_lowered;
	[smem:$0x3FD2] =	sst s25  }
0xa6: {  	s5 =	sshll.u32 s26, $0x1;
	_ =	strace $0x8000005B;
	[dreg:$0x1] =	wrdreg $0xFFFFFFFF  }
0xa7: {  	s28 =	simm.s32 $_size_execute0_lowered;
	s3 =	sadd.s32 s3, s5;
	[dreg:$0x0] =	wrdreg $0x0  }
0xa8: {  	s5 =	sshll.u32 s28, $0x1;
	[dreg:$0x2] =	wrdreg s3  }
0xa9: {  	[dreg:$0x3] =	wrdreg s5  }
0xaa: {  	[dreg:$0x4] =	wrdreg $0xC0  }
0xab: {  	_ =	task [dreg:s7], $0x5FFFF  }
0xac: {  	[dreg:$0x1] =	wrdreg $0xFFFFFFFF  }
0xad: {  	[dreg:$0x0] =	wrdreg $0x60  }
0xae: {  	[dreg:$0x2] =	wrdreg s24  }
0xaf: {  	[dreg:$0x3] =	wrdreg s2  }
0xb0: {  	[dreg:$0x4] =	wrdreg $0x9  }
0xb1: {  	_ =	task.clear_ibuf [dreg:s7], $0x5FFFF;
	_ =	strace $0x9000005B  }
0xb2: {  	s29 =	simm.s32 $0x9;
	_ =	strace $0x8000005D  }
0xb3: {  	_ =	swait.ge [sflag:s29], $0x1  }
0xb4: {  	[sflag:s29] =	ssyncadd.s32 $0xFFFFFFFF  }
0xb5: {  	_ =	strace $0x9000005D  }
0xb6: {  	_ =	sfence  }
0xb7: {  	s30 =	sld [smem:$0x0];
	_ =	sdelay $0x2  }
0xb8: {  	s31 =	sshll.u32 s1, $0xD;
	s1 =	sshrl.u32 s1, $0x2  }
0xb9: {  	s3 =	sand.u32 $0x4000, s31;
	s1 =	sadd.s32 s1, s30  }
0xba: {  	s0 =	sor.u32 s3, s0;
	s1 =	sshll.u32 s1, $0x11  }
0xbb: {  	s0 =	sor.u32 s1, s0  }
0xbc: {  	s0 =	sadd.s32 $0x8F2B, s0  }
0xbd: {  	[sflag:s0] =	ssyncadd.remote.s32 $0x1  }
0xbe: {  	_ =	sfence.sel $0xFFFF  }
0xbf: {  	[dreg:$0x0] =	wrdreg $0xFFFFFFFF;
	(pc) =	sbr.abs _section_cstart, $3  }
0xc0: {  	[dreg:$0x1] =	wrdreg $0xFFFFFFFF  }
0xc1: {  	_ =	task.clear_ibuf [dreg:s7], $0x2FFFF;
	_ =	strace $0x9FFFFFFF  }
0xc2: {  	(tm) =	ssettm $0x7FFFFFFF  }
0xc3: {  	_ =	shalt  }
tec
execute0_lowered:
.L_overlay_start_1:
0x0: {  	(tag) =	ssettag $0x1  }
0x1: {  	s3 =	rddreg [dreg:$0x0]  }
0x2: {  	s6 =	rddreg [dreg:$0x1]  }
0x3: {  	s0 =	rddreg [dreg:$0x2];
	s1 =	stileid.u32  }
0x4: {  	s2 =	simm.s32 $0x0;
	s5 =	srdreg.scid;
	s4 =	smul.u32 $0x12000, s1  }
0x5: {  	[smem:$0x7FF] =	sst s2;
	s5 =	sand.u32 $0x1, s5;
	s7 =	smul.u32 $0x1200, s1  }
0x6: {  	_ =	strace $0x8000005C;
	s8 =	ssub.s32 $0x2, s5;
	s9 =	smul.u32 $0x900, s5  }
0x7: {  	s5 =	smul.u32 $0x9000, s5;
	s10 =	sadd.s32 s4, s3;
	s31 =	sshrl.u32 s8, $0x1  }
0x8: {  	s3 =	sadd.s32 $0x10200, s3;
	s4 =	ssub.s32 s8, s31;
	s7 =	sadd.s32 s9, s7  }
0x9: {  	s5 =	sadd.s32 s5, s10;
	s8 =	simm.s32 $0x80;
	s9 =	simm.s32 $0x1  }
0xa: {  	s10 =	simm.s32 $0x0;
	s4 =	smax.u32 s4, $0x1;
	s7 =	sshrl.u32 s7, $0x3  }
0xb: {  	s5 =	sadd.s32 $0x40200, s5;
	s6 =	sadd.s32 s7, s6;
	s7 =	simm.s32 $0x2  }
.LBB2_1:
0xc: {  	s11 =	sadd.s32 $0x0, s6  }
0xd: {  	[tilespmem:s2], [sflag:$0x2] =	stream.linear.gather [hbm4b:s11+s2], $0x80, $0x38;
	[tilespmem:$0x4080] =	vst v63  }
0xe: {  	_ =	swait.ge [sflag:s7], $0x80  }
0xf: {  	[sflag:s7] =	ssyncset.done $0x0  }
0x10: {  	[sflag:s7] =	ssyncadd.s32 $0xFFFFFF80  }
0x11: {  	[tilespmem:s8], [sflag:$0x1] =	stream.indirect.gather [hbm4b:s3+s8], $0x80, s2, s8, $0xb8;
	[tilespmem:$0x4080] =	vst v63  }
0x12: {  	_ =	swait.ge [sflag:s9], $0x4000  }
0x13: {  	[sflag:s9] =	ssyncset.done $0x0  }
0x14: {  	[sflag:s9] =	ssyncadd.s32 $0xFFFFC000  }
0x15: {  	[hbm4b:s5+s2] =	stream.linear.scatter [tilespmem:s8], [sflag:$0x2], $0x4000, $0x38;
	[tilespmem:$0x4080] =	vst v63  }
0x16: {  	s12 =	simm.s32 $0x10;
	_ =	swait.ge [sflag:s7], $0x4000  }
0x17: {  	s13 =	simm.s32 $0x20;
	s11 =	sadd.s32 $0x800, s5;
	[sflag:s7] =	ssyncset.done $0x0  }
.LBB2_2:
0x18: {  	s14 =	sadd.s32 s12, s6  }
0x19: {  	[sflag:s7] =	ssyncadd.s32 $0xFFFFC000;
	s12 =	smov.u32 s13;
	s15 =	sadd.s32 $0x10, s13  }
0x1a: {  	[tilespmem:s2], [sflag:$0x2] =	stream.linear.gather [hbm4b:s14+s2], $0x80, $0x38;
	[tilespmem:$0x4080] =	vst v63  }
0x1b: {  	p0 =	sne.s32 s13, $0x110;
	_ =	swait.ge [sflag:s7], $0x80  }
0x1c: {  	[sflag:s7] =	ssyncset.done $0x0  }
0x1d: {  	[sflag:s7] =	ssyncadd.s32 $0xFFFFFF80  }
0x1e: {  	[tilespmem:s8], [sflag:$0x1] =	stream.indirect.gather [hbm4b:s3+s8], $0x80, s2, s8, $0xb8;
	[tilespmem:$0x4080] =	vst v63  }
0x1f: {  	_ =	swait.ge [sflag:s9], $0x4000  }
.Ltmp0:
0x20: {  	[sflag:s9] =	ssyncset.done $0x0;
	(pc) =	sbr.rel @p0 .LBB2_2-.Ltmp0, $4  }
0x21: {  	[sflag:s9] =	ssyncadd.s32 $0xFFFFC000  }
0x22: {  	[hbm4b:s11+s2] =	stream.linear.scatter [tilespmem:s8], [sflag:$0x2], $0x4000, $0x38;
	[tilespmem:$0x4080] =	vst v63  }
0x23: {  	_ =	swait.ge [sflag:s7], $0x4000  }
0x24: {  	s13 =	smov.u32 s15;
	s11 =	sadd.s32 $0x800, s11;
	[sflag:s7] =	ssyncset.done $0x0  }
0x25: {  	s12 =	sadd.s32 s12, s6;
	[sflag:s7] =	ssyncadd.s32 $0xFFFFC000  }
0x26: {  	[tilespmem:s2], [sflag:$0x2] =	stream.linear.gather [hbm4b:s12+s2], $0x80, $0x38;
	[tilespmem:$0x4080] =	vst v63  }
0x27: {  	_ =	swait.ge [sflag:s7], $0x80  }
0x28: {  	[sflag:s7] =	ssyncset.done $0x0  }
0x29: {  	[sflag:s7] =	ssyncadd.s32 $0xFFFFFF80  }
0x2a: {  	[tilespmem:s8], [sflag:$0x1] =	stream.indirect.gather [hbm4b:s3+s8], $0x80, s2, s8, $0xb8;
	[tilespmem:$0x4080] =	vst v63  }
0x2b: {  	s10 =	sadd.s32 $0x1, s10;
	_ =	swait.ge [sflag:s9], $0x4000  }
0x2c: {  	p0 =	sne.s32 s10, s4;
	[sflag:s9] =	ssyncset.done $0x0  }
.Ltmp1:
0x2d: {  	[sflag:s9] =	ssyncadd.s32 $0xFFFFC000;
	(pc) =	sbr.rel @p0 .LBB2_1-.Ltmp1, $4  }
0x2e: {  	[hbm4b:s11+s2] =	stream.linear.scatter [tilespmem:s8], [sflag:$0x2], $0x4000, $0x38;
	[tilespmem:$0x4080] =	vst v63  }
0x2f: {  	_ =	swait.ge [sflag:s7], $0x4000  }
0x30: {  	[sflag:s7] =	ssyncset.done $0x0  }
0x31: {  	[sflag:s7] =	ssyncadd.s32 $0xFFFFC000  }
0x32: {  	_ =	sfence.sel $0x180000  }
0x33: {  	[bflag:$0x0] =	sbarrier.arrive $0xFFFF  }
0x34: {  	p0 =	sne.s32 s1, $0x0;
	_ =	strace $0x9000005C  }
0x35: {  	s0 =	sadd.s32 @!p0 $0x100000, s0;
	[bflag:$0x2] =	sbarrier.arrive $0xFFFF  }
0x36: {  	[sflag:s0] =	ssyncadd.tile.s32 @!p0 $0x1;
	_ =	shalt  }
.Lfunc_end2:
_tile_overlayer_lowered:
.L_overlay_start_2:
0x37: {  	(tag) =	ssettag $0x2  }
0x38: {  	s0 =	rddreg [dreg:$0x0];
	s2 =	stileid.u32  }
0x39: {  	s1 =	rddreg [dreg:$0x1];
	p0 =	sne.s32 s2, $0x0  }
0x3a: {  	s3 =	rddreg [dreg:$0x2];
	[bflag:$0x3] =	sbarrier.arrive $0xFFFF;
	s2 =	simm.s32 @!p0 $0x1C02  }
0x3b: {  	[timem:s3], [sflag:s2] =	dma.local @!p0 [hbm:s0], s1  }
0x3c: {  	s0 =	simm.s32 @!p0 $0x2  }
0x3d: {  	_ =	swait.ge @!p0 [sflag:s0], s1  }
0x3e: {  	s1 =	ssub.s32 @!p0 $0x0, s1;
	[sflag:s0] =	ssyncset.done @!p0 $0x0  }
0x3f: {  	[sflag:s0] =	ssyncadd.s32 @!p0 s1  }
0x40: {  	[bflag:$0x3] =	sbarrier.arrive $0xFFFF  }
0x41: {  	_ =	shalt  }

</sc_bundles>
